<compile_context>
chip_gen: v7x
topology: tpu7x:2x2x1
jax: 0.10.2.dev20260603
libtpu: 0.0.44.dev20260713+nightly
codegen_flags: <defaults>
</compile_context>

<pallas_src>
import functools

import jax
import jax.numpy as jnp
from jax import lax
from jax.experimental import pallas as pl
from jax.experimental.pallas import tpu as pltpu
from jax.experimental.pallas import tpu_sc as plsc

N = 10000
E = 320000
LAYER_DIMS = [128, 256, 256, 128, 64, 32]

NC = 2
NS = 16
DC = 128
EB = 128
BPT = 160
E_PAD = BPT * NS * EB
NR = 5120
PADR = 256
AROWS = NR + PADR
ZCH = AROWS // NS // EB
ZREM = AROWS // NS - ZCH * EB
W0 = NR // NS
W1 = 304
W1TAIL = (N - NR) - NS * W1


def _fill_zero(buf):
    vec = jnp.zeros((16,), jnp.float32)

    @pl.loop(0, EB)
    def _(i):
        @pl.loop(0, DC // 16)
        def _(g):
            buf[i, pl.ds(g * 16, 16)] = vec


@functools.cache
def _seg_kernel():

    @functools.partial(
        pl.kernel,
        out_type=jax.ShapeDtypeStruct((N, DC), jnp.float32),
        mesh=plsc.VectorSubcoreMesh(core_axis_name="c", subcore_axis_name="s"),
        scratch_types=[
            pltpu.VMEM((BPT, EB), jnp.int32),
            pltpu.VMEM((BPT, EB), jnp.int32),
            pltpu.VMEM((EB, DC), jnp.float32),
            pltpu.VMEM((EB, DC), jnp.float32),
            pltpu.VMEM_SHARED((AROWS, DC), jnp.float32),
            pltpu.SemaphoreType.DMA,
            pltpu.SemaphoreType.DMA,
        ],
    )
    def seg(gs, src3, dstA, dstB, out,
            idxs_v, idxd_v, buf0, buf1, acc, sem0, sem1):
        cid = lax.axis_index("c")
        sid = lax.axis_index("s")
        pltpu.sync_copy(src3.at[sid], idxs_v)

        @pl.when(cid == 0)
        def _():
            pltpu.sync_copy(dstA.at[sid], idxd_v)

        @pl.when(cid == 1)
        def _():
            pltpu.sync_copy(dstB.at[sid], idxd_v)

        _fill_zero(buf0)
        zbase = sid * (AROWS // NS)

        @pl.loop(0, ZCH)
        def _(k):
            pltpu.sync_copy(buf0, acc.at[pl.ds(zbase + k * EB, EB)])

        pltpu.sync_copy(buf0.at[pl.ds(0, ZREM)],
                        acc.at[pl.ds(zbase + ZCH * EB, ZREM)])

        plsc.subcore_barrier()

        @pl.loop(0, BPT, step=2)
        def _(j):
            d0 = pltpu.async_copy(gs.at[idxs_v.at[j]], buf0, sem0)
            d1 = pltpu.async_copy(gs.at[idxs_v.at[j + 1]], buf1, sem1)
            d0.wait()
            pltpu.sync_copy(buf0, acc.at[idxd_v.at[j]], add=True)
            d1.wait()
            pltpu.sync_copy(buf1, acc.at[idxd_v.at[j + 1]], add=True)

        plsc.subcore_barrier()

        @pl.when(cid == 0)
        def _():
            pltpu.sync_copy(acc.at[pl.ds(sid * W0, W0)],
                            out.at[pl.ds(sid * W0, W0)])

        @pl.when(cid == 1)
        def _():
            pltpu.sync_copy(acc.at[pl.ds(sid * W1, W1)],
                            out.at[pl.ds(NR + sid * W1, W1)])

            @pl.when(sid == NS - 1)
            def _():
                pltpu.sync_copy(acc.at[pl.ds(NS * W1, W1TAIL)],
                                out.at[pl.ds(NR + NS * W1, W1TAIL)])

    return seg


BM = 1000


@functools.cache
def _dis_call():

    def body(s_ref, out_ref):
        deg = s_ref[:, 0:1]
        out_ref[...] = jnp.broadcast_to(lax.rsqrt(deg + 1.0), (BM, 16))

    return pl.pallas_call(
        body,
        grid=(N // BM,),
        in_specs=[pl.BlockSpec((BM, DC), lambda r: (r, 0))],
        out_specs=pl.BlockSpec((BM, 16), lambda r: (r, 0)),
        out_shape=jax.ShapeDtypeStruct((N, 16), jnp.float32),
    )


def _blk2(r):
    return (0, r, 0)


@functools.cache
def _layer1_call():
    d_in, d_out = LAYER_DIMS[0], LAYER_DIMS[1]

    def body(x_ref, w_ref, dis_ref, out_ref):
        dis = dis_ref[:, 0:1]
        g = jnp.dot(x_ref[...], w_ref[...],
                    preferred_element_type=jnp.float32) * dis
        out_ref[0] = g[:, :DC]
        out_ref[1] = g[:, DC:]

    return pl.pallas_call(
        body,
        grid=(N // BM,),
        in_specs=[
            pl.BlockSpec((BM, d_in), lambda r: (r, 0)),
            pl.BlockSpec((d_in, d_out), lambda r: (0, 0)),
            pl.BlockSpec((BM, 16), lambda r: (r, 0)),
        ],
        out_specs=pl.BlockSpec((2, BM, DC), _blk2),
        out_shape=jax.ShapeDtypeStruct((2, N, DC), jnp.float32),
    )


@functools.cache
def _layer_call(d_in, d_out):
    split_in = d_in == 2 * DC

    def compute(s, gp, dis, w):
        a = jnp.maximum(dis * (s + gp), 0.0)
        return jnp.dot(a, w, preferred_element_type=jnp.float32) * dis

    def store(g, out_ref):
        if d_out == 2 * DC:
            out_ref[0] = g[:, :DC]
            out_ref[1] = g[:, DC:]
        else:
            if d_out < DC:
                g = jnp.concatenate(
                    [g, jnp.zeros((BM, DC - d_out), jnp.float32)], axis=1)
            out_ref[0] = g
            out_ref[1] = jnp.zeros((BM, DC), jnp.float32)

    if split_in:
        def body(sa_ref, sb_ref, g_ref, dis_ref, w_ref, out_ref):
            dis = dis_ref[:, 0:1]
            s = jnp.concatenate([sa_ref[...], sb_ref[...]], axis=1)
            gp = jnp.concatenate([g_ref[0], g_ref[1]], axis=1)
            store(compute(s, gp, dis, w_ref[...]), out_ref)

        specs = [pl.BlockSpec((BM, DC), lambda r: (r, 0)),
                 pl.BlockSpec((BM, DC), lambda r: (r, 0)),
                 pl.BlockSpec((2, BM, DC), _blk2)]
    else:
        def body(s_ref, g_ref, dis_ref, w_ref, out_ref):
            dis = dis_ref[:, 0:1]
            s = s_ref[:, :d_in]
            gp = g_ref[0][:, :d_in]
            store(compute(s, gp, dis, w_ref[...]), out_ref)

        specs = [pl.BlockSpec((BM, DC), lambda r: (r, 0)),
                 pl.BlockSpec((1, BM, DC), _blk2)]

    return pl.pallas_call(
        body,
        grid=(N // BM,),
        in_specs=specs + [
            pl.BlockSpec((BM, 16), lambda r: (r, 0)),
            pl.BlockSpec((d_in, d_out), lambda r: (0, 0)),
        ],
        out_specs=pl.BlockSpec((2, BM, DC), _blk2),
        out_shape=jax.ShapeDtypeStruct((2, N, DC), jnp.float32),
    )


@functools.cache
def _norm_call():
    d = LAYER_DIMS[5]

    def body(s_ref, g_ref, dis_ref, out_ref):
        dis = dis_ref[:, 0:1]
        t = (dis * (s_ref[...] + g_ref[0]))[:, :d]
        nrm = jnp.sqrt(jnp.maximum(
            jnp.sum(t * t, axis=1, keepdims=True), 1e-12))
        out_ref[...] = t / nrm

    return pl.pallas_call(
        body,
        grid=(N // BM,),
        in_specs=[
            pl.BlockSpec((BM, DC), lambda r: (r, 0)),
            pl.BlockSpec((1, BM, DC), _blk2),
            pl.BlockSpec((BM, 16), lambda r: (r, 0)),
        ],
        out_specs=pl.BlockSpec((BM, d), lambda r: (r, 0)),
        out_shape=jax.ShapeDtypeStruct((N, d), jnp.float32),
    )


BMD = 256


@functools.cache
def _decoder_call():
    d = LAYER_DIMS[5]

    def body(a_ref, b_ref, out_ref):
        out_ref[...] = lax.dot_general(
            a_ref[...], b_ref[...], (((1,), (1,)), ((), ())),
            preferred_element_type=jnp.float32)

    return pl.pallas_call(
        body,
        grid=(-(-N // BMD),),
        in_specs=[
            pl.BlockSpec((BMD, d), lambda i: (i, 0)),
            pl.BlockSpec((N, d), lambda i: (0, 0)),
        ],
        out_specs=pl.BlockSpec((BMD, N), lambda i: (i, 0)),
        out_shape=jax.ShapeDtypeStruct((N, N), jnp.float32),
    )


def kernel(x, edge_index, W1, W2, W3, W4, W5):
    pad = E_PAD - E
    src_p = jnp.concatenate(
        [edge_index[0], jnp.zeros((pad,), jnp.int32)])
    dst_p = jnp.concatenate(
        [edge_index[1],
         N + (jnp.arange(pad, dtype=jnp.int32) % (NR + AROWS - N))])
    padrows = NR + (dst_p % PADR)
    dstA = jnp.where(dst_p < NR, dst_p, padrows).reshape(NS, BPT, EB)
    dstB = jnp.where(dst_p >= NR, dst_p - NR, padrows).reshape(NS, BPT, EB)
    src3 = src_p.reshape(NS, BPT, EB)
    src3b = src3 + N

    seg = _seg_kernel()
    flat = lambda a: a.reshape(2 * N, DC)

    ones = jnp.ones((2 * N, DC), jnp.float32)
    dis = _dis_call()(seg(ones, src3, dstA, dstB))

    gs = _layer1_call()(x, W1, dis)
    Ws = [W1, W2, W3, W4, W5]
    for i in range(1, 5):
        d_in, d_out = LAYER_DIMS[i], LAYER_DIMS[i + 1]
        if d_in == 2 * DC:
            sa = seg(flat(gs), src3, dstA, dstB)
            sb = seg(flat(gs), src3b, dstA, dstB)
            gs = _layer_call(d_in, d_out)(sa, sb, gs, dis, Ws[i])
        else:
            s = seg(flat(gs), src3, dstA, dstB)
            gs = _layer_call(d_in, d_out)(s, gs, dis, Ws[i])
    s = seg(flat(gs), src3, dstA, dstB)
    z = _norm_call()(s, gs, dis)
    return _decoder_call()(z, z)

# --- scband reference (transcript-rebuilt; emitter-appended) ---
"""Pipeline reference for scband-gcnmodel-ae-39496519254413 (READ-ONLY COPY).

The authoritative reference and input builder live on the scoring server;
editing this copy changes nothing except your own understanding.
"""

import jax, jax.numpy as jnp
import numpy as np

N = 10000
E = 320000
D_IN = 128
# dims = [128, 16, 32] -> layer widths per original _build:
# input_dim=128 -> 16*dims[1]=256 -> 8*out=256 -> 4*out=128 -> 2*out=64 -> out=32
DIMS = [128, 256, 256, 128, 64, 32]


def setup_inputs(seed: int = 0) -> dict:
    key = jax.random.key(seed)
    ks = jax.random.split(key, 8)
    x = jax.random.normal(ks[0], (N, D_IN), dtype=jnp.float32)
    edge_index = jax.random.randint(ks[1], (2, E), 0, N, dtype=jnp.int32)
    # Glorot-initialized GCN weights for the 5 graph-conv layers
    Ws = {}
    for i in range(5):
        fan_in, fan_out = DIMS[i], DIMS[i + 1]
        lim = np.sqrt(6.0 / (fan_in + fan_out))
        Ws['W%d' % (i + 1)] = jax.random.uniform(
            ks[2 + i], (fan_in, fan_out), dtype=jnp.float32,
            minval=-lim, maxval=lim)
    out = {'x': x, 'edge_index': edge_index}
    out.update(Ws)
    return out


def reference(x, edge_index, W1, W2, W3, W4, W5):
    src = edge_index[0]
    dst = edge_index[1]
    # symmetric GCN normalization with self-loops (adj preprocessing)
    deg = jnp.zeros((N,), jnp.float32).at[dst].add(1.0) + 1.0
    dis = jax.lax.rsqrt(deg)
    edge_coef = (dis[src] * dis[dst])[:, None]
    self_coef = (dis * dis)[:, None]

    def gcn_layer(h, W, act):
        h = h @ W  # dense transform
        msg = jnp.take(h, src, axis=0) * edge_coef  # gather
        agg = jax.ops.segment_sum(msg, dst, num_segments=N)  # scatter-add
        agg = agg + h * self_coef  # self-loop term
        return act(agg)

    h = gcn_layer(x, W1, jax.nn.relu)
    h = gcn_layer(h, W2, jax.nn.relu)
    h = gcn_layer(h, W3, jax.nn.relu)
    h = gcn_layer(h, W4, jax.nn.relu)
    h = gcn_layer(h, W5, lambda t: t)
    # l2 normalize rows (tf.nn.l2_normalize axis=1)
    z = h / jnp.sqrt(jnp.maximum(jnp.sum(h * h, axis=1, keepdims=True), 1e-12))
    # InnerProductDecoder: act(z @ z^T), act = identity
    recon = z @ z.T
    return recon

if __name__ == "__main__":
    import jax
    _d = setup_inputs()
    print(jax.jit(kernel)(*tuple(_d.values())))

</pallas_src>

<mosaic_0001>
#map = affine_map<(d0, d1) -> (0, 0)>
#map1 = affine_map<(d0, d1) -> (0, 0, 0)>
module attributes {stable_mosaic.version = 14 : i64} {
  func.func @seg(%arg0: i32, %arg1: i32, %arg2: memref<20000x128xf32, #tpu.memory_space<hbm>>, %arg3: memref<16x160x128xi32, #tpu.memory_space<hbm>>, %arg4: memref<16x160x128xi32, #tpu.memory_space<hbm>>, %arg5: memref<16x160x128xi32, #tpu.memory_space<hbm>>, %arg6: memref<10000x128xf32, #tpu.memory_space<hbm>>, %arg7: memref<160x128xi32, #tpu.memory_space<vmem>>, %arg8: memref<160x128xi32, #tpu.memory_space<vmem>>, %arg9: memref<128x128xf32, #tpu.memory_space<vmem>>, %arg10: memref<128x128xf32, #tpu.memory_space<vmem>>, %arg11: memref<5376x128xf32, #tpu.memory_space<vmem_shared>>, %arg12: memref<!tpu.dma_semaphore, #tpu.memory_space<semaphore_mem>>, %arg13: memref<!tpu.dma_semaphore, #tpu.memory_space<semaphore_mem>>) attributes {dimension_semantics = [#tpu.dimension_semantics<core_parallel>, #tpu.dimension_semantics<subcore_parallel>], iteration_bounds = array<i64: 2, 16>, scalar_prefetch = 0 : i64, scratch_operands = 7 : i64, tpu.core_type = #tpu.core_type<sc_vector_subcore>, window_params = [{transform_indices = #map}, {transform_indices = #map1}, {transform_indices = #map1}, {transform_indices = #map1}, {transform_indices = #map}]} {
    "tpu.region"() ({
      %run_scoped3A = tpu.sem_alloc : memref<!tpu.dma_semaphore, #tpu.memory_space<semaphore_mem>>
      %dma_start3A = arith.constant 0 : i32
      %dma_start3A_35 = arith.constant 0 : i32
      %dma_start3A_36 = tpu.memref_slice %arg3[%arg1, %dma_start3A, %dma_start3A_35] : memref<16x160x128xi32, #tpu.memory_space<hbm>> -> memref<1x160x128xi32, #tpu.memory_space<hbm>>
      %dma_start3A_37 = tpu.memref_squeeze %dma_start3A_36 : memref<1x160x128xi32, #tpu.memory_space<hbm>> -> memref<160x128xi32, #tpu.memory_space<hbm>>
      %dma_start3A_38 = arith.constant 0 : i32
      %dma_start3A_39 = arith.constant 0 : i32
      %dma_start3A_40 = tpu.memref_slice %arg3[%arg1, %dma_start3A_38, %dma_start3A_39] : memref<16x160x128xi32, #tpu.memory_space<hbm>> -> memref<1x160x128xi32, #tpu.memory_space<hbm>>
      %dma_start3A_41 = tpu.memref_squeeze %dma_start3A_40 : memref<1x160x128xi32, #tpu.memory_space<hbm>> -> memref<160x128xi32, #tpu.memory_space<hbm>>
      tpu.enqueue_dma source(%dma_start3A_41 : memref<160x128xi32, #tpu.memory_space<hbm>>) target(%arg7 : memref<160x128xi32, #tpu.memory_space<vmem>>) target_semaphore(%run_scoped3A : memref<!tpu.dma_semaphore, #tpu.memory_space<semaphore_mem>>)
      %dma_wait3A = arith.constant 0 : i32
      %dma_wait3A_42 = arith.constant 0 : i32
      %dma_wait3A_43 = tpu.memref_slice %arg3[%arg1, %dma_wait3A, %dma_wait3A_42] : memref<16x160x128xi32, #tpu.memory_space<hbm>> -> memref<1x160x128xi32, #tpu.memory_space<hbm>>
      %dma_wait3A_44 = tpu.memref_squeeze %dma_wait3A_43 : memref<1x160x128xi32, #tpu.memory_space<hbm>> -> memref<160x128xi32, #tpu.memory_space<hbm>>
      %dma_wait3A_45 = arith.constant 0 : i32
      %dma_wait3A_46 = arith.constant 0 : i32
      %dma_wait3A_47 = tpu.memref_slice %arg3[%arg1, %dma_wait3A_45, %dma_wait3A_46] : memref<16x160x128xi32, #tpu.memory_space<hbm>> -> memref<1x160x128xi32, #tpu.memory_space<hbm>>
      %dma_wait3A_48 = tpu.memref_squeeze %dma_wait3A_47 : memref<1x160x128xi32, #tpu.memory_space<hbm>> -> memref<160x128xi32, #tpu.memory_space<hbm>>
      tpu.wait_dma2 semaphore(%run_scoped3A : memref<!tpu.dma_semaphore, #tpu.memory_space<semaphore_mem>>) src(%dma_wait3A_48 : memref<160x128xi32, #tpu.memory_space<hbm>>) dst(%arg7 : memref<160x128xi32, #tpu.memory_space<vmem>>)
      tpu.yield
    }) : () -> ()
    %eq3A = arith.constant 0 : i32
    %eq3A_0 = arith.cmpi eq, %arg0, %eq3A : i32
    %convert_element_type3A = arith.extui %eq3A_0 : i1 to i32
    %cond3A = arith.constant 0 : i32
    %cond3A_1 = arith.cmpi ne, %convert_element_type3A, %cond3A : i32
    scf.if %cond3A_1 {
      "tpu.region"() ({
        %run_scoped3A = tpu.sem_alloc : memref<!tpu.dma_semaphore, #tpu.memory_space<semaphore_mem>>
        %dma_start3A = arith.constant 0 : i32
        %dma_start3A_35 = arith.constant 0 : i32
        %dma_start3A_36 = tpu.memref_slice %arg4[%arg1, %dma_start3A, %dma_start3A_35] : memref<16x160x128xi32, #tpu.memory_space<hbm>> -> memref<1x160x128xi32, #tpu.memory_space<hbm>>
        %dma_start3A_37 = tpu.memref_squeeze %dma_start3A_36 : memref<1x160x128xi32, #tpu.memory_space<hbm>> -> memref<160x128xi32, #tpu.memory_space<hbm>>
        %dma_start3A_38 = arith.constant 0 : i32
        %dma_start3A_39 = arith.constant 0 : i32
        %dma_start3A_40 = tpu.memref_slice %arg4[%arg1, %dma_start3A_38, %dma_start3A_39] : memref<16x160x128xi32, #tpu.memory_space<hbm>> -> memref<1x160x128xi32, #tpu.memory_space<hbm>>
        %dma_start3A_41 = tpu.memref_squeeze %dma_start3A_40 : memref<1x160x128xi32, #tpu.memory_space<hbm>> -> memref<160x128xi32, #tpu.memory_space<hbm>>
        tpu.enqueue_dma source(%dma_start3A_41 : memref<160x128xi32, #tpu.memory_space<hbm>>) target(%arg8 : memref<160x128xi32, #tpu.memory_space<vmem>>) target_semaphore(%run_scoped3A : memref<!tpu.dma_semaphore, #tpu.memory_space<semaphore_mem>>)
        %dma_wait3A = arith.constant 0 : i32
        %dma_wait3A_42 = arith.constant 0 : i32
        %dma_wait3A_43 = tpu.memref_slice %arg4[%arg1, %dma_wait3A, %dma_wait3A_42] : memref<16x160x128xi32, #tpu.memory_space<hbm>> -> memref<1x160x128xi32, #tpu.memory_space<hbm>>
        %dma_wait3A_44 = tpu.memref_squeeze %dma_wait3A_43 : memref<1x160x128xi32, #tpu.memory_space<hbm>> -> memref<160x128xi32, #tpu.memory_space<hbm>>
        %dma_wait3A_45 = arith.constant 0 : i32
        %dma_wait3A_46 = arith.constant 0 : i32
        %dma_wait3A_47 = tpu.memref_slice %arg4[%arg1, %dma_wait3A_45, %dma_wait3A_46] : memref<16x160x128xi32, #tpu.memory_space<hbm>> -> memref<1x160x128xi32, #tpu.memory_space<hbm>>
        %dma_wait3A_48 = tpu.memref_squeeze %dma_wait3A_47 : memref<1x160x128xi32, #tpu.memory_space<hbm>> -> memref<160x128xi32, #tpu.memory_space<hbm>>
        tpu.wait_dma2 semaphore(%run_scoped3A : memref<!tpu.dma_semaphore, #tpu.memory_space<semaphore_mem>>) src(%dma_wait3A_48 : memref<160x128xi32, #tpu.memory_space<hbm>>) dst(%arg8 : memref<160x128xi32, #tpu.memory_space<vmem>>)
        tpu.yield
      }) : () -> ()
    } else {
    }
    %eq3A_2 = arith.constant 1 : i32
    %eq3A_3 = arith.cmpi eq, %arg0, %eq3A_2 : i32
    %convert_element_type3A_4 = arith.extui %eq3A_3 : i1 to i32
    %cond3A_5 = arith.constant 0 : i32
    %cond3A_6 = arith.cmpi ne, %convert_element_type3A_4, %cond3A_5 : i32
    scf.if %cond3A_6 {
      "tpu.region"() ({
        %run_scoped3A = tpu.sem_alloc : memref<!tpu.dma_semaphore, #tpu.memory_space<semaphore_mem>>
        %dma_start3A = arith.constant 0 : i32
        %dma_start3A_35 = arith.constant 0 : i32
        %dma_start3A_36 = tpu.memref_slice %arg5[%arg1, %dma_start3A, %dma_start3A_35] : memref<16x160x128xi32, #tpu.memory_space<hbm>> -> memref<1x160x128xi32, #tpu.memory_space<hbm>>
        %dma_start3A_37 = tpu.memref_squeeze %dma_start3A_36 : memref<1x160x128xi32, #tpu.memory_space<hbm>> -> memref<160x128xi32, #tpu.memory_space<hbm>>
        %dma_start3A_38 = arith.constant 0 : i32
        %dma_start3A_39 = arith.constant 0 : i32
        %dma_start3A_40 = tpu.memref_slice %arg5[%arg1, %dma_start3A_38, %dma_start3A_39] : memref<16x160x128xi32, #tpu.memory_space<hbm>> -> memref<1x160x128xi32, #tpu.memory_space<hbm>>
        %dma_start3A_41 = tpu.memref_squeeze %dma_start3A_40 : memref<1x160x128xi32, #tpu.memory_space<hbm>> -> memref<160x128xi32, #tpu.memory_space<hbm>>
        tpu.enqueue_dma source(%dma_start3A_41 : memref<160x128xi32, #tpu.memory_space<hbm>>) target(%arg8 : memref<160x128xi32, #tpu.memory_space<vmem>>) target_semaphore(%run_scoped3A : memref<!tpu.dma_semaphore, #tpu.memory_space<semaphore_mem>>)
        %dma_wait3A = arith.constant 0 : i32
        %dma_wait3A_42 = arith.constant 0 : i32
        %dma_wait3A_43 = tpu.memref_slice %arg5[%arg1, %dma_wait3A, %dma_wait3A_42] : memref<16x160x128xi32, #tpu.memory_space<hbm>> -> memref<1x160x128xi32, #tpu.memory_space<hbm>>
        %dma_wait3A_44 = tpu.memref_squeeze %dma_wait3A_43 : memref<1x160x128xi32, #tpu.memory_space<hbm>> -> memref<160x128xi32, #tpu.memory_space<hbm>>
        %dma_wait3A_45 = arith.constant 0 : i32
        %dma_wait3A_46 = arith.constant 0 : i32
        %dma_wait3A_47 = tpu.memref_slice %arg5[%arg1, %dma_wait3A_45, %dma_wait3A_46] : memref<16x160x128xi32, #tpu.memory_space<hbm>> -> memref<1x160x128xi32, #tpu.memory_space<hbm>>
        %dma_wait3A_48 = tpu.memref_squeeze %dma_wait3A_47 : memref<1x160x128xi32, #tpu.memory_space<hbm>> -> memref<160x128xi32, #tpu.memory_space<hbm>>
        tpu.wait_dma2 semaphore(%run_scoped3A : memref<!tpu.dma_semaphore, #tpu.memory_space<semaphore_mem>>) src(%dma_wait3A_48 : memref<160x128xi32, #tpu.memory_space<hbm>>) dst(%arg8 : memref<160x128xi32, #tpu.memory_space<vmem>>)
        tpu.yield
      }) : () -> ()
    } else {
    }
    %broadcast_in_dim3A = arith.constant 0.000000e+00 : f32
    %broadcast_in_dim3A_7 = vector.broadcast %broadcast_in_dim3A : f32 to vector<16xf32>
    %scan3A = arith.constant 0 : i32
    %scan3A_8 = arith.constant 128 : i32
    %scan3A_9 = arith.addi %scan3A, %scan3A_8 : i32
    %scan3A_10 = arith.constant 1 : i32
    scf.for %scan3A_35 = %scan3A to %scan3A_9 step %scan3A_10  : i32 {
      %mul3A_36 = arith.constant 1 : i32
      %mul3A_37 = arith.muli %scan3A_35, %mul3A_36 : i32
      %add3A_38 = arith.constant 0 : i32
      %add3A_39 = arith.addi %add3A_38, %mul3A_37 : i32
      %scan3A_40 = arith.constant 0 : i32
      %scan3A_41 = arith.constant 8 : i32
      %scan3A_42 = arith.addi %scan3A_40, %scan3A_41 : i32
      %scan3A_43 = arith.constant 1 : i32
      scf.for %scan3A_45 = %scan3A_40 to %scan3A_42 step %scan3A_43  : i32 {
        %mul3A_46 = arith.constant 1 : i32
        %mul3A_47 = arith.muli %scan3A_45, %mul3A_46 : i32
        %add3A_48 = arith.constant 0 : i32
        %add3A_49 = arith.addi %add3A_48, %mul3A_47 : i32
        %mul3A_50 = arith.constant 16 : i32
        %mul3A_51 = arith.muli %add3A_49, %mul3A_50 : i32
        %swap3A = arith.index_cast %add3A_39 : i32 to index
        %swap3A_52 = arith.index_cast %mul3A_51 : i32 to index
        %swap3A_53 = tpu.vector_load %arg9[%swap3A, %swap3A_52] {strides = array<i32>} : memref<128x128xf32, #tpu.memory_space<vmem>>, vector<1x16xf32>,
        %swap3A_54 = vector.shape_cast %swap3A_53 : vector<1x16xf32> to vector<16xf32>
        %swap3A_55 = vector.shape_cast %broadcast_in_dim3A_7 : vector<16xf32> to vector<1x16xf32>
        tpu.vector_store %arg9[%swap3A, %swap3A_52], %swap3A_55 {strides = array<i32>} : memref<128x128xf32, #tpu.memory_space<vmem>>, vector<1x16xf32>,
      }
      %scan3A_44 = arith.constant 8 : i32
    }
    %scan3A_11 = arith.constant 128 : i32
    %mul3A = arith.constant 336 : i32
    %mul3A_12 = arith.muli %arg1, %mul3A : i32
    %scan3A_13 = arith.constant 0 : i32
    %scan3A_14 = arith.constant 2 : i32
    %scan3A_15 = arith.addi %scan3A_13, %scan3A_14 : i32
    %scan3A_16 = arith.constant 1 : i32
    scf.for %scan3A_35 = %scan3A_13 to %scan3A_15 step %scan3A_16  : i32 {
      %mul3A_36 = arith.constant 1 : i32
      %mul3A_37 = arith.muli %scan3A_35, %mul3A_36 : i32
      %add3A_38 = arith.constant 0 : i32
      %add3A_39 = arith.addi %add3A_38, %mul3A_37 : i32
      %mul3A_40 = arith.constant 128 : i32
      %mul3A_41 = arith.muli %add3A_39, %mul3A_40 : i32
      %add3A_42 = arith.addi %mul3A_12, %mul3A_41 : i32
      "tpu.region"() ({
        %run_scoped3A = tpu.sem_alloc : memref<!tpu.dma_semaphore, #tpu.memory_space<semaphore_mem>>
        %dma_start3A = arith.constant 0 : i32
        %dma_start3A_43 = tpu.memref_slice %arg11[%add3A_42, %dma_start3A] : memref<5376x128xf32, #tpu.memory_space<vmem_shared>> -> memref<128x128xf32, #tpu.memory_space<vmem_shared>>
        %dma_start3A_44 = arith.constant 0 : i32
        %dma_start3A_45 = tpu.memref_slice %arg11[%add3A_42, %dma_start3A_44] : memref<5376x128xf32, #tpu.memory_space<vmem_shared>> -> memref<128x128xf32, #tpu.memory_space<vmem_shared>>
        tpu.enqueue_dma source(%arg9 : memref<128x128xf32, #tpu.memory_space<vmem>>) target(%dma_start3A_45 : memref<128x128xf32, #tpu.memory_space<vmem_shared>>) target_semaphore(%run_scoped3A : memref<!tpu.dma_semaphore, #tpu.memory_space<semaphore_mem>>)
        %dma_wait3A = arith.constant 0 : i32
        %dma_wait3A_46 = tpu.memref_slice %arg11[%add3A_42, %dma_wait3A] : memref<5376x128xf32, #tpu.memory_space<vmem_shared>> -> memref<128x128xf32, #tpu.memory_space<vmem_shared>>
        %dma_wait3A_47 = arith.constant 0 : i32
        %dma_wait3A_48 = tpu.memref_slice %arg11[%add3A_42, %dma_wait3A_47] : memref<5376x128xf32, #tpu.memory_space<vmem_shared>> -> memref<128x128xf32, #tpu.memory_space<vmem_shared>>
        tpu.wait_dma2 semaphore(%run_scoped3A : memref<!tpu.dma_semaphore, #tpu.memory_space<semaphore_mem>>) src(%arg9 : memref<128x128xf32, #tpu.memory_space<vmem>>) dst(%dma_wait3A_48 : memref<128x128xf32, #tpu.memory_space<vmem_shared>>)
        tpu.yield
      }) : () -> ()
    }
    %scan3A_17 = arith.constant 2 : i32
    %add3A = arith.constant 256 : i32
    %add3A_18 = arith.addi %mul3A_12, %add3A : i32
    "tpu.region"() ({
      %run_scoped3A = tpu.sem_alloc : memref<!tpu.dma_semaphore, #tpu.memory_space<semaphore_mem>>
      %dma_start3A = arith.constant 0 : i32
      %dma_start3A_35 = arith.constant 0 : i32
      %dma_start3A_36 = tpu.memref_slice %arg9[%dma_start3A, %dma_start3A_35] : memref<128x128xf32, #tpu.memory_space<vmem>> -> memref<80x128xf32, #tpu.memory_space<vmem>>
      %dma_start3A_37 = arith.constant 0 : i32
      %dma_start3A_38 = tpu.memref_slice %arg11[%add3A_18, %dma_start3A_37] : memref<5376x128xf32, #tpu.memory_space<vmem_shared>> -> memref<80x128xf32, #tpu.memory_space<vmem_shared>>
      %dma_start3A_39 = arith.constant 0 : i32
      %dma_start3A_40 = tpu.memref_slice %arg11[%add3A_18, %dma_start3A_39] : memref<5376x128xf32, #tpu.memory_space<vmem_shared>> -> memref<80x128xf32, #tpu.memory_space<vmem_shared>>
      %dma_start3A_41 = arith.constant 0 : i32
      %dma_start3A_42 = arith.constant 0 : i32
      %dma_start3A_43 = tpu.memref_slice %arg9[%dma_start3A_41, %dma_start3A_42] : memref<128x128xf32, #tpu.memory_space<vmem>> -> memref<80x128xf32, #tpu.memory_space<vmem>>
      tpu.enqueue_dma source(%dma_start3A_43 : memref<80x128xf32, #tpu.memory_space<vmem>>) target(%dma_start3A_40 : memref<80x128xf32, #tpu.memory_space<vmem_shared>>) target_semaphore(%run_scoped3A : memref<!tpu.dma_semaphore, #tpu.memory_space<semaphore_mem>>)
      %dma_wait3A = arith.constant 0 : i32
      %dma_wait3A_44 = arith.constant 0 : i32
      %dma_wait3A_45 = tpu.memref_slice %arg9[%dma_wait3A, %dma_wait3A_44] : memref<128x128xf32, #tpu.memory_space<vmem>> -> memref<80x128xf32, #tpu.memory_space<vmem>>
      %dma_wait3A_46 = arith.constant 0 : i32
      %dma_wait3A_47 = tpu.memref_slice %arg11[%add3A_18, %dma_wait3A_46] : memref<5376x128xf32, #tpu.memory_space<vmem_shared>> -> memref<80x128xf32, #tpu.memory_space<vmem_shared>>
      %dma_wait3A_48 = arith.constant 0 : i32
      %dma_wait3A_49 = tpu.memref_slice %arg11[%add3A_18, %dma_wait3A_48] : memref<5376x128xf32, #tpu.memory_space<vmem_shared>> -> memref<80x128xf32, #tpu.memory_space<vmem_shared>>
      %dma_wait3A_50 = arith.constant 0 : i32
      %dma_wait3A_51 = arith.constant 0 : i32
      %dma_wait3A_52 = tpu.memref_slice %arg9[%dma_wait3A_50, %dma_wait3A_51] : memref<128x128xf32, #tpu.memory_space<vmem>> -> memref<80x128xf32, #tpu.memory_space<vmem>>
      tpu.wait_dma2 semaphore(%run_scoped3A : memref<!tpu.dma_semaphore, #tpu.memory_space<semaphore_mem>>) src(%dma_wait3A_52 : memref<80x128xf32, #tpu.memory_space<vmem>>) dst(%dma_wait3A_49 : memref<80x128xf32, #tpu.memory_space<vmem_shared>>)
      tpu.yield
    }) : () -> ()
    %barrier3A = arith.constant 0 : index
    tpu.barrier barrier_id(%barrier3A)
    %scan3A_19 = arith.constant 0 : i32
    %scan3A_20 = arith.constant 80 : i32
    %scan3A_21 = arith.addi %scan3A_19, %scan3A_20 : i32
    %scan3A_22 = arith.constant 1 : i32
    scf.for %scan3A_35 = %scan3A_19 to %scan3A_21 step %scan3A_22  : i32 {
      %mul3A_36 = arith.constant 2 : i32
      %mul3A_37 = arith.muli %scan3A_35, %mul3A_36 : i32
      %add3A_38 = arith.constant 0 : i32
      %add3A_39 = arith.addi %add3A_38, %mul3A_37 : i32
      %dma_start3A = arith.constant 0 : i32
      %dma_start3A_40 = tpu.memref_slice %arg7[%add3A_39, %dma_start3A] : memref<160x128xi32, #tpu.memory_space<vmem>> -> memref<1x128xi32, #tpu.memory_space<vmem>>
      %dma_start3A_41 = tpu.memref_squeeze %dma_start3A_40 : memref<1x128xi32, #tpu.memory_space<vmem>> -> memref<128xi32, #tpu.memory_space<vmem>>
      %dma_start3A_42 = arith.constant 0 : i32
      %dma_start3A_43 = arith.constant 0 : i32
      %dma_start3A_44 = tpu.memref_slice %arg2[%dma_start3A_42, %dma_start3A_43] : memref<20000x128xf32, #tpu.memory_space<hbm>> -> memref<20000x128xf32, #tpu.memory_space<hbm>>
      tpu.enqueue_indirect_dma source(%dma_start3A_44 : memref<20000x128xf32, #tpu.memory_space<hbm>>) target(%arg9 : memref<128x128xf32, #tpu.memory_space<vmem>>) offsets(%dma_start3A_41 : memref<128xi32, #tpu.memory_space<vmem>>) semaphore(%arg12 : memref<!tpu.dma_semaphore, #tpu.memory_space<semaphore_mem>>)
      %add3A_45 = arith.constant 1 : i32
      %add3A_46 = arith.addi %add3A_39, %add3A_45 : i32
      %dma_start3A_47 = arith.constant 0 : i32
      %dma_start3A_48 = tpu.memref_slice %arg7[%add3A_46, %dma_start3A_47] : memref<160x128xi32, #tpu.memory_space<vmem>> -> memref<1x128xi32, #tpu.memory_space<vmem>>
      %dma_start3A_49 = tpu.memref_squeeze %dma_start3A_48 : memref<1x128xi32, #tpu.memory_space<vmem>> -> memref<128xi32, #tpu.memory_space<vmem>>
      %dma_start3A_50 = arith.constant 0 : i32
      %dma_start3A_51 = arith.constant 0 : i32
      %dma_start3A_52 = tpu.memref_slice %arg2[%dma_start3A_50, %dma_start3A_51] : memref<20000x128xf32, #tpu.memory_space<hbm>> -> memref<20000x128xf32, #tpu.memory_space<hbm>>
      tpu.enqueue_indirect_dma source(%dma_start3A_52 : memref<20000x128xf32, #tpu.memory_space<hbm>>) target(%arg10 : memref<128x128xf32, #tpu.memory_space<vmem>>) offsets(%dma_start3A_49 : memref<128xi32, #tpu.memory_space<vmem>>) semaphore(%arg13 : memref<!tpu.dma_semaphore, #tpu.memory_space<semaphore_mem>>)
      %dma_wait3A = arith.constant 0 : i32
      %dma_wait3A_53 = tpu.memref_slice %arg7[%add3A_39, %dma_wait3A] : memref<160x128xi32, #tpu.memory_space<vmem>> -> memref<1x128xi32, #tpu.memory_space<vmem>>
      %dma_wait3A_54 = tpu.memref_squeeze %dma_wait3A_53 : memref<1x128xi32, #tpu.memory_space<vmem>> -> memref<128xi32, #tpu.memory_space<vmem>>
      %dma_wait3A_55 = arith.constant 0 : i32
      %dma_wait3A_56 = arith.constant 0 : i32
      %dma_wait3A_57 = tpu.memref_slice %arg2[%dma_wait3A_55, %dma_wait3A_56] : memref<20000x128xf32, #tpu.memory_space<hbm>> -> memref<20000x128xf32, #tpu.memory_space<hbm>>
      tpu.wait_indirect_dma semaphore(%arg12 : memref<!tpu.dma_semaphore, #tpu.memory_space<semaphore_mem>>) src(%dma_wait3A_57 : memref<20000x128xf32, #tpu.memory_space<hbm>>) dst(%arg9 : memref<128x128xf32, #tpu.memory_space<vmem>>)
      "tpu.region"() ({
        %run_scoped3A = tpu.sem_alloc : memref<!tpu.dma_semaphore, #tpu.memory_space<semaphore_mem>>
        %dma_start3A_66 = arith.constant 0 : i32
        %dma_start3A_67 = tpu.memref_slice %arg8[%add3A_39, %dma_start3A_66] : memref<160x128xi32, #tpu.memory_space<vmem>> -> memref<1x128xi32, #tpu.memory_space<vmem>>
        %dma_start3A_68 = tpu.memref_squeeze %dma_start3A_67 : memref<1x128xi32, #tpu.memory_space<vmem>> -> memref<128xi32, #tpu.memory_space<vmem>>
        %dma_start3A_69 = arith.constant 0 : i32
        %dma_start3A_70 = arith.constant 0 : i32
        %dma_start3A_71 = tpu.memref_slice %arg11[%dma_start3A_69, %dma_start3A_70] : memref<5376x128xf32, #tpu.memory_space<vmem_shared>> -> memref<5376x128xf32, #tpu.memory_space<vmem_shared>>
        tpu.enqueue_indirect_dma source(%arg9 : memref<128x128xf32, #tpu.memory_space<vmem>>) target(%dma_start3A_71 : memref<5376x128xf32, #tpu.memory_space<vmem_shared>>) offsets(%dma_start3A_68 : memref<128xi32, #tpu.memory_space<vmem>>) semaphore(%run_scoped3A : memref<!tpu.dma_semaphore, #tpu.memory_space<semaphore_mem>>) {add = true}
        %dma_wait3A_72 = arith.constant 0 : i32
        %dma_wait3A_73 = tpu.memref_slice %arg8[%add3A_39, %dma_wait3A_72] : memref<160x128xi32, #tpu.memory_space<vmem>> -> memref<1x128xi32, #tpu.memory_space<vmem>>
        %dma_wait3A_74 = tpu.memref_squeeze %dma_wait3A_73 : memref<1x128xi32, #tpu.memory_space<vmem>> -> memref<128xi32, #tpu.memory_space<vmem>>
        %dma_wait3A_75 = arith.constant 0 : i32
        %dma_wait3A_76 = arith.constant 0 : i32
        %dma_wait3A_77 = tpu.memref_slice %arg11[%dma_wait3A_75, %dma_wait3A_76] : memref<5376x128xf32, #tpu.memory_space<vmem_shared>> -> memref<5376x128xf32, #tpu.memory_space<vmem_shared>>
        tpu.wait_indirect_dma semaphore(%run_scoped3A : memref<!tpu.dma_semaphore, #tpu.memory_space<semaphore_mem>>) src(%arg9 : memref<128x128xf32, #tpu.memory_space<vmem>>) dst(%dma_wait3A_77 : memref<5376x128xf32, #tpu.memory_space<vmem_shared>>)
        tpu.yield
      }) : () -> ()
      %dma_wait3A_58 = arith.constant 0 : i32
      %dma_wait3A_59 = tpu.memref_slice %arg7[%add3A_46, %dma_wait3A_58] : memref<160x128xi32, #tpu.memory_space<vmem>> -> memref<1x128xi32, #tpu.memory_space<vmem>>
      %dma_wait3A_60 = tpu.memref_squeeze %dma_wait3A_59 : memref<1x128xi32, #tpu.memory_space<vmem>> -> memref<128xi32, #tpu.memory_space<vmem>>
      %dma_wait3A_61 = arith.constant 0 : i32
      %dma_wait3A_62 = arith.constant 0 : i32
      %dma_wait3A_63 = tpu.memref_slice %arg2[%dma_wait3A_61, %dma_wait3A_62] : memref<20000x128xf32, #tpu.memory_space<hbm>> -> memref<20000x128xf32, #tpu.memory_space<hbm>>
      tpu.wait_indirect_dma semaphore(%arg13 : memref<!tpu.dma_semaphore, #tpu.memory_space<semaphore_mem>>) src(%dma_wait3A_63 : memref<20000x128xf32, #tpu.memory_space<hbm>>) dst(%arg10 : memref<128x128xf32, #tpu.memory_space<vmem>>)
      %add3A_64 = arith.constant 1 : i32
      %add3A_65 = arith.addi %add3A_39, %add3A_64 : i32
      "tpu.region"() ({
        %run_scoped3A = tpu.sem_alloc : memref<!tpu.dma_semaphore, #tpu.memory_space<semaphore_mem>>
        %dma_start3A_66 = arith.constant 0 : i32
        %dma_start3A_67 = tpu.memref_slice %arg8[%add3A_65, %dma_start3A_66] : memref<160x128xi32, #tpu.memory_space<vmem>> -> memref<1x128xi32, #tpu.memory_space<vmem>>
        %dma_start3A_68 = tpu.memref_squeeze %dma_start3A_67 : memref<1x128xi32, #tpu.memory_space<vmem>> -> memref<128xi32, #tpu.memory_space<vmem>>
        %dma_start3A_69 = arith.constant 0 : i32
        %dma_start3A_70 = arith.constant 0 : i32
        %dma_start3A_71 = tpu.memref_slice %arg11[%dma_start3A_69, %dma_start3A_70] : memref<5376x128xf32, #tpu.memory_space<vmem_shared>> -> memref<5376x128xf32, #tpu.memory_space<vmem_shared>>
        tpu.enqueue_indirect_dma source(%arg10 : memref<128x128xf32, #tpu.memory_space<vmem>>) target(%dma_start3A_71 : memref<5376x128xf32, #tpu.memory_space<vmem_shared>>) offsets(%dma_start3A_68 : memref<128xi32, #tpu.memory_space<vmem>>) semaphore(%run_scoped3A : memref<!tpu.dma_semaphore, #tpu.memory_space<semaphore_mem>>) {add = true}
        %dma_wait3A_72 = arith.constant 0 : i32
        %dma_wait3A_73 = tpu.memref_slice %arg8[%add3A_65, %dma_wait3A_72] : memref<160x128xi32, #tpu.memory_space<vmem>> -> memref<1x128xi32, #tpu.memory_space<vmem>>
        %dma_wait3A_74 = tpu.memref_squeeze %dma_wait3A_73 : memref<1x128xi32, #tpu.memory_space<vmem>> -> memref<128xi32, #tpu.memory_space<vmem>>
        %dma_wait3A_75 = arith.constant 0 : i32
        %dma_wait3A_76 = arith.constant 0 : i32
        %dma_wait3A_77 = tpu.memref_slice %arg11[%dma_wait3A_75, %dma_wait3A_76] : memref<5376x128xf32, #tpu.memory_space<vmem_shared>> -> memref<5376x128xf32, #tpu.memory_space<vmem_shared>>
        tpu.wait_indirect_dma semaphore(%run_scoped3A : memref<!tpu.dma_semaphore, #tpu.memory_space<semaphore_mem>>) src(%arg10 : memref<128x128xf32, #tpu.memory_space<vmem>>) dst(%dma_wait3A_77 : memref<5376x128xf32, #tpu.memory_space<vmem_shared>>)
        tpu.yield
      }) : () -> ()
    }
    %scan3A_23 = arith.constant 80 : i32
    %barrier3A_24 = arith.constant 0 : index
    tpu.barrier barrier_id(%barrier3A_24)
    %eq3A_25 = arith.constant 0 : i32
    %eq3A_26 = arith.cmpi eq, %arg0, %eq3A_25 : i32
    %convert_element_type3A_27 = arith.extui %eq3A_26 : i1 to i32
    %cond3A_28 = arith.constant 0 : i32
    %cond3A_29 = arith.cmpi ne, %convert_element_type3A_27, %cond3A_28 : i32
    scf.if %cond3A_29 {
      %mul3A_35 = arith.constant 320 : i32
      %mul3A_36 = arith.muli %arg1, %mul3A_35 : i32
      %mul3A_37 = arith.constant 320 : i32
      %mul3A_38 = arith.muli %arg1, %mul3A_37 : i32
      "tpu.region"() ({
        %run_scoped3A = tpu.sem_alloc : memref<!tpu.dma_semaphore, #tpu.memory_space<semaphore_mem>>
        %dma_start3A = arith.constant 0 : i32
        %dma_start3A_39 = tpu.memref_slice %arg6[%mul3A_38, %dma_start3A] : memref<10000x128xf32, #tpu.memory_space<hbm>> -> memref<320x128xf32, #tpu.memory_space<hbm>>
        %dma_start3A_40 = arith.constant 0 : i32
        %dma_start3A_41 = tpu.memref_slice %arg11[%mul3A_36, %dma_start3A_40] : memref<5376x128xf32, #tpu.memory_space<vmem_shared>> -> memref<320x128xf32, #tpu.memory_space<vmem_shared>>
        tpu.enqueue_dma source(%dma_start3A_41 : memref<320x128xf32, #tpu.memory_space<vmem_shared>>) target(%dma_start3A_39 : memref<320x128xf32, #tpu.memory_space<hbm>>) target_semaphore(%run_scoped3A : memref<!tpu.dma_semaphore, #tpu.memory_space<semaphore_mem>>)
        %dma_wait3A = arith.constant 0 : i32
        %dma_wait3A_42 = tpu.memref_slice %arg6[%mul3A_38, %dma_wait3A] : memref<10000x128xf32, #tpu.memory_space<hbm>> -> memref<320x128xf32, #tpu.memory_space<hbm>>
        %dma_wait3A_43 = arith.constant 0 : i32
        %dma_wait3A_44 = tpu.memref_slice %arg11[%mul3A_36, %dma_wait3A_43] : memref<5376x128xf32, #tpu.memory_space<vmem_shared>> -> memref<320x128xf32, #tpu.memory_space<vmem_shared>>
        tpu.wait_dma2 semaphore(%run_scoped3A : memref<!tpu.dma_semaphore, #tpu.memory_space<semaphore_mem>>) src(%dma_wait3A_44 : memref<320x128xf32, #tpu.memory_space<vmem_shared>>) dst(%dma_wait3A_42 : memref<320x128xf32, #tpu.memory_space<hbm>>)
        tpu.yield
      }) : () -> ()
    } else {
    }
    %eq3A_30 = arith.constant 1 : i32
    %eq3A_31 = arith.cmpi eq, %arg0, %eq3A_30 : i32
    %convert_element_type3A_32 = arith.extui %eq3A_31 : i1 to i32
    %cond3A_33 = arith.constant 0 : i32
    %cond3A_34 = arith.cmpi ne, %convert_element_type3A_32, %cond3A_33 : i32
    scf.if %cond3A_34 {
      %mul3A_35 = arith.constant 304 : i32
      %mul3A_36 = arith.muli %arg1, %mul3A_35 : i32
      %mul3A_37 = arith.constant 304 : i32
      %mul3A_38 = arith.muli %arg1, %mul3A_37 : i32
      %add3A_39 = arith.constant 5120 : i32
      %add3A_40 = arith.addi %add3A_39, %mul3A_38 : i32
      "tpu.region"() ({
        %run_scoped3A = tpu.sem_alloc : memref<!tpu.dma_semaphore, #tpu.memory_space<semaphore_mem>>
        %dma_start3A = arith.constant 0 : i32
        %dma_start3A_46 = tpu.memref_slice %arg6[%add3A_40, %dma_start3A] : memref<10000x128xf32, #tpu.memory_space<hbm>> -> memref<304x128xf32, #tpu.memory_space<hbm>>
        %dma_start3A_47 = arith.constant 0 : i32
        %dma_start3A_48 = tpu.memref_slice %arg11[%mul3A_36, %dma_start3A_47] : memref<5376x128xf32, #tpu.memory_space<vmem_shared>> -> memref<304x128xf32, #tpu.memory_space<vmem_shared>>
        tpu.enqueue_dma source(%dma_start3A_48 : memref<304x128xf32, #tpu.memory_space<vmem_shared>>) target(%dma_start3A_46 : memref<304x128xf32, #tpu.memory_space<hbm>>) target_semaphore(%run_scoped3A : memref<!tpu.dma_semaphore, #tpu.memory_space<semaphore_mem>>)
        %dma_wait3A = arith.constant 0 : i32
        %dma_wait3A_49 = tpu.memref_slice %arg6[%add3A_40, %dma_wait3A] : memref<10000x128xf32, #tpu.memory_space<hbm>> -> memref<304x128xf32, #tpu.memory_space<hbm>>
        %dma_wait3A_50 = arith.constant 0 : i32
        %dma_wait3A_51 = tpu.memref_slice %arg11[%mul3A_36, %dma_wait3A_50] : memref<5376x128xf32, #tpu.memory_space<vmem_shared>> -> memref<304x128xf32, #tpu.memory_space<vmem_shared>>
        tpu.wait_dma2 semaphore(%run_scoped3A : memref<!tpu.dma_semaphore, #tpu.memory_space<semaphore_mem>>) src(%dma_wait3A_51 : memref<304x128xf32, #tpu.memory_space<vmem_shared>>) dst(%dma_wait3A_49 : memref<304x128xf32, #tpu.memory_space<hbm>>)
        tpu.yield
      }) : () -> ()
      %eq3A_41 = arith.constant 15 : i32
      %eq3A_42 = arith.cmpi eq, %arg1, %eq3A_41 : i32
      %convert_element_type3A_43 = arith.extui %eq3A_42 : i1 to i32
      %cond3A_44 = arith.constant 0 : i32
      %cond3A_45 = arith.cmpi ne, %convert_element_type3A_43, %cond3A_44 : i32
      scf.if %cond3A_45 {
        "tpu.region"() ({
          %run_scoped3A = tpu.sem_alloc : memref<!tpu.dma_semaphore, #tpu.memory_space<semaphore_mem>>
          %dma_start3A = arith.constant 9984 : i32
          %dma_start3A_46 = arith.constant 0 : i32
          %dma_start3A_47 = tpu.memref_slice %arg6[%dma_start3A, %dma_start3A_46] : memref<10000x128xf32, #tpu.memory_space<hbm>> -> memref<16x128xf32, #tpu.memory_space<hbm>>
          %dma_start3A_48 = arith.constant 4864 : i32
          %dma_start3A_49 = arith.constant 0 : i32
          %dma_start3A_50 = tpu.memref_slice %arg11[%dma_start3A_48, %dma_start3A_49] : memref<5376x128xf32, #tpu.memory_space<vmem_shared>> -> memref<16x128xf32, #tpu.memory_space<vmem_shared>>
          tpu.enqueue_dma source(%dma_start3A_50 : memref<16x128xf32, #tpu.memory_space<vmem_shared>>) target(%dma_start3A_47 : memref<16x128xf32, #tpu.memory_space<hbm>>) target_semaphore(%run_scoped3A : memref<!tpu.dma_semaphore, #tpu.memory_space<semaphore_mem>>)
          %dma_wait3A = arith.constant 9984 : i32
          %dma_wait3A_51 = arith.constant 0 : i32
          %dma_wait3A_52 = tpu.memref_slice %arg6[%dma_wait3A, %dma_wait3A_51] : memref<10000x128xf32, #tpu.memory_space<hbm>> -> memref<16x128xf32, #tpu.memory_space<hbm>>
          %dma_wait3A_53 = arith.constant 4864 : i32
          %dma_wait3A_54 = arith.constant 0 : i32
          %dma_wait3A_55 = tpu.memref_slice %arg11[%dma_wait3A_53, %dma_wait3A_54] : memref<5376x128xf32, #tpu.memory_space<vmem_shared>> -> memref<16x128xf32, #tpu.memory_space<vmem_shared>>
          tpu.wait_dma2 semaphore(%run_scoped3A : memref<!tpu.dma_semaphore, #tpu.memory_space<semaphore_mem>>) src(%dma_wait3A_55 : memref<16x128xf32, #tpu.memory_space<vmem_shared>>) dst(%dma_wait3A_52 : memref<16x128xf32, #tpu.memory_space<hbm>>)
          tpu.yield
        }) : () -> ()
      } else {
      }
    } else {
    }
    return
  }
}

#map = affine_map<(d0, d1) -> (0, 0)>
#map1 = affine_map<(d0, d1) -> (0, 0, 0)>
module attributes {stable_mosaic.version = 14 : i64} {
  func.func @seg(%arg0: i32, %arg1: i32, %arg2: memref<20000x128xf32, #tpu.memory_space<hbm>>, %arg3: memref<16x160x128xi32, #tpu.memory_space<hbm>>, %arg4: memref<16x160x128xi32, #tpu.memory_space<hbm>>, %arg5: memref<16x160x128xi32, #tpu.memory_space<hbm>>, %arg6: memref<10000x128xf32, #tpu.memory_space<hbm>>, %arg7: memref<160x128xi32, #tpu.memory_space<vmem>>, %arg8: memref<160x128xi32, #tpu.memory_space<vmem>>, %arg9: memref<128x128xf32, #tpu.memory_space<vmem>>, %arg10: memref<128x128xf32, #tpu.memory_space<vmem>>, %arg11: memref<5376x128xf32, #tpu.memory_space<vmem_shared>>, %arg12: memref<!tpu.dma_semaphore, #tpu.memory_space<semaphore_mem>>, %arg13: memref<!tpu.dma_semaphore, #tpu.memory_space<semaphore_mem>>) attributes {dimension_semantics = [#tpu.dimension_semantics<core_parallel>, #tpu.dimension_semantics<subcore_parallel>], iteration_bounds = array<i64: 2, 16>, scalar_prefetch = 0 : i64, scratch_operands = 7 : i64, tpu.core_type = #tpu.core_type<sc_vector_subcore>, window_params = [{transform_indices = #map}, {transform_indices = #map1}, {transform_indices = #map1}, {transform_indices = #map1}, {transform_indices = #map}]} {
    "tpu.region"() ({
      %run_scoped3A = tpu.sem_alloc : memref<!tpu.dma_semaphore, #tpu.memory_space<semaphore_mem>>
      %dma_start3A = arith.constant 0 : i32
      %dma_start3A_35 = arith.constant 0 : i32
      %dma_start3A_36 = tpu.memref_slice %arg3[%arg1, %dma_start3A, %dma_start3A_35] : memref<16x160x128xi32, #tpu.memory_space<hbm>> -> memref<1x160x128xi32, #tpu.memory_space<hbm>>
      %dma_start3A_37 = tpu.memref_squeeze %dma_start3A_36 : memref<1x160x128xi32, #tpu.memory_space<hbm>> -> memref<160x128xi32, #tpu.memory_space<hbm>>
      %dma_start3A_38 = arith.constant 0 : i32
      %dma_start3A_39 = arith.constant 0 : i32
      %dma_start3A_40 = tpu.memref_slice %arg3[%arg1, %dma_start3A_38, %dma_start3A_39] : memref<16x160x128xi32, #tpu.memory_space<hbm>> -> memref<1x160x128xi32, #tpu.memory_space<hbm>>
      %dma_start3A_41 = tpu.memref_squeeze %dma_start3A_40 : memref<1x160x128xi32, #tpu.memory_space<hbm>> -> memref<160x128xi32, #tpu.memory_space<hbm>>
      tpu.enqueue_dma source(%dma_start3A_41 : memref<160x128xi32, #tpu.memory_space<hbm>>) target(%arg7 : memref<160x128xi32, #tpu.memory_space<vmem>>) target_semaphore(%run_scoped3A : memref<!tpu.dma_semaphore, #tpu.memory_space<semaphore_mem>>)
      %dma_wait3A = arith.constant 0 : i32
      %dma_wait3A_42 = arith.constant 0 : i32
      %dma_wait3A_43 = tpu.memref_slice %arg3[%arg1, %dma_wait3A, %dma_wait3A_42] : memref<16x160x128xi32, #tpu.memory_space<hbm>> -> memref<1x160x128xi32, #tpu.memory_space<hbm>>
      %dma_wait3A_44 = tpu.memref_squeeze %dma_wait3A_43 : memref<1x160x128xi32, #tpu.memory_space<hbm>> -> memref<160x128xi32, #tpu.memory_space<hbm>>
      %dma_wait3A_45 = arith.constant 0 : i32
      %dma_wait3A_46 = arith.constant 0 : i32
      %dma_wait3A_47 = tpu.memref_slice %arg3[%arg1, %dma_wait3A_45, %dma_wait3A_46] : memref<16x160x128xi32, #tpu.memory_space<hbm>> -> memref<1x160x128xi32, #tpu.memory_space<hbm>>
      %dma_wait3A_48 = tpu.memref_squeeze %dma_wait3A_47 : memref<1x160x128xi32, #tpu.memory_space<hbm>> -> memref<160x128xi32, #tpu.memory_space<hbm>>
      tpu.wait_dma2 semaphore(%run_scoped3A : memref<!tpu.dma_semaphore, #tpu.memory_space<semaphore_mem>>) src(%dma_wait3A_48 : memref<160x128xi32, #tpu.memory_space<hbm>>) dst(%arg7 : memref<160x128xi32, #tpu.memory_space<vmem>>)
      tpu.yield
    }) : () -> ()
    %eq3A = arith.constant 0 : i32
    %eq3A_0 = arith.cmpi eq, %arg0, %eq3A : i32
    %convert_element_type3A = arith.extui %eq3A_0 : i1 to i32
    %cond3A = arith.constant 0 : i32
    %cond3A_1 = arith.cmpi ne, %convert_element_type3A, %cond3A : i32
    scf.if %cond3A_1 {
      "tpu.region"() ({
        %run_scoped3A = tpu.sem_alloc : memref<!tpu.dma_semaphore, #tpu.memory_space<semaphore_mem>>
        %dma_start3A = arith.constant 0 : i32
        %dma_start3A_35 = arith.constant 0 : i32
        %dma_start3A_36 = tpu.memref_slice %arg4[%arg1, %dma_start3A, %dma_start3A_35] : memref<16x160x128xi32, #tpu.memory_space<hbm>> -> memref<1x160x128xi32, #tpu.memory_space<hbm>>
        %dma_start3A_37 = tpu.memref_squeeze %dma_start3A_36 : memref<1x160x128xi32, #tpu.memory_space<hbm>> -> memref<160x128xi32, #tpu.memory_space<hbm>>
        %dma_start3A_38 = arith.constant 0 : i32
        %dma_start3A_39 = arith.constant 0 : i32
        %dma_start3A_40 = tpu.memref_slice %arg4[%arg1, %dma_start3A_38, %dma_start3A_39] : memref<16x160x128xi32, #tpu.memory_space<hbm>> -> memref<1x160x128xi32, #tpu.memory_space<hbm>>
        %dma_start3A_41 = tpu.memref_squeeze %dma_start3A_40 : memref<1x160x128xi32, #tpu.memory_space<hbm>> -> memref<160x128xi32, #tpu.memory_space<hbm>>
        tpu.enqueue_dma source(%dma_start3A_41 : memref<160x128xi32, #tpu.memory_space<hbm>>) target(%arg8 : memref<160x128xi32, #tpu.memory_space<vmem>>) target_semaphore(%run_scoped3A : memref<!tpu.dma_semaphore, #tpu.memory_space<semaphore_mem>>)
        %dma_wait3A = arith.constant 0 : i32
        %dma_wait3A_42 = arith.constant 0 : i32
        %dma_wait3A_43 = tpu.memref_slice %arg4[%arg1, %dma_wait3A, %dma_wait3A_42] : memref<16x160x128xi32, #tpu.memory_space<hbm>> -> memref<1x160x128xi32, #tpu.memory_space<hbm>>
        %dma_wait3A_44 = tpu.memref_squeeze %dma_wait3A_43 : memref<1x160x128xi32, #tpu.memory_space<hbm>> -> memref<160x128xi32, #tpu.memory_space<hbm>>
        %dma_wait3A_45 = arith.constant 0 : i32
        %dma_wait3A_46 = arith.constant 0 : i32
        %dma_wait3A_47 = tpu.memref_slice %arg4[%arg1, %dma_wait3A_45, %dma_wait3A_46] : memref<16x160x128xi32, #tpu.memory_space<hbm>> -> memref<1x160x128xi32, #tpu.memory_space<hbm>>
        %dma_wait3A_48 = tpu.memref_squeeze %dma_wait3A_47 : memref<1x160x128xi32, #tpu.memory_space<hbm>> -> memref<160x128xi32, #tpu.memory_space<hbm>>
        tpu.wait_dma2 semaphore(%run_scoped3A : memref<!tpu.dma_semaphore, #tpu.memory_space<semaphore_mem>>) src(%dma_wait3A_48 : memref<160x128xi32, #tpu.memory_space<hbm>>) dst(%arg8 : memref<160x128xi32, #tpu.memory_space<vmem>>)
        tpu.yield
      }) : () -> ()
    } else {
    }
    %eq3A_2 = arith.constant 1 : i32
    %eq3A_3 = arith.cmpi eq, %arg0, %eq3A_2 : i32
    %convert_element_type3A_4 = arith.extui %eq3A_3 : i1 to i32
    %cond3A_5 = arith.constant 0 : i32
    %cond3A_6 = arith.cmpi ne, %convert_element_type3A_4, %cond3A_5 : i32
    scf.if %cond3A_6 {
      "tpu.region"() ({
        %run_scoped3A = tpu.sem_alloc : memref<!tpu.dma_semaphore, #tpu.memory_space<semaphore_mem>>
        %dma_start3A = arith.constant 0 : i32
        %dma_start3A_35 = arith.constant 0 : i32
        %dma_start3A_36 = tpu.memref_slice %arg5[%arg1, %dma_start3A, %dma_start3A_35] : memref<16x160x128xi32, #tpu.memory_space<hbm>> -> memref<1x160x128xi32, #tpu.memory_space<hbm>>
        %dma_start3A_37 = tpu.memref_squeeze %dma_start3A_36 : memref<1x160x128xi32, #tpu.memory_space<hbm>> -> memref<160x128xi32, #tpu.memory_space<hbm>>
        %dma_start3A_38 = arith.constant 0 : i32
        %dma_start3A_39 = arith.constant 0 : i32
        %dma_start3A_40 = tpu.memref_slice %arg5[%arg1, %dma_start3A_38, %dma_start3A_39] : memref<16x160x128xi32, #tpu.memory_space<hbm>> -> memref<1x160x128xi32, #tpu.memory_space<hbm>>
        %dma_start3A_41 = tpu.memref_squeeze %dma_start3A_40 : memref<1x160x128xi32, #tpu.memory_space<hbm>> -> memref<160x128xi32, #tpu.memory_space<hbm>>
        tpu.enqueue_dma source(%dma_start3A_41 : memref<160x128xi32, #tpu.memory_space<hbm>>) target(%arg8 : memref<160x128xi32, #tpu.memory_space<vmem>>) target_semaphore(%run_scoped3A : memref<!tpu.dma_semaphore, #tpu.memory_space<semaphore_mem>>)
        %dma_wait3A = arith.constant 0 : i32
        %dma_wait3A_42 = arith.constant 0 : i32
        %dma_wait3A_43 = tpu.memref_slice %arg5[%arg1, %dma_wait3A, %dma_wait3A_42] : memref<16x160x128xi32, #tpu.memory_space<hbm>> -> memref<1x160x128xi32, #tpu.memory_space<hbm>>
        %dma_wait3A_44 = tpu.memref_squeeze %dma_wait3A_43 : memref<1x160x128xi32, #tpu.memory_space<hbm>> -> memref<160x128xi32, #tpu.memory_space<hbm>>
        %dma_wait3A_45 = arith.constant 0 : i32
        %dma_wait3A_46 = arith.constant 0 : i32
        %dma_wait3A_47 = tpu.memref_slice %arg5[%arg1, %dma_wait3A_45, %dma_wait3A_46] : memref<16x160x128xi32, #tpu.memory_space<hbm>> -> memref<1x160x128xi32, #tpu.memory_space<hbm>>
        %dma_wait3A_48 = tpu.memref_squeeze %dma_wait3A_47 : memref<1x160x128xi32, #tpu.memory_space<hbm>> -> memref<160x128xi32, #tpu.memory_space<hbm>>
        tpu.wait_dma2 semaphore(%run_scoped3A : memref<!tpu.dma_semaphore, #tpu.memory_space<semaphore_mem>>) src(%dma_wait3A_48 : memref<160x128xi32, #tpu.memory_space<hbm>>) dst(%arg8 : memref<160x128xi32, #tpu.memory_space<vmem>>)
        tpu.yield
      }) : () -> ()
    } else {
    }
    %broadcast_in_dim3A = arith.constant 0.000000e+00 : f32
    %broadcast_in_dim3A_7 = vector.broadcast %broadcast_in_dim3A : f32 to vector<16xf32>
    %scan3A = arith.constant 0 : i32
    %scan3A_8 = arith.constant 128 : i32
    %scan3A_9 = arith.addi %scan3A, %scan3A_8 : i32
    %scan3A_10 = arith.constant 1 : i32
    scf.for %scan3A_35 = %scan3A to %scan3A_9 step %scan3A_10  : i32 {
      %mul3A_36 = arith.constant 1 : i32
      %mul3A_37 = arith.muli %scan3A_35, %mul3A_36 : i32
      %add3A_38 = arith.constant 0 : i32
      %add3A_39 = arith.addi %add3A_38, %mul3A_37 : i32
      %scan3A_40 = arith.constant 0 : i32
      %scan3A_41 = arith.constant 8 : i32
      %scan3A_42 = arith.addi %scan3A_40, %scan3A_41 : i32
      %scan3A_43 = arith.constant 1 : i32
      scf.for %scan3A_45 = %scan3A_40 to %scan3A_42 step %scan3A_43  : i32 {
        %mul3A_46 = arith.constant 1 : i32
        %mul3A_47 = arith.muli %scan3A_45, %mul3A_46 : i32
        %add3A_48 = arith.constant 0 : i32
        %add3A_49 = arith.addi %add3A_48, %mul3A_47 : i32
        %mul3A_50 = arith.constant 16 : i32
        %mul3A_51 = arith.muli %add3A_49, %mul3A_50 : i32
        %swap3A = arith.index_cast %add3A_39 : i32 to index
        %swap3A_52 = arith.index_cast %mul3A_51 : i32 to index
        %swap3A_53 = tpu.vector_load %arg9[%swap3A, %swap3A_52] {strides = array<i32>} : memref<128x128xf32, #tpu.memory_space<vmem>>, vector<1x16xf32>,
        %swap3A_54 = vector.shape_cast %swap3A_53 : vector<1x16xf32> to vector<16xf32>
        %swap3A_55 = vector.shape_cast %broadcast_in_dim3A_7 : vector<16xf32> to vector<1x16xf32>
        tpu.vector_store %arg9[%swap3A, %swap3A_52], %swap3A_55 {strides = array<i32>} : memref<128x128xf32, #tpu.memory_space<vmem>>, vector<1x16xf32>,
      }
      %scan3A_44 = arith.constant 8 : i32
    }
    %scan3A_11 = arith.constant 128 : i32
    %mul3A = arith.constant 336 : i32
    %mul3A_12 = arith.muli %arg1, %mul3A : i32
    %scan3A_13 = arith.constant 0 : i32
    %scan3A_14 = arith.constant 2 : i32
    %scan3A_15 = arith.addi %scan3A_13, %scan3A_14 : i32
    %scan3A_16 = arith.constant 1 : i32
    scf.for %scan3A_35 = %scan3A_13 to %scan3A_15 step %scan3A_16  : i32 {
      %mul3A_36 = arith.constant 1 : i32
      %mul3A_37 = arith.muli %scan3A_35, %mul3A_36 : i32
      %add3A_38 = arith.constant 0 : i32
      %add3A_39 = arith.addi %add3A_38, %mul3A_37 : i32
      %mul3A_40 = arith.constant 128 : i32
      %mul3A_41 = arith.muli %add3A_39, %mul3A_40 : i32
      %add3A_42 = arith.addi %mul3A_12, %mul3A_41 : i32
      "tpu.region"() ({
        %run_scoped3A = tpu.sem_alloc : memref<!tpu.dma_semaphore, #tpu.memory_space<semaphore_mem>>
        %dma_start3A = arith.constant 0 : i32
        %dma_start3A_43 = tpu.memref_slice %arg11[%add3A_42, %dma_start3A] : memref<5376x128xf32, #tpu.memory_space<vmem_shared>> -> memref<128x128xf32, #tpu.memory_space<vmem_shared>>
        %dma_start3A_44 = arith.constant 0 : i32
        %dma_start3A_45 = tpu.memref_slice %arg11[%add3A_42, %dma_start3A_44] : memref<5376x128xf32, #tpu.memory_space<vmem_shared>> -> memref<128x128xf32, #tpu.memory_space<vmem_shared>>
        tpu.enqueue_dma source(%arg9 : memref<128x128xf32, #tpu.memory_space<vmem>>) target(%dma_start3A_45 : memref<128x128xf32, #tpu.memory_space<vmem_shared>>) target_semaphore(%run_scoped3A : memref<!tpu.dma_semaphore, #tpu.memory_space<semaphore_mem>>)
        %dma_wait3A = arith.constant 0 : i32
        %dma_wait3A_46 = tpu.memref_slice %arg11[%add3A_42, %dma_wait3A] : memref<5376x128xf32, #tpu.memory_space<vmem_shared>> -> memref<128x128xf32, #tpu.memory_space<vmem_shared>>
        %dma_wait3A_47 = arith.constant 0 : i32
        %dma_wait3A_48 = tpu.memref_slice %arg11[%add3A_42, %dma_wait3A_47] : memref<5376x128xf32, #tpu.memory_space<vmem_shared>> -> memref<128x128xf32, #tpu.memory_space<vmem_shared>>
        tpu.wait_dma2 semaphore(%run_scoped3A : memref<!tpu.dma_semaphore, #tpu.memory_space<semaphore_mem>>) src(%arg9 : memref<128x128xf32, #tpu.memory_space<vmem>>) dst(%dma_wait3A_48 : memref<128x128xf32, #tpu.memory_space<vmem_shared>>)
        tpu.yield
      }) : () -> ()
    }
    %scan3A_17 = arith.constant 2 : i32
    %add3A = arith.constant 256 : i32
    %add3A_18 = arith.addi %mul3A_12, %add3A : i32
    "tpu.region"() ({
      %run_scoped3A = tpu.sem_alloc : memref<!tpu.dma_semaphore, #tpu.memory_space<semaphore_mem>>
      %dma_start3A = arith.constant 0 : i32
      %dma_start3A_35 = arith.constant 0 : i32
      %dma_start3A_36 = tpu.memref_slice %arg9[%dma_start3A, %dma_start3A_35] : memref<128x128xf32, #tpu.memory_space<vmem>> -> memref<80x128xf32, #tpu.memory_space<vmem>>
      %dma_start3A_37 = arith.constant 0 : i32
      %dma_start3A_38 = tpu.memref_slice %arg11[%add3A_18, %dma_start3A_37] : memref<5376x128xf32, #tpu.memory_space<vmem_shared>> -> memref<80x128xf32, #tpu.memory_space<vmem_shared>>
      %dma_start3A_39 = arith.constant 0 : i32
      %dma_start3A_40 = tpu.memref_slice %arg11[%add3A_18, %dma_start3A_39] : memref<5376x128xf32, #tpu.memory_space<vmem_shared>> -> memref<80x128xf32, #tpu.memory_space<vmem_shared>>
      %dma_start3A_41 = arith.constant 0 : i32
      %dma_start3A_42 = arith.constant 0 : i32
      %dma_start3A_43 = tpu.memref_slice %arg9[%dma_start3A_41, %dma_start3A_42] : memref<128x128xf32, #tpu.memory_space<vmem>> -> memref<80x128xf32, #tpu.memory_space<vmem>>
      tpu.enqueue_dma source(%dma_start3A_43 : memref<80x128xf32, #tpu.memory_space<vmem>>) target(%dma_start3A_40 : memref<80x128xf32, #tpu.memory_space<vmem_shared>>) target_semaphore(%run_scoped3A : memref<!tpu.dma_semaphore, #tpu.memory_space<semaphore_mem>>)
      %dma_wait3A = arith.constant 0 : i32
      %dma_wait3A_44 = arith.constant 0 : i32
      %dma_wait3A_45 = tpu.memref_slice %arg9[%dma_wait3A, %dma_wait3A_44] : memref<128x128xf32, #tpu.memory_space<vmem>> -> memref<80x128xf32, #tpu.memory_space<vmem>>
      %dma_wait3A_46 = arith.constant 0 : i32
      %dma_wait3A_47 = tpu.memref_slice %arg11[%add3A_18, %dma_wait3A_46] : memref<5376x128xf32, #tpu.memory_space<vmem_shared>> -> memref<80x128xf32, #tpu.memory_space<vmem_shared>>
      %dma_wait3A_48 = arith.constant 0 : i32
      %dma_wait3A_49 = tpu.memref_slice %arg11[%add3A_18, %dma_wait3A_48] : memref<5376x128xf32, #tpu.memory_space<vmem_shared>> -> memref<80x128xf32, #tpu.memory_space<vmem_shared>>
      %dma_wait3A_50 = arith.constant 0 : i32
      %dma_wait3A_51 = arith.constant 0 : i32
      %dma_wait3A_52 = tpu.memref_slice %arg9[%dma_wait3A_50, %dma_wait3A_51] : memref<128x128xf32, #tpu.memory_space<vmem>> -> memref<80x128xf32, #tpu.memory_space<vmem>>
      tpu.wait_dma2 semaphore(%run_scoped3A : memref<!tpu.dma_semaphore, #tpu.memory_space<semaphore_mem>>) src(%dma_wait3A_52 : memref<80x128xf32, #tpu.memory_space<vmem>>) dst(%dma_wait3A_49 : memref<80x128xf32, #tpu.memory_space<vmem_shared>>)
      tpu.yield
    }) : () -> ()
    %barrier3A = arith.constant 0 : index
    tpu.barrier barrier_id(%barrier3A)
    %scan3A_19 = arith.constant 0 : i32
    %scan3A_20 = arith.constant 80 : i32
    %scan3A_21 = arith.addi %scan3A_19, %scan3A_20 : i32
    %scan3A_22 = arith.constant 1 : i32
    scf.for %scan3A_35 = %scan3A_19 to %scan3A_21 step %scan3A_22  : i32 {
      %mul3A_36 = arith.constant 2 : i32
      %mul3A_37 = arith.muli %scan3A_35, %mul3A_36 : i32
      %add3A_38 = arith.constant 0 : i32
      %add3A_39 = arith.addi %add3A_38, %mul3A_37 : i32
      %dma_start3A = arith.constant 0 : i32
      %dma_start3A_40 = tpu.memref_slice %arg7[%add3A_39, %dma_start3A] : memref<160x128xi32, #tpu.memory_space<vmem>> -> memref<1x128xi32, #tpu.memory_space<vmem>>
      %dma_start3A_41 = tpu.memref_squeeze %dma_start3A_40 : memref<1x128xi32, #tpu.memory_space<vmem>> -> memref<128xi32, #tpu.memory_space<vmem>>
      %dma_start3A_42 = arith.constant 0 : i32
      %dma_start3A_43 = arith.constant 0 : i32
      %dma_start3A_44 = tpu.memref_slice %arg2[%dma_start3A_42, %dma_start3A_43] : memref<20000x128xf32, #tpu.memory_space<hbm>> -> memref<20000x128xf32, #tpu.memory_space<hbm>>
      tpu.enqueue_indirect_dma source(%dma_start3A_44 : memref<20000x128xf32, #tpu.memory_space<hbm>>) target(%arg9 : memref<128x128xf32, #tpu.memory_space<vmem>>) offsets(%dma_start3A_41 : memref<128xi32, #tpu.memory_space<vmem>>) semaphore(%arg12 : memref<!tpu.dma_semaphore, #tpu.memory_space<semaphore_mem>>)
      %add3A_45 = arith.constant 1 : i32
      %add3A_46 = arith.addi %add3A_39, %add3A_45 : i32
      %dma_start3A_47 = arith.constant 0 : i32
      %dma_start3A_48 = tpu.memref_slice %arg7[%add3A_46, %dma_start3A_47] : memref<160x128xi32, #tpu.memory_space<vmem>> -> memref<1x128xi32, #tpu.memory_space<vmem>>
      %dma_start3A_49 = tpu.memref_squeeze %dma_start3A_48 : memref<1x128xi32, #tpu.memory_space<vmem>> -> memref<128xi32, #tpu.memory_space<vmem>>
      %dma_start3A_50 = arith.constant 0 : i32
      %dma_start3A_51 = arith.constant 0 : i32
      %dma_start3A_52 = tpu.memref_slice %arg2[%dma_start3A_50, %dma_start3A_51] : memref<20000x128xf32, #tpu.memory_space<hbm>> -> memref<20000x128xf32, #tpu.memory_space<hbm>>
      tpu.enqueue_indirect_dma source(%dma_start3A_52 : memref<20000x128xf32, #tpu.memory_space<hbm>>) target(%arg10 : memref<128x128xf32, #tpu.memory_space<vmem>>) offsets(%dma_start3A_49 : memref<128xi32, #tpu.memory_space<vmem>>) semaphore(%arg13 : memref<!tpu.dma_semaphore, #tpu.memory_space<semaphore_mem>>)
      %dma_wait3A = arith.constant 0 : i32
      %dma_wait3A_53 = tpu.memref_slice %arg7[%add3A_39, %dma_wait3A] : memref<160x128xi32, #tpu.memory_space<vmem>> -> memref<1x128xi32, #tpu.memory_space<vmem>>
      %dma_wait3A_54 = tpu.memref_squeeze %dma_wait3A_53 : memref<1x128xi32, #tpu.memory_space<vmem>> -> memref<128xi32, #tpu.memory_space<vmem>>
      %dma_wait3A_55 = arith.constant 0 : i32
      %dma_wait3A_56 = arith.constant 0 : i32
      %dma_wait3A_57 = tpu.memref_slice %arg2[%dma_wait3A_55, %dma_wait3A_56] : memref<20000x128xf32, #tpu.memory_space<hbm>> -> memref<20000x128xf32, #tpu.memory_space<hbm>>
      tpu.wait_indirect_dma semaphore(%arg12 : memref<!tpu.dma_semaphore, #tpu.memory_space<semaphore_mem>>) src(%dma_wait3A_57 : memref<20000x128xf32, #tpu.memory_space<hbm>>) dst(%arg9 : memref<128x128xf32, #tpu.memory_space<vmem>>)
      "tpu.region"() ({
        %run_scoped3A = tpu.sem_alloc : memref<!tpu.dma_semaphore, #tpu.memory_space<semaphore_mem>>
        %dma_start3A_66 = arith.constant 0 : i32
        %dma_start3A_67 = tpu.memref_slice %arg8[%add3A_39, %dma_start3A_66] : memref<160x128xi32, #tpu.memory_space<vmem>> -> memref<1x128xi32, #tpu.memory_space<vmem>>
        %dma_start3A_68 = tpu.memref_squeeze %dma_start3A_67 : memref<1x128xi32, #tpu.memory_space<vmem>> -> memref<128xi32, #tpu.memory_space<vmem>>
        %dma_start3A_69 = arith.constant 0 : i32
        %dma_start3A_70 = arith.constant 0 : i32
        %dma_start3A_71 = tpu.memref_slice %arg11[%dma_start3A_69, %dma_start3A_70] : memref<5376x128xf32, #tpu.memory_space<vmem_shared>> -> memref<5376x128xf32, #tpu.memory_space<vmem_shared>>
        tpu.enqueue_indirect_dma source(%arg9 : memref<128x128xf32, #tpu.memory_space<vmem>>) target(%dma_start3A_71 : memref<5376x128xf32, #tpu.memory_space<vmem_shared>>) offsets(%dma_start3A_68 : memref<128xi32, #tpu.memory_space<vmem>>) semaphore(%run_scoped3A : memref<!tpu.dma_semaphore, #tpu.memory_space<semaphore_mem>>) {add = true}
        %dma_wait3A_72 = arith.constant 0 : i32
        %dma_wait3A_73 = tpu.memref_slice %arg8[%add3A_39, %dma_wait3A_72] : memref<160x128xi32, #tpu.memory_space<vmem>> -> memref<1x128xi32, #tpu.memory_space<vmem>>
        %dma_wait3A_74 = tpu.memref_squeeze %dma_wait3A_73 : memref<1x128xi32, #tpu.memory_space<vmem>> -> memref<128xi32, #tpu.memory_space<vmem>>
        %dma_wait3A_75 = arith.constant 0 : i32
        %dma_wait3A_76 = arith.constant 0 : i32
        %dma_wait3A_77 = tpu.memref_slice %arg11[%dma_wait3A_75, %dma_wait3A_76] : memref<5376x128xf32, #tpu.memory_space<vmem_shared>> -> memref<5376x128xf32, #tpu.memory_space<vmem_shared>>
        tpu.wait_indirect_dma semaphore(%run_scoped3A : memref<!tpu.dma_semaphore, #tpu.memory_space<semaphore_mem>>) src(%arg9 : memref<128x128xf32, #tpu.memory_space<vmem>>) dst(%dma_wait3A_77 : memref<5376x128xf32, #tpu.memory_space<vmem_shared>>)
        tpu.yield
      }) : () -> ()
      %dma_wait3A_58 = arith.constant 0 : i32
      %dma_wait3A_59 = tpu.memref_slice %arg7[%add3A_46, %dma_wait3A_58] : memref<160x128xi32, #tpu.memory_space<vmem>> -> memref<1x128xi32, #tpu.memory_space<vmem>>
      %dma_wait3A_60 = tpu.memref_squeeze %dma_wait3A_59 : memref<1x128xi32, #tpu.memory_space<vmem>> -> memref<128xi32, #tpu.memory_space<vmem>>
      %dma_wait3A_61 = arith.constant 0 : i32
      %dma_wait3A_62 = arith.constant 0 : i32
      %dma_wait3A_63 = tpu.memref_slice %arg2[%dma_wait3A_61, %dma_wait3A_62] : memref<20000x128xf32, #tpu.memory_space<hbm>> -> memref<20000x128xf32, #tpu.memory_space<hbm>>
      tpu.wait_indirect_dma semaphore(%arg13 : memref<!tpu.dma_semaphore, #tpu.memory_space<semaphore_mem>>) src(%dma_wait3A_63 : memref<20000x128xf32, #tpu.memory_space<hbm>>) dst(%arg10 : memref<128x128xf32, #tpu.memory_space<vmem>>)
      %add3A_64 = arith.constant 1 : i32
      %add3A_65 = arith.addi %add3A_39, %add3A_64 : i32
      "tpu.region"() ({
        %run_scoped3A = tpu.sem_alloc : memref<!tpu.dma_semaphore, #tpu.memory_space<semaphore_mem>>
        %dma_start3A_66 = arith.constant 0 : i32
        %dma_start3A_67 = tpu.memref_slice %arg8[%add3A_65, %dma_start3A_66] : memref<160x128xi32, #tpu.memory_space<vmem>> -> memref<1x128xi32, #tpu.memory_space<vmem>>
        %dma_start3A_68 = tpu.memref_squeeze %dma_start3A_67 : memref<1x128xi32, #tpu.memory_space<vmem>> -> memref<128xi32, #tpu.memory_space<vmem>>
        %dma_start3A_69 = arith.constant 0 : i32
        %dma_start3A_70 = arith.constant 0 : i32
        %dma_start3A_71 = tpu.memref_slice %arg11[%dma_start3A_69, %dma_start3A_70] : memref<5376x128xf32, #tpu.memory_space<vmem_shared>> -> memref<5376x128xf32, #tpu.memory_space<vmem_shared>>
        tpu.enqueue_indirect_dma source(%arg10 : memref<128x128xf32, #tpu.memory_space<vmem>>) target(%dma_start3A_71 : memref<5376x128xf32, #tpu.memory_space<vmem_shared>>) offsets(%dma_start3A_68 : memref<128xi32, #tpu.memory_space<vmem>>) semaphore(%run_scoped3A : memref<!tpu.dma_semaphore, #tpu.memory_space<semaphore_mem>>) {add = true}
        %dma_wait3A_72 = arith.constant 0 : i32
        %dma_wait3A_73 = tpu.memref_slice %arg8[%add3A_65, %dma_wait3A_72] : memref<160x128xi32, #tpu.memory_space<vmem>> -> memref<1x128xi32, #tpu.memory_space<vmem>>
        %dma_wait3A_74 = tpu.memref_squeeze %dma_wait3A_73 : memref<1x128xi32, #tpu.memory_space<vmem>> -> memref<128xi32, #tpu.memory_space<vmem>>
        %dma_wait3A_75 = arith.constant 0 : i32
        %dma_wait3A_76 = arith.constant 0 : i32
        %dma_wait3A_77 = tpu.memref_slice %arg11[%dma_wait3A_75, %dma_wait3A_76] : memref<5376x128xf32, #tpu.memory_space<vmem_shared>> -> memref<5376x128xf32, #tpu.memory_space<vmem_shared>>
        tpu.wait_indirect_dma semaphore(%run_scoped3A : memref<!tpu.dma_semaphore, #tpu.memory_space<semaphore_mem>>) src(%arg10 : memref<128x128xf32, #tpu.memory_space<vmem>>) dst(%dma_wait3A_77 : memref<5376x128xf32, #tpu.memory_space<vmem_shared>>)
        tpu.yield
      }) : () -> ()
    }
    %scan3A_23 = arith.constant 80 : i32
    %barrier3A_24 = arith.constant 0 : index
    tpu.barrier barrier_id(%barrier3A_24)
    %eq3A_25 = arith.constant 0 : i32
    %eq3A_26 = arith.cmpi eq, %arg0, %eq3A_25 : i32
    %convert_element_type3A_27 = arith.extui %eq3A_26 : i1 to i32
    %cond3A_28 = arith.constant 0 : i32
    %cond3A_29 = arith.cmpi ne, %convert_element_type3A_27, %cond3A_28 : i32
    scf.if %cond3A_29 {
      %mul3A_35 = arith.constant 320 : i32
      %mul3A_36 = arith.muli %arg1, %mul3A_35 : i32
      %mul3A_37 = arith.constant 320 : i32
      %mul3A_38 = arith.muli %arg1, %mul3A_37 : i32
      "tpu.region"() ({
        %run_scoped3A = tpu.sem_alloc : memref<!tpu.dma_semaphore, #tpu.memory_space<semaphore_mem>>
        %dma_start3A = arith.constant 0 : i32
        %dma_start3A_39 = tpu.memref_slice %arg6[%mul3A_38, %dma_start3A] : memref<10000x128xf32, #tpu.memory_space<hbm>> -> memref<320x128xf32, #tpu.memory_space<hbm>>
        %dma_start3A_40 = arith.constant 0 : i32
        %dma_start3A_41 = tpu.memref_slice %arg11[%mul3A_36, %dma_start3A_40] : memref<5376x128xf32, #tpu.memory_space<vmem_shared>> -> memref<320x128xf32, #tpu.memory_space<vmem_shared>>
        tpu.enqueue_dma source(%dma_start3A_41 : memref<320x128xf32, #tpu.memory_space<vmem_shared>>) target(%dma_start3A_39 : memref<320x128xf32, #tpu.memory_space<hbm>>) target_semaphore(%run_scoped3A : memref<!tpu.dma_semaphore, #tpu.memory_space<semaphore_mem>>)
        %dma_wait3A = arith.constant 0 : i32
        %dma_wait3A_42 = tpu.memref_slice %arg6[%mul3A_38, %dma_wait3A] : memref<10000x128xf32, #tpu.memory_space<hbm>> -> memref<320x128xf32, #tpu.memory_space<hbm>>
        %dma_wait3A_43 = arith.constant 0 : i32
        %dma_wait3A_44 = tpu.memref_slice %arg11[%mul3A_36, %dma_wait3A_43] : memref<5376x128xf32, #tpu.memory_space<vmem_shared>> -> memref<320x128xf32, #tpu.memory_space<vmem_shared>>
        tpu.wait_dma2 semaphore(%run_scoped3A : memref<!tpu.dma_semaphore, #tpu.memory_space<semaphore_mem>>) src(%dma_wait3A_44 : memref<320x128xf32, #tpu.memory_space<vmem_shared>>) dst(%dma_wait3A_42 : memref<320x128xf32, #tpu.memory_space<hbm>>)
        tpu.yield
      }) : () -> ()
    } else {
    }
    %eq3A_30 = arith.constant 1 : i32
    %eq3A_31 = arith.cmpi eq, %arg0, %eq3A_30 : i32
    %convert_element_type3A_32 = arith.extui %eq3A_31 : i1 to i32
    %cond3A_33 = arith.constant 0 : i32
    %cond3A_34 = arith.cmpi ne, %convert_element_type3A_32, %cond3A_33 : i32
    scf.if %cond3A_34 {
      %mul3A_35 = arith.constant 304 : i32
      %mul3A_36 = arith.muli %arg1, %mul3A_35 : i32
      %mul3A_37 = arith.constant 304 : i32
      %mul3A_38 = arith.muli %arg1, %mul3A_37 : i32
      %add3A_39 = arith.constant 5120 : i32
      %add3A_40 = arith.addi %add3A_39, %mul3A_38 : i32
      "tpu.region"() ({
        %run_scoped3A = tpu.sem_alloc : memref<!tpu.dma_semaphore, #tpu.memory_space<semaphore_mem>>
        %dma_start3A = arith.constant 0 : i32
        %dma_start3A_46 = tpu.memref_slice %arg6[%add3A_40, %dma_start3A] : memref<10000x128xf32, #tpu.memory_space<hbm>> -> memref<304x128xf32, #tpu.memory_space<hbm>>
        %dma_start3A_47 = arith.constant 0 : i32
        %dma_start3A_48 = tpu.memref_slice %arg11[%mul3A_36, %dma_start3A_47] : memref<5376x128xf32, #tpu.memory_space<vmem_shared>> -> memref<304x128xf32, #tpu.memory_space<vmem_shared>>
        tpu.enqueue_dma source(%dma_start3A_48 : memref<304x128xf32, #tpu.memory_space<vmem_shared>>) target(%dma_start3A_46 : memref<304x128xf32, #tpu.memory_space<hbm>>) target_semaphore(%run_scoped3A : memref<!tpu.dma_semaphore, #tpu.memory_space<semaphore_mem>>)
        %dma_wait3A = arith.constant 0 : i32
        %dma_wait3A_49 = tpu.memref_slice %arg6[%add3A_40, %dma_wait3A] : memref<10000x128xf32, #tpu.memory_space<hbm>> -> memref<304x128xf32, #tpu.memory_space<hbm>>
        %dma_wait3A_50 = arith.constant 0 : i32
        %dma_wait3A_51 = tpu.memref_slice %arg11[%mul3A_36, %dma_wait3A_50] : memref<5376x128xf32, #tpu.memory_space<vmem_shared>> -> memref<304x128xf32, #tpu.memory_space<vmem_shared>>
        tpu.wait_dma2 semaphore(%run_scoped3A : memref<!tpu.dma_semaphore, #tpu.memory_space<semaphore_mem>>) src(%dma_wait3A_51 : memref<304x128xf32, #tpu.memory_space<vmem_shared>>) dst(%dma_wait3A_49 : memref<304x128xf32, #tpu.memory_space<hbm>>)
        tpu.yield
      }) : () -> ()
      %eq3A_41 = arith.constant 15 : i32
      %eq3A_42 = arith.cmpi eq, %arg1, %eq3A_41 : i32
      %convert_element_type3A_43 = arith.extui %eq3A_42 : i1 to i32
      %cond3A_44 = arith.constant 0 : i32
      %cond3A_45 = arith.cmpi ne, %convert_element_type3A_43, %cond3A_44 : i32
      scf.if %cond3A_45 {
        "tpu.region"() ({
          %run_scoped3A = tpu.sem_alloc : memref<!tpu.dma_semaphore, #tpu.memory_space<semaphore_mem>>
          %dma_start3A = arith.constant 9984 : i32
          %dma_start3A_46 = arith.constant 0 : i32
          %dma_start3A_47 = tpu.memref_slice %arg6[%dma_start3A, %dma_start3A_46] : memref<10000x128xf32, #tpu.memory_space<hbm>> -> memref<16x128xf32, #tpu.memory_space<hbm>>
          %dma_start3A_48 = arith.constant 4864 : i32
          %dma_start3A_49 = arith.constant 0 : i32
          %dma_start3A_50 = tpu.memref_slice %arg11[%dma_start3A_48, %dma_start3A_49] : memref<5376x128xf32, #tpu.memory_space<vmem_shared>> -> memref<16x128xf32, #tpu.memory_space<vmem_shared>>
          tpu.enqueue_dma source(%dma_start3A_50 : memref<16x128xf32, #tpu.memory_space<vmem_shared>>) target(%dma_start3A_47 : memref<16x128xf32, #tpu.memory_space<hbm>>) target_semaphore(%run_scoped3A : memref<!tpu.dma_semaphore, #tpu.memory_space<semaphore_mem>>)
          %dma_wait3A = arith.constant 9984 : i32
          %dma_wait3A_51 = arith.constant 0 : i32
          %dma_wait3A_52 = tpu.memref_slice %arg6[%dma_wait3A, %dma_wait3A_51] : memref<10000x128xf32, #tpu.memory_space<hbm>> -> memref<16x128xf32, #tpu.memory_space<hbm>>
          %dma_wait3A_53 = arith.constant 4864 : i32
          %dma_wait3A_54 = arith.constant 0 : i32
          %dma_wait3A_55 = tpu.memref_slice %arg11[%dma_wait3A_53, %dma_wait3A_54] : memref<5376x128xf32, #tpu.memory_space<vmem_shared>> -> memref<16x128xf32, #tpu.memory_space<vmem_shared>>
          tpu.wait_dma2 semaphore(%run_scoped3A : memref<!tpu.dma_semaphore, #tpu.memory_space<semaphore_mem>>) src(%dma_wait3A_55 : memref<16x128xf32, #tpu.memory_space<vmem_shared>>) dst(%dma_wait3A_52 : memref<16x128xf32, #tpu.memory_space<hbm>>)
          tpu.yield
        }) : () -> ()
      } else {
      }
    } else {
    }
    return
  }
}

#map = affine_map<(d0, d1) -> (0, 0)>
#map1 = affine_map<(d0, d1) -> (0, 0, 0)>
module attributes {stable_mosaic.version = 14 : i64} {
  func.func @seg(%arg0: i32, %arg1: i32, %arg2: memref<20000x128xf32, #tpu.memory_space<hbm>>, %arg3: memref<16x160x128xi32, #tpu.memory_space<hbm>>, %arg4: memref<16x160x128xi32, #tpu.memory_space<hbm>>, %arg5: memref<16x160x128xi32, #tpu.memory_space<hbm>>, %arg6: memref<10000x128xf32, #tpu.memory_space<hbm>>, %arg7: memref<160x128xi32, #tpu.memory_space<vmem>>, %arg8: memref<160x128xi32, #tpu.memory_space<vmem>>, %arg9: memref<128x128xf32, #tpu.memory_space<vmem>>, %arg10: memref<128x128xf32, #tpu.memory_space<vmem>>, %arg11: memref<5376x128xf32, #tpu.memory_space<vmem_shared>>, %arg12: memref<!tpu.dma_semaphore, #tpu.memory_space<semaphore_mem>>, %arg13: memref<!tpu.dma_semaphore, #tpu.memory_space<semaphore_mem>>) attributes {dimension_semantics = [#tpu.dimension_semantics<core_parallel>, #tpu.dimension_semantics<subcore_parallel>], iteration_bounds = array<i64: 2, 16>, scalar_prefetch = 0 : i64, scratch_operands = 7 : i64, tpu.core_type = #tpu.core_type<sc_vector_subcore>, window_params = [{transform_indices = #map}, {transform_indices = #map1}, {transform_indices = #map1}, {transform_indices = #map1}, {transform_indices = #map}]} {
    "tpu.region"() ({
      %run_scoped3A = tpu.sem_alloc : memref<!tpu.dma_semaphore, #tpu.memory_space<semaphore_mem>>
      %dma_start3A = arith.constant 0 : i32
      %dma_start3A_35 = arith.constant 0 : i32
      %dma_start3A_36 = tpu.memref_slice %arg3[%arg1, %dma_start3A, %dma_start3A_35] : memref<16x160x128xi32, #tpu.memory_space<hbm>> -> memref<1x160x128xi32, #tpu.memory_space<hbm>>
      %dma_start3A_37 = tpu.memref_squeeze %dma_start3A_36 : memref<1x160x128xi32, #tpu.memory_space<hbm>> -> memref<160x128xi32, #tpu.memory_space<hbm>>
      %dma_start3A_38 = arith.constant 0 : i32
      %dma_start3A_39 = arith.constant 0 : i32
      %dma_start3A_40 = tpu.memref_slice %arg3[%arg1, %dma_start3A_38, %dma_start3A_39] : memref<16x160x128xi32, #tpu.memory_space<hbm>> -> memref<1x160x128xi32, #tpu.memory_space<hbm>>
      %dma_start3A_41 = tpu.memref_squeeze %dma_start3A_40 : memref<1x160x128xi32, #tpu.memory_space<hbm>> -> memref<160x128xi32, #tpu.memory_space<hbm>>
      tpu.enqueue_dma source(%dma_start3A_41 : memref<160x128xi32, #tpu.memory_space<hbm>>) target(%arg7 : memref<160x128xi32, #tpu.memory_space<vmem>>) target_semaphore(%run_scoped3A : memref<!tpu.dma_semaphore, #tpu.memory_space<semaphore_mem>>)
      %dma_wait3A = arith.constant 0 : i32
      %dma_wait3A_42 = arith.constant 0 : i32
      %dma_wait3A_43 = tpu.memref_slice %arg3[%arg1, %dma_wait3A, %dma_wait3A_42] : memref<16x160x128xi32, #tpu.memory_space<hbm>> -> memref<1x160x128xi32, #tpu.memory_space<hbm>>
      %dma_wait3A_44 = tpu.memref_squeeze %dma_wait3A_43 : memref<1x160x128xi32, #tpu.memory_space<hbm>> -> memref<160x128xi32, #tpu.memory_space<hbm>>
      %dma_wait3A_45 = arith.constant 0 : i32
      %dma_wait3A_46 = arith.constant 0 : i32
      %dma_wait3A_47 = tpu.memref_slice %arg3[%arg1, %dma_wait3A_45, %dma_wait3A_46] : memref<16x160x128xi32, #tpu.memory_space<hbm>> -> memref<1x160x128xi32, #tpu.memory_space<hbm>>
      %dma_wait3A_48 = tpu.memref_squeeze %dma_wait3A_47 : memref<1x160x128xi32, #tpu.memory_space<hbm>> -> memref<160x128xi32, #tpu.memory_space<hbm>>
      tpu.wait_dma2 semaphore(%run_scoped3A : memref<!tpu.dma_semaphore, #tpu.memory_space<semaphore_mem>>) src(%dma_wait3A_48 : memref<160x128xi32, #tpu.memory_space<hbm>>) dst(%arg7 : memref<160x128xi32, #tpu.memory_space<vmem>>)
      tpu.yield
    }) : () -> ()
    %eq3A = arith.constant 0 : i32
    %eq3A_0 = arith.cmpi eq, %arg0, %eq3A : i32
    %convert_element_type3A = arith.extui %eq3A_0 : i1 to i32
    %cond3A = arith.constant 0 : i32
    %cond3A_1 = arith.cmpi ne, %convert_element_type3A, %cond3A : i32
    scf.if %cond3A_1 {
      "tpu.region"() ({
        %run_scoped3A = tpu.sem_alloc : memref<!tpu.dma_semaphore, #tpu.memory_space<semaphore_mem>>
        %dma_start3A = arith.constant 0 : i32
        %dma_start3A_35 = arith.constant 0 : i32
        %dma_start3A_36 = tpu.memref_slice %arg4[%arg1, %dma_start3A, %dma_start3A_35] : memref<16x160x128xi32, #tpu.memory_space<hbm>> -> memref<1x160x128xi32, #tpu.memory_space<hbm>>
        %dma_start3A_37 = tpu.memref_squeeze %dma_start3A_36 : memref<1x160x128xi32, #tpu.memory_space<hbm>> -> memref<160x128xi32, #tpu.memory_space<hbm>>
        %dma_start3A_38 = arith.constant 0 : i32
        %dma_start3A_39 = arith.constant 0 : i32
        %dma_start3A_40 = tpu.memref_slice %arg4[%arg1, %dma_start3A_38, %dma_start3A_39] : memref<16x160x128xi32, #tpu.memory_space<hbm>> -> memref<1x160x128xi32, #tpu.memory_space<hbm>>
        %dma_start3A_41 = tpu.memref_squeeze %dma_start3A_40 : memref<1x160x128xi32, #tpu.memory_space<hbm>> -> memref<160x128xi32, #tpu.memory_space<hbm>>
        tpu.enqueue_dma source(%dma_start3A_41 : memref<160x128xi32, #tpu.memory_space<hbm>>) target(%arg8 : memref<160x128xi32, #tpu.memory_space<vmem>>) target_semaphore(%run_scoped3A : memref<!tpu.dma_semaphore, #tpu.memory_space<semaphore_mem>>)
        %dma_wait3A = arith.constant 0 : i32
        %dma_wait3A_42 = arith.constant 0 : i32
        %dma_wait3A_43 = tpu.memref_slice %arg4[%arg1, %dma_wait3A, %dma_wait3A_42] : memref<16x160x128xi32, #tpu.memory_space<hbm>> -> memref<1x160x128xi32, #tpu.memory_space<hbm>>
        %dma_wait3A_44 = tpu.memref_squeeze %dma_wait3A_43 : memref<1x160x128xi32, #tpu.memory_space<hbm>> -> memref<160x128xi32, #tpu.memory_space<hbm>>
        %dma_wait3A_45 = arith.constant 0 : i32
        %dma_wait3A_46 = arith.constant 0 : i32
        %dma_wait3A_47 = tpu.memref_slice %arg4[%arg1, %dma_wait3A_45, %dma_wait3A_46] : memref<16x160x128xi32, #tpu.memory_space<hbm>> -> memref<1x160x128xi32, #tpu.memory_space<hbm>>
        %dma_wait3A_48 = tpu.memref_squeeze %dma_wait3A_47 : memref<1x160x128xi32, #tpu.memory_space<hbm>> -> memref<160x128xi32, #tpu.memory_space<hbm>>
        tpu.wait_dma2 semaphore(%run_scoped3A : memref<!tpu.dma_semaphore, #tpu.memory_space<semaphore_mem>>) src(%dma_wait3A_48 : memref<160x128xi32, #tpu.memory_space<hbm>>) dst(%arg8 : memref<160x128xi32, #tpu.memory_space<vmem>>)
        tpu.yield
      }) : () -> ()
    } else {
    }
    %eq3A_2 = arith.constant 1 : i32
    %eq3A_3 = arith.cmpi eq, %arg0, %eq3A_2 : i32
    %convert_element_type3A_4 = arith.extui %eq3A_3 : i1 to i32
    %cond3A_5 = arith.constant 0 : i32
    %cond3A_6 = arith.cmpi ne, %convert_element_type3A_4, %cond3A_5 : i32
    scf.if %cond3A_6 {
      "tpu.region"() ({
        %run_scoped3A = tpu.sem_alloc : memref<!tpu.dma_semaphore, #tpu.memory_space<semaphore_mem>>
        %dma_start3A = arith.constant 0 : i32
        %dma_start3A_35 = arith.constant 0 : i32
        %dma_start3A_36 = tpu.memref_slice %arg5[%arg1, %dma_start3A, %dma_start3A_35] : memref<16x160x128xi32, #tpu.memory_space<hbm>> -> memref<1x160x128xi32, #tpu.memory_space<hbm>>
        %dma_start3A_37 = tpu.memref_squeeze %dma_start3A_36 : memref<1x160x128xi32, #tpu.memory_space<hbm>> -> memref<160x128xi32, #tpu.memory_space<hbm>>
        %dma_start3A_38 = arith.constant 0 : i32
        %dma_start3A_39 = arith.constant 0 : i32
        %dma_start3A_40 = tpu.memref_slice %arg5[%arg1, %dma_start3A_38, %dma_start3A_39] : memref<16x160x128xi32, #tpu.memory_space<hbm>> -> memref<1x160x128xi32, #tpu.memory_space<hbm>>
        %dma_start3A_41 = tpu.memref_squeeze %dma_start3A_40 : memref<1x160x128xi32, #tpu.memory_space<hbm>> -> memref<160x128xi32, #tpu.memory_space<hbm>>
        tpu.enqueue_dma source(%dma_start3A_41 : memref<160x128xi32, #tpu.memory_space<hbm>>) target(%arg8 : memref<160x128xi32, #tpu.memory_space<vmem>>) target_semaphore(%run_scoped3A : memref<!tpu.dma_semaphore, #tpu.memory_space<semaphore_mem>>)
        %dma_wait3A = arith.constant 0 : i32
        %dma_wait3A_42 = arith.constant 0 : i32
        %dma_wait3A_43 = tpu.memref_slice %arg5[%arg1, %dma_wait3A, %dma_wait3A_42] : memref<16x160x128xi32, #tpu.memory_space<hbm>> -> memref<1x160x128xi32, #tpu.memory_space<hbm>>
        %dma_wait3A_44 = tpu.memref_squeeze %dma_wait3A_43 : memref<1x160x128xi32, #tpu.memory_space<hbm>> -> memref<160x128xi32, #tpu.memory_space<hbm>>
        %dma_wait3A_45 = arith.constant 0 : i32
        %dma_wait3A_46 = arith.constant 0 : i32
        %dma_wait3A_47 = tpu.memref_slice %arg5[%arg1, %dma_wait3A_45, %dma_wait3A_46] : memref<16x160x128xi32, #tpu.memory_space<hbm>> -> memref<1x160x128xi32, #tpu.memory_space<hbm>>
        %dma_wait3A_48 = tpu.memref_squeeze %dma_wait3A_47 : memref<1x160x128xi32, #tpu.memory_space<hbm>> -> memref<160x128xi32, #tpu.memory_space<hbm>>
        tpu.wait_dma2 semaphore(%run_scoped3A : memref<!tpu.dma_semaphore, #tpu.memory_space<semaphore_mem>>) src(%dma_wait3A_48 : memref<160x128xi32, #tpu.memory_space<hbm>>) dst(%arg8 : memref<160x128xi32, #tpu.memory_space<vmem>>)
        tpu.yield
      }) : () -> ()
    } else {
    }
    %broadcast_in_dim3A = arith.constant 0.000000e+00 : f32
    %broadcast_in_dim3A_7 = vector.broadcast %broadcast_in_dim3A : f32 to vector<16xf32>
    %scan3A = arith.constant 0 : i32
    %scan3A_8 = arith.constant 128 : i32
    %scan3A_9 = arith.addi %scan3A, %scan3A_8 : i32
    %scan3A_10 = arith.constant 1 : i32
    scf.for %scan3A_35 = %scan3A to %scan3A_9 step %scan3A_10  : i32 {
      %mul3A_36 = arith.constant 1 : i32
      %mul3A_37 = arith.muli %scan3A_35, %mul3A_36 : i32
      %add3A_38 = arith.constant 0 : i32
      %add3A_39 = arith.addi %add3A_38, %mul3A_37 : i32
      %scan3A_40 = arith.constant 0 : i32
      %scan3A_41 = arith.constant 8 : i32
      %scan3A_42 = arith.addi %scan3A_40, %scan3A_41 : i32
      %scan3A_43 = arith.constant 1 : i32
      scf.for %scan3A_45 = %scan3A_40 to %scan3A_42 step %scan3A_43  : i32 {
        %mul3A_46 = arith.constant 1 : i32
        %mul3A_47 = arith.muli %scan3A_45, %mul3A_46 : i32
        %add3A_48 = arith.constant 0 : i32
        %add3A_49 = arith.addi %add3A_48, %mul3A_47 : i32
        %mul3A_50 = arith.constant 16 : i32
        %mul3A_51 = arith.muli %add3A_49, %mul3A_50 : i32
        %swap3A = arith.index_cast %add3A_39 : i32 to index
        %swap3A_52 = arith.index_cast %mul3A_51 : i32 to index
        %swap3A_53 = tpu.vector_load %arg9[%swap3A, %swap3A_52] {strides = array<i32>} : memref<128x128xf32, #tpu.memory_space<vmem>>, vector<1x16xf32>,
        %swap3A_54 = vector.shape_cast %swap3A_53 : vector<1x16xf32> to vector<16xf32>
        %swap3A_55 = vector.shape_cast %broadcast_in_dim3A_7 : vector<16xf32> to vector<1x16xf32>
        tpu.vector_store %arg9[%swap3A, %swap3A_52], %swap3A_55 {strides = array<i32>} : memref<128x128xf32, #tpu.memory_space<vmem>>, vector<1x16xf32>,
      }
      %scan3A_44 = arith.constant 8 : i32
    }
    %scan3A_11 = arith.constant 128 : i32
    %mul3A = arith.constant 336 : i32
    %mul3A_12 = arith.muli %arg1, %mul3A : i32
    %scan3A_13 = arith.constant 0 : i32
    %scan3A_14 = arith.constant 2 : i32
    %scan3A_15 = arith.addi %scan3A_13, %scan3A_14 : i32
    %scan3A_16 = arith.constant 1 : i32
    scf.for %scan3A_35 = %scan3A_13 to %scan3A_15 step %scan3A_16  : i32 {
      %mul3A_36 = arith.constant 1 : i32
      %mul3A_37 = arith.muli %scan3A_35, %mul3A_36 : i32
      %add3A_38 = arith.constant 0 : i32
      %add3A_39 = arith.addi %add3A_38, %mul3A_37 : i32
      %mul3A_40 = arith.constant 128 : i32
      %mul3A_41 = arith.muli %add3A_39, %mul3A_40 : i32
      %add3A_42 = arith.addi %mul3A_12, %mul3A_41 : i32
      "tpu.region"() ({
        %run_scoped3A = tpu.sem_alloc : memref<!tpu.dma_semaphore, #tpu.memory_space<semaphore_mem>>
        %dma_start3A = arith.constant 0 : i32
        %dma_start3A_43 = tpu.memref_slice %arg11[%add3A_42, %dma_start3A] : memref<5376x128xf32, #tpu.memory_space<vmem_shared>> -> memref<128x128xf32, #tpu.memory_space<vmem_shared>>
        %dma_start3A_44 = arith.constant 0 : i32
        %dma_start3A_45 = tpu.memref_slice %arg11[%add3A_42, %dma_start3A_44] : memref<5376x128xf32, #tpu.memory_space<vmem_shared>> -> memref<128x128xf32, #tpu.memory_space<vmem_shared>>
        tpu.enqueue_dma source(%arg9 : memref<128x128xf32, #tpu.memory_space<vmem>>) target(%dma_start3A_45 : memref<128x128xf32, #tpu.memory_space<vmem_shared>>) target_semaphore(%run_scoped3A : memref<!tpu.dma_semaphore, #tpu.memory_space<semaphore_mem>>)
        %dma_wait3A = arith.constant 0 : i32
        %dma_wait3A_46 = tpu.memref_slice %arg11[%add3A_42, %dma_wait3A] : memref<5376x128xf32, #tpu.memory_space<vmem_shared>> -> memref<128x128xf32, #tpu.memory_space<vmem_shared>>
        %dma_wait3A_47 = arith.constant 0 : i32
        %dma_wait3A_48 = tpu.memref_slice %arg11[%add3A_42, %dma_wait3A_47] : memref<5376x128xf32, #tpu.memory_space<vmem_shared>> -> memref<128x128xf32, #tpu.memory_space<vmem_shared>>
        tpu.wait_dma2 semaphore(%run_scoped3A : memref<!tpu.dma_semaphore, #tpu.memory_space<semaphore_mem>>) src(%arg9 : memref<128x128xf32, #tpu.memory_space<vmem>>) dst(%dma_wait3A_48 : memref<128x128xf32, #tpu.memory_space<vmem_shared>>)
        tpu.yield
      }) : () -> ()
    }
    %scan3A_17 = arith.constant 2 : i32
    %add3A = arith.constant 256 : i32
    %add3A_18 = arith.addi %mul3A_12, %add3A : i32
    "tpu.region"() ({
      %run_scoped3A = tpu.sem_alloc : memref<!tpu.dma_semaphore, #tpu.memory_space<semaphore_mem>>
      %dma_start3A = arith.constant 0 : i32
      %dma_start3A_35 = arith.constant 0 : i32
      %dma_start3A_36 = tpu.memref_slice %arg9[%dma_start3A, %dma_start3A_35] : memref<128x128xf32, #tpu.memory_space<vmem>> -> memref<80x128xf32, #tpu.memory_space<vmem>>
      %dma_start3A_37 = arith.constant 0 : i32
      %dma_start3A_38 = tpu.memref_slice %arg11[%add3A_18, %dma_start3A_37] : memref<5376x128xf32, #tpu.memory_space<vmem_shared>> -> memref<80x128xf32, #tpu.memory_space<vmem_shared>>
      %dma_start3A_39 = arith.constant 0 : i32
      %dma_start3A_40 = tpu.memref_slice %arg11[%add3A_18, %dma_start3A_39] : memref<5376x128xf32, #tpu.memory_space<vmem_shared>> -> memref<80x128xf32, #tpu.memory_space<vmem_shared>>
      %dma_start3A_41 = arith.constant 0 : i32
      %dma_start3A_42 = arith.constant 0 : i32
      %dma_start3A_43 = tpu.memref_slice %arg9[%dma_start3A_41, %dma_start3A_42] : memref<128x128xf32, #tpu.memory_space<vmem>> -> memref<80x128xf32, #tpu.memory_space<vmem>>
      tpu.enqueue_dma source(%dma_start3A_43 : memref<80x128xf32, #tpu.memory_space<vmem>>) target(%dma_start3A_40 : memref<80x128xf32, #tpu.memory_space<vmem_shared>>) target_semaphore(%run_scoped3A : memref<!tpu.dma_semaphore, #tpu.memory_space<semaphore_mem>>)
      %dma_wait3A = arith.constant 0 : i32
      %dma_wait3A_44 = arith.constant 0 : i32
      %dma_wait3A_45 = tpu.memref_slice %arg9[%dma_wait3A, %dma_wait3A_44] : memref<128x128xf32, #tpu.memory_space<vmem>> -> memref<80x128xf32, #tpu.memory_space<vmem>>
      %dma_wait3A_46 = arith.constant 0 : i32
      %dma_wait3A_47 = tpu.memref_slice %arg11[%add3A_18, %dma_wait3A_46] : memref<5376x128xf32, #tpu.memory_space<vmem_shared>> -> memref<80x128xf32, #tpu.memory_space<vmem_shared>>
      %dma_wait3A_48 = arith.constant 0 : i32
      %dma_wait3A_49 = tpu.memref_slice %arg11[%add3A_18, %dma_wait3A_48] : memref<5376x128xf32, #tpu.memory_space<vmem_shared>> -> memref<80x128xf32, #tpu.memory_space<vmem_shared>>
      %dma_wait3A_50 = arith.constant 0 : i32
      %dma_wait3A_51 = arith.constant 0 : i32
      %dma_wait3A_52 = tpu.memref_slice %arg9[%dma_wait3A_50, %dma_wait3A_51] : memref<128x128xf32, #tpu.memory_space<vmem>> -> memref<80x128xf32, #tpu.memory_space<vmem>>
      tpu.wait_dma2 semaphore(%run_scoped3A : memref<!tpu.dma_semaphore, #tpu.memory_space<semaphore_mem>>) src(%dma_wait3A_52 : memref<80x128xf32, #tpu.memory_space<vmem>>) dst(%dma_wait3A_49 : memref<80x128xf32, #tpu.memory_space<vmem_shared>>)
      tpu.yield
    }) : () -> ()
    %barrier3A = arith.constant 0 : index
    tpu.barrier barrier_id(%barrier3A)
    %scan3A_19 = arith.constant 0 : i32
    %scan3A_20 = arith.constant 80 : i32
    %scan3A_21 = arith.addi %scan3A_19, %scan3A_20 : i32
    %scan3A_22 = arith.constant 1 : i32
    scf.for %scan3A_35 = %scan3A_19 to %scan3A_21 step %scan3A_22  : i32 {
      %mul3A_36 = arith.constant 2 : i32
      %mul3A_37 = arith.muli %scan3A_35, %mul3A_36 : i32
      %add3A_38 = arith.constant 0 : i32
      %add3A_39 = arith.addi %add3A_38, %mul3A_37 : i32
      %dma_start3A = arith.constant 0 : i32
      %dma_start3A_40 = tpu.memref_slice %arg7[%add3A_39, %dma_start3A] : memref<160x128xi32, #tpu.memory_space<vmem>> -> memref<1x128xi32, #tpu.memory_space<vmem>>
      %dma_start3A_41 = tpu.memref_squeeze %dma_start3A_40 : memref<1x128xi32, #tpu.memory_space<vmem>> -> memref<128xi32, #tpu.memory_space<vmem>>
      %dma_start3A_42 = arith.constant 0 : i32
      %dma_start3A_43 = arith.constant 0 : i32
      %dma_start3A_44 = tpu.memref_slice %arg2[%dma_start3A_42, %dma_start3A_43] : memref<20000x128xf32, #tpu.memory_space<hbm>> -> memref<20000x128xf32, #tpu.memory_space<hbm>>
      tpu.enqueue_indirect_dma source(%dma_start3A_44 : memref<20000x128xf32, #tpu.memory_space<hbm>>) target(%arg9 : memref<128x128xf32, #tpu.memory_space<vmem>>) offsets(%dma_start3A_41 : memref<128xi32, #tpu.memory_space<vmem>>) semaphore(%arg12 : memref<!tpu.dma_semaphore, #tpu.memory_space<semaphore_mem>>)
      %add3A_45 = arith.constant 1 : i32
      %add3A_46 = arith.addi %add3A_39, %add3A_45 : i32
      %dma_start3A_47 = arith.constant 0 : i32
      %dma_start3A_48 = tpu.memref_slice %arg7[%add3A_46, %dma_start3A_47] : memref<160x128xi32, #tpu.memory_space<vmem>> -> memref<1x128xi32, #tpu.memory_space<vmem>>
      %dma_start3A_49 = tpu.memref_squeeze %dma_start3A_48 : memref<1x128xi32, #tpu.memory_space<vmem>> -> memref<128xi32, #tpu.memory_space<vmem>>
      %dma_start3A_50 = arith.constant 0 : i32
      %dma_start3A_51 = arith.constant 0 : i32
      %dma_start3A_52 = tpu.memref_slice %arg2[%dma_start3A_50, %dma_start3A_51] : memref<20000x128xf32, #tpu.memory_space<hbm>> -> memref<20000x128xf32, #tpu.memory_space<hbm>>
      tpu.enqueue_indirect_dma source(%dma_start3A_52 : memref<20000x128xf32, #tpu.memory_space<hbm>>) target(%arg10 : memref<128x128xf32, #tpu.memory_space<vmem>>) offsets(%dma_start3A_49 : memref<128xi32, #tpu.memory_space<vmem>>) semaphore(%arg13 : memref<!tpu.dma_semaphore, #tpu.memory_space<semaphore_mem>>)
      %dma_wait3A = arith.constant 0 : i32
      %dma_wait3A_53 = tpu.memref_slice %arg7[%add3A_39, %dma_wait3A] : memref<160x128xi32, #tpu.memory_space<vmem>> -> memref<1x128xi32, #tpu.memory_space<vmem>>
      %dma_wait3A_54 = tpu.memref_squeeze %dma_wait3A_53 : memref<1x128xi32, #tpu.memory_space<vmem>> -> memref<128xi32, #tpu.memory_space<vmem>>
      %dma_wait3A_55 = arith.constant 0 : i32
      %dma_wait3A_56 = arith.constant 0 : i32
      %dma_wait3A_57 = tpu.memref_slice %arg2[%dma_wait3A_55, %dma_wait3A_56] : memref<20000x128xf32, #tpu.memory_space<hbm>> -> memref<20000x128xf32, #tpu.memory_space<hbm>>
      tpu.wait_indirect_dma semaphore(%arg12 : memref<!tpu.dma_semaphore, #tpu.memory_space<semaphore_mem>>) src(%dma_wait3A_57 : memref<20000x128xf32, #tpu.memory_space<hbm>>) dst(%arg9 : memref<128x128xf32, #tpu.memory_space<vmem>>)
      "tpu.region"() ({
        %run_scoped3A = tpu.sem_alloc : memref<!tpu.dma_semaphore, #tpu.memory_space<semaphore_mem>>
        %dma_start3A_66 = arith.constant 0 : i32
        %dma_start3A_67 = tpu.memref_slice %arg8[%add3A_39, %dma_start3A_66] : memref<160x128xi32, #tpu.memory_space<vmem>> -> memref<1x128xi32, #tpu.memory_space<vmem>>
        %dma_start3A_68 = tpu.memref_squeeze %dma_start3A_67 : memref<1x128xi32, #tpu.memory_space<vmem>> -> memref<128xi32, #tpu.memory_space<vmem>>
        %dma_start3A_69 = arith.constant 0 : i32
        %dma_start3A_70 = arith.constant 0 : i32
        %dma_start3A_71 = tpu.memref_slice %arg11[%dma_start3A_69, %dma_start3A_70] : memref<5376x128xf32, #tpu.memory_space<vmem_shared>> -> memref<5376x128xf32, #tpu.memory_space<vmem_shared>>
        tpu.enqueue_indirect_dma source(%arg9 : memref<128x128xf32, #tpu.memory_space<vmem>>) target(%dma_start3A_71 : memref<5376x128xf32, #tpu.memory_space<vmem_shared>>) offsets(%dma_start3A_68 : memref<128xi32, #tpu.memory_space<vmem>>) semaphore(%run_scoped3A : memref<!tpu.dma_semaphore, #tpu.memory_space<semaphore_mem>>) {add = true}
        %dma_wait3A_72 = arith.constant 0 : i32
        %dma_wait3A_73 = tpu.memref_slice %arg8[%add3A_39, %dma_wait3A_72] : memref<160x128xi32, #tpu.memory_space<vmem>> -> memref<1x128xi32, #tpu.memory_space<vmem>>
        %dma_wait3A_74 = tpu.memref_squeeze %dma_wait3A_73 : memref<1x128xi32, #tpu.memory_space<vmem>> -> memref<128xi32, #tpu.memory_space<vmem>>
        %dma_wait3A_75 = arith.constant 0 : i32
        %dma_wait3A_76 = arith.constant 0 : i32
        %dma_wait3A_77 = tpu.memref_slice %arg11[%dma_wait3A_75, %dma_wait3A_76] : memref<5376x128xf32, #tpu.memory_space<vmem_shared>> -> memref<5376x128xf32, #tpu.memory_space<vmem_shared>>
        tpu.wait_indirect_dma semaphore(%run_scoped3A : memref<!tpu.dma_semaphore, #tpu.memory_space<semaphore_mem>>) src(%arg9 : memref<128x128xf32, #tpu.memory_space<vmem>>) dst(%dma_wait3A_77 : memref<5376x128xf32, #tpu.memory_space<vmem_shared>>)
        tpu.yield
      }) : () -> ()
      %dma_wait3A_58 = arith.constant 0 : i32
      %dma_wait3A_59 = tpu.memref_slice %arg7[%add3A_46, %dma_wait3A_58] : memref<160x128xi32, #tpu.memory_space<vmem>> -> memref<1x128xi32, #tpu.memory_space<vmem>>
      %dma_wait3A_60 = tpu.memref_squeeze %dma_wait3A_59 : memref<1x128xi32, #tpu.memory_space<vmem>> -> memref<128xi32, #tpu.memory_space<vmem>>
      %dma_wait3A_61 = arith.constant 0 : i32
      %dma_wait3A_62 = arith.constant 0 : i32
      %dma_wait3A_63 = tpu.memref_slice %arg2[%dma_wait3A_61, %dma_wait3A_62] : memref<20000x128xf32, #tpu.memory_space<hbm>> -> memref<20000x128xf32, #tpu.memory_space<hbm>>
      tpu.wait_indirect_dma semaphore(%arg13 : memref<!tpu.dma_semaphore, #tpu.memory_space<semaphore_mem>>) src(%dma_wait3A_63 : memref<20000x128xf32, #tpu.memory_space<hbm>>) dst(%arg10 : memref<128x128xf32, #tpu.memory_space<vmem>>)
      %add3A_64 = arith.constant 1 : i32
      %add3A_65 = arith.addi %add3A_39, %add3A_64 : i32
      "tpu.region"() ({
        %run_scoped3A = tpu.sem_alloc : memref<!tpu.dma_semaphore, #tpu.memory_space<semaphore_mem>>
        %dma_start3A_66 = arith.constant 0 : i32
        %dma_start3A_67 = tpu.memref_slice %arg8[%add3A_65, %dma_start3A_66] : memref<160x128xi32, #tpu.memory_space<vmem>> -> memref<1x128xi32, #tpu.memory_space<vmem>>
        %dma_start3A_68 = tpu.memref_squeeze %dma_start3A_67 : memref<1x128xi32, #tpu.memory_space<vmem>> -> memref<128xi32, #tpu.memory_space<vmem>>
        %dma_start3A_69 = arith.constant 0 : i32
        %dma_start3A_70 = arith.constant 0 : i32
        %dma_start3A_71 = tpu.memref_slice %arg11[%dma_start3A_69, %dma_start3A_70] : memref<5376x128xf32, #tpu.memory_space<vmem_shared>> -> memref<5376x128xf32, #tpu.memory_space<vmem_shared>>
        tpu.enqueue_indirect_dma source(%arg10 : memref<128x128xf32, #tpu.memory_space<vmem>>) target(%dma_start3A_71 : memref<5376x128xf32, #tpu.memory_space<vmem_shared>>) offsets(%dma_start3A_68 : memref<128xi32, #tpu.memory_space<vmem>>) semaphore(%run_scoped3A : memref<!tpu.dma_semaphore, #tpu.memory_space<semaphore_mem>>) {add = true}
        %dma_wait3A_72 = arith.constant 0 : i32
        %dma_wait3A_73 = tpu.memref_slice %arg8[%add3A_65, %dma_wait3A_72] : memref<160x128xi32, #tpu.memory_space<vmem>> -> memref<1x128xi32, #tpu.memory_space<vmem>>
        %dma_wait3A_74 = tpu.memref_squeeze %dma_wait3A_73 : memref<1x128xi32, #tpu.memory_space<vmem>> -> memref<128xi32, #tpu.memory_space<vmem>>
        %dma_wait3A_75 = arith.constant 0 : i32
        %dma_wait3A_76 = arith.constant 0 : i32
        %dma_wait3A_77 = tpu.memref_slice %arg11[%dma_wait3A_75, %dma_wait3A_76] : memref<5376x128xf32, #tpu.memory_space<vmem_shared>> -> memref<5376x128xf32, #tpu.memory_space<vmem_shared>>
        tpu.wait_indirect_dma semaphore(%run_scoped3A : memref<!tpu.dma_semaphore, #tpu.memory_space<semaphore_mem>>) src(%arg10 : memref<128x128xf32, #tpu.memory_space<vmem>>) dst(%dma_wait3A_77 : memref<5376x128xf32, #tpu.memory_space<vmem_shared>>)
        tpu.yield
      }) : () -> ()
    }
    %scan3A_23 = arith.constant 80 : i32
    %barrier3A_24 = arith.constant 0 : index
    tpu.barrier barrier_id(%barrier3A_24)
    %eq3A_25 = arith.constant 0 : i32
    %eq3A_26 = arith.cmpi eq, %arg0, %eq3A_25 : i32
    %convert_element_type3A_27 = arith.extui %eq3A_26 : i1 to i32
    %cond3A_28 = arith.constant 0 : i32
    %cond3A_29 = arith.cmpi ne, %convert_element_type3A_27, %cond3A_28 : i32
    scf.if %cond3A_29 {
      %mul3A_35 = arith.constant 320 : i32
      %mul3A_36 = arith.muli %arg1, %mul3A_35 : i32
      %mul3A_37 = arith.constant 320 : i32
      %mul3A_38 = arith.muli %arg1, %mul3A_37 : i32
      "tpu.region"() ({
        %run_scoped3A = tpu.sem_alloc : memref<!tpu.dma_semaphore, #tpu.memory_space<semaphore_mem>>
        %dma_start3A = arith.constant 0 : i32
        %dma_start3A_39 = tpu.memref_slice %arg6[%mul3A_38, %dma_start3A] : memref<10000x128xf32, #tpu.memory_space<hbm>> -> memref<320x128xf32, #tpu.memory_space<hbm>>
        %dma_start3A_40 = arith.constant 0 : i32
        %dma_start3A_41 = tpu.memref_slice %arg11[%mul3A_36, %dma_start3A_40] : memref<5376x128xf32, #tpu.memory_space<vmem_shared>> -> memref<320x128xf32, #tpu.memory_space<vmem_shared>>
        tpu.enqueue_dma source(%dma_start3A_41 : memref<320x128xf32, #tpu.memory_space<vmem_shared>>) target(%dma_start3A_39 : memref<320x128xf32, #tpu.memory_space<hbm>>) target_semaphore(%run_scoped3A : memref<!tpu.dma_semaphore, #tpu.memory_space<semaphore_mem>>)
        %dma_wait3A = arith.constant 0 : i32
        %dma_wait3A_42 = tpu.memref_slice %arg6[%mul3A_38, %dma_wait3A] : memref<10000x128xf32, #tpu.memory_space<hbm>> -> memref<320x128xf32, #tpu.memory_space<hbm>>
        %dma_wait3A_43 = arith.constant 0 : i32
        %dma_wait3A_44 = tpu.memref_slice %arg11[%mul3A_36, %dma_wait3A_43] : memref<5376x128xf32, #tpu.memory_space<vmem_shared>> -> memref<320x128xf32, #tpu.memory_space<vmem_shared>>
        tpu.wait_dma2 semaphore(%run_scoped3A : memref<!tpu.dma_semaphore, #tpu.memory_space<semaphore_mem>>) src(%dma_wait3A_44 : memref<320x128xf32, #tpu.memory_space<vmem_shared>>) dst(%dma_wait3A_42 : memref<320x128xf32, #tpu.memory_space<hbm>>)
        tpu.yield
      }) : () -> ()
    } else {
    }
    %eq3A_30 = arith.constant 1 : i32
    %eq3A_31 = arith.cmpi eq, %arg0, %eq3A_30 : i32
    %convert_element_type3A_32 = arith.extui %eq3A_31 : i1 to i32
    %cond3A_33 = arith.constant 0 : i32
    %cond3A_34 = arith.cmpi ne, %convert_element_type3A_32, %cond3A_33 : i32
    scf.if %cond3A_34 {
      %mul3A_35 = arith.constant 304 : i32
      %mul3A_36 = arith.muli %arg1, %mul3A_35 : i32
      %mul3A_37 = arith.constant 304 : i32
      %mul3A_38 = arith.muli %arg1, %mul3A_37 : i32
      %add3A_39 = arith.constant 5120 : i32
      %add3A_40 = arith.addi %add3A_39, %mul3A_38 : i32
      "tpu.region"() ({
        %run_scoped3A = tpu.sem_alloc : memref<!tpu.dma_semaphore, #tpu.memory_space<semaphore_mem>>
        %dma_start3A = arith.constant 0 : i32
        %dma_start3A_46 = tpu.memref_slice %arg6[%add3A_40, %dma_start3A] : memref<10000x128xf32, #tpu.memory_space<hbm>> -> memref<304x128xf32, #tpu.memory_space<hbm>>
        %dma_start3A_47 = arith.constant 0 : i32
        %dma_start3A_48 = tpu.memref_slice %arg11[%mul3A_36, %dma_start3A_47] : memref<5376x128xf32, #tpu.memory_space<vmem_shared>> -> memref<304x128xf32, #tpu.memory_space<vmem_shared>>
        tpu.enqueue_dma source(%dma_start3A_48 : memref<304x128xf32, #tpu.memory_space<vmem_shared>>) target(%dma_start3A_46 : memref<304x128xf32, #tpu.memory_space<hbm>>) target_semaphore(%run_scoped3A : memref<!tpu.dma_semaphore, #tpu.memory_space<semaphore_mem>>)
        %dma_wait3A = arith.constant 0 : i32
        %dma_wait3A_49 = tpu.memref_slice %arg6[%add3A_40, %dma_wait3A] : memref<10000x128xf32, #tpu.memory_space<hbm>> -> memref<304x128xf32, #tpu.memory_space<hbm>>
        %dma_wait3A_50 = arith.constant 0 : i32
        %dma_wait3A_51 = tpu.memref_slice %arg11[%mul3A_36, %dma_wait3A_50] : memref<5376x128xf32, #tpu.memory_space<vmem_shared>> -> memref<304x128xf32, #tpu.memory_space<vmem_shared>>
        tpu.wait_dma2 semaphore(%run_scoped3A : memref<!tpu.dma_semaphore, #tpu.memory_space<semaphore_mem>>) src(%dma_wait3A_51 : memref<304x128xf32, #tpu.memory_space<vmem_shared>>) dst(%dma_wait3A_49 : memref<304x128xf32, #tpu.memory_space<hbm>>)
        tpu.yield
      }) : () -> ()
      %eq3A_41 = arith.constant 15 : i32
      %eq3A_42 = arith.cmpi eq, %arg1, %eq3A_41 : i32
      %convert_element_type3A_43 = arith.extui %eq3A_42 : i1 to i32
      %cond3A_44 = arith.constant 0 : i32
      %cond3A_45 = arith.cmpi ne, %convert_element_type3A_43, %cond3A_44 : i32
      scf.if %cond3A_45 {
        "tpu.region"() ({
          %run_scoped3A = tpu.sem_alloc : memref<!tpu.dma_semaphore, #tpu.memory_space<semaphore_mem>>
          %dma_start3A = arith.constant 9984 : i32
          %dma_start3A_46 = arith.constant 0 : i32
          %dma_start3A_47 = tpu.memref_slice %arg6[%dma_start3A, %dma_start3A_46] : memref<10000x128xf32, #tpu.memory_space<hbm>> -> memref<16x128xf32, #tpu.memory_space<hbm>>
          %dma_start3A_48 = arith.constant 4864 : i32
          %dma_start3A_49 = arith.constant 0 : i32
          %dma_start3A_50 = tpu.memref_slice %arg11[%dma_start3A_48, %dma_start3A_49] : memref<5376x128xf32, #tpu.memory_space<vmem_shared>> -> memref<16x128xf32, #tpu.memory_space<vmem_shared>>
          tpu.enqueue_dma source(%dma_start3A_50 : memref<16x128xf32, #tpu.memory_space<vmem_shared>>) target(%dma_start3A_47 : memref<16x128xf32, #tpu.memory_space<hbm>>) target_semaphore(%run_scoped3A : memref<!tpu.dma_semaphore, #tpu.memory_space<semaphore_mem>>)
          %dma_wait3A = arith.constant 9984 : i32
          %dma_wait3A_51 = arith.constant 0 : i32
          %dma_wait3A_52 = tpu.memref_slice %arg6[%dma_wait3A, %dma_wait3A_51] : memref<10000x128xf32, #tpu.memory_space<hbm>> -> memref<16x128xf32, #tpu.memory_space<hbm>>
          %dma_wait3A_53 = arith.constant 4864 : i32
          %dma_wait3A_54 = arith.constant 0 : i32
          %dma_wait3A_55 = tpu.memref_slice %arg11[%dma_wait3A_53, %dma_wait3A_54] : memref<5376x128xf32, #tpu.memory_space<vmem_shared>> -> memref<16x128xf32, #tpu.memory_space<vmem_shared>>
          tpu.wait_dma2 semaphore(%run_scoped3A : memref<!tpu.dma_semaphore, #tpu.memory_space<semaphore_mem>>) src(%dma_wait3A_55 : memref<16x128xf32, #tpu.memory_space<vmem_shared>>) dst(%dma_wait3A_52 : memref<16x128xf32, #tpu.memory_space<hbm>>)
          tpu.yield
        }) : () -> ()
      } else {
      }
    } else {
    }
    return
  }
}

#map = affine_map<(d0, d1) -> (0, 0)>
#map1 = affine_map<(d0, d1) -> (0, 0, 0)>
module attributes {stable_mosaic.version = 14 : i64} {
  func.func @seg(%arg0: i32, %arg1: i32, %arg2: memref<20000x128xf32, #tpu.memory_space<hbm>>, %arg3: memref<16x160x128xi32, #tpu.memory_space<hbm>>, %arg4: memref<16x160x128xi32, #tpu.memory_space<hbm>>, %arg5: memref<16x160x128xi32, #tpu.memory_space<hbm>>, %arg6: memref<10000x128xf32, #tpu.memory_space<hbm>>, %arg7: memref<160x128xi32, #tpu.memory_space<vmem>>, %arg8: memref<160x128xi32, #tpu.memory_space<vmem>>, %arg9: memref<128x128xf32, #tpu.memory_space<vmem>>, %arg10: memref<128x128xf32, #tpu.memory_space<vmem>>, %arg11: memref<5376x128xf32, #tpu.memory_space<vmem_shared>>, %arg12: memref<!tpu.dma_semaphore, #tpu.memory_space<semaphore_mem>>, %arg13: memref<!tpu.dma_semaphore, #tpu.memory_space<semaphore_mem>>) attributes {dimension_semantics = [#tpu.dimension_semantics<core_parallel>, #tpu.dimension_semantics<subcore_parallel>], iteration_bounds = array<i64: 2, 16>, scalar_prefetch = 0 : i64, scratch_operands = 7 : i64, tpu.core_type = #tpu.core_type<sc_vector_subcore>, window_params = [{transform_indices = #map}, {transform_indices = #map1}, {transform_indices = #map1}, {transform_indices = #map1}, {transform_indices = #map}]} {
    "tpu.region"() ({
      %run_scoped3A = tpu.sem_alloc : memref<!tpu.dma_semaphore, #tpu.memory_space<semaphore_mem>>
      %dma_start3A = arith.constant 0 : i32
      %dma_start3A_35 = arith.constant 0 : i32
      %dma_start3A_36 = tpu.memref_slice %arg3[%arg1, %dma_start3A, %dma_start3A_35] : memref<16x160x128xi32, #tpu.memory_space<hbm>> -> memref<1x160x128xi32, #tpu.memory_space<hbm>>
      %dma_start3A_37 = tpu.memref_squeeze %dma_start3A_36 : memref<1x160x128xi32, #tpu.memory_space<hbm>> -> memref<160x128xi32, #tpu.memory_space<hbm>>
      %dma_start3A_38 = arith.constant 0 : i32
      %dma_start3A_39 = arith.constant 0 : i32
      %dma_start3A_40 = tpu.memref_slice %arg3[%arg1, %dma_start3A_38, %dma_start3A_39] : memref<16x160x128xi32, #tpu.memory_space<hbm>> -> memref<1x160x128xi32, #tpu.memory_space<hbm>>
      %dma_start3A_41 = tpu.memref_squeeze %dma_start3A_40 : memref<1x160x128xi32, #tpu.memory_space<hbm>> -> memref<160x128xi32, #tpu.memory_space<hbm>>
      tpu.enqueue_dma source(%dma_start3A_41 : memref<160x128xi32, #tpu.memory_space<hbm>>) target(%arg7 : memref<160x128xi32, #tpu.memory_space<vmem>>) target_semaphore(%run_scoped3A : memref<!tpu.dma_semaphore, #tpu.memory_space<semaphore_mem>>)
      %dma_wait3A = arith.constant 0 : i32
      %dma_wait3A_42 = arith.constant 0 : i32
      %dma_wait3A_43 = tpu.memref_slice %arg3[%arg1, %dma_wait3A, %dma_wait3A_42] : memref<16x160x128xi32, #tpu.memory_space<hbm>> -> memref<1x160x128xi32, #tpu.memory_space<hbm>>
      %dma_wait3A_44 = tpu.memref_squeeze %dma_wait3A_43 : memref<1x160x128xi32, #tpu.memory_space<hbm>> -> memref<160x128xi32, #tpu.memory_space<hbm>>
      %dma_wait3A_45 = arith.constant 0 : i32
      %dma_wait3A_46 = arith.constant 0 : i32
      %dma_wait3A_47 = tpu.memref_slice %arg3[%arg1, %dma_wait3A_45, %dma_wait3A_46] : memref<16x160x128xi32, #tpu.memory_space<hbm>> -> memref<1x160x128xi32, #tpu.memory_space<hbm>>
      %dma_wait3A_48 = tpu.memref_squeeze %dma_wait3A_47 : memref<1x160x128xi32, #tpu.memory_space<hbm>> -> memref<160x128xi32, #tpu.memory_space<hbm>>
      tpu.wait_dma2 semaphore(%run_scoped3A : memref<!tpu.dma_semaphore, #tpu.memory_space<semaphore_mem>>) src(%dma_wait3A_48 : memref<160x128xi32, #tpu.memory_space<hbm>>) dst(%arg7 : memref<160x128xi32, #tpu.memory_space<vmem>>)
      tpu.yield
    }) : () -> ()
    %eq3A = arith.constant 0 : i32
    %eq3A_0 = arith.cmpi eq, %arg0, %eq3A : i32
    %convert_element_type3A = arith.extui %eq3A_0 : i1 to i32
    %cond3A = arith.constant 0 : i32
    %cond3A_1 = arith.cmpi ne, %convert_element_type3A, %cond3A : i32
    scf.if %cond3A_1 {
      "tpu.region"() ({
        %run_scoped3A = tpu.sem_alloc : memref<!tpu.dma_semaphore, #tpu.memory_space<semaphore_mem>>
        %dma_start3A = arith.constant 0 : i32
        %dma_start3A_35 = arith.constant 0 : i32
        %dma_start3A_36 = tpu.memref_slice %arg4[%arg1, %dma_start3A, %dma_start3A_35] : memref<16x160x128xi32, #tpu.memory_space<hbm>> -> memref<1x160x128xi32, #tpu.memory_space<hbm>>
        %dma_start3A_37 = tpu.memref_squeeze %dma_start3A_36 : memref<1x160x128xi32, #tpu.memory_space<hbm>> -> memref<160x128xi32, #tpu.memory_space<hbm>>
        %dma_start3A_38 = arith.constant 0 : i32
        %dma_start3A_39 = arith.constant 0 : i32
        %dma_start3A_40 = tpu.memref_slice %arg4[%arg1, %dma_start3A_38, %dma_start3A_39] : memref<16x160x128xi32, #tpu.memory_space<hbm>> -> memref<1x160x128xi32, #tpu.memory_space<hbm>>
        %dma_start3A_41 = tpu.memref_squeeze %dma_start3A_40 : memref<1x160x128xi32, #tpu.memory_space<hbm>> -> memref<160x128xi32, #tpu.memory_space<hbm>>
        tpu.enqueue_dma source(%dma_start3A_41 : memref<160x128xi32, #tpu.memory_space<hbm>>) target(%arg8 : memref<160x128xi32, #tpu.memory_space<vmem>>) target_semaphore(%run_scoped3A : memref<!tpu.dma_semaphore, #tpu.memory_space<semaphore_mem>>)
        %dma_wait3A = arith.constant 0 : i32
        %dma_wait3A_42 = arith.constant 0 : i32
        %dma_wait3A_43 = tpu.memref_slice %arg4[%arg1, %dma_wait3A, %dma_wait3A_42] : memref<16x160x128xi32, #tpu.memory_space<hbm>> -> memref<1x160x128xi32, #tpu.memory_space<hbm>>
        %dma_wait3A_44 = tpu.memref_squeeze %dma_wait3A_43 : memref<1x160x128xi32, #tpu.memory_space<hbm>> -> memref<160x128xi32, #tpu.memory_space<hbm>>
        %dma_wait3A_45 = arith.constant 0 : i32
        %dma_wait3A_46 = arith.constant 0 : i32
        %dma_wait3A_47 = tpu.memref_slice %arg4[%arg1, %dma_wait3A_45, %dma_wait3A_46] : memref<16x160x128xi32, #tpu.memory_space<hbm>> -> memref<1x160x128xi32, #tpu.memory_space<hbm>>
        %dma_wait3A_48 = tpu.memref_squeeze %dma_wait3A_47 : memref<1x160x128xi32, #tpu.memory_space<hbm>> -> memref<160x128xi32, #tpu.memory_space<hbm>>
        tpu.wait_dma2 semaphore(%run_scoped3A : memref<!tpu.dma_semaphore, #tpu.memory_space<semaphore_mem>>) src(%dma_wait3A_48 : memref<160x128xi32, #tpu.memory_space<hbm>>) dst(%arg8 : memref<160x128xi32, #tpu.memory_space<vmem>>)
        tpu.yield
      }) : () -> ()
    } else {
    }
    %eq3A_2 = arith.constant 1 : i32
    %eq3A_3 = arith.cmpi eq, %arg0, %eq3A_2 : i32
    %convert_element_type3A_4 = arith.extui %eq3A_3 : i1 to i32
    %cond3A_5 = arith.constant 0 : i32
    %cond3A_6 = arith.cmpi ne, %convert_element_type3A_4, %cond3A_5 : i32
    scf.if %cond3A_6 {
      "tpu.region"() ({
        %run_scoped3A = tpu.sem_alloc : memref<!tpu.dma_semaphore, #tpu.memory_space<semaphore_mem>>
        %dma_start3A = arith.constant 0 : i32
        %dma_start3A_35 = arith.constant 0 : i32
        %dma_start3A_36 = tpu.memref_slice %arg5[%arg1, %dma_start3A, %dma_start3A_35] : memref<16x160x128xi32, #tpu.memory_space<hbm>> -> memref<1x160x128xi32, #tpu.memory_space<hbm>>
        %dma_start3A_37 = tpu.memref_squeeze %dma_start3A_36 : memref<1x160x128xi32, #tpu.memory_space<hbm>> -> memref<160x128xi32, #tpu.memory_space<hbm>>
        %dma_start3A_38 = arith.constant 0 : i32
        %dma_start3A_39 = arith.constant 0 : i32
        %dma_start3A_40 = tpu.memref_slice %arg5[%arg1, %dma_start3A_38, %dma_start3A_39] : memref<16x160x128xi32, #tpu.memory_space<hbm>> -> memref<1x160x128xi32, #tpu.memory_space<hbm>>
        %dma_start3A_41 = tpu.memref_squeeze %dma_start3A_40 : memref<1x160x128xi32, #tpu.memory_space<hbm>> -> memref<160x128xi32, #tpu.memory_space<hbm>>
        tpu.enqueue_dma source(%dma_start3A_41 : memref<160x128xi32, #tpu.memory_space<hbm>>) target(%arg8 : memref<160x128xi32, #tpu.memory_space<vmem>>) target_semaphore(%run_scoped3A : memref<!tpu.dma_semaphore, #tpu.memory_space<semaphore_mem>>)
        %dma_wait3A = arith.constant 0 : i32
        %dma_wait3A_42 = arith.constant 0 : i32
        %dma_wait3A_43 = tpu.memref_slice %arg5[%arg1, %dma_wait3A, %dma_wait3A_42] : memref<16x160x128xi32, #tpu.memory_space<hbm>> -> memref<1x160x128xi32, #tpu.memory_space<hbm>>
        %dma_wait3A_44 = tpu.memref_squeeze %dma_wait3A_43 : memref<1x160x128xi32, #tpu.memory_space<hbm>> -> memref<160x128xi32, #tpu.memory_space<hbm>>
        %dma_wait3A_45 = arith.constant 0 : i32
        %dma_wait3A_46 = arith.constant 0 : i32
        %dma_wait3A_47 = tpu.memref_slice %arg5[%arg1, %dma_wait3A_45, %dma_wait3A_46] : memref<16x160x128xi32, #tpu.memory_space<hbm>> -> memref<1x160x128xi32, #tpu.memory_space<hbm>>
        %dma_wait3A_48 = tpu.memref_squeeze %dma_wait3A_47 : memref<1x160x128xi32, #tpu.memory_space<hbm>> -> memref<160x128xi32, #tpu.memory_space<hbm>>
        tpu.wait_dma2 semaphore(%run_scoped3A : memref<!tpu.dma_semaphore, #tpu.memory_space<semaphore_mem>>) src(%dma_wait3A_48 : memref<160x128xi32, #tpu.memory_space<hbm>>) dst(%arg8 : memref<160x128xi32, #tpu.memory_space<vmem>>)
        tpu.yield
      }) : () -> ()
    } else {
    }
    %broadcast_in_dim3A = arith.constant 0.000000e+00 : f32
    %broadcast_in_dim3A_7 = vector.broadcast %broadcast_in_dim3A : f32 to vector<16xf32>
    %scan3A = arith.constant 0 : i32
    %scan3A_8 = arith.constant 128 : i32
    %scan3A_9 = arith.addi %scan3A, %scan3A_8 : i32
    %scan3A_10 = arith.constant 1 : i32
    scf.for %scan3A_35 = %scan3A to %scan3A_9 step %scan3A_10  : i32 {
      %mul3A_36 = arith.constant 1 : i32
      %mul3A_37 = arith.muli %scan3A_35, %mul3A_36 : i32
      %add3A_38 = arith.constant 0 : i32
      %add3A_39 = arith.addi %add3A_38, %mul3A_37 : i32
      %scan3A_40 = arith.constant 0 : i32
      %scan3A_41 = arith.constant 8 : i32
      %scan3A_42 = arith.addi %scan3A_40, %scan3A_41 : i32
      %scan3A_43 = arith.constant 1 : i32
      scf.for %scan3A_45 = %scan3A_40 to %scan3A_42 step %scan3A_43  : i32 {
        %mul3A_46 = arith.constant 1 : i32
        %mul3A_47 = arith.muli %scan3A_45, %mul3A_46 : i32
        %add3A_48 = arith.constant 0 : i32
        %add3A_49 = arith.addi %add3A_48, %mul3A_47 : i32
        %mul3A_50 = arith.constant 16 : i32
        %mul3A_51 = arith.muli %add3A_49, %mul3A_50 : i32
        %swap3A = arith.index_cast %add3A_39 : i32 to index
        %swap3A_52 = arith.index_cast %mul3A_51 : i32 to index
        %swap3A_53 = tpu.vector_load %arg9[%swap3A, %swap3A_52] {strides = array<i32>} : memref<128x128xf32, #tpu.memory_space<vmem>>, vector<1x16xf32>,
        %swap3A_54 = vector.shape_cast %swap3A_53 : vector<1x16xf32> to vector<16xf32>
        %swap3A_55 = vector.shape_cast %broadcast_in_dim3A_7 : vector<16xf32> to vector<1x16xf32>
        tpu.vector_store %arg9[%swap3A, %swap3A_52], %swap3A_55 {strides = array<i32>} : memref<128x128xf32, #tpu.memory_space<vmem>>, vector<1x16xf32>,
      }
      %scan3A_44 = arith.constant 8 : i32
    }
    %scan3A_11 = arith.constant 128 : i32
    %mul3A = arith.constant 336 : i32
    %mul3A_12 = arith.muli %arg1, %mul3A : i32
    %scan3A_13 = arith.constant 0 : i32
    %scan3A_14 = arith.constant 2 : i32
    %scan3A_15 = arith.addi %scan3A_13, %scan3A_14 : i32
    %scan3A_16 = arith.constant 1 : i32
    scf.for %scan3A_35 = %scan3A_13 to %scan3A_15 step %scan3A_16  : i32 {
      %mul3A_36 = arith.constant 1 : i32
      %mul3A_37 = arith.muli %scan3A_35, %mul3A_36 : i32
      %add3A_38 = arith.constant 0 : i32
      %add3A_39 = arith.addi %add3A_38, %mul3A_37 : i32
      %mul3A_40 = arith.constant 128 : i32
      %mul3A_41 = arith.muli %add3A_39, %mul3A_40 : i32
      %add3A_42 = arith.addi %mul3A_12, %mul3A_41 : i32
      "tpu.region"() ({
        %run_scoped3A = tpu.sem_alloc : memref<!tpu.dma_semaphore, #tpu.memory_space<semaphore_mem>>
        %dma_start3A = arith.constant 0 : i32
        %dma_start3A_43 = tpu.memref_slice %arg11[%add3A_42, %dma_start3A] : memref<5376x128xf32, #tpu.memory_space<vmem_shared>> -> memref<128x128xf32, #tpu.memory_space<vmem_shared>>
        %dma_start3A_44 = arith.constant 0 : i32
        %dma_start3A_45 = tpu.memref_slice %arg11[%add3A_42, %dma_start3A_44] : memref<5376x128xf32, #tpu.memory_space<vmem_shared>> -> memref<128x128xf32, #tpu.memory_space<vmem_shared>>
        tpu.enqueue_dma source(%arg9 : memref<128x128xf32, #tpu.memory_space<vmem>>) target(%dma_start3A_45 : memref<128x128xf32, #tpu.memory_space<vmem_shared>>) target_semaphore(%run_scoped3A : memref<!tpu.dma_semaphore, #tpu.memory_space<semaphore_mem>>)
        %dma_wait3A = arith.constant 0 : i32
        %dma_wait3A_46 = tpu.memref_slice %arg11[%add3A_42, %dma_wait3A] : memref<5376x128xf32, #tpu.memory_space<vmem_shared>> -> memref<128x128xf32, #tpu.memory_space<vmem_shared>>
        %dma_wait3A_47 = arith.constant 0 : i32
        %dma_wait3A_48 = tpu.memref_slice %arg11[%add3A_42, %dma_wait3A_47] : memref<5376x128xf32, #tpu.memory_space<vmem_shared>> -> memref<128x128xf32, #tpu.memory_space<vmem_shared>>
        tpu.wait_dma2 semaphore(%run_scoped3A : memref<!tpu.dma_semaphore, #tpu.memory_space<semaphore_mem>>) src(%arg9 : memref<128x128xf32, #tpu.memory_space<vmem>>) dst(%dma_wait3A_48 : memref<128x128xf32, #tpu.memory_space<vmem_shared>>)
        tpu.yield
      }) : () -> ()
    }
    %scan3A_17 = arith.constant 2 : i32
    %add3A = arith.constant 256 : i32
    %add3A_18 = arith.addi %mul3A_12, %add3A : i32
    "tpu.region"() ({
      %run_scoped3A = tpu.sem_alloc : memref<!tpu.dma_semaphore, #tpu.memory_space<semaphore_mem>>
      %dma_start3A = arith.constant 0 : i32
      %dma_start3A_35 = arith.constant 0 : i32
      %dma_start3A_36 = tpu.memref_slice %arg9[%dma_start3A, %dma_start3A_35] : memref<128x128xf32, #tpu.memory_space<vmem>> -> memref<80x128xf32, #tpu.memory_space<vmem>>
      %dma_start3A_37 = arith.constant 0 : i32
      %dma_start3A_38 = tpu.memref_slice %arg11[%add3A_18, %dma_start3A_37] : memref<5376x128xf32, #tpu.memory_space<vmem_shared>> -> memref<80x128xf32, #tpu.memory_space<vmem_shared>>
      %dma_start3A_39 = arith.constant 0 : i32
      %dma_start3A_40 = tpu.memref_slice %arg11[%add3A_18, %dma_start3A_39] : memref<5376x128xf32, #tpu.memory_space<vmem_shared>> -> memref<80x128xf32, #tpu.memory_space<vmem_shared>>
      %dma_start3A_41 = arith.constant 0 : i32
      %dma_start3A_42 = arith.constant 0 : i32
      %dma_start3A_43 = tpu.memref_slice %arg9[%dma_start3A_41, %dma_start3A_42] : memref<128x128xf32, #tpu.memory_space<vmem>> -> memref<80x128xf32, #tpu.memory_space<vmem>>
      tpu.enqueue_dma source(%dma_start3A_43 : memref<80x128xf32, #tpu.memory_space<vmem>>) target(%dma_start3A_40 : memref<80x128xf32, #tpu.memory_space<vmem_shared>>) target_semaphore(%run_scoped3A : memref<!tpu.dma_semaphore, #tpu.memory_space<semaphore_mem>>)
      %dma_wait3A = arith.constant 0 : i32
      %dma_wait3A_44 = arith.constant 0 : i32
      %dma_wait3A_45 = tpu.memref_slice %arg9[%dma_wait3A, %dma_wait3A_44] : memref<128x128xf32, #tpu.memory_space<vmem>> -> memref<80x128xf32, #tpu.memory_space<vmem>>
      %dma_wait3A_46 = arith.constant 0 : i32
      %dma_wait3A_47 = tpu.memref_slice %arg11[%add3A_18, %dma_wait3A_46] : memref<5376x128xf32, #tpu.memory_space<vmem_shared>> -> memref<80x128xf32, #tpu.memory_space<vmem_shared>>
      %dma_wait3A_48 = arith.constant 0 : i32
      %dma_wait3A_49 = tpu.memref_slice %arg11[%add3A_18, %dma_wait3A_48] : memref<5376x128xf32, #tpu.memory_space<vmem_shared>> -> memref<80x128xf32, #tpu.memory_space<vmem_shared>>
      %dma_wait3A_50 = arith.constant 0 : i32
      %dma_wait3A_51 = arith.constant 0 : i32
      %dma_wait3A_52 = tpu.memref_slice %arg9[%dma_wait3A_50, %dma_wait3A_51] : memref<128x128xf32, #tpu.memory_space<vmem>> -> memref<80x128xf32, #tpu.memory_space<vmem>>
      tpu.wait_dma2 semaphore(%run_scoped3A : memref<!tpu.dma_semaphore, #tpu.memory_space<semaphore_mem>>) src(%dma_wait3A_52 : memref<80x128xf32, #tpu.memory_space<vmem>>) dst(%dma_wait3A_49 : memref<80x128xf32, #tpu.memory_space<vmem_shared>>)
      tpu.yield
    }) : () -> ()
    %barrier3A = arith.constant 0 : index
    tpu.barrier barrier_id(%barrier3A)
    %scan3A_19 = arith.constant 0 : i32
    %scan3A_20 = arith.constant 80 : i32
    %scan3A_21 = arith.addi %scan3A_19, %scan3A_20 : i32
    %scan3A_22 = arith.constant 1 : i32
    scf.for %scan3A_35 = %scan3A_19 to %scan3A_21 step %scan3A_22  : i32 {
      %mul3A_36 = arith.constant 2 : i32
      %mul3A_37 = arith.muli %scan3A_35, %mul3A_36 : i32
      %add3A_38 = arith.constant 0 : i32
      %add3A_39 = arith.addi %add3A_38, %mul3A_37 : i32
      %dma_start3A = arith.constant 0 : i32
      %dma_start3A_40 = tpu.memref_slice %arg7[%add3A_39, %dma_start3A] : memref<160x128xi32, #tpu.memory_space<vmem>> -> memref<1x128xi32, #tpu.memory_space<vmem>>
      %dma_start3A_41 = tpu.memref_squeeze %dma_start3A_40 : memref<1x128xi32, #tpu.memory_space<vmem>> -> memref<128xi32, #tpu.memory_space<vmem>>
      %dma_start3A_42 = arith.constant 0 : i32
      %dma_start3A_43 = arith.constant 0 : i32
      %dma_start3A_44 = tpu.memref_slice %arg2[%dma_start3A_42, %dma_start3A_43] : memref<20000x128xf32, #tpu.memory_space<hbm>> -> memref<20000x128xf32, #tpu.memory_space<hbm>>
      tpu.enqueue_indirect_dma source(%dma_start3A_44 : memref<20000x128xf32, #tpu.memory_space<hbm>>) target(%arg9 : memref<128x128xf32, #tpu.memory_space<vmem>>) offsets(%dma_start3A_41 : memref<128xi32, #tpu.memory_space<vmem>>) semaphore(%arg12 : memref<!tpu.dma_semaphore, #tpu.memory_space<semaphore_mem>>)
      %add3A_45 = arith.constant 1 : i32
      %add3A_46 = arith.addi %add3A_39, %add3A_45 : i32
      %dma_start3A_47 = arith.constant 0 : i32
      %dma_start3A_48 = tpu.memref_slice %arg7[%add3A_46, %dma_start3A_47] : memref<160x128xi32, #tpu.memory_space<vmem>> -> memref<1x128xi32, #tpu.memory_space<vmem>>
      %dma_start3A_49 = tpu.memref_squeeze %dma_start3A_48 : memref<1x128xi32, #tpu.memory_space<vmem>> -> memref<128xi32, #tpu.memory_space<vmem>>
      %dma_start3A_50 = arith.constant 0 : i32
      %dma_start3A_51 = arith.constant 0 : i32
      %dma_start3A_52 = tpu.memref_slice %arg2[%dma_start3A_50, %dma_start3A_51] : memref<20000x128xf32, #tpu.memory_space<hbm>> -> memref<20000x128xf32, #tpu.memory_space<hbm>>
      tpu.enqueue_indirect_dma source(%dma_start3A_52 : memref<20000x128xf32, #tpu.memory_space<hbm>>) target(%arg10 : memref<128x128xf32, #tpu.memory_space<vmem>>) offsets(%dma_start3A_49 : memref<128xi32, #tpu.memory_space<vmem>>) semaphore(%arg13 : memref<!tpu.dma_semaphore, #tpu.memory_space<semaphore_mem>>)
      %dma_wait3A = arith.constant 0 : i32
      %dma_wait3A_53 = tpu.memref_slice %arg7[%add3A_39, %dma_wait3A] : memref<160x128xi32, #tpu.memory_space<vmem>> -> memref<1x128xi32, #tpu.memory_space<vmem>>
      %dma_wait3A_54 = tpu.memref_squeeze %dma_wait3A_53 : memref<1x128xi32, #tpu.memory_space<vmem>> -> memref<128xi32, #tpu.memory_space<vmem>>
      %dma_wait3A_55 = arith.constant 0 : i32
      %dma_wait3A_56 = arith.constant 0 : i32
      %dma_wait3A_57 = tpu.memref_slice %arg2[%dma_wait3A_55, %dma_wait3A_56] : memref<20000x128xf32, #tpu.memory_space<hbm>> -> memref<20000x128xf32, #tpu.memory_space<hbm>>
      tpu.wait_indirect_dma semaphore(%arg12 : memref<!tpu.dma_semaphore, #tpu.memory_space<semaphore_mem>>) src(%dma_wait3A_57 : memref<20000x128xf32, #tpu.memory_space<hbm>>) dst(%arg9 : memref<128x128xf32, #tpu.memory_space<vmem>>)
      "tpu.region"() ({
        %run_scoped3A = tpu.sem_alloc : memref<!tpu.dma_semaphore, #tpu.memory_space<semaphore_mem>>
        %dma_start3A_66 = arith.constant 0 : i32
        %dma_start3A_67 = tpu.memref_slice %arg8[%add3A_39, %dma_start3A_66] : memref<160x128xi32, #tpu.memory_space<vmem>> -> memref<1x128xi32, #tpu.memory_space<vmem>>
        %dma_start3A_68 = tpu.memref_squeeze %dma_start3A_67 : memref<1x128xi32, #tpu.memory_space<vmem>> -> memref<128xi32, #tpu.memory_space<vmem>>
        %dma_start3A_69 = arith.constant 0 : i32
        %dma_start3A_70 = arith.constant 0 : i32
        %dma_start3A_71 = tpu.memref_slice %arg11[%dma_start3A_69, %dma_start3A_70] : memref<5376x128xf32, #tpu.memory_space<vmem_shared>> -> memref<5376x128xf32, #tpu.memory_space<vmem_shared>>
        tpu.enqueue_indirect_dma source(%arg9 : memref<128x128xf32, #tpu.memory_space<vmem>>) target(%dma_start3A_71 : memref<5376x128xf32, #tpu.memory_space<vmem_shared>>) offsets(%dma_start3A_68 : memref<128xi32, #tpu.memory_space<vmem>>) semaphore(%run_scoped3A : memref<!tpu.dma_semaphore, #tpu.memory_space<semaphore_mem>>) {add = true}
        %dma_wait3A_72 = arith.constant 0 : i32
        %dma_wait3A_73 = tpu.memref_slice %arg8[%add3A_39, %dma_wait3A_72] : memref<160x128xi32, #tpu.memory_space<vmem>> -> memref<1x128xi32, #tpu.memory_space<vmem>>
        %dma_wait3A_74 = tpu.memref_squeeze %dma_wait3A_73 : memref<1x128xi32, #tpu.memory_space<vmem>> -> memref<128xi32, #tpu.memory_space<vmem>>
        %dma_wait3A_75 = arith.constant 0 : i32
        %dma_wait3A_76 = arith.constant 0 : i32
        %dma_wait3A_77 = tpu.memref_slice %arg11[%dma_wait3A_75, %dma_wait3A_76] : memref<5376x128xf32, #tpu.memory_space<vmem_shared>> -> memref<5376x128xf32, #tpu.memory_space<vmem_shared>>
        tpu.wait_indirect_dma semaphore(%run_scoped3A : memref<!tpu.dma_semaphore, #tpu.memory_space<semaphore_mem>>) src(%arg9 : memref<128x128xf32, #tpu.memory_space<vmem>>) dst(%dma_wait3A_77 : memref<5376x128xf32, #tpu.memory_space<vmem_shared>>)
        tpu.yield
      }) : () -> ()
      %dma_wait3A_58 = arith.constant 0 : i32
      %dma_wait3A_59 = tpu.memref_slice %arg7[%add3A_46, %dma_wait3A_58] : memref<160x128xi32, #tpu.memory_space<vmem>> -> memref<1x128xi32, #tpu.memory_space<vmem>>
      %dma_wait3A_60 = tpu.memref_squeeze %dma_wait3A_59 : memref<1x128xi32, #tpu.memory_space<vmem>> -> memref<128xi32, #tpu.memory_space<vmem>>
      %dma_wait3A_61 = arith.constant 0 : i32
      %dma_wait3A_62 = arith.constant 0 : i32
      %dma_wait3A_63 = tpu.memref_slice %arg2[%dma_wait3A_61, %dma_wait3A_62] : memref<20000x128xf32, #tpu.memory_space<hbm>> -> memref<20000x128xf32, #tpu.memory_space<hbm>>
      tpu.wait_indirect_dma semaphore(%arg13 : memref<!tpu.dma_semaphore, #tpu.memory_space<semaphore_mem>>) src(%dma_wait3A_63 : memref<20000x128xf32, #tpu.memory_space<hbm>>) dst(%arg10 : memref<128x128xf32, #tpu.memory_space<vmem>>)
      %add3A_64 = arith.constant 1 : i32
      %add3A_65 = arith.addi %add3A_39, %add3A_64 : i32
      "tpu.region"() ({
        %run_scoped3A = tpu.sem_alloc : memref<!tpu.dma_semaphore, #tpu.memory_space<semaphore_mem>>
        %dma_start3A_66 = arith.constant 0 : i32
        %dma_start3A_67 = tpu.memref_slice %arg8[%add3A_65, %dma_start3A_66] : memref<160x128xi32, #tpu.memory_space<vmem>> -> memref<1x128xi32, #tpu.memory_space<vmem>>
        %dma_start3A_68 = tpu.memref_squeeze %dma_start3A_67 : memref<1x128xi32, #tpu.memory_space<vmem>> -> memref<128xi32, #tpu.memory_space<vmem>>
        %dma_start3A_69 = arith.constant 0 : i32
        %dma_start3A_70 = arith.constant 0 : i32
        %dma_start3A_71 = tpu.memref_slice %arg11[%dma_start3A_69, %dma_start3A_70] : memref<5376x128xf32, #tpu.memory_space<vmem_shared>> -> memref<5376x128xf32, #tpu.memory_space<vmem_shared>>
        tpu.enqueue_indirect_dma source(%arg10 : memref<128x128xf32, #tpu.memory_space<vmem>>) target(%dma_start3A_71 : memref<5376x128xf32, #tpu.memory_space<vmem_shared>>) offsets(%dma_start3A_68 : memref<128xi32, #tpu.memory_space<vmem>>) semaphore(%run_scoped3A : memref<!tpu.dma_semaphore, #tpu.memory_space<semaphore_mem>>) {add = true}
        %dma_wait3A_72 = arith.constant 0 : i32
        %dma_wait3A_73 = tpu.memref_slice %arg8[%add3A_65, %dma_wait3A_72] : memref<160x128xi32, #tpu.memory_space<vmem>> -> memref<1x128xi32, #tpu.memory_space<vmem>>
        %dma_wait3A_74 = tpu.memref_squeeze %dma_wait3A_73 : memref<1x128xi32, #tpu.memory_space<vmem>> -> memref<128xi32, #tpu.memory_space<vmem>>
        %dma_wait3A_75 = arith.constant 0 : i32
        %dma_wait3A_76 = arith.constant 0 : i32
        %dma_wait3A_77 = tpu.memref_slice %arg11[%dma_wait3A_75, %dma_wait3A_76] : memref<5376x128xf32, #tpu.memory_space<vmem_shared>> -> memref<5376x128xf32, #tpu.memory_space<vmem_shared>>
        tpu.wait_indirect_dma semaphore(%run_scoped3A : memref<!tpu.dma_semaphore, #tpu.memory_space<semaphore_mem>>) src(%arg10 : memref<128x128xf32, #tpu.memory_space<vmem>>) dst(%dma_wait3A_77 : memref<5376x128xf32, #tpu.memory_space<vmem_shared>>)
        tpu.yield
      }) : () -> ()
    }
    %scan3A_23 = arith.constant 80 : i32
    %barrier3A_24 = arith.constant 0 : index
    tpu.barrier barrier_id(%barrier3A_24)
    %eq3A_25 = arith.constant 0 : i32
    %eq3A_26 = arith.cmpi eq, %arg0, %eq3A_25 : i32
    %convert_element_type3A_27 = arith.extui %eq3A_26 : i1 to i32
    %cond3A_28 = arith.constant 0 : i32
    %cond3A_29 = arith.cmpi ne, %convert_element_type3A_27, %cond3A_28 : i32
    scf.if %cond3A_29 {
      %mul3A_35 = arith.constant 320 : i32
      %mul3A_36 = arith.muli %arg1, %mul3A_35 : i32
      %mul3A_37 = arith.constant 320 : i32
      %mul3A_38 = arith.muli %arg1, %mul3A_37 : i32
      "tpu.region"() ({
        %run_scoped3A = tpu.sem_alloc : memref<!tpu.dma_semaphore, #tpu.memory_space<semaphore_mem>>
        %dma_start3A = arith.constant 0 : i32
        %dma_start3A_39 = tpu.memref_slice %arg6[%mul3A_38, %dma_start3A] : memref<10000x128xf32, #tpu.memory_space<hbm>> -> memref<320x128xf32, #tpu.memory_space<hbm>>
        %dma_start3A_40 = arith.constant 0 : i32
        %dma_start3A_41 = tpu.memref_slice %arg11[%mul3A_36, %dma_start3A_40] : memref<5376x128xf32, #tpu.memory_space<vmem_shared>> -> memref<320x128xf32, #tpu.memory_space<vmem_shared>>
        tpu.enqueue_dma source(%dma_start3A_41 : memref<320x128xf32, #tpu.memory_space<vmem_shared>>) target(%dma_start3A_39 : memref<320x128xf32, #tpu.memory_space<hbm>>) target_semaphore(%run_scoped3A : memref<!tpu.dma_semaphore, #tpu.memory_space<semaphore_mem>>)
        %dma_wait3A = arith.constant 0 : i32
        %dma_wait3A_42 = tpu.memref_slice %arg6[%mul3A_38, %dma_wait3A] : memref<10000x128xf32, #tpu.memory_space<hbm>> -> memref<320x128xf32, #tpu.memory_space<hbm>>
        %dma_wait3A_43 = arith.constant 0 : i32
        %dma_wait3A_44 = tpu.memref_slice %arg11[%mul3A_36, %dma_wait3A_43] : memref<5376x128xf32, #tpu.memory_space<vmem_shared>> -> memref<320x128xf32, #tpu.memory_space<vmem_shared>>
        tpu.wait_dma2 semaphore(%run_scoped3A : memref<!tpu.dma_semaphore, #tpu.memory_space<semaphore_mem>>) src(%dma_wait3A_44 : memref<320x128xf32, #tpu.memory_space<vmem_shared>>) dst(%dma_wait3A_42 : memref<320x128xf32, #tpu.memory_space<hbm>>)
        tpu.yield
      }) : () -> ()
    } else {
    }
    %eq3A_30 = arith.constant 1 : i32
    %eq3A_31 = arith.cmpi eq, %arg0, %eq3A_30 : i32
    %convert_element_type3A_32 = arith.extui %eq3A_31 : i1 to i32
    %cond3A_33 = arith.constant 0 : i32
    %cond3A_34 = arith.cmpi ne, %convert_element_type3A_32, %cond3A_33 : i32
    scf.if %cond3A_34 {
      %mul3A_35 = arith.constant 304 : i32
      %mul3A_36 = arith.muli %arg1, %mul3A_35 : i32
      %mul3A_37 = arith.constant 304 : i32
      %mul3A_38 = arith.muli %arg1, %mul3A_37 : i32
      %add3A_39 = arith.constant 5120 : i32
      %add3A_40 = arith.addi %add3A_39, %mul3A_38 : i32
      "tpu.region"() ({
        %run_scoped3A = tpu.sem_alloc : memref<!tpu.dma_semaphore, #tpu.memory_space<semaphore_mem>>
        %dma_start3A = arith.constant 0 : i32
        %dma_start3A_46 = tpu.memref_slice %arg6[%add3A_40, %dma_start3A] : memref<10000x128xf32, #tpu.memory_space<hbm>> -> memref<304x128xf32, #tpu.memory_space<hbm>>
        %dma_start3A_47 = arith.constant 0 : i32
        %dma_start3A_48 = tpu.memref_slice %arg11[%mul3A_36, %dma_start3A_47] : memref<5376x128xf32, #tpu.memory_space<vmem_shared>> -> memref<304x128xf32, #tpu.memory_space<vmem_shared>>
        tpu.enqueue_dma source(%dma_start3A_48 : memref<304x128xf32, #tpu.memory_space<vmem_shared>>) target(%dma_start3A_46 : memref<304x128xf32, #tpu.memory_space<hbm>>) target_semaphore(%run_scoped3A : memref<!tpu.dma_semaphore, #tpu.memory_space<semaphore_mem>>)
        %dma_wait3A = arith.constant 0 : i32
        %dma_wait3A_49 = tpu.memref_slice %arg6[%add3A_40, %dma_wait3A] : memref<10000x128xf32, #tpu.memory_space<hbm>> -> memref<304x128xf32, #tpu.memory_space<hbm>>
        %dma_wait3A_50 = arith.constant 0 : i32
        %dma_wait3A_51 = tpu.memref_slice %arg11[%mul3A_36, %dma_wait3A_50] : memref<5376x128xf32, #tpu.memory_space<vmem_shared>> -> memref<304x128xf32, #tpu.memory_space<vmem_shared>>
        tpu.wait_dma2 semaphore(%run_scoped3A : memref<!tpu.dma_semaphore, #tpu.memory_space<semaphore_mem>>) src(%dma_wait3A_51 : memref<304x128xf32, #tpu.memory_space<vmem_shared>>) dst(%dma_wait3A_49 : memref<304x128xf32, #tpu.memory_space<hbm>>)
        tpu.yield
      }) : () -> ()
      %eq3A_41 = arith.constant 15 : i32
      %eq3A_42 = arith.cmpi eq, %arg1, %eq3A_41 : i32
      %convert_element_type3A_43 = arith.extui %eq3A_42 : i1 to i32
      %cond3A_44 = arith.constant 0 : i32
      %cond3A_45 = arith.cmpi ne, %convert_element_type3A_43, %cond3A_44 : i32
      scf.if %cond3A_45 {
        "tpu.region"() ({
          %run_scoped3A = tpu.sem_alloc : memref<!tpu.dma_semaphore, #tpu.memory_space<semaphore_mem>>
          %dma_start3A = arith.constant 9984 : i32
          %dma_start3A_46 = arith.constant 0 : i32
          %dma_start3A_47 = tpu.memref_slice %arg6[%dma_start3A, %dma_start3A_46] : memref<10000x128xf32, #tpu.memory_space<hbm>> -> memref<16x128xf32, #tpu.memory_space<hbm>>
          %dma_start3A_48 = arith.constant 4864 : i32
          %dma_start3A_49 = arith.constant 0 : i32
          %dma_start3A_50 = tpu.memref_slice %arg11[%dma_start3A_48, %dma_start3A_49] : memref<5376x128xf32, #tpu.memory_space<vmem_shared>> -> memref<16x128xf32, #tpu.memory_space<vmem_shared>>
          tpu.enqueue_dma source(%dma_start3A_50 : memref<16x128xf32, #tpu.memory_space<vmem_shared>>) target(%dma_start3A_47 : memref<16x128xf32, #tpu.memory_space<hbm>>) target_semaphore(%run_scoped3A : memref<!tpu.dma_semaphore, #tpu.memory_space<semaphore_mem>>)
          %dma_wait3A = arith.constant 9984 : i32
          %dma_wait3A_51 = arith.constant 0 : i32
          %dma_wait3A_52 = tpu.memref_slice %arg6[%dma_wait3A, %dma_wait3A_51] : memref<10000x128xf32, #tpu.memory_space<hbm>> -> memref<16x128xf32, #tpu.memory_space<hbm>>
          %dma_wait3A_53 = arith.constant 4864 : i32
          %dma_wait3A_54 = arith.constant 0 : i32
          %dma_wait3A_55 = tpu.memref_slice %arg11[%dma_wait3A_53, %dma_wait3A_54] : memref<5376x128xf32, #tpu.memory_space<vmem_shared>> -> memref<16x128xf32, #tpu.memory_space<vmem_shared>>
          tpu.wait_dma2 semaphore(%run_scoped3A : memref<!tpu.dma_semaphore, #tpu.memory_space<semaphore_mem>>) src(%dma_wait3A_55 : memref<16x128xf32, #tpu.memory_space<vmem_shared>>) dst(%dma_wait3A_52 : memref<16x128xf32, #tpu.memory_space<hbm>>)
          tpu.yield
        }) : () -> ()
      } else {
      }
    } else {
    }
    return
  }
}

#map = affine_map<(d0, d1) -> (0, 0)>
#map1 = affine_map<(d0, d1) -> (0, 0, 0)>
module attributes {stable_mosaic.version = 14 : i64} {
  func.func @seg(%arg0: i32, %arg1: i32, %arg2: memref<20000x128xf32, #tpu.memory_space<hbm>>, %arg3: memref<16x160x128xi32, #tpu.memory_space<hbm>>, %arg4: memref<16x160x128xi32, #tpu.memory_space<hbm>>, %arg5: memref<16x160x128xi32, #tpu.memory_space<hbm>>, %arg6: memref<10000x128xf32, #tpu.memory_space<hbm>>, %arg7: memref<160x128xi32, #tpu.memory_space<vmem>>, %arg8: memref<160x128xi32, #tpu.memory_space<vmem>>, %arg9: memref<128x128xf32, #tpu.memory_space<vmem>>, %arg10: memref<128x128xf32, #tpu.memory_space<vmem>>, %arg11: memref<5376x128xf32, #tpu.memory_space<vmem_shared>>, %arg12: memref<!tpu.dma_semaphore, #tpu.memory_space<semaphore_mem>>, %arg13: memref<!tpu.dma_semaphore, #tpu.memory_space<semaphore_mem>>) attributes {dimension_semantics = [#tpu.dimension_semantics<core_parallel>, #tpu.dimension_semantics<subcore_parallel>], iteration_bounds = array<i64: 2, 16>, scalar_prefetch = 0 : i64, scratch_operands = 7 : i64, tpu.core_type = #tpu.core_type<sc_vector_subcore>, window_params = [{transform_indices = #map}, {transform_indices = #map1}, {transform_indices = #map1}, {transform_indices = #map1}, {transform_indices = #map}]} {
    "tpu.region"() ({
      %run_scoped3A = tpu.sem_alloc : memref<!tpu.dma_semaphore, #tpu.memory_space<semaphore_mem>>
      %dma_start3A = arith.constant 0 : i32
      %dma_start3A_35 = arith.constant 0 : i32
      %dma_start3A_36 = tpu.memref_slice %arg3[%arg1, %dma_start3A, %dma_start3A_35] : memref<16x160x128xi32, #tpu.memory_space<hbm>> -> memref<1x160x128xi32, #tpu.memory_space<hbm>>
      %dma_start3A_37 = tpu.memref_squeeze %dma_start3A_36 : memref<1x160x128xi32, #tpu.memory_space<hbm>> -> memref<160x128xi32, #tpu.memory_space<hbm>>
      %dma_start3A_38 = arith.constant 0 : i32
      %dma_start3A_39 = arith.constant 0 : i32
      %dma_start3A_40 = tpu.memref_slice %arg3[%arg1, %dma_start3A_38, %dma_start3A_39] : memref<16x160x128xi32, #tpu.memory_space<hbm>> -> memref<1x160x128xi32, #tpu.memory_space<hbm>>
      %dma_start3A_41 = tpu.memref_squeeze %dma_start3A_40 : memref<1x160x128xi32, #tpu.memory_space<hbm>> -> memref<160x128xi32, #tpu.memory_space<hbm>>
      tpu.enqueue_dma source(%dma_start3A_41 : memref<160x128xi32, #tpu.memory_space<hbm>>) target(%arg7 : memref<160x128xi32, #tpu.memory_space<vmem>>) target_semaphore(%run_scoped3A : memref<!tpu.dma_semaphore, #tpu.memory_space<semaphore_mem>>)
      %dma_wait3A = arith.constant 0 : i32
      %dma_wait3A_42 = arith.constant 0 : i32
      %dma_wait3A_43 = tpu.memref_slice %arg3[%arg1, %dma_wait3A, %dma_wait3A_42] : memref<16x160x128xi32, #tpu.memory_space<hbm>> -> memref<1x160x128xi32, #tpu.memory_space<hbm>>
      %dma_wait3A_44 = tpu.memref_squeeze %dma_wait3A_43 : memref<1x160x128xi32, #tpu.memory_space<hbm>> -> memref<160x128xi32, #tpu.memory_space<hbm>>
      %dma_wait3A_45 = arith.constant 0 : i32
      %dma_wait3A_46 = arith.constant 0 : i32
      %dma_wait3A_47 = tpu.memref_slice %arg3[%arg1, %dma_wait3A_45, %dma_wait3A_46] : memref<16x160x128xi32, #tpu.memory_space<hbm>> -> memref<1x160x128xi32, #tpu.memory_space<hbm>>
      %dma_wait3A_48 = tpu.memref_squeeze %dma_wait3A_47 : memref<1x160x128xi32, #tpu.memory_space<hbm>> -> memref<160x128xi32, #tpu.memory_space<hbm>>
      tpu.wait_dma2 semaphore(%run_scoped3A : memref<!tpu.dma_semaphore, #tpu.memory_space<semaphore_mem>>) src(%dma_wait3A_48 : memref<160x128xi32, #tpu.memory_space<hbm>>) dst(%arg7 : memref<160x128xi32, #tpu.memory_space<vmem>>)
      tpu.yield
    }) : () -> ()
    %eq3A = arith.constant 0 : i32
    %eq3A_0 = arith.cmpi eq, %arg0, %eq3A : i32
    %convert_element_type3A = arith.extui %eq3A_0 : i1 to i32
    %cond3A = arith.constant 0 : i32
    %cond3A_1 = arith.cmpi ne, %convert_element_type3A, %cond3A : i32
    scf.if %cond3A_1 {
      "tpu.region"() ({
        %run_scoped3A = tpu.sem_alloc : memref<!tpu.dma_semaphore, #tpu.memory_space<semaphore_mem>>
        %dma_start3A = arith.constant 0 : i32
        %dma_start3A_35 = arith.constant 0 : i32
        %dma_start3A_36 = tpu.memref_slice %arg4[%arg1, %dma_start3A, %dma_start3A_35] : memref<16x160x128xi32, #tpu.memory_space<hbm>> -> memref<1x160x128xi32, #tpu.memory_space<hbm>>
        %dma_start3A_37 = tpu.memref_squeeze %dma_start3A_36 : memref<1x160x128xi32, #tpu.memory_space<hbm>> -> memref<160x128xi32, #tpu.memory_space<hbm>>
        %dma_start3A_38 = arith.constant 0 : i32
        %dma_start3A_39 = arith.constant 0 : i32
        %dma_start3A_40 = tpu.memref_slice %arg4[%arg1, %dma_start3A_38, %dma_start3A_39] : memref<16x160x128xi32, #tpu.memory_space<hbm>> -> memref<1x160x128xi32, #tpu.memory_space<hbm>>
        %dma_start3A_41 = tpu.memref_squeeze %dma_start3A_40 : memref<1x160x128xi32, #tpu.memory_space<hbm>> -> memref<160x128xi32, #tpu.memory_space<hbm>>
        tpu.enqueue_dma source(%dma_start3A_41 : memref<160x128xi32, #tpu.memory_space<hbm>>) target(%arg8 : memref<160x128xi32, #tpu.memory_space<vmem>>) target_semaphore(%run_scoped3A : memref<!tpu.dma_semaphore, #tpu.memory_space<semaphore_mem>>)
        %dma_wait3A = arith.constant 0 : i32
        %dma_wait3A_42 = arith.constant 0 : i32
        %dma_wait3A_43 = tpu.memref_slice %arg4[%arg1, %dma_wait3A, %dma_wait3A_42] : memref<16x160x128xi32, #tpu.memory_space<hbm>> -> memref<1x160x128xi32, #tpu.memory_space<hbm>>
        %dma_wait3A_44 = tpu.memref_squeeze %dma_wait3A_43 : memref<1x160x128xi32, #tpu.memory_space<hbm>> -> memref<160x128xi32, #tpu.memory_space<hbm>>
        %dma_wait3A_45 = arith.constant 0 : i32
        %dma_wait3A_46 = arith.constant 0 : i32
        %dma_wait3A_47 = tpu.memref_slice %arg4[%arg1, %dma_wait3A_45, %dma_wait3A_46] : memref<16x160x128xi32, #tpu.memory_space<hbm>> -> memref<1x160x128xi32, #tpu.memory_space<hbm>>
        %dma_wait3A_48 = tpu.memref_squeeze %dma_wait3A_47 : memref<1x160x128xi32, #tpu.memory_space<hbm>> -> memref<160x128xi32, #tpu.memory_space<hbm>>
        tpu.wait_dma2 semaphore(%run_scoped3A : memref<!tpu.dma_semaphore, #tpu.memory_space<semaphore_mem>>) src(%dma_wait3A_48 : memref<160x128xi32, #tpu.memory_space<hbm>>) dst(%arg8 : memref<160x128xi32, #tpu.memory_space<vmem>>)
        tpu.yield
      }) : () -> ()
    } else {
    }
    %eq3A_2 = arith.constant 1 : i32
    %eq3A_3 = arith.cmpi eq, %arg0, %eq3A_2 : i32
    %convert_element_type3A_4 = arith.extui %eq3A_3 : i1 to i32
    %cond3A_5 = arith.constant 0 : i32
    %cond3A_6 = arith.cmpi ne, %convert_element_type3A_4, %cond3A_5 : i32
    scf.if %cond3A_6 {
      "tpu.region"() ({
        %run_scoped3A = tpu.sem_alloc : memref<!tpu.dma_semaphore, #tpu.memory_space<semaphore_mem>>
        %dma_start3A = arith.constant 0 : i32
        %dma_start3A_35 = arith.constant 0 : i32
        %dma_start3A_36 = tpu.memref_slice %arg5[%arg1, %dma_start3A, %dma_start3A_35] : memref<16x160x128xi32, #tpu.memory_space<hbm>> -> memref<1x160x128xi32, #tpu.memory_space<hbm>>
        %dma_start3A_37 = tpu.memref_squeeze %dma_start3A_36 : memref<1x160x128xi32, #tpu.memory_space<hbm>> -> memref<160x128xi32, #tpu.memory_space<hbm>>
        %dma_start3A_38 = arith.constant 0 : i32
        %dma_start3A_39 = arith.constant 0 : i32
        %dma_start3A_40 = tpu.memref_slice %arg5[%arg1, %dma_start3A_38, %dma_start3A_39] : memref<16x160x128xi32, #tpu.memory_space<hbm>> -> memref<1x160x128xi32, #tpu.memory_space<hbm>>
        %dma_start3A_41 = tpu.memref_squeeze %dma_start3A_40 : memref<1x160x128xi32, #tpu.memory_space<hbm>> -> memref<160x128xi32, #tpu.memory_space<hbm>>
        tpu.enqueue_dma source(%dma_start3A_41 : memref<160x128xi32, #tpu.memory_space<hbm>>) target(%arg8 : memref<160x128xi32, #tpu.memory_space<vmem>>) target_semaphore(%run_scoped3A : memref<!tpu.dma_semaphore, #tpu.memory_space<semaphore_mem>>)
        %dma_wait3A = arith.constant 0 : i32
        %dma_wait3A_42 = arith.constant 0 : i32
        %dma_wait3A_43 = tpu.memref_slice %arg5[%arg1, %dma_wait3A, %dma_wait3A_42] : memref<16x160x128xi32, #tpu.memory_space<hbm>> -> memref<1x160x128xi32, #tpu.memory_space<hbm>>
        %dma_wait3A_44 = tpu.memref_squeeze %dma_wait3A_43 : memref<1x160x128xi32, #tpu.memory_space<hbm>> -> memref<160x128xi32, #tpu.memory_space<hbm>>
        %dma_wait3A_45 = arith.constant 0 : i32
        %dma_wait3A_46 = arith.constant 0 : i32
        %dma_wait3A_47 = tpu.memref_slice %arg5[%arg1, %dma_wait3A_45, %dma_wait3A_46] : memref<16x160x128xi32, #tpu.memory_space<hbm>> -> memref<1x160x128xi32, #tpu.memory_space<hbm>>
        %dma_wait3A_48 = tpu.memref_squeeze %dma_wait3A_47 : memref<1x160x128xi32, #tpu.memory_space<hbm>> -> memref<160x128xi32, #tpu.memory_space<hbm>>
        tpu.wait_dma2 semaphore(%run_scoped3A : memref<!tpu.dma_semaphore, #tpu.memory_space<semaphore_mem>>) src(%dma_wait3A_48 : memref<160x128xi32, #tpu.memory_space<hbm>>) dst(%arg8 : memref<160x128xi32, #tpu.memory_space<vmem>>)
        tpu.yield
      }) : () -> ()
    } else {
    }
    %broadcast_in_dim3A = arith.constant 0.000000e+00 : f32
    %broadcast_in_dim3A_7 = vector.broadcast %broadcast_in_dim3A : f32 to vector<16xf32>
    %scan3A = arith.constant 0 : i32
    %scan3A_8 = arith.constant 128 : i32
    %scan3A_9 = arith.addi %scan3A, %scan3A_8 : i32
    %scan3A_10 = arith.constant 1 : i32
    scf.for %scan3A_35 = %scan3A to %scan3A_9 step %scan3A_10  : i32 {
      %mul3A_36 = arith.constant 1 : i32
      %mul3A_37 = arith.muli %scan3A_35, %mul3A_36 : i32
      %add3A_38 = arith.constant 0 : i32
      %add3A_39 = arith.addi %add3A_38, %mul3A_37 : i32
      %scan3A_40 = arith.constant 0 : i32
      %scan3A_41 = arith.constant 8 : i32
      %scan3A_42 = arith.addi %scan3A_40, %scan3A_41 : i32
      %scan3A_43 = arith.constant 1 : i32
      scf.for %scan3A_45 = %scan3A_40 to %scan3A_42 step %scan3A_43  : i32 {
        %mul3A_46 = arith.constant 1 : i32
        %mul3A_47 = arith.muli %scan3A_45, %mul3A_46 : i32
        %add3A_48 = arith.constant 0 : i32
        %add3A_49 = arith.addi %add3A_48, %mul3A_47 : i32
        %mul3A_50 = arith.constant 16 : i32
        %mul3A_51 = arith.muli %add3A_49, %mul3A_50 : i32
        %swap3A = arith.index_cast %add3A_39 : i32 to index
        %swap3A_52 = arith.index_cast %mul3A_51 : i32 to index
        %swap3A_53 = tpu.vector_load %arg9[%swap3A, %swap3A_52] {strides = array<i32>} : memref<128x128xf32, #tpu.memory_space<vmem>>, vector<1x16xf32>,
        %swap3A_54 = vector.shape_cast %swap3A_53 : vector<1x16xf32> to vector<16xf32>
        %swap3A_55 = vector.shape_cast %broadcast_in_dim3A_7 : vector<16xf32> to vector<1x16xf32>
        tpu.vector_store %arg9[%swap3A, %swap3A_52], %swap3A_55 {strides = array<i32>} : memref<128x128xf32, #tpu.memory_space<vmem>>, vector<1x16xf32>,
      }
      %scan3A_44 = arith.constant 8 : i32
    }
    %scan3A_11 = arith.constant 128 : i32
    %mul3A = arith.constant 336 : i32
    %mul3A_12 = arith.muli %arg1, %mul3A : i32
    %scan3A_13 = arith.constant 0 : i32
    %scan3A_14 = arith.constant 2 : i32
    %scan3A_15 = arith.addi %scan3A_13, %scan3A_14 : i32
    %scan3A_16 = arith.constant 1 : i32
    scf.for %scan3A_35 = %scan3A_13 to %scan3A_15 step %scan3A_16  : i32 {
      %mul3A_36 = arith.constant 1 : i32
      %mul3A_37 = arith.muli %scan3A_35, %mul3A_36 : i32
      %add3A_38 = arith.constant 0 : i32
      %add3A_39 = arith.addi %add3A_38, %mul3A_37 : i32
      %mul3A_40 = arith.constant 128 : i32
      %mul3A_41 = arith.muli %add3A_39, %mul3A_40 : i32
      %add3A_42 = arith.addi %mul3A_12, %mul3A_41 : i32
      "tpu.region"() ({
        %run_scoped3A = tpu.sem_alloc : memref<!tpu.dma_semaphore, #tpu.memory_space<semaphore_mem>>
        %dma_start3A = arith.constant 0 : i32
        %dma_start3A_43 = tpu.memref_slice %arg11[%add3A_42, %dma_start3A] : memref<5376x128xf32, #tpu.memory_space<vmem_shared>> -> memref<128x128xf32, #tpu.memory_space<vmem_shared>>
        %dma_start3A_44 = arith.constant 0 : i32
        %dma_start3A_45 = tpu.memref_slice %arg11[%add3A_42, %dma_start3A_44] : memref<5376x128xf32, #tpu.memory_space<vmem_shared>> -> memref<128x128xf32, #tpu.memory_space<vmem_shared>>
        tpu.enqueue_dma source(%arg9 : memref<128x128xf32, #tpu.memory_space<vmem>>) target(%dma_start3A_45 : memref<128x128xf32, #tpu.memory_space<vmem_shared>>) target_semaphore(%run_scoped3A : memref<!tpu.dma_semaphore, #tpu.memory_space<semaphore_mem>>)
        %dma_wait3A = arith.constant 0 : i32
        %dma_wait3A_46 = tpu.memref_slice %arg11[%add3A_42, %dma_wait3A] : memref<5376x128xf32, #tpu.memory_space<vmem_shared>> -> memref<128x128xf32, #tpu.memory_space<vmem_shared>>
        %dma_wait3A_47 = arith.constant 0 : i32
        %dma_wait3A_48 = tpu.memref_slice %arg11[%add3A_42, %dma_wait3A_47] : memref<5376x128xf32, #tpu.memory_space<vmem_shared>> -> memref<128x128xf32, #tpu.memory_space<vmem_shared>>
        tpu.wait_dma2 semaphore(%run_scoped3A : memref<!tpu.dma_semaphore, #tpu.memory_space<semaphore_mem>>) src(%arg9 : memref<128x128xf32, #tpu.memory_space<vmem>>) dst(%dma_wait3A_48 : memref<128x128xf32, #tpu.memory_space<vmem_shared>>)
        tpu.yield
      }) : () -> ()
    }
    %scan3A_17 = arith.constant 2 : i32
    %add3A = arith.constant 256 : i32
    %add3A_18 = arith.addi %mul3A_12, %add3A : i32
    "tpu.region"() ({
      %run_scoped3A = tpu.sem_alloc : memref<!tpu.dma_semaphore, #tpu.memory_space<semaphore_mem>>
      %dma_start3A = arith.constant 0 : i32
      %dma_start3A_35 = arith.constant 0 : i32
      %dma_start3A_36 = tpu.memref_slice %arg9[%dma_start3A, %dma_start3A_35] : memref<128x128xf32, #tpu.memory_space<vmem>> -> memref<80x128xf32, #tpu.memory_space<vmem>>
      %dma_start3A_37 = arith.constant 0 : i32
      %dma_start3A_38 = tpu.memref_slice %arg11[%add3A_18, %dma_start3A_37] : memref<5376x128xf32, #tpu.memory_space<vmem_shared>> -> memref<80x128xf32, #tpu.memory_space<vmem_shared>>
      %dma_start3A_39 = arith.constant 0 : i32
      %dma_start3A_40 = tpu.memref_slice %arg11[%add3A_18, %dma_start3A_39] : memref<5376x128xf32, #tpu.memory_space<vmem_shared>> -> memref<80x128xf32, #tpu.memory_space<vmem_shared>>
      %dma_start3A_41 = arith.constant 0 : i32
      %dma_start3A_42 = arith.constant 0 : i32
      %dma_start3A_43 = tpu.memref_slice %arg9[%dma_start3A_41, %dma_start3A_42] : memref<128x128xf32, #tpu.memory_space<vmem>> -> memref<80x128xf32, #tpu.memory_space<vmem>>
      tpu.enqueue_dma source(%dma_start3A_43 : memref<80x128xf32, #tpu.memory_space<vmem>>) target(%dma_start3A_40 : memref<80x128xf32, #tpu.memory_space<vmem_shared>>) target_semaphore(%run_scoped3A : memref<!tpu.dma_semaphore, #tpu.memory_space<semaphore_mem>>)
      %dma_wait3A = arith.constant 0 : i32
      %dma_wait3A_44 = arith.constant 0 : i32
      %dma_wait3A_45 = tpu.memref_slice %arg9[%dma_wait3A, %dma_wait3A_44] : memref<128x128xf32, #tpu.memory_space<vmem>> -> memref<80x128xf32, #tpu.memory_space<vmem>>
      %dma_wait3A_46 = arith.constant 0 : i32
      %dma_wait3A_47 = tpu.memref_slice %arg11[%add3A_18, %dma_wait3A_46] : memref<5376x128xf32, #tpu.memory_space<vmem_shared>> -> memref<80x128xf32, #tpu.memory_space<vmem_shared>>
      %dma_wait3A_48 = arith.constant 0 : i32
      %dma_wait3A_49 = tpu.memref_slice %arg11[%add3A_18, %dma_wait3A_48] : memref<5376x128xf32, #tpu.memory_space<vmem_shared>> -> memref<80x128xf32, #tpu.memory_space<vmem_shared>>
      %dma_wait3A_50 = arith.constant 0 : i32
      %dma_wait3A_51 = arith.constant 0 : i32
      %dma_wait3A_52 = tpu.memref_slice %arg9[%dma_wait3A_50, %dma_wait3A_51] : memref<128x128xf32, #tpu.memory_space<vmem>> -> memref<80x128xf32, #tpu.memory_space<vmem>>
      tpu.wait_dma2 semaphore(%run_scoped3A : memref<!tpu.dma_semaphore, #tpu.memory_space<semaphore_mem>>) src(%dma_wait3A_52 : memref<80x128xf32, #tpu.memory_space<vmem>>) dst(%dma_wait3A_49 : memref<80x128xf32, #tpu.memory_space<vmem_shared>>)
      tpu.yield
    }) : () -> ()
    %barrier3A = arith.constant 0 : index
    tpu.barrier barrier_id(%barrier3A)
    %scan3A_19 = arith.constant 0 : i32
    %scan3A_20 = arith.constant 80 : i32
    %scan3A_21 = arith.addi %scan3A_19, %scan3A_20 : i32
    %scan3A_22 = arith.constant 1 : i32
    scf.for %scan3A_35 = %scan3A_19 to %scan3A_21 step %scan3A_22  : i32 {
      %mul3A_36 = arith.constant 2 : i32
      %mul3A_37 = arith.muli %scan3A_35, %mul3A_36 : i32
      %add3A_38 = arith.constant 0 : i32
      %add3A_39 = arith.addi %add3A_38, %mul3A_37 : i32
      %dma_start3A = arith.constant 0 : i32
      %dma_start3A_40 = tpu.memref_slice %arg7[%add3A_39, %dma_start3A] : memref<160x128xi32, #tpu.memory_space<vmem>> -> memref<1x128xi32, #tpu.memory_space<vmem>>
      %dma_start3A_41 = tpu.memref_squeeze %dma_start3A_40 : memref<1x128xi32, #tpu.memory_space<vmem>> -> memref<128xi32, #tpu.memory_space<vmem>>
      %dma_start3A_42 = arith.constant 0 : i32
      %dma_start3A_43 = arith.constant 0 : i32
      %dma_start3A_44 = tpu.memref_slice %arg2[%dma_start3A_42, %dma_start3A_43] : memref<20000x128xf32, #tpu.memory_space<hbm>> -> memref<20000x128xf32, #tpu.memory_space<hbm>>
      tpu.enqueue_indirect_dma source(%dma_start3A_44 : memref<20000x128xf32, #tpu.memory_space<hbm>>) target(%arg9 : memref<128x128xf32, #tpu.memory_space<vmem>>) offsets(%dma_start3A_41 : memref<128xi32, #tpu.memory_space<vmem>>) semaphore(%arg12 : memref<!tpu.dma_semaphore, #tpu.memory_space<semaphore_mem>>)
      %add3A_45 = arith.constant 1 : i32
      %add3A_46 = arith.addi %add3A_39, %add3A_45 : i32
      %dma_start3A_47 = arith.constant 0 : i32
      %dma_start3A_48 = tpu.memref_slice %arg7[%add3A_46, %dma_start3A_47] : memref<160x128xi32, #tpu.memory_space<vmem>> -> memref<1x128xi32, #tpu.memory_space<vmem>>
      %dma_start3A_49 = tpu.memref_squeeze %dma_start3A_48 : memref<1x128xi32, #tpu.memory_space<vmem>> -> memref<128xi32, #tpu.memory_space<vmem>>
      %dma_start3A_50 = arith.constant 0 : i32
      %dma_start3A_51 = arith.constant 0 : i32
      %dma_start3A_52 = tpu.memref_slice %arg2[%dma_start3A_50, %dma_start3A_51] : memref<20000x128xf32, #tpu.memory_space<hbm>> -> memref<20000x128xf32, #tpu.memory_space<hbm>>
      tpu.enqueue_indirect_dma source(%dma_start3A_52 : memref<20000x128xf32, #tpu.memory_space<hbm>>) target(%arg10 : memref<128x128xf32, #tpu.memory_space<vmem>>) offsets(%dma_start3A_49 : memref<128xi32, #tpu.memory_space<vmem>>) semaphore(%arg13 : memref<!tpu.dma_semaphore, #tpu.memory_space<semaphore_mem>>)
      %dma_wait3A = arith.constant 0 : i32
      %dma_wait3A_53 = tpu.memref_slice %arg7[%add3A_39, %dma_wait3A] : memref<160x128xi32, #tpu.memory_space<vmem>> -> memref<1x128xi32, #tpu.memory_space<vmem>>
      %dma_wait3A_54 = tpu.memref_squeeze %dma_wait3A_53 : memref<1x128xi32, #tpu.memory_space<vmem>> -> memref<128xi32, #tpu.memory_space<vmem>>
      %dma_wait3A_55 = arith.constant 0 : i32
      %dma_wait3A_56 = arith.constant 0 : i32
      %dma_wait3A_57 = tpu.memref_slice %arg2[%dma_wait3A_55, %dma_wait3A_56] : memref<20000x128xf32, #tpu.memory_space<hbm>> -> memref<20000x128xf32, #tpu.memory_space<hbm>>
      tpu.wait_indirect_dma semaphore(%arg12 : memref<!tpu.dma_semaphore, #tpu.memory_space<semaphore_mem>>) src(%dma_wait3A_57 : memref<20000x128xf32, #tpu.memory_space<hbm>>) dst(%arg9 : memref<128x128xf32, #tpu.memory_space<vmem>>)
      "tpu.region"() ({
        %run_scoped3A = tpu.sem_alloc : memref<!tpu.dma_semaphore, #tpu.memory_space<semaphore_mem>>
        %dma_start3A_66 = arith.constant 0 : i32
        %dma_start3A_67 = tpu.memref_slice %arg8[%add3A_39, %dma_start3A_66] : memref<160x128xi32, #tpu.memory_space<vmem>> -> memref<1x128xi32, #tpu.memory_space<vmem>>
        %dma_start3A_68 = tpu.memref_squeeze %dma_start3A_67 : memref<1x128xi32, #tpu.memory_space<vmem>> -> memref<128xi32, #tpu.memory_space<vmem>>
        %dma_start3A_69 = arith.constant 0 : i32
        %dma_start3A_70 = arith.constant 0 : i32
        %dma_start3A_71 = tpu.memref_slice %arg11[%dma_start3A_69, %dma_start3A_70] : memref<5376x128xf32, #tpu.memory_space<vmem_shared>> -> memref<5376x128xf32, #tpu.memory_space<vmem_shared>>
        tpu.enqueue_indirect_dma source(%arg9 : memref<128x128xf32, #tpu.memory_space<vmem>>) target(%dma_start3A_71 : memref<5376x128xf32, #tpu.memory_space<vmem_shared>>) offsets(%dma_start3A_68 : memref<128xi32, #tpu.memory_space<vmem>>) semaphore(%run_scoped3A : memref<!tpu.dma_semaphore, #tpu.memory_space<semaphore_mem>>) {add = true}
        %dma_wait3A_72 = arith.constant 0 : i32
        %dma_wait3A_73 = tpu.memref_slice %arg8[%add3A_39, %dma_wait3A_72] : memref<160x128xi32, #tpu.memory_space<vmem>> -> memref<1x128xi32, #tpu.memory_space<vmem>>
        %dma_wait3A_74 = tpu.memref_squeeze %dma_wait3A_73 : memref<1x128xi32, #tpu.memory_space<vmem>> -> memref<128xi32, #tpu.memory_space<vmem>>
        %dma_wait3A_75 = arith.constant 0 : i32
        %dma_wait3A_76 = arith.constant 0 : i32
        %dma_wait3A_77 = tpu.memref_slice %arg11[%dma_wait3A_75, %dma_wait3A_76] : memref<5376x128xf32, #tpu.memory_space<vmem_shared>> -> memref<5376x128xf32, #tpu.memory_space<vmem_shared>>
        tpu.wait_indirect_dma semaphore(%run_scoped3A : memref<!tpu.dma_semaphore, #tpu.memory_space<semaphore_mem>>) src(%arg9 : memref<128x128xf32, #tpu.memory_space<vmem>>) dst(%dma_wait3A_77 : memref<5376x128xf32, #tpu.memory_space<vmem_shared>>)
        tpu.yield
      }) : () -> ()
      %dma_wait3A_58 = arith.constant 0 : i32
      %dma_wait3A_59 = tpu.memref_slice %arg7[%add3A_46, %dma_wait3A_58] : memref<160x128xi32, #tpu.memory_space<vmem>> -> memref<1x128xi32, #tpu.memory_space<vmem>>
      %dma_wait3A_60 = tpu.memref_squeeze %dma_wait3A_59 : memref<1x128xi32, #tpu.memory_space<vmem>> -> memref<128xi32, #tpu.memory_space<vmem>>
      %dma_wait3A_61 = arith.constant 0 : i32
      %dma_wait3A_62 = arith.constant 0 : i32
      %dma_wait3A_63 = tpu.memref_slice %arg2[%dma_wait3A_61, %dma_wait3A_62] : memref<20000x128xf32, #tpu.memory_space<hbm>> -> memref<20000x128xf32, #tpu.memory_space<hbm>>
      tpu.wait_indirect_dma semaphore(%arg13 : memref<!tpu.dma_semaphore, #tpu.memory_space<semaphore_mem>>) src(%dma_wait3A_63 : memref<20000x128xf32, #tpu.memory_space<hbm>>) dst(%arg10 : memref<128x128xf32, #tpu.memory_space<vmem>>)
      %add3A_64 = arith.constant 1 : i32
      %add3A_65 = arith.addi %add3A_39, %add3A_64 : i32
      "tpu.region"() ({
        %run_scoped3A = tpu.sem_alloc : memref<!tpu.dma_semaphore, #tpu.memory_space<semaphore_mem>>
        %dma_start3A_66 = arith.constant 0 : i32
        %dma_start3A_67 = tpu.memref_slice %arg8[%add3A_65, %dma_start3A_66] : memref<160x128xi32, #tpu.memory_space<vmem>> -> memref<1x128xi32, #tpu.memory_space<vmem>>
        %dma_start3A_68 = tpu.memref_squeeze %dma_start3A_67 : memref<1x128xi32, #tpu.memory_space<vmem>> -> memref<128xi32, #tpu.memory_space<vmem>>
        %dma_start3A_69 = arith.constant 0 : i32
        %dma_start3A_70 = arith.constant 0 : i32
        %dma_start3A_71 = tpu.memref_slice %arg11[%dma_start3A_69, %dma_start3A_70] : memref<5376x128xf32, #tpu.memory_space<vmem_shared>> -> memref<5376x128xf32, #tpu.memory_space<vmem_shared>>
        tpu.enqueue_indirect_dma source(%arg10 : memref<128x128xf32, #tpu.memory_space<vmem>>) target(%dma_start3A_71 : memref<5376x128xf32, #tpu.memory_space<vmem_shared>>) offsets(%dma_start3A_68 : memref<128xi32, #tpu.memory_space<vmem>>) semaphore(%run_scoped3A : memref<!tpu.dma_semaphore, #tpu.memory_space<semaphore_mem>>) {add = true}
        %dma_wait3A_72 = arith.constant 0 : i32
        %dma_wait3A_73 = tpu.memref_slice %arg8[%add3A_65, %dma_wait3A_72] : memref<160x128xi32, #tpu.memory_space<vmem>> -> memref<1x128xi32, #tpu.memory_space<vmem>>
        %dma_wait3A_74 = tpu.memref_squeeze %dma_wait3A_73 : memref<1x128xi32, #tpu.memory_space<vmem>> -> memref<128xi32, #tpu.memory_space<vmem>>
        %dma_wait3A_75 = arith.constant 0 : i32
        %dma_wait3A_76 = arith.constant 0 : i32
        %dma_wait3A_77 = tpu.memref_slice %arg11[%dma_wait3A_75, %dma_wait3A_76] : memref<5376x128xf32, #tpu.memory_space<vmem_shared>> -> memref<5376x128xf32, #tpu.memory_space<vmem_shared>>
        tpu.wait_indirect_dma semaphore(%run_scoped3A : memref<!tpu.dma_semaphore, #tpu.memory_space<semaphore_mem>>) src(%arg10 : memref<128x128xf32, #tpu.memory_space<vmem>>) dst(%dma_wait3A_77 : memref<5376x128xf32, #tpu.memory_space<vmem_shared>>)
        tpu.yield
      }) : () -> ()
    }
    %scan3A_23 = arith.constant 80 : i32
    %barrier3A_24 = arith.constant 0 : index
    tpu.barrier barrier_id(%barrier3A_24)
    %eq3A_25 = arith.constant 0 : i32
    %eq3A_26 = arith.cmpi eq, %arg0, %eq3A_25 : i32
    %convert_element_type3A_27 = arith.extui %eq3A_26 : i1 to i32
    %cond3A_28 = arith.constant 0 : i32
    %cond3A_29 = arith.cmpi ne, %convert_element_type3A_27, %cond3A_28 : i32
    scf.if %cond3A_29 {
      %mul3A_35 = arith.constant 320 : i32
      %mul3A_36 = arith.muli %arg1, %mul3A_35 : i32
      %mul3A_37 = arith.constant 320 : i32
      %mul3A_38 = arith.muli %arg1, %mul3A_37 : i32
      "tpu.region"() ({
        %run_scoped3A = tpu.sem_alloc : memref<!tpu.dma_semaphore, #tpu.memory_space<semaphore_mem>>
        %dma_start3A = arith.constant 0 : i32
        %dma_start3A_39 = tpu.memref_slice %arg6[%mul3A_38, %dma_start3A] : memref<10000x128xf32, #tpu.memory_space<hbm>> -> memref<320x128xf32, #tpu.memory_space<hbm>>
        %dma_start3A_40 = arith.constant 0 : i32
        %dma_start3A_41 = tpu.memref_slice %arg11[%mul3A_36, %dma_start3A_40] : memref<5376x128xf32, #tpu.memory_space<vmem_shared>> -> memref<320x128xf32, #tpu.memory_space<vmem_shared>>
        tpu.enqueue_dma source(%dma_start3A_41 : memref<320x128xf32, #tpu.memory_space<vmem_shared>>) target(%dma_start3A_39 : memref<320x128xf32, #tpu.memory_space<hbm>>) target_semaphore(%run_scoped3A : memref<!tpu.dma_semaphore, #tpu.memory_space<semaphore_mem>>)
        %dma_wait3A = arith.constant 0 : i32
        %dma_wait3A_42 = tpu.memref_slice %arg6[%mul3A_38, %dma_wait3A] : memref<10000x128xf32, #tpu.memory_space<hbm>> -> memref<320x128xf32, #tpu.memory_space<hbm>>
        %dma_wait3A_43 = arith.constant 0 : i32
        %dma_wait3A_44 = tpu.memref_slice %arg11[%mul3A_36, %dma_wait3A_43] : memref<5376x128xf32, #tpu.memory_space<vmem_shared>> -> memref<320x128xf32, #tpu.memory_space<vmem_shared>>
        tpu.wait_dma2 semaphore(%run_scoped3A : memref<!tpu.dma_semaphore, #tpu.memory_space<semaphore_mem>>) src(%dma_wait3A_44 : memref<320x128xf32, #tpu.memory_space<vmem_shared>>) dst(%dma_wait3A_42 : memref<320x128xf32, #tpu.memory_space<hbm>>)
        tpu.yield
      }) : () -> ()
    } else {
    }
    %eq3A_30 = arith.constant 1 : i32
    %eq3A_31 = arith.cmpi eq, %arg0, %eq3A_30 : i32
    %convert_element_type3A_32 = arith.extui %eq3A_31 : i1 to i32
    %cond3A_33 = arith.constant 0 : i32
    %cond3A_34 = arith.cmpi ne, %convert_element_type3A_32, %cond3A_33 : i32
    scf.if %cond3A_34 {
      %mul3A_35 = arith.constant 304 : i32
      %mul3A_36 = arith.muli %arg1, %mul3A_35 : i32
      %mul3A_37 = arith.constant 304 : i32
      %mul3A_38 = arith.muli %arg1, %mul3A_37 : i32
      %add3A_39 = arith.constant 5120 : i32
      %add3A_40 = arith.addi %add3A_39, %mul3A_38 : i32
      "tpu.region"() ({
        %run_scoped3A = tpu.sem_alloc : memref<!tpu.dma_semaphore, #tpu.memory_space<semaphore_mem>>
        %dma_start3A = arith.constant 0 : i32
        %dma_start3A_46 = tpu.memref_slice %arg6[%add3A_40, %dma_start3A] : memref<10000x128xf32, #tpu.memory_space<hbm>> -> memref<304x128xf32, #tpu.memory_space<hbm>>
        %dma_start3A_47 = arith.constant 0 : i32
        %dma_start3A_48 = tpu.memref_slice %arg11[%mul3A_36, %dma_start3A_47] : memref<5376x128xf32, #tpu.memory_space<vmem_shared>> -> memref<304x128xf32, #tpu.memory_space<vmem_shared>>
        tpu.enqueue_dma source(%dma_start3A_48 : memref<304x128xf32, #tpu.memory_space<vmem_shared>>) target(%dma_start3A_46 : memref<304x128xf32, #tpu.memory_space<hbm>>) target_semaphore(%run_scoped3A : memref<!tpu.dma_semaphore, #tpu.memory_space<semaphore_mem>>)
        %dma_wait3A = arith.constant 0 : i32
        %dma_wait3A_49 = tpu.memref_slice %arg6[%add3A_40, %dma_wait3A] : memref<10000x128xf32, #tpu.memory_space<hbm>> -> memref<304x128xf32, #tpu.memory_space<hbm>>
        %dma_wait3A_50 = arith.constant 0 : i32
        %dma_wait3A_51 = tpu.memref_slice %arg11[%mul3A_36, %dma_wait3A_50] : memref<5376x128xf32, #tpu.memory_space<vmem_shared>> -> memref<304x128xf32, #tpu.memory_space<vmem_shared>>
        tpu.wait_dma2 semaphore(%run_scoped3A : memref<!tpu.dma_semaphore, #tpu.memory_space<semaphore_mem>>) src(%dma_wait3A_51 : memref<304x128xf32, #tpu.memory_space<vmem_shared>>) dst(%dma_wait3A_49 : memref<304x128xf32, #tpu.memory_space<hbm>>)
        tpu.yield
      }) : () -> ()
      %eq3A_41 = arith.constant 15 : i32
      %eq3A_42 = arith.cmpi eq, %arg1, %eq3A_41 : i32
      %convert_element_type3A_43 = arith.extui %eq3A_42 : i1 to i32
      %cond3A_44 = arith.constant 0 : i32
      %cond3A_45 = arith.cmpi ne, %convert_element_type3A_43, %cond3A_44 : i32
      scf.if %cond3A_45 {
        "tpu.region"() ({
          %run_scoped3A = tpu.sem_alloc : memref<!tpu.dma_semaphore, #tpu.memory_space<semaphore_mem>>
          %dma_start3A = arith.constant 9984 : i32
          %dma_start3A_46 = arith.constant 0 : i32
          %dma_start3A_47 = tpu.memref_slice %arg6[%dma_start3A, %dma_start3A_46] : memref<10000x128xf32, #tpu.memory_space<hbm>> -> memref<16x128xf32, #tpu.memory_space<hbm>>
          %dma_start3A_48 = arith.constant 4864 : i32
          %dma_start3A_49 = arith.constant 0 : i32
          %dma_start3A_50 = tpu.memref_slice %arg11[%dma_start3A_48, %dma_start3A_49] : memref<5376x128xf32, #tpu.memory_space<vmem_shared>> -> memref<16x128xf32, #tpu.memory_space<vmem_shared>>
          tpu.enqueue_dma source(%dma_start3A_50 : memref<16x128xf32, #tpu.memory_space<vmem_shared>>) target(%dma_start3A_47 : memref<16x128xf32, #tpu.memory_space<hbm>>) target_semaphore(%run_scoped3A : memref<!tpu.dma_semaphore, #tpu.memory_space<semaphore_mem>>)
          %dma_wait3A = arith.constant 9984 : i32
          %dma_wait3A_51 = arith.constant 0 : i32
          %dma_wait3A_52 = tpu.memref_slice %arg6[%dma_wait3A, %dma_wait3A_51] : memref<10000x128xf32, #tpu.memory_space<hbm>> -> memref<16x128xf32, #tpu.memory_space<hbm>>
          %dma_wait3A_53 = arith.constant 4864 : i32
          %dma_wait3A_54 = arith.constant 0 : i32
          %dma_wait3A_55 = tpu.memref_slice %arg11[%dma_wait3A_53, %dma_wait3A_54] : memref<5376x128xf32, #tpu.memory_space<vmem_shared>> -> memref<16x128xf32, #tpu.memory_space<vmem_shared>>
          tpu.wait_dma2 semaphore(%run_scoped3A : memref<!tpu.dma_semaphore, #tpu.memory_space<semaphore_mem>>) src(%dma_wait3A_55 : memref<16x128xf32, #tpu.memory_space<vmem_shared>>) dst(%dma_wait3A_52 : memref<16x128xf32, #tpu.memory_space<hbm>>)
          tpu.yield
        }) : () -> ()
      } else {
      }
    } else {
    }
    return
  }
}

#map = affine_map<(d0, d1) -> (0, 0)>
#map1 = affine_map<(d0, d1) -> (0, 0, 0)>
module attributes {stable_mosaic.version = 14 : i64} {
  func.func @seg(%arg0: i32, %arg1: i32, %arg2: memref<20000x128xf32, #tpu.memory_space<hbm>>, %arg3: memref<16x160x128xi32, #tpu.memory_space<hbm>>, %arg4: memref<16x160x128xi32, #tpu.memory_space<hbm>>, %arg5: memref<16x160x128xi32, #tpu.memory_space<hbm>>, %arg6: memref<10000x128xf32, #tpu.memory_space<hbm>>, %arg7: memref<160x128xi32, #tpu.memory_space<vmem>>, %arg8: memref<160x128xi32, #tpu.memory_space<vmem>>, %arg9: memref<128x128xf32, #tpu.memory_space<vmem>>, %arg10: memref<128x128xf32, #tpu.memory_space<vmem>>, %arg11: memref<5376x128xf32, #tpu.memory_space<vmem_shared>>, %arg12: memref<!tpu.dma_semaphore, #tpu.memory_space<semaphore_mem>>, %arg13: memref<!tpu.dma_semaphore, #tpu.memory_space<semaphore_mem>>) attributes {dimension_semantics = [#tpu.dimension_semantics<core_parallel>, #tpu.dimension_semantics<subcore_parallel>], iteration_bounds = array<i64: 2, 16>, scalar_prefetch = 0 : i64, scratch_operands = 7 : i64, tpu.core_type = #tpu.core_type<sc_vector_subcore>, window_params = [{transform_indices = #map}, {transform_indices = #map1}, {transform_indices = #map1}, {transform_indices = #map1}, {transform_indices = #map}]} {
    "tpu.region"() ({
      %run_scoped3A = tpu.sem_alloc : memref<!tpu.dma_semaphore, #tpu.memory_space<semaphore_mem>>
      %dma_start3A = arith.constant 0 : i32
      %dma_start3A_35 = arith.constant 0 : i32
      %dma_start3A_36 = tpu.memref_slice %arg3[%arg1, %dma_start3A, %dma_start3A_35] : memref<16x160x128xi32, #tpu.memory_space<hbm>> -> memref<1x160x128xi32, #tpu.memory_space<hbm>>
      %dma_start3A_37 = tpu.memref_squeeze %dma_start3A_36 : memref<1x160x128xi32, #tpu.memory_space<hbm>> -> memref<160x128xi32, #tpu.memory_space<hbm>>
      %dma_start3A_38 = arith.constant 0 : i32
      %dma_start3A_39 = arith.constant 0 : i32
      %dma_start3A_40 = tpu.memref_slice %arg3[%arg1, %dma_start3A_38, %dma_start3A_39] : memref<16x160x128xi32, #tpu.memory_space<hbm>> -> memref<1x160x128xi32, #tpu.memory_space<hbm>>
      %dma_start3A_41 = tpu.memref_squeeze %dma_start3A_40 : memref<1x160x128xi32, #tpu.memory_space<hbm>> -> memref<160x128xi32, #tpu.memory_space<hbm>>
      tpu.enqueue_dma source(%dma_start3A_41 : memref<160x128xi32, #tpu.memory_space<hbm>>) target(%arg7 : memref<160x128xi32, #tpu.memory_space<vmem>>) target_semaphore(%run_scoped3A : memref<!tpu.dma_semaphore, #tpu.memory_space<semaphore_mem>>)
      %dma_wait3A = arith.constant 0 : i32
      %dma_wait3A_42 = arith.constant 0 : i32
      %dma_wait3A_43 = tpu.memref_slice %arg3[%arg1, %dma_wait3A, %dma_wait3A_42] : memref<16x160x128xi32, #tpu.memory_space<hbm>> -> memref<1x160x128xi32, #tpu.memory_space<hbm>>
      %dma_wait3A_44 = tpu.memref_squeeze %dma_wait3A_43 : memref<1x160x128xi32, #tpu.memory_space<hbm>> -> memref<160x128xi32, #tpu.memory_space<hbm>>
      %dma_wait3A_45 = arith.constant 0 : i32
      %dma_wait3A_46 = arith.constant 0 : i32
      %dma_wait3A_47 = tpu.memref_slice %arg3[%arg1, %dma_wait3A_45, %dma_wait3A_46] : memref<16x160x128xi32, #tpu.memory_space<hbm>> -> memref<1x160x128xi32, #tpu.memory_space<hbm>>
      %dma_wait3A_48 = tpu.memref_squeeze %dma_wait3A_47 : memref<1x160x128xi32, #tpu.memory_space<hbm>> -> memref<160x128xi32, #tpu.memory_space<hbm>>
      tpu.wait_dma2 semaphore(%run_scoped3A : memref<!tpu.dma_semaphore, #tpu.memory_space<semaphore_mem>>) src(%dma_wait3A_48 : memref<160x128xi32, #tpu.memory_space<hbm>>) dst(%arg7 : memref<160x128xi32, #tpu.memory_space<vmem>>)
      tpu.yield
    }) : () -> ()
    %eq3A = arith.constant 0 : i32
    %eq3A_0 = arith.cmpi eq, %arg0, %eq3A : i32
    %convert_element_type3A = arith.extui %eq3A_0 : i1 to i32
    %cond3A = arith.constant 0 : i32
    %cond3A_1 = arith.cmpi ne, %convert_element_type3A, %cond3A : i32
    scf.if %cond3A_1 {
      "tpu.region"() ({
        %run_scoped3A = tpu.sem_alloc : memref<!tpu.dma_semaphore, #tpu.memory_space<semaphore_mem>>
        %dma_start3A = arith.constant 0 : i32
        %dma_start3A_35 = arith.constant 0 : i32
        %dma_start3A_36 = tpu.memref_slice %arg4[%arg1, %dma_start3A, %dma_start3A_35] : memref<16x160x128xi32, #tpu.memory_space<hbm>> -> memref<1x160x128xi32, #tpu.memory_space<hbm>>
        %dma_start3A_37 = tpu.memref_squeeze %dma_start3A_36 : memref<1x160x128xi32, #tpu.memory_space<hbm>> -> memref<160x128xi32, #tpu.memory_space<hbm>>
        %dma_start3A_38 = arith.constant 0 : i32
        %dma_start3A_39 = arith.constant 0 : i32
        %dma_start3A_40 = tpu.memref_slice %arg4[%arg1, %dma_start3A_38, %dma_start3A_39] : memref<16x160x128xi32, #tpu.memory_space<hbm>> -> memref<1x160x128xi32, #tpu.memory_space<hbm>>
        %dma_start3A_41 = tpu.memref_squeeze %dma_start3A_40 : memref<1x160x128xi32, #tpu.memory_space<hbm>> -> memref<160x128xi32, #tpu.memory_space<hbm>>
        tpu.enqueue_dma source(%dma_start3A_41 : memref<160x128xi32, #tpu.memory_space<hbm>>) target(%arg8 : memref<160x128xi32, #tpu.memory_space<vmem>>) target_semaphore(%run_scoped3A : memref<!tpu.dma_semaphore, #tpu.memory_space<semaphore_mem>>)
        %dma_wait3A = arith.constant 0 : i32
        %dma_wait3A_42 = arith.constant 0 : i32
        %dma_wait3A_43 = tpu.memref_slice %arg4[%arg1, %dma_wait3A, %dma_wait3A_42] : memref<16x160x128xi32, #tpu.memory_space<hbm>> -> memref<1x160x128xi32, #tpu.memory_space<hbm>>
        %dma_wait3A_44 = tpu.memref_squeeze %dma_wait3A_43 : memref<1x160x128xi32, #tpu.memory_space<hbm>> -> memref<160x128xi32, #tpu.memory_space<hbm>>
        %dma_wait3A_45 = arith.constant 0 : i32
        %dma_wait3A_46 = arith.constant 0 : i32
        %dma_wait3A_47 = tpu.memref_slice %arg4[%arg1, %dma_wait3A_45, %dma_wait3A_46] : memref<16x160x128xi32, #tpu.memory_space<hbm>> -> memref<1x160x128xi32, #tpu.memory_space<hbm>>
        %dma_wait3A_48 = tpu.memref_squeeze %dma_wait3A_47 : memref<1x160x128xi32, #tpu.memory_space<hbm>> -> memref<160x128xi32, #tpu.memory_space<hbm>>
        tpu.wait_dma2 semaphore(%run_scoped3A : memref<!tpu.dma_semaphore, #tpu.memory_space<semaphore_mem>>) src(%dma_wait3A_48 : memref<160x128xi32, #tpu.memory_space<hbm>>) dst(%arg8 : memref<160x128xi32, #tpu.memory_space<vmem>>)
        tpu.yield
      }) : () -> ()
    } else {
    }
    %eq3A_2 = arith.constant 1 : i32
    %eq3A_3 = arith.cmpi eq, %arg0, %eq3A_2 : i32
    %convert_element_type3A_4 = arith.extui %eq3A_3 : i1 to i32
    %cond3A_5 = arith.constant 0 : i32
    %cond3A_6 = arith.cmpi ne, %convert_element_type3A_4, %cond3A_5 : i32
    scf.if %cond3A_6 {
      "tpu.region"() ({
        %run_scoped3A = tpu.sem_alloc : memref<!tpu.dma_semaphore, #tpu.memory_space<semaphore_mem>>
        %dma_start3A = arith.constant 0 : i32
        %dma_start3A_35 = arith.constant 0 : i32
        %dma_start3A_36 = tpu.memref_slice %arg5[%arg1, %dma_start3A, %dma_start3A_35] : memref<16x160x128xi32, #tpu.memory_space<hbm>> -> memref<1x160x128xi32, #tpu.memory_space<hbm>>
        %dma_start3A_37 = tpu.memref_squeeze %dma_start3A_36 : memref<1x160x128xi32, #tpu.memory_space<hbm>> -> memref<160x128xi32, #tpu.memory_space<hbm>>
        %dma_start3A_38 = arith.constant 0 : i32
        %dma_start3A_39 = arith.constant 0 : i32
        %dma_start3A_40 = tpu.memref_slice %arg5[%arg1, %dma_start3A_38, %dma_start3A_39] : memref<16x160x128xi32, #tpu.memory_space<hbm>> -> memref<1x160x128xi32, #tpu.memory_space<hbm>>
        %dma_start3A_41 = tpu.memref_squeeze %dma_start3A_40 : memref<1x160x128xi32, #tpu.memory_space<hbm>> -> memref<160x128xi32, #tpu.memory_space<hbm>>
        tpu.enqueue_dma source(%dma_start3A_41 : memref<160x128xi32, #tpu.memory_space<hbm>>) target(%arg8 : memref<160x128xi32, #tpu.memory_space<vmem>>) target_semaphore(%run_scoped3A : memref<!tpu.dma_semaphore, #tpu.memory_space<semaphore_mem>>)
        %dma_wait3A = arith.constant 0 : i32
        %dma_wait3A_42 = arith.constant 0 : i32
        %dma_wait3A_43 = tpu.memref_slice %arg5[%arg1, %dma_wait3A, %dma_wait3A_42] : memref<16x160x128xi32, #tpu.memory_space<hbm>> -> memref<1x160x128xi32, #tpu.memory_space<hbm>>
        %dma_wait3A_44 = tpu.memref_squeeze %dma_wait3A_43 : memref<1x160x128xi32, #tpu.memory_space<hbm>> -> memref<160x128xi32, #tpu.memory_space<hbm>>
        %dma_wait3A_45 = arith.constant 0 : i32
        %dma_wait3A_46 = arith.constant 0 : i32
        %dma_wait3A_47 = tpu.memref_slice %arg5[%arg1, %dma_wait3A_45, %dma_wait3A_46] : memref<16x160x128xi32, #tpu.memory_space<hbm>> -> memref<1x160x128xi32, #tpu.memory_space<hbm>>
        %dma_wait3A_48 = tpu.memref_squeeze %dma_wait3A_47 : memref<1x160x128xi32, #tpu.memory_space<hbm>> -> memref<160x128xi32, #tpu.memory_space<hbm>>
        tpu.wait_dma2 semaphore(%run_scoped3A : memref<!tpu.dma_semaphore, #tpu.memory_space<semaphore_mem>>) src(%dma_wait3A_48 : memref<160x128xi32, #tpu.memory_space<hbm>>) dst(%arg8 : memref<160x128xi32, #tpu.memory_space<vmem>>)
        tpu.yield
      }) : () -> ()
    } else {
    }
    %broadcast_in_dim3A = arith.constant 0.000000e+00 : f32
    %broadcast_in_dim3A_7 = vector.broadcast %broadcast_in_dim3A : f32 to vector<16xf32>
    %scan3A = arith.constant 0 : i32
    %scan3A_8 = arith.constant 128 : i32
    %scan3A_9 = arith.addi %scan3A, %scan3A_8 : i32
    %scan3A_10 = arith.constant 1 : i32
    scf.for %scan3A_35 = %scan3A to %scan3A_9 step %scan3A_10  : i32 {
      %mul3A_36 = arith.constant 1 : i32
      %mul3A_37 = arith.muli %scan3A_35, %mul3A_36 : i32
      %add3A_38 = arith.constant 0 : i32
      %add3A_39 = arith.addi %add3A_38, %mul3A_37 : i32
      %scan3A_40 = arith.constant 0 : i32
      %scan3A_41 = arith.constant 8 : i32
      %scan3A_42 = arith.addi %scan3A_40, %scan3A_41 : i32
      %scan3A_43 = arith.constant 1 : i32
      scf.for %scan3A_45 = %scan3A_40 to %scan3A_42 step %scan3A_43  : i32 {
        %mul3A_46 = arith.constant 1 : i32
        %mul3A_47 = arith.muli %scan3A_45, %mul3A_46 : i32
        %add3A_48 = arith.constant 0 : i32
        %add3A_49 = arith.addi %add3A_48, %mul3A_47 : i32
        %mul3A_50 = arith.constant 16 : i32
        %mul3A_51 = arith.muli %add3A_49, %mul3A_50 : i32
        %swap3A = arith.index_cast %add3A_39 : i32 to index
        %swap3A_52 = arith.index_cast %mul3A_51 : i32 to index
        %swap3A_53 = tpu.vector_load %arg9[%swap3A, %swap3A_52] {strides = array<i32>} : memref<128x128xf32, #tpu.memory_space<vmem>>, vector<1x16xf32>,
        %swap3A_54 = vector.shape_cast %swap3A_53 : vector<1x16xf32> to vector<16xf32>
        %swap3A_55 = vector.shape_cast %broadcast_in_dim3A_7 : vector<16xf32> to vector<1x16xf32>
        tpu.vector_store %arg9[%swap3A, %swap3A_52], %swap3A_55 {strides = array<i32>} : memref<128x128xf32, #tpu.memory_space<vmem>>, vector<1x16xf32>,
      }
      %scan3A_44 = arith.constant 8 : i32
    }
    %scan3A_11 = arith.constant 128 : i32
    %mul3A = arith.constant 336 : i32
    %mul3A_12 = arith.muli %arg1, %mul3A : i32
    %scan3A_13 = arith.constant 0 : i32
    %scan3A_14 = arith.constant 2 : i32
    %scan3A_15 = arith.addi %scan3A_13, %scan3A_14 : i32
    %scan3A_16 = arith.constant 1 : i32
    scf.for %scan3A_35 = %scan3A_13 to %scan3A_15 step %scan3A_16  : i32 {
      %mul3A_36 = arith.constant 1 : i32
      %mul3A_37 = arith.muli %scan3A_35, %mul3A_36 : i32
      %add3A_38 = arith.constant 0 : i32
      %add3A_39 = arith.addi %add3A_38, %mul3A_37 : i32
      %mul3A_40 = arith.constant 128 : i32
      %mul3A_41 = arith.muli %add3A_39, %mul3A_40 : i32
      %add3A_42 = arith.addi %mul3A_12, %mul3A_41 : i32
      "tpu.region"() ({
        %run_scoped3A = tpu.sem_alloc : memref<!tpu.dma_semaphore, #tpu.memory_space<semaphore_mem>>
        %dma_start3A = arith.constant 0 : i32
        %dma_start3A_43 = tpu.memref_slice %arg11[%add3A_42, %dma_start3A] : memref<5376x128xf32, #tpu.memory_space<vmem_shared>> -> memref<128x128xf32, #tpu.memory_space<vmem_shared>>
        %dma_start3A_44 = arith.constant 0 : i32
        %dma_start3A_45 = tpu.memref_slice %arg11[%add3A_42, %dma_start3A_44] : memref<5376x128xf32, #tpu.memory_space<vmem_shared>> -> memref<128x128xf32, #tpu.memory_space<vmem_shared>>
        tpu.enqueue_dma source(%arg9 : memref<128x128xf32, #tpu.memory_space<vmem>>) target(%dma_start3A_45 : memref<128x128xf32, #tpu.memory_space<vmem_shared>>) target_semaphore(%run_scoped3A : memref<!tpu.dma_semaphore, #tpu.memory_space<semaphore_mem>>)
        %dma_wait3A = arith.constant 0 : i32
        %dma_wait3A_46 = tpu.memref_slice %arg11[%add3A_42, %dma_wait3A] : memref<5376x128xf32, #tpu.memory_space<vmem_shared>> -> memref<128x128xf32, #tpu.memory_space<vmem_shared>>
        %dma_wait3A_47 = arith.constant 0 : i32
        %dma_wait3A_48 = tpu.memref_slice %arg11[%add3A_42, %dma_wait3A_47] : memref<5376x128xf32, #tpu.memory_space<vmem_shared>> -> memref<128x128xf32, #tpu.memory_space<vmem_shared>>
        tpu.wait_dma2 semaphore(%run_scoped3A : memref<!tpu.dma_semaphore, #tpu.memory_space<semaphore_mem>>) src(%arg9 : memref<128x128xf32, #tpu.memory_space<vmem>>) dst(%dma_wait3A_48 : memref<128x128xf32, #tpu.memory_space<vmem_shared>>)
        tpu.yield
      }) : () -> ()
    }
    %scan3A_17 = arith.constant 2 : i32
    %add3A = arith.constant 256 : i32
    %add3A_18 = arith.addi %mul3A_12, %add3A : i32
    "tpu.region"() ({
      %run_scoped3A = tpu.sem_alloc : memref<!tpu.dma_semaphore, #tpu.memory_space<semaphore_mem>>
      %dma_start3A = arith.constant 0 : i32
      %dma_start3A_35 = arith.constant 0 : i32
      %dma_start3A_36 = tpu.memref_slice %arg9[%dma_start3A, %dma_start3A_35] : memref<128x128xf32, #tpu.memory_space<vmem>> -> memref<80x128xf32, #tpu.memory_space<vmem>>
      %dma_start3A_37 = arith.constant 0 : i32
      %dma_start3A_38 = tpu.memref_slice %arg11[%add3A_18, %dma_start3A_37] : memref<5376x128xf32, #tpu.memory_space<vmem_shared>> -> memref<80x128xf32, #tpu.memory_space<vmem_shared>>
      %dma_start3A_39 = arith.constant 0 : i32
      %dma_start3A_40 = tpu.memref_slice %arg11[%add3A_18, %dma_start3A_39] : memref<5376x128xf32, #tpu.memory_space<vmem_shared>> -> memref<80x128xf32, #tpu.memory_space<vmem_shared>>
      %dma_start3A_41 = arith.constant 0 : i32
      %dma_start3A_42 = arith.constant 0 : i32
      %dma_start3A_43 = tpu.memref_slice %arg9[%dma_start3A_41, %dma_start3A_42] : memref<128x128xf32, #tpu.memory_space<vmem>> -> memref<80x128xf32, #tpu.memory_space<vmem>>
      tpu.enqueue_dma source(%dma_start3A_43 : memref<80x128xf32, #tpu.memory_space<vmem>>) target(%dma_start3A_40 : memref<80x128xf32, #tpu.memory_space<vmem_shared>>) target_semaphore(%run_scoped3A : memref<!tpu.dma_semaphore, #tpu.memory_space<semaphore_mem>>)
      %dma_wait3A = arith.constant 0 : i32
      %dma_wait3A_44 = arith.constant 0 : i32
      %dma_wait3A_45 = tpu.memref_slice %arg9[%dma_wait3A, %dma_wait3A_44] : memref<128x128xf32, #tpu.memory_space<vmem>> -> memref<80x128xf32, #tpu.memory_space<vmem>>
      %dma_wait3A_46 = arith.constant 0 : i32
      %dma_wait3A_47 = tpu.memref_slice %arg11[%add3A_18, %dma_wait3A_46] : memref<5376x128xf32, #tpu.memory_space<vmem_shared>> -> memref<80x128xf32, #tpu.memory_space<vmem_shared>>
      %dma_wait3A_48 = arith.constant 0 : i32
      %dma_wait3A_49 = tpu.memref_slice %arg11[%add3A_18, %dma_wait3A_48] : memref<5376x128xf32, #tpu.memory_space<vmem_shared>> -> memref<80x128xf32, #tpu.memory_space<vmem_shared>>
      %dma_wait3A_50 = arith.constant 0 : i32
      %dma_wait3A_51 = arith.constant 0 : i32
      %dma_wait3A_52 = tpu.memref_slice %arg9[%dma_wait3A_50, %dma_wait3A_51] : memref<128x128xf32, #tpu.memory_space<vmem>> -> memref<80x128xf32, #tpu.memory_space<vmem>>
      tpu.wait_dma2 semaphore(%run_scoped3A : memref<!tpu.dma_semaphore, #tpu.memory_space<semaphore_mem>>) src(%dma_wait3A_52 : memref<80x128xf32, #tpu.memory_space<vmem>>) dst(%dma_wait3A_49 : memref<80x128xf32, #tpu.memory_space<vmem_shared>>)
      tpu.yield
    }) : () -> ()
    %barrier3A = arith.constant 0 : index
    tpu.barrier barrier_id(%barrier3A)
    %scan3A_19 = arith.constant 0 : i32
    %scan3A_20 = arith.constant 80 : i32
    %scan3A_21 = arith.addi %scan3A_19, %scan3A_20 : i32
    %scan3A_22 = arith.constant 1 : i32
    scf.for %scan3A_35 = %scan3A_19 to %scan3A_21 step %scan3A_22  : i32 {
      %mul3A_36 = arith.constant 2 : i32
      %mul3A_37 = arith.muli %scan3A_35, %mul3A_36 : i32
      %add3A_38 = arith.constant 0 : i32
      %add3A_39 = arith.addi %add3A_38, %mul3A_37 : i32
      %dma_start3A = arith.constant 0 : i32
      %dma_start3A_40 = tpu.memref_slice %arg7[%add3A_39, %dma_start3A] : memref<160x128xi32, #tpu.memory_space<vmem>> -> memref<1x128xi32, #tpu.memory_space<vmem>>
      %dma_start3A_41 = tpu.memref_squeeze %dma_start3A_40 : memref<1x128xi32, #tpu.memory_space<vmem>> -> memref<128xi32, #tpu.memory_space<vmem>>
      %dma_start3A_42 = arith.constant 0 : i32
      %dma_start3A_43 = arith.constant 0 : i32
      %dma_start3A_44 = tpu.memref_slice %arg2[%dma_start3A_42, %dma_start3A_43] : memref<20000x128xf32, #tpu.memory_space<hbm>> -> memref<20000x128xf32, #tpu.memory_space<hbm>>
      tpu.enqueue_indirect_dma source(%dma_start3A_44 : memref<20000x128xf32, #tpu.memory_space<hbm>>) target(%arg9 : memref<128x128xf32, #tpu.memory_space<vmem>>) offsets(%dma_start3A_41 : memref<128xi32, #tpu.memory_space<vmem>>) semaphore(%arg12 : memref<!tpu.dma_semaphore, #tpu.memory_space<semaphore_mem>>)
      %add3A_45 = arith.constant 1 : i32
      %add3A_46 = arith.addi %add3A_39, %add3A_45 : i32
      %dma_start3A_47 = arith.constant 0 : i32
      %dma_start3A_48 = tpu.memref_slice %arg7[%add3A_46, %dma_start3A_47] : memref<160x128xi32, #tpu.memory_space<vmem>> -> memref<1x128xi32, #tpu.memory_space<vmem>>
      %dma_start3A_49 = tpu.memref_squeeze %dma_start3A_48 : memref<1x128xi32, #tpu.memory_space<vmem>> -> memref<128xi32, #tpu.memory_space<vmem>>
      %dma_start3A_50 = arith.constant 0 : i32
      %dma_start3A_51 = arith.constant 0 : i32
      %dma_start3A_52 = tpu.memref_slice %arg2[%dma_start3A_50, %dma_start3A_51] : memref<20000x128xf32, #tpu.memory_space<hbm>> -> memref<20000x128xf32, #tpu.memory_space<hbm>>
      tpu.enqueue_indirect_dma source(%dma_start3A_52 : memref<20000x128xf32, #tpu.memory_space<hbm>>) target(%arg10 : memref<128x128xf32, #tpu.memory_space<vmem>>) offsets(%dma_start3A_49 : memref<128xi32, #tpu.memory_space<vmem>>) semaphore(%arg13 : memref<!tpu.dma_semaphore, #tpu.memory_space<semaphore_mem>>)
      %dma_wait3A = arith.constant 0 : i32
      %dma_wait3A_53 = tpu.memref_slice %arg7[%add3A_39, %dma_wait3A] : memref<160x128xi32, #tpu.memory_space<vmem>> -> memref<1x128xi32, #tpu.memory_space<vmem>>
      %dma_wait3A_54 = tpu.memref_squeeze %dma_wait3A_53 : memref<1x128xi32, #tpu.memory_space<vmem>> -> memref<128xi32, #tpu.memory_space<vmem>>
      %dma_wait3A_55 = arith.constant 0 : i32
      %dma_wait3A_56 = arith.constant 0 : i32
      %dma_wait3A_57 = tpu.memref_slice %arg2[%dma_wait3A_55, %dma_wait3A_56] : memref<20000x128xf32, #tpu.memory_space<hbm>> -> memref<20000x128xf32, #tpu.memory_space<hbm>>
      tpu.wait_indirect_dma semaphore(%arg12 : memref<!tpu.dma_semaphore, #tpu.memory_space<semaphore_mem>>) src(%dma_wait3A_57 : memref<20000x128xf32, #tpu.memory_space<hbm>>) dst(%arg9 : memref<128x128xf32, #tpu.memory_space<vmem>>)
      "tpu.region"() ({
        %run_scoped3A = tpu.sem_alloc : memref<!tpu.dma_semaphore, #tpu.memory_space<semaphore_mem>>
        %dma_start3A_66 = arith.constant 0 : i32
        %dma_start3A_67 = tpu.memref_slice %arg8[%add3A_39, %dma_start3A_66] : memref<160x128xi32, #tpu.memory_space<vmem>> -> memref<1x128xi32, #tpu.memory_space<vmem>>
        %dma_start3A_68 = tpu.memref_squeeze %dma_start3A_67 : memref<1x128xi32, #tpu.memory_space<vmem>> -> memref<128xi32, #tpu.memory_space<vmem>>
        %dma_start3A_69 = arith.constant 0 : i32
        %dma_start3A_70 = arith.constant 0 : i32
        %dma_start3A_71 = tpu.memref_slice %arg11[%dma_start3A_69, %dma_start3A_70] : memref<5376x128xf32, #tpu.memory_space<vmem_shared>> -> memref<5376x128xf32, #tpu.memory_space<vmem_shared>>
        tpu.enqueue_indirect_dma source(%arg9 : memref<128x128xf32, #tpu.memory_space<vmem>>) target(%dma_start3A_71 : memref<5376x128xf32, #tpu.memory_space<vmem_shared>>) offsets(%dma_start3A_68 : memref<128xi32, #tpu.memory_space<vmem>>) semaphore(%run_scoped3A : memref<!tpu.dma_semaphore, #tpu.memory_space<semaphore_mem>>) {add = true}
        %dma_wait3A_72 = arith.constant 0 : i32
        %dma_wait3A_73 = tpu.memref_slice %arg8[%add3A_39, %dma_wait3A_72] : memref<160x128xi32, #tpu.memory_space<vmem>> -> memref<1x128xi32, #tpu.memory_space<vmem>>
        %dma_wait3A_74 = tpu.memref_squeeze %dma_wait3A_73 : memref<1x128xi32, #tpu.memory_space<vmem>> -> memref<128xi32, #tpu.memory_space<vmem>>
        %dma_wait3A_75 = arith.constant 0 : i32
        %dma_wait3A_76 = arith.constant 0 : i32
        %dma_wait3A_77 = tpu.memref_slice %arg11[%dma_wait3A_75, %dma_wait3A_76] : memref<5376x128xf32, #tpu.memory_space<vmem_shared>> -> memref<5376x128xf32, #tpu.memory_space<vmem_shared>>
        tpu.wait_indirect_dma semaphore(%run_scoped3A : memref<!tpu.dma_semaphore, #tpu.memory_space<semaphore_mem>>) src(%arg9 : memref<128x128xf32, #tpu.memory_space<vmem>>) dst(%dma_wait3A_77 : memref<5376x128xf32, #tpu.memory_space<vmem_shared>>)
        tpu.yield
      }) : () -> ()
      %dma_wait3A_58 = arith.constant 0 : i32
      %dma_wait3A_59 = tpu.memref_slice %arg7[%add3A_46, %dma_wait3A_58] : memref<160x128xi32, #tpu.memory_space<vmem>> -> memref<1x128xi32, #tpu.memory_space<vmem>>
      %dma_wait3A_60 = tpu.memref_squeeze %dma_wait3A_59 : memref<1x128xi32, #tpu.memory_space<vmem>> -> memref<128xi32, #tpu.memory_space<vmem>>
      %dma_wait3A_61 = arith.constant 0 : i32
      %dma_wait3A_62 = arith.constant 0 : i32
      %dma_wait3A_63 = tpu.memref_slice %arg2[%dma_wait3A_61, %dma_wait3A_62] : memref<20000x128xf32, #tpu.memory_space<hbm>> -> memref<20000x128xf32, #tpu.memory_space<hbm>>
      tpu.wait_indirect_dma semaphore(%arg13 : memref<!tpu.dma_semaphore, #tpu.memory_space<semaphore_mem>>) src(%dma_wait3A_63 : memref<20000x128xf32, #tpu.memory_space<hbm>>) dst(%arg10 : memref<128x128xf32, #tpu.memory_space<vmem>>)
      %add3A_64 = arith.constant 1 : i32
      %add3A_65 = arith.addi %add3A_39, %add3A_64 : i32
      "tpu.region"() ({
        %run_scoped3A = tpu.sem_alloc : memref<!tpu.dma_semaphore, #tpu.memory_space<semaphore_mem>>
        %dma_start3A_66 = arith.constant 0 : i32
        %dma_start3A_67 = tpu.memref_slice %arg8[%add3A_65, %dma_start3A_66] : memref<160x128xi32, #tpu.memory_space<vmem>> -> memref<1x128xi32, #tpu.memory_space<vmem>>
        %dma_start3A_68 = tpu.memref_squeeze %dma_start3A_67 : memref<1x128xi32, #tpu.memory_space<vmem>> -> memref<128xi32, #tpu.memory_space<vmem>>
        %dma_start3A_69 = arith.constant 0 : i32
        %dma_start3A_70 = arith.constant 0 : i32
        %dma_start3A_71 = tpu.memref_slice %arg11[%dma_start3A_69, %dma_start3A_70] : memref<5376x128xf32, #tpu.memory_space<vmem_shared>> -> memref<5376x128xf32, #tpu.memory_space<vmem_shared>>
        tpu.enqueue_indirect_dma source(%arg10 : memref<128x128xf32, #tpu.memory_space<vmem>>) target(%dma_start3A_71 : memref<5376x128xf32, #tpu.memory_space<vmem_shared>>) offsets(%dma_start3A_68 : memref<128xi32, #tpu.memory_space<vmem>>) semaphore(%run_scoped3A : memref<!tpu.dma_semaphore, #tpu.memory_space<semaphore_mem>>) {add = true}
        %dma_wait3A_72 = arith.constant 0 : i32
        %dma_wait3A_73 = tpu.memref_slice %arg8[%add3A_65, %dma_wait3A_72] : memref<160x128xi32, #tpu.memory_space<vmem>> -> memref<1x128xi32, #tpu.memory_space<vmem>>
        %dma_wait3A_74 = tpu.memref_squeeze %dma_wait3A_73 : memref<1x128xi32, #tpu.memory_space<vmem>> -> memref<128xi32, #tpu.memory_space<vmem>>
        %dma_wait3A_75 = arith.constant 0 : i32
        %dma_wait3A_76 = arith.constant 0 : i32
        %dma_wait3A_77 = tpu.memref_slice %arg11[%dma_wait3A_75, %dma_wait3A_76] : memref<5376x128xf32, #tpu.memory_space<vmem_shared>> -> memref<5376x128xf32, #tpu.memory_space<vmem_shared>>
        tpu.wait_indirect_dma semaphore(%run_scoped3A : memref<!tpu.dma_semaphore, #tpu.memory_space<semaphore_mem>>) src(%arg10 : memref<128x128xf32, #tpu.memory_space<vmem>>) dst(%dma_wait3A_77 : memref<5376x128xf32, #tpu.memory_space<vmem_shared>>)
        tpu.yield
      }) : () -> ()
    }
    %scan3A_23 = arith.constant 80 : i32
    %barrier3A_24 = arith.constant 0 : index
    tpu.barrier barrier_id(%barrier3A_24)
    %eq3A_25 = arith.constant 0 : i32
    %eq3A_26 = arith.cmpi eq, %arg0, %eq3A_25 : i32
    %convert_element_type3A_27 = arith.extui %eq3A_26 : i1 to i32
    %cond3A_28 = arith.constant 0 : i32
    %cond3A_29 = arith.cmpi ne, %convert_element_type3A_27, %cond3A_28 : i32
    scf.if %cond3A_29 {
      %mul3A_35 = arith.constant 320 : i32
      %mul3A_36 = arith.muli %arg1, %mul3A_35 : i32
      %mul3A_37 = arith.constant 320 : i32
      %mul3A_38 = arith.muli %arg1, %mul3A_37 : i32
      "tpu.region"() ({
        %run_scoped3A = tpu.sem_alloc : memref<!tpu.dma_semaphore, #tpu.memory_space<semaphore_mem>>
        %dma_start3A = arith.constant 0 : i32
        %dma_start3A_39 = tpu.memref_slice %arg6[%mul3A_38, %dma_start3A] : memref<10000x128xf32, #tpu.memory_space<hbm>> -> memref<320x128xf32, #tpu.memory_space<hbm>>
        %dma_start3A_40 = arith.constant 0 : i32
        %dma_start3A_41 = tpu.memref_slice %arg11[%mul3A_36, %dma_start3A_40] : memref<5376x128xf32, #tpu.memory_space<vmem_shared>> -> memref<320x128xf32, #tpu.memory_space<vmem_shared>>
        tpu.enqueue_dma source(%dma_start3A_41 : memref<320x128xf32, #tpu.memory_space<vmem_shared>>) target(%dma_start3A_39 : memref<320x128xf32, #tpu.memory_space<hbm>>) target_semaphore(%run_scoped3A : memref<!tpu.dma_semaphore, #tpu.memory_space<semaphore_mem>>)
        %dma_wait3A = arith.constant 0 : i32
        %dma_wait3A_42 = tpu.memref_slice %arg6[%mul3A_38, %dma_wait3A] : memref<10000x128xf32, #tpu.memory_space<hbm>> -> memref<320x128xf32, #tpu.memory_space<hbm>>
        %dma_wait3A_43 = arith.constant 0 : i32
        %dma_wait3A_44 = tpu.memref_slice %arg11[%mul3A_36, %dma_wait3A_43] : memref<5376x128xf32, #tpu.memory_space<vmem_shared>> -> memref<320x128xf32, #tpu.memory_space<vmem_shared>>
        tpu.wait_dma2 semaphore(%run_scoped3A : memref<!tpu.dma_semaphore, #tpu.memory_space<semaphore_mem>>) src(%dma_wait3A_44 : memref<320x128xf32, #tpu.memory_space<vmem_shared>>) dst(%dma_wait3A_42 : memref<320x128xf32, #tpu.memory_space<hbm>>)
        tpu.yield
      }) : () -> ()
    } else {
    }
    %eq3A_30 = arith.constant 1 : i32
    %eq3A_31 = arith.cmpi eq, %arg0, %eq3A_30 : i32
    %convert_element_type3A_32 = arith.extui %eq3A_31 : i1 to i32
    %cond3A_33 = arith.constant 0 : i32
    %cond3A_34 = arith.cmpi ne, %convert_element_type3A_32, %cond3A_33 : i32
    scf.if %cond3A_34 {
      %mul3A_35 = arith.constant 304 : i32
      %mul3A_36 = arith.muli %arg1, %mul3A_35 : i32
      %mul3A_37 = arith.constant 304 : i32
      %mul3A_38 = arith.muli %arg1, %mul3A_37 : i32
      %add3A_39 = arith.constant 5120 : i32
      %add3A_40 = arith.addi %add3A_39, %mul3A_38 : i32
      "tpu.region"() ({
        %run_scoped3A = tpu.sem_alloc : memref<!tpu.dma_semaphore, #tpu.memory_space<semaphore_mem>>
        %dma_start3A = arith.constant 0 : i32
        %dma_start3A_46 = tpu.memref_slice %arg6[%add3A_40, %dma_start3A] : memref<10000x128xf32, #tpu.memory_space<hbm>> -> memref<304x128xf32, #tpu.memory_space<hbm>>
        %dma_start3A_47 = arith.constant 0 : i32
        %dma_start3A_48 = tpu.memref_slice %arg11[%mul3A_36, %dma_start3A_47] : memref<5376x128xf32, #tpu.memory_space<vmem_shared>> -> memref<304x128xf32, #tpu.memory_space<vmem_shared>>
        tpu.enqueue_dma source(%dma_start3A_48 : memref<304x128xf32, #tpu.memory_space<vmem_shared>>) target(%dma_start3A_46 : memref<304x128xf32, #tpu.memory_space<hbm>>) target_semaphore(%run_scoped3A : memref<!tpu.dma_semaphore, #tpu.memory_space<semaphore_mem>>)
        %dma_wait3A = arith.constant 0 : i32
        %dma_wait3A_49 = tpu.memref_slice %arg6[%add3A_40, %dma_wait3A] : memref<10000x128xf32, #tpu.memory_space<hbm>> -> memref<304x128xf32, #tpu.memory_space<hbm>>
        %dma_wait3A_50 = arith.constant 0 : i32
        %dma_wait3A_51 = tpu.memref_slice %arg11[%mul3A_36, %dma_wait3A_50] : memref<5376x128xf32, #tpu.memory_space<vmem_shared>> -> memref<304x128xf32, #tpu.memory_space<vmem_shared>>
        tpu.wait_dma2 semaphore(%run_scoped3A : memref<!tpu.dma_semaphore, #tpu.memory_space<semaphore_mem>>) src(%dma_wait3A_51 : memref<304x128xf32, #tpu.memory_space<vmem_shared>>) dst(%dma_wait3A_49 : memref<304x128xf32, #tpu.memory_space<hbm>>)
        tpu.yield
      }) : () -> ()
      %eq3A_41 = arith.constant 15 : i32
      %eq3A_42 = arith.cmpi eq, %arg1, %eq3A_41 : i32
      %convert_element_type3A_43 = arith.extui %eq3A_42 : i1 to i32
      %cond3A_44 = arith.constant 0 : i32
      %cond3A_45 = arith.cmpi ne, %convert_element_type3A_43, %cond3A_44 : i32
      scf.if %cond3A_45 {
        "tpu.region"() ({
          %run_scoped3A = tpu.sem_alloc : memref<!tpu.dma_semaphore, #tpu.memory_space<semaphore_mem>>
          %dma_start3A = arith.constant 9984 : i32
          %dma_start3A_46 = arith.constant 0 : i32
          %dma_start3A_47 = tpu.memref_slice %arg6[%dma_start3A, %dma_start3A_46] : memref<10000x128xf32, #tpu.memory_space<hbm>> -> memref<16x128xf32, #tpu.memory_space<hbm>>
          %dma_start3A_48 = arith.constant 4864 : i32
          %dma_start3A_49 = arith.constant 0 : i32
          %dma_start3A_50 = tpu.memref_slice %arg11[%dma_start3A_48, %dma_start3A_49] : memref<5376x128xf32, #tpu.memory_space<vmem_shared>> -> memref<16x128xf32, #tpu.memory_space<vmem_shared>>
          tpu.enqueue_dma source(%dma_start3A_50 : memref<16x128xf32, #tpu.memory_space<vmem_shared>>) target(%dma_start3A_47 : memref<16x128xf32, #tpu.memory_space<hbm>>) target_semaphore(%run_scoped3A : memref<!tpu.dma_semaphore, #tpu.memory_space<semaphore_mem>>)
          %dma_wait3A = arith.constant 9984 : i32
          %dma_wait3A_51 = arith.constant 0 : i32
          %dma_wait3A_52 = tpu.memref_slice %arg6[%dma_wait3A, %dma_wait3A_51] : memref<10000x128xf32, #tpu.memory_space<hbm>> -> memref<16x128xf32, #tpu.memory_space<hbm>>
          %dma_wait3A_53 = arith.constant 4864 : i32
          %dma_wait3A_54 = arith.constant 0 : i32
          %dma_wait3A_55 = tpu.memref_slice %arg11[%dma_wait3A_53, %dma_wait3A_54] : memref<5376x128xf32, #tpu.memory_space<vmem_shared>> -> memref<16x128xf32, #tpu.memory_space<vmem_shared>>
          tpu.wait_dma2 semaphore(%run_scoped3A : memref<!tpu.dma_semaphore, #tpu.memory_space<semaphore_mem>>) src(%dma_wait3A_55 : memref<16x128xf32, #tpu.memory_space<vmem_shared>>) dst(%dma_wait3A_52 : memref<16x128xf32, #tpu.memory_space<hbm>>)
          tpu.yield
        }) : () -> ()
      } else {
      }
    } else {
    }
    return
  }
}

#map = affine_map<(d0, d1) -> (0, 0)>
#map1 = affine_map<(d0, d1) -> (0, 0, 0)>
module attributes {stable_mosaic.version = 14 : i64} {
  func.func @seg(%arg0: i32, %arg1: i32, %arg2: memref<20000x128xf32, #tpu.memory_space<hbm>>, %arg3: memref<16x160x128xi32, #tpu.memory_space<hbm>>, %arg4: memref<16x160x128xi32, #tpu.memory_space<hbm>>, %arg5: memref<16x160x128xi32, #tpu.memory_space<hbm>>, %arg6: memref<10000x128xf32, #tpu.memory_space<hbm>>, %arg7: memref<160x128xi32, #tpu.memory_space<vmem>>, %arg8: memref<160x128xi32, #tpu.memory_space<vmem>>, %arg9: memref<128x128xf32, #tpu.memory_space<vmem>>, %arg10: memref<128x128xf32, #tpu.memory_space<vmem>>, %arg11: memref<5376x128xf32, #tpu.memory_space<vmem_shared>>, %arg12: memref<!tpu.dma_semaphore, #tpu.memory_space<semaphore_mem>>, %arg13: memref<!tpu.dma_semaphore, #tpu.memory_space<semaphore_mem>>) attributes {dimension_semantics = [#tpu.dimension_semantics<core_parallel>, #tpu.dimension_semantics<subcore_parallel>], iteration_bounds = array<i64: 2, 16>, scalar_prefetch = 0 : i64, scratch_operands = 7 : i64, tpu.core_type = #tpu.core_type<sc_vector_subcore>, window_params = [{transform_indices = #map}, {transform_indices = #map1}, {transform_indices = #map1}, {transform_indices = #map1}, {transform_indices = #map}]} {
    "tpu.region"() ({
      %run_scoped3A = tpu.sem_alloc : memref<!tpu.dma_semaphore, #tpu.memory_space<semaphore_mem>>
      %dma_start3A = arith.constant 0 : i32
      %dma_start3A_35 = arith.constant 0 : i32
      %dma_start3A_36 = tpu.memref_slice %arg3[%arg1, %dma_start3A, %dma_start3A_35] : memref<16x160x128xi32, #tpu.memory_space<hbm>> -> memref<1x160x128xi32, #tpu.memory_space<hbm>>
      %dma_start3A_37 = tpu.memref_squeeze %dma_start3A_36 : memref<1x160x128xi32, #tpu.memory_space<hbm>> -> memref<160x128xi32, #tpu.memory_space<hbm>>
      %dma_start3A_38 = arith.constant 0 : i32
      %dma_start3A_39 = arith.constant 0 : i32
      %dma_start3A_40 = tpu.memref_slice %arg3[%arg1, %dma_start3A_38, %dma_start3A_39] : memref<16x160x128xi32, #tpu.memory_space<hbm>> -> memref<1x160x128xi32, #tpu.memory_space<hbm>>
      %dma_start3A_41 = tpu.memref_squeeze %dma_start3A_40 : memref<1x160x128xi32, #tpu.memory_space<hbm>> -> memref<160x128xi32, #tpu.memory_space<hbm>>
      tpu.enqueue_dma source(%dma_start3A_41 : memref<160x128xi32, #tpu.memory_space<hbm>>) target(%arg7 : memref<160x128xi32, #tpu.memory_space<vmem>>) target_semaphore(%run_scoped3A : memref<!tpu.dma_semaphore, #tpu.memory_space<semaphore_mem>>)
      %dma_wait3A = arith.constant 0 : i32
      %dma_wait3A_42 = arith.constant 0 : i32
      %dma_wait3A_43 = tpu.memref_slice %arg3[%arg1, %dma_wait3A, %dma_wait3A_42] : memref<16x160x128xi32, #tpu.memory_space<hbm>> -> memref<1x160x128xi32, #tpu.memory_space<hbm>>
      %dma_wait3A_44 = tpu.memref_squeeze %dma_wait3A_43 : memref<1x160x128xi32, #tpu.memory_space<hbm>> -> memref<160x128xi32, #tpu.memory_space<hbm>>
      %dma_wait3A_45 = arith.constant 0 : i32
      %dma_wait3A_46 = arith.constant 0 : i32
      %dma_wait3A_47 = tpu.memref_slice %arg3[%arg1, %dma_wait3A_45, %dma_wait3A_46] : memref<16x160x128xi32, #tpu.memory_space<hbm>> -> memref<1x160x128xi32, #tpu.memory_space<hbm>>
      %dma_wait3A_48 = tpu.memref_squeeze %dma_wait3A_47 : memref<1x160x128xi32, #tpu.memory_space<hbm>> -> memref<160x128xi32, #tpu.memory_space<hbm>>
      tpu.wait_dma2 semaphore(%run_scoped3A : memref<!tpu.dma_semaphore, #tpu.memory_space<semaphore_mem>>) src(%dma_wait3A_48 : memref<160x128xi32, #tpu.memory_space<hbm>>) dst(%arg7 : memref<160x128xi32, #tpu.memory_space<vmem>>)
      tpu.yield
    }) : () -> ()
    %eq3A = arith.constant 0 : i32
    %eq3A_0 = arith.cmpi eq, %arg0, %eq3A : i32
    %convert_element_type3A = arith.extui %eq3A_0 : i1 to i32
    %cond3A = arith.constant 0 : i32
    %cond3A_1 = arith.cmpi ne, %convert_element_type3A, %cond3A : i32
    scf.if %cond3A_1 {
      "tpu.region"() ({
        %run_scoped3A = tpu.sem_alloc : memref<!tpu.dma_semaphore, #tpu.memory_space<semaphore_mem>>
        %dma_start3A = arith.constant 0 : i32
        %dma_start3A_35 = arith.constant 0 : i32
        %dma_start3A_36 = tpu.memref_slice %arg4[%arg1, %dma_start3A, %dma_start3A_35] : memref<16x160x128xi32, #tpu.memory_space<hbm>> -> memref<1x160x128xi32, #tpu.memory_space<hbm>>
        %dma_start3A_37 = tpu.memref_squeeze %dma_start3A_36 : memref<1x160x128xi32, #tpu.memory_space<hbm>> -> memref<160x128xi32, #tpu.memory_space<hbm>>
        %dma_start3A_38 = arith.constant 0 : i32
        %dma_start3A_39 = arith.constant 0 : i32
        %dma_start3A_40 = tpu.memref_slice %arg4[%arg1, %dma_start3A_38, %dma_start3A_39] : memref<16x160x128xi32, #tpu.memory_space<hbm>> -> memref<1x160x128xi32, #tpu.memory_space<hbm>>
        %dma_start3A_41 = tpu.memref_squeeze %dma_start3A_40 : memref<1x160x128xi32, #tpu.memory_space<hbm>> -> memref<160x128xi32, #tpu.memory_space<hbm>>
        tpu.enqueue_dma source(%dma_start3A_41 : memref<160x128xi32, #tpu.memory_space<hbm>>) target(%arg8 : memref<160x128xi32, #tpu.memory_space<vmem>>) target_semaphore(%run_scoped3A : memref<!tpu.dma_semaphore, #tpu.memory_space<semaphore_mem>>)
        %dma_wait3A = arith.constant 0 : i32
        %dma_wait3A_42 = arith.constant 0 : i32
        %dma_wait3A_43 = tpu.memref_slice %arg4[%arg1, %dma_wait3A, %dma_wait3A_42] : memref<16x160x128xi32, #tpu.memory_space<hbm>> -> memref<1x160x128xi32, #tpu.memory_space<hbm>>
        %dma_wait3A_44 = tpu.memref_squeeze %dma_wait3A_43 : memref<1x160x128xi32, #tpu.memory_space<hbm>> -> memref<160x128xi32, #tpu.memory_space<hbm>>
        %dma_wait3A_45 = arith.constant 0 : i32
        %dma_wait3A_46 = arith.constant 0 : i32
        %dma_wait3A_47 = tpu.memref_slice %arg4[%arg1, %dma_wait3A_45, %dma_wait3A_46] : memref<16x160x128xi32, #tpu.memory_space<hbm>> -> memref<1x160x128xi32, #tpu.memory_space<hbm>>
        %dma_wait3A_48 = tpu.memref_squeeze %dma_wait3A_47 : memref<1x160x128xi32, #tpu.memory_space<hbm>> -> memref<160x128xi32, #tpu.memory_space<hbm>>
        tpu.wait_dma2 semaphore(%run_scoped3A : memref<!tpu.dma_semaphore, #tpu.memory_space<semaphore_mem>>) src(%dma_wait3A_48 : memref<160x128xi32, #tpu.memory_space<hbm>>) dst(%arg8 : memref<160x128xi32, #tpu.memory_space<vmem>>)
        tpu.yield
      }) : () -> ()
    } else {
    }
    %eq3A_2 = arith.constant 1 : i32
    %eq3A_3 = arith.cmpi eq, %arg0, %eq3A_2 : i32
    %convert_element_type3A_4 = arith.extui %eq3A_3 : i1 to i32
    %cond3A_5 = arith.constant 0 : i32
    %cond3A_6 = arith.cmpi ne, %convert_element_type3A_4, %cond3A_5 : i32
    scf.if %cond3A_6 {
      "tpu.region"() ({
        %run_scoped3A = tpu.sem_alloc : memref<!tpu.dma_semaphore, #tpu.memory_space<semaphore_mem>>
        %dma_start3A = arith.constant 0 : i32
        %dma_start3A_35 = arith.constant 0 : i32
        %dma_start3A_36 = tpu.memref_slice %arg5[%arg1, %dma_start3A, %dma_start3A_35] : memref<16x160x128xi32, #tpu.memory_space<hbm>> -> memref<1x160x128xi32, #tpu.memory_space<hbm>>
        %dma_start3A_37 = tpu.memref_squeeze %dma_start3A_36 : memref<1x160x128xi32, #tpu.memory_space<hbm>> -> memref<160x128xi32, #tpu.memory_space<hbm>>
        %dma_start3A_38 = arith.constant 0 : i32
        %dma_start3A_39 = arith.constant 0 : i32
        %dma_start3A_40 = tpu.memref_slice %arg5[%arg1, %dma_start3A_38, %dma_start3A_39] : memref<16x160x128xi32, #tpu.memory_space<hbm>> -> memref<1x160x128xi32, #tpu.memory_space<hbm>>
        %dma_start3A_41 = tpu.memref_squeeze %dma_start3A_40 : memref<1x160x128xi32, #tpu.memory_space<hbm>> -> memref<160x128xi32, #tpu.memory_space<hbm>>
        tpu.enqueue_dma source(%dma_start3A_41 : memref<160x128xi32, #tpu.memory_space<hbm>>) target(%arg8 : memref<160x128xi32, #tpu.memory_space<vmem>>) target_semaphore(%run_scoped3A : memref<!tpu.dma_semaphore, #tpu.memory_space<semaphore_mem>>)
        %dma_wait3A = arith.constant 0 : i32
        %dma_wait3A_42 = arith.constant 0 : i32
        %dma_wait3A_43 = tpu.memref_slice %arg5[%arg1, %dma_wait3A, %dma_wait3A_42] : memref<16x160x128xi32, #tpu.memory_space<hbm>> -> memref<1x160x128xi32, #tpu.memory_space<hbm>>
        %dma_wait3A_44 = tpu.memref_squeeze %dma_wait3A_43 : memref<1x160x128xi32, #tpu.memory_space<hbm>> -> memref<160x128xi32, #tpu.memory_space<hbm>>
        %dma_wait3A_45 = arith.constant 0 : i32
        %dma_wait3A_46 = arith.constant 0 : i32
        %dma_wait3A_47 = tpu.memref_slice %arg5[%arg1, %dma_wait3A_45, %dma_wait3A_46] : memref<16x160x128xi32, #tpu.memory_space<hbm>> -> memref<1x160x128xi32, #tpu.memory_space<hbm>>
        %dma_wait3A_48 = tpu.memref_squeeze %dma_wait3A_47 : memref<1x160x128xi32, #tpu.memory_space<hbm>> -> memref<160x128xi32, #tpu.memory_space<hbm>>
        tpu.wait_dma2 semaphore(%run_scoped3A : memref<!tpu.dma_semaphore, #tpu.memory_space<semaphore_mem>>) src(%dma_wait3A_48 : memref<160x128xi32, #tpu.memory_space<hbm>>) dst(%arg8 : memref<160x128xi32, #tpu.memory_space<vmem>>)
        tpu.yield
      }) : () -> ()
    } else {
    }
    %broadcast_in_dim3A = arith.constant 0.000000e+00 : f32
    %broadcast_in_dim3A_7 = vector.broadcast %broadcast_in_dim3A : f32 to vector<16xf32>
    %scan3A = arith.constant 0 : i32
    %scan3A_8 = arith.constant 128 : i32
    %scan3A_9 = arith.addi %scan3A, %scan3A_8 : i32
    %scan3A_10 = arith.constant 1 : i32
    scf.for %scan3A_35 = %scan3A to %scan3A_9 step %scan3A_10  : i32 {
      %mul3A_36 = arith.constant 1 : i32
      %mul3A_37 = arith.muli %scan3A_35, %mul3A_36 : i32
      %add3A_38 = arith.constant 0 : i32
      %add3A_39 = arith.addi %add3A_38, %mul3A_37 : i32
      %scan3A_40 = arith.constant 0 : i32
      %scan3A_41 = arith.constant 8 : i32
      %scan3A_42 = arith.addi %scan3A_40, %scan3A_41 : i32
      %scan3A_43 = arith.constant 1 : i32
      scf.for %scan3A_45 = %scan3A_40 to %scan3A_42 step %scan3A_43  : i32 {
        %mul3A_46 = arith.constant 1 : i32
        %mul3A_47 = arith.muli %scan3A_45, %mul3A_46 : i32
        %add3A_48 = arith.constant 0 : i32
        %add3A_49 = arith.addi %add3A_48, %mul3A_47 : i32
        %mul3A_50 = arith.constant 16 : i32
        %mul3A_51 = arith.muli %add3A_49, %mul3A_50 : i32
        %swap3A = arith.index_cast %add3A_39 : i32 to index
        %swap3A_52 = arith.index_cast %mul3A_51 : i32 to index
        %swap3A_53 = tpu.vector_load %arg9[%swap3A, %swap3A_52] {strides = array<i32>} : memref<128x128xf32, #tpu.memory_space<vmem>>, vector<1x16xf32>,
        %swap3A_54 = vector.shape_cast %swap3A_53 : vector<1x16xf32> to vector<16xf32>
        %swap3A_55 = vector.shape_cast %broadcast_in_dim3A_7 : vector<16xf32> to vector<1x16xf32>
        tpu.vector_store %arg9[%swap3A, %swap3A_52], %swap3A_55 {strides = array<i32>} : memref<128x128xf32, #tpu.memory_space<vmem>>, vector<1x16xf32>,
      }
      %scan3A_44 = arith.constant 8 : i32
    }
    %scan3A_11 = arith.constant 128 : i32
    %mul3A = arith.constant 336 : i32
    %mul3A_12 = arith.muli %arg1, %mul3A : i32
    %scan3A_13 = arith.constant 0 : i32
    %scan3A_14 = arith.constant 2 : i32
    %scan3A_15 = arith.addi %scan3A_13, %scan3A_14 : i32
    %scan3A_16 = arith.constant 1 : i32
    scf.for %scan3A_35 = %scan3A_13 to %scan3A_15 step %scan3A_16  : i32 {
      %mul3A_36 = arith.constant 1 : i32
      %mul3A_37 = arith.muli %scan3A_35, %mul3A_36 : i32
      %add3A_38 = arith.constant 0 : i32
      %add3A_39 = arith.addi %add3A_38, %mul3A_37 : i32
      %mul3A_40 = arith.constant 128 : i32
      %mul3A_41 = arith.muli %add3A_39, %mul3A_40 : i32
      %add3A_42 = arith.addi %mul3A_12, %mul3A_41 : i32
      "tpu.region"() ({
        %run_scoped3A = tpu.sem_alloc : memref<!tpu.dma_semaphore, #tpu.memory_space<semaphore_mem>>
        %dma_start3A = arith.constant 0 : i32
        %dma_start3A_43 = tpu.memref_slice %arg11[%add3A_42, %dma_start3A] : memref<5376x128xf32, #tpu.memory_space<vmem_shared>> -> memref<128x128xf32, #tpu.memory_space<vmem_shared>>
        %dma_start3A_44 = arith.constant 0 : i32
        %dma_start3A_45 = tpu.memref_slice %arg11[%add3A_42, %dma_start3A_44] : memref<5376x128xf32, #tpu.memory_space<vmem_shared>> -> memref<128x128xf32, #tpu.memory_space<vmem_shared>>
        tpu.enqueue_dma source(%arg9 : memref<128x128xf32, #tpu.memory_space<vmem>>) target(%dma_start3A_45 : memref<128x128xf32, #tpu.memory_space<vmem_shared>>) target_semaphore(%run_scoped3A : memref<!tpu.dma_semaphore, #tpu.memory_space<semaphore_mem>>)
        %dma_wait3A = arith.constant 0 : i32
        %dma_wait3A_46 = tpu.memref_slice %arg11[%add3A_42, %dma_wait3A] : memref<5376x128xf32, #tpu.memory_space<vmem_shared>> -> memref<128x128xf32, #tpu.memory_space<vmem_shared>>
        %dma_wait3A_47 = arith.constant 0 : i32
        %dma_wait3A_48 = tpu.memref_slice %arg11[%add3A_42, %dma_wait3A_47] : memref<5376x128xf32, #tpu.memory_space<vmem_shared>> -> memref<128x128xf32, #tpu.memory_space<vmem_shared>>
        tpu.wait_dma2 semaphore(%run_scoped3A : memref<!tpu.dma_semaphore, #tpu.memory_space<semaphore_mem>>) src(%arg9 : memref<128x128xf32, #tpu.memory_space<vmem>>) dst(%dma_wait3A_48 : memref<128x128xf32, #tpu.memory_space<vmem_shared>>)
        tpu.yield
      }) : () -> ()
    }
    %scan3A_17 = arith.constant 2 : i32
    %add3A = arith.constant 256 : i32
    %add3A_18 = arith.addi %mul3A_12, %add3A : i32
    "tpu.region"() ({
      %run_scoped3A = tpu.sem_alloc : memref<!tpu.dma_semaphore, #tpu.memory_space<semaphore_mem>>
      %dma_start3A = arith.constant 0 : i32
      %dma_start3A_35 = arith.constant 0 : i32
      %dma_start3A_36 = tpu.memref_slice %arg9[%dma_start3A, %dma_start3A_35] : memref<128x128xf32, #tpu.memory_space<vmem>> -> memref<80x128xf32, #tpu.memory_space<vmem>>
      %dma_start3A_37 = arith.constant 0 : i32
      %dma_start3A_38 = tpu.memref_slice %arg11[%add3A_18, %dma_start3A_37] : memref<5376x128xf32, #tpu.memory_space<vmem_shared>> -> memref<80x128xf32, #tpu.memory_space<vmem_shared>>
      %dma_start3A_39 = arith.constant 0 : i32
      %dma_start3A_40 = tpu.memref_slice %arg11[%add3A_18, %dma_start3A_39] : memref<5376x128xf32, #tpu.memory_space<vmem_shared>> -> memref<80x128xf32, #tpu.memory_space<vmem_shared>>
      %dma_start3A_41 = arith.constant 0 : i32
      %dma_start3A_42 = arith.constant 0 : i32
      %dma_start3A_43 = tpu.memref_slice %arg9[%dma_start3A_41, %dma_start3A_42] : memref<128x128xf32, #tpu.memory_space<vmem>> -> memref<80x128xf32, #tpu.memory_space<vmem>>
      tpu.enqueue_dma source(%dma_start3A_43 : memref<80x128xf32, #tpu.memory_space<vmem>>) target(%dma_start3A_40 : memref<80x128xf32, #tpu.memory_space<vmem_shared>>) target_semaphore(%run_scoped3A : memref<!tpu.dma_semaphore, #tpu.memory_space<semaphore_mem>>)
      %dma_wait3A = arith.constant 0 : i32
      %dma_wait3A_44 = arith.constant 0 : i32
      %dma_wait3A_45 = tpu.memref_slice %arg9[%dma_wait3A, %dma_wait3A_44] : memref<128x128xf32, #tpu.memory_space<vmem>> -> memref<80x128xf32, #tpu.memory_space<vmem>>
      %dma_wait3A_46 = arith.constant 0 : i32
      %dma_wait3A_47 = tpu.memref_slice %arg11[%add3A_18, %dma_wait3A_46] : memref<5376x128xf32, #tpu.memory_space<vmem_shared>> -> memref<80x128xf32, #tpu.memory_space<vmem_shared>>
      %dma_wait3A_48 = arith.constant 0 : i32
      %dma_wait3A_49 = tpu.memref_slice %arg11[%add3A_18, %dma_wait3A_48] : memref<5376x128xf32, #tpu.memory_space<vmem_shared>> -> memref<80x128xf32, #tpu.memory_space<vmem_shared>>
      %dma_wait3A_50 = arith.constant 0 : i32
      %dma_wait3A_51 = arith.constant 0 : i32
      %dma_wait3A_52 = tpu.memref_slice %arg9[%dma_wait3A_50, %dma_wait3A_51] : memref<128x128xf32, #tpu.memory_space<vmem>> -> memref<80x128xf32, #tpu.memory_space<vmem>>
      tpu.wait_dma2 semaphore(%run_scoped3A : memref<!tpu.dma_semaphore, #tpu.memory_space<semaphore_mem>>) src(%dma_wait3A_52 : memref<80x128xf32, #tpu.memory_space<vmem>>) dst(%dma_wait3A_49 : memref<80x128xf32, #tpu.memory_space<vmem_shared>>)
      tpu.yield
    }) : () -> ()
    %barrier3A = arith.constant 0 : index
    tpu.barrier barrier_id(%barrier3A)
    %scan3A_19 = arith.constant 0 : i32
    %scan3A_20 = arith.constant 80 : i32
    %scan3A_21 = arith.addi %scan3A_19, %scan3A_20 : i32
    %scan3A_22 = arith.constant 1 : i32
    scf.for %scan3A_35 = %scan3A_19 to %scan3A_21 step %scan3A_22  : i32 {
      %mul3A_36 = arith.constant 2 : i32
      %mul3A_37 = arith.muli %scan3A_35, %mul3A_36 : i32
      %add3A_38 = arith.constant 0 : i32
      %add3A_39 = arith.addi %add3A_38, %mul3A_37 : i32
      %dma_start3A = arith.constant 0 : i32
      %dma_start3A_40 = tpu.memref_slice %arg7[%add3A_39, %dma_start3A] : memref<160x128xi32, #tpu.memory_space<vmem>> -> memref<1x128xi32, #tpu.memory_space<vmem>>
      %dma_start3A_41 = tpu.memref_squeeze %dma_start3A_40 : memref<1x128xi32, #tpu.memory_space<vmem>> -> memref<128xi32, #tpu.memory_space<vmem>>
      %dma_start3A_42 = arith.constant 0 : i32
      %dma_start3A_43 = arith.constant 0 : i32
      %dma_start3A_44 = tpu.memref_slice %arg2[%dma_start3A_42, %dma_start3A_43] : memref<20000x128xf32, #tpu.memory_space<hbm>> -> memref<20000x128xf32, #tpu.memory_space<hbm>>
      tpu.enqueue_indirect_dma source(%dma_start3A_44 : memref<20000x128xf32, #tpu.memory_space<hbm>>) target(%arg9 : memref<128x128xf32, #tpu.memory_space<vmem>>) offsets(%dma_start3A_41 : memref<128xi32, #tpu.memory_space<vmem>>) semaphore(%arg12 : memref<!tpu.dma_semaphore, #tpu.memory_space<semaphore_mem>>)
      %add3A_45 = arith.constant 1 : i32
      %add3A_46 = arith.addi %add3A_39, %add3A_45 : i32
      %dma_start3A_47 = arith.constant 0 : i32
      %dma_start3A_48 = tpu.memref_slice %arg7[%add3A_46, %dma_start3A_47] : memref<160x128xi32, #tpu.memory_space<vmem>> -> memref<1x128xi32, #tpu.memory_space<vmem>>
      %dma_start3A_49 = tpu.memref_squeeze %dma_start3A_48 : memref<1x128xi32, #tpu.memory_space<vmem>> -> memref<128xi32, #tpu.memory_space<vmem>>
      %dma_start3A_50 = arith.constant 0 : i32
      %dma_start3A_51 = arith.constant 0 : i32
      %dma_start3A_52 = tpu.memref_slice %arg2[%dma_start3A_50, %dma_start3A_51] : memref<20000x128xf32, #tpu.memory_space<hbm>> -> memref<20000x128xf32, #tpu.memory_space<hbm>>
      tpu.enqueue_indirect_dma source(%dma_start3A_52 : memref<20000x128xf32, #tpu.memory_space<hbm>>) target(%arg10 : memref<128x128xf32, #tpu.memory_space<vmem>>) offsets(%dma_start3A_49 : memref<128xi32, #tpu.memory_space<vmem>>) semaphore(%arg13 : memref<!tpu.dma_semaphore, #tpu.memory_space<semaphore_mem>>)
      %dma_wait3A = arith.constant 0 : i32
      %dma_wait3A_53 = tpu.memref_slice %arg7[%add3A_39, %dma_wait3A] : memref<160x128xi32, #tpu.memory_space<vmem>> -> memref<1x128xi32, #tpu.memory_space<vmem>>
      %dma_wait3A_54 = tpu.memref_squeeze %dma_wait3A_53 : memref<1x128xi32, #tpu.memory_space<vmem>> -> memref<128xi32, #tpu.memory_space<vmem>>
      %dma_wait3A_55 = arith.constant 0 : i32
      %dma_wait3A_56 = arith.constant 0 : i32
      %dma_wait3A_57 = tpu.memref_slice %arg2[%dma_wait3A_55, %dma_wait3A_56] : memref<20000x128xf32, #tpu.memory_space<hbm>> -> memref<20000x128xf32, #tpu.memory_space<hbm>>
      tpu.wait_indirect_dma semaphore(%arg12 : memref<!tpu.dma_semaphore, #tpu.memory_space<semaphore_mem>>) src(%dma_wait3A_57 : memref<20000x128xf32, #tpu.memory_space<hbm>>) dst(%arg9 : memref<128x128xf32, #tpu.memory_space<vmem>>)
      "tpu.region"() ({
        %run_scoped3A = tpu.sem_alloc : memref<!tpu.dma_semaphore, #tpu.memory_space<semaphore_mem>>
        %dma_start3A_66 = arith.constant 0 : i32
        %dma_start3A_67 = tpu.memref_slice %arg8[%add3A_39, %dma_start3A_66] : memref<160x128xi32, #tpu.memory_space<vmem>> -> memref<1x128xi32, #tpu.memory_space<vmem>>
        %dma_start3A_68 = tpu.memref_squeeze %dma_start3A_67 : memref<1x128xi32, #tpu.memory_space<vmem>> -> memref<128xi32, #tpu.memory_space<vmem>>
        %dma_start3A_69 = arith.constant 0 : i32
        %dma_start3A_70 = arith.constant 0 : i32
        %dma_start3A_71 = tpu.memref_slice %arg11[%dma_start3A_69, %dma_start3A_70] : memref<5376x128xf32, #tpu.memory_space<vmem_shared>> -> memref<5376x128xf32, #tpu.memory_space<vmem_shared>>
        tpu.enqueue_indirect_dma source(%arg9 : memref<128x128xf32, #tpu.memory_space<vmem>>) target(%dma_start3A_71 : memref<5376x128xf32, #tpu.memory_space<vmem_shared>>) offsets(%dma_start3A_68 : memref<128xi32, #tpu.memory_space<vmem>>) semaphore(%run_scoped3A : memref<!tpu.dma_semaphore, #tpu.memory_space<semaphore_mem>>) {add = true}
        %dma_wait3A_72 = arith.constant 0 : i32
        %dma_wait3A_73 = tpu.memref_slice %arg8[%add3A_39, %dma_wait3A_72] : memref<160x128xi32, #tpu.memory_space<vmem>> -> memref<1x128xi32, #tpu.memory_space<vmem>>
        %dma_wait3A_74 = tpu.memref_squeeze %dma_wait3A_73 : memref<1x128xi32, #tpu.memory_space<vmem>> -> memref<128xi32, #tpu.memory_space<vmem>>
        %dma_wait3A_75 = arith.constant 0 : i32
        %dma_wait3A_76 = arith.constant 0 : i32
        %dma_wait3A_77 = tpu.memref_slice %arg11[%dma_wait3A_75, %dma_wait3A_76] : memref<5376x128xf32, #tpu.memory_space<vmem_shared>> -> memref<5376x128xf32, #tpu.memory_space<vmem_shared>>
        tpu.wait_indirect_dma semaphore(%run_scoped3A : memref<!tpu.dma_semaphore, #tpu.memory_space<semaphore_mem>>) src(%arg9 : memref<128x128xf32, #tpu.memory_space<vmem>>) dst(%dma_wait3A_77 : memref<5376x128xf32, #tpu.memory_space<vmem_shared>>)
        tpu.yield
      }) : () -> ()
      %dma_wait3A_58 = arith.constant 0 : i32
      %dma_wait3A_59 = tpu.memref_slice %arg7[%add3A_46, %dma_wait3A_58] : memref<160x128xi32, #tpu.memory_space<vmem>> -> memref<1x128xi32, #tpu.memory_space<vmem>>
      %dma_wait3A_60 = tpu.memref_squeeze %dma_wait3A_59 : memref<1x128xi32, #tpu.memory_space<vmem>> -> memref<128xi32, #tpu.memory_space<vmem>>
      %dma_wait3A_61 = arith.constant 0 : i32
      %dma_wait3A_62 = arith.constant 0 : i32
      %dma_wait3A_63 = tpu.memref_slice %arg2[%dma_wait3A_61, %dma_wait3A_62] : memref<20000x128xf32, #tpu.memory_space<hbm>> -> memref<20000x128xf32, #tpu.memory_space<hbm>>
      tpu.wait_indirect_dma semaphore(%arg13 : memref<!tpu.dma_semaphore, #tpu.memory_space<semaphore_mem>>) src(%dma_wait3A_63 : memref<20000x128xf32, #tpu.memory_space<hbm>>) dst(%arg10 : memref<128x128xf32, #tpu.memory_space<vmem>>)
      %add3A_64 = arith.constant 1 : i32
      %add3A_65 = arith.addi %add3A_39, %add3A_64 : i32
      "tpu.region"() ({
        %run_scoped3A = tpu.sem_alloc : memref<!tpu.dma_semaphore, #tpu.memory_space<semaphore_mem>>
        %dma_start3A_66 = arith.constant 0 : i32
        %dma_start3A_67 = tpu.memref_slice %arg8[%add3A_65, %dma_start3A_66] : memref<160x128xi32, #tpu.memory_space<vmem>> -> memref<1x128xi32, #tpu.memory_space<vmem>>
        %dma_start3A_68 = tpu.memref_squeeze %dma_start3A_67 : memref<1x128xi32, #tpu.memory_space<vmem>> -> memref<128xi32, #tpu.memory_space<vmem>>
        %dma_start3A_69 = arith.constant 0 : i32
        %dma_start3A_70 = arith.constant 0 : i32
        %dma_start3A_71 = tpu.memref_slice %arg11[%dma_start3A_69, %dma_start3A_70] : memref<5376x128xf32, #tpu.memory_space<vmem_shared>> -> memref<5376x128xf32, #tpu.memory_space<vmem_shared>>
        tpu.enqueue_indirect_dma source(%arg10 : memref<128x128xf32, #tpu.memory_space<vmem>>) target(%dma_start3A_71 : memref<5376x128xf32, #tpu.memory_space<vmem_shared>>) offsets(%dma_start3A_68 : memref<128xi32, #tpu.memory_space<vmem>>) semaphore(%run_scoped3A : memref<!tpu.dma_semaphore, #tpu.memory_space<semaphore_mem>>) {add = true}
        %dma_wait3A_72 = arith.constant 0 : i32
        %dma_wait3A_73 = tpu.memref_slice %arg8[%add3A_65, %dma_wait3A_72] : memref<160x128xi32, #tpu.memory_space<vmem>> -> memref<1x128xi32, #tpu.memory_space<vmem>>
        %dma_wait3A_74 = tpu.memref_squeeze %dma_wait3A_73 : memref<1x128xi32, #tpu.memory_space<vmem>> -> memref<128xi32, #tpu.memory_space<vmem>>
        %dma_wait3A_75 = arith.constant 0 : i32
        %dma_wait3A_76 = arith.constant 0 : i32
        %dma_wait3A_77 = tpu.memref_slice %arg11[%dma_wait3A_75, %dma_wait3A_76] : memref<5376x128xf32, #tpu.memory_space<vmem_shared>> -> memref<5376x128xf32, #tpu.memory_space<vmem_shared>>
        tpu.wait_indirect_dma semaphore(%run_scoped3A : memref<!tpu.dma_semaphore, #tpu.memory_space<semaphore_mem>>) src(%arg10 : memref<128x128xf32, #tpu.memory_space<vmem>>) dst(%dma_wait3A_77 : memref<5376x128xf32, #tpu.memory_space<vmem_shared>>)
        tpu.yield
      }) : () -> ()
    }
    %scan3A_23 = arith.constant 80 : i32
    %barrier3A_24 = arith.constant 0 : index
    tpu.barrier barrier_id(%barrier3A_24)
    %eq3A_25 = arith.constant 0 : i32
    %eq3A_26 = arith.cmpi eq, %arg0, %eq3A_25 : i32
    %convert_element_type3A_27 = arith.extui %eq3A_26 : i1 to i32
    %cond3A_28 = arith.constant 0 : i32
    %cond3A_29 = arith.cmpi ne, %convert_element_type3A_27, %cond3A_28 : i32
    scf.if %cond3A_29 {
      %mul3A_35 = arith.constant 320 : i32
      %mul3A_36 = arith.muli %arg1, %mul3A_35 : i32
      %mul3A_37 = arith.constant 320 : i32
      %mul3A_38 = arith.muli %arg1, %mul3A_37 : i32
      "tpu.region"() ({
        %run_scoped3A = tpu.sem_alloc : memref<!tpu.dma_semaphore, #tpu.memory_space<semaphore_mem>>
        %dma_start3A = arith.constant 0 : i32
        %dma_start3A_39 = tpu.memref_slice %arg6[%mul3A_38, %dma_start3A] : memref<10000x128xf32, #tpu.memory_space<hbm>> -> memref<320x128xf32, #tpu.memory_space<hbm>>
        %dma_start3A_40 = arith.constant 0 : i32
        %dma_start3A_41 = tpu.memref_slice %arg11[%mul3A_36, %dma_start3A_40] : memref<5376x128xf32, #tpu.memory_space<vmem_shared>> -> memref<320x128xf32, #tpu.memory_space<vmem_shared>>
        tpu.enqueue_dma source(%dma_start3A_41 : memref<320x128xf32, #tpu.memory_space<vmem_shared>>) target(%dma_start3A_39 : memref<320x128xf32, #tpu.memory_space<hbm>>) target_semaphore(%run_scoped3A : memref<!tpu.dma_semaphore, #tpu.memory_space<semaphore_mem>>)
        %dma_wait3A = arith.constant 0 : i32
        %dma_wait3A_42 = tpu.memref_slice %arg6[%mul3A_38, %dma_wait3A] : memref<10000x128xf32, #tpu.memory_space<hbm>> -> memref<320x128xf32, #tpu.memory_space<hbm>>
        %dma_wait3A_43 = arith.constant 0 : i32
        %dma_wait3A_44 = tpu.memref_slice %arg11[%mul3A_36, %dma_wait3A_43] : memref<5376x128xf32, #tpu.memory_space<vmem_shared>> -> memref<320x128xf32, #tpu.memory_space<vmem_shared>>
        tpu.wait_dma2 semaphore(%run_scoped3A : memref<!tpu.dma_semaphore, #tpu.memory_space<semaphore_mem>>) src(%dma_wait3A_44 : memref<320x128xf32, #tpu.memory_space<vmem_shared>>) dst(%dma_wait3A_42 : memref<320x128xf32, #tpu.memory_space<hbm>>)
        tpu.yield
      }) : () -> ()
    } else {
    }
    %eq3A_30 = arith.constant 1 : i32
    %eq3A_31 = arith.cmpi eq, %arg0, %eq3A_30 : i32
    %convert_element_type3A_32 = arith.extui %eq3A_31 : i1 to i32
    %cond3A_33 = arith.constant 0 : i32
    %cond3A_34 = arith.cmpi ne, %convert_element_type3A_32, %cond3A_33 : i32
    scf.if %cond3A_34 {
      %mul3A_35 = arith.constant 304 : i32
      %mul3A_36 = arith.muli %arg1, %mul3A_35 : i32
      %mul3A_37 = arith.constant 304 : i32
      %mul3A_38 = arith.muli %arg1, %mul3A_37 : i32
      %add3A_39 = arith.constant 5120 : i32
      %add3A_40 = arith.addi %add3A_39, %mul3A_38 : i32
      "tpu.region"() ({
        %run_scoped3A = tpu.sem_alloc : memref<!tpu.dma_semaphore, #tpu.memory_space<semaphore_mem>>
        %dma_start3A = arith.constant 0 : i32
        %dma_start3A_46 = tpu.memref_slice %arg6[%add3A_40, %dma_start3A] : memref<10000x128xf32, #tpu.memory_space<hbm>> -> memref<304x128xf32, #tpu.memory_space<hbm>>
        %dma_start3A_47 = arith.constant 0 : i32
        %dma_start3A_48 = tpu.memref_slice %arg11[%mul3A_36, %dma_start3A_47] : memref<5376x128xf32, #tpu.memory_space<vmem_shared>> -> memref<304x128xf32, #tpu.memory_space<vmem_shared>>
        tpu.enqueue_dma source(%dma_start3A_48 : memref<304x128xf32, #tpu.memory_space<vmem_shared>>) target(%dma_start3A_46 : memref<304x128xf32, #tpu.memory_space<hbm>>) target_semaphore(%run_scoped3A : memref<!tpu.dma_semaphore, #tpu.memory_space<semaphore_mem>>)
        %dma_wait3A = arith.constant 0 : i32
        %dma_wait3A_49 = tpu.memref_slice %arg6[%add3A_40, %dma_wait3A] : memref<10000x128xf32, #tpu.memory_space<hbm>> -> memref<304x128xf32, #tpu.memory_space<hbm>>
        %dma_wait3A_50 = arith.constant 0 : i32
        %dma_wait3A_51 = tpu.memref_slice %arg11[%mul3A_36, %dma_wait3A_50] : memref<5376x128xf32, #tpu.memory_space<vmem_shared>> -> memref<304x128xf32, #tpu.memory_space<vmem_shared>>
        tpu.wait_dma2 semaphore(%run_scoped3A : memref<!tpu.dma_semaphore, #tpu.memory_space<semaphore_mem>>) src(%dma_wait3A_51 : memref<304x128xf32, #tpu.memory_space<vmem_shared>>) dst(%dma_wait3A_49 : memref<304x128xf32, #tpu.memory_space<hbm>>)
        tpu.yield
      }) : () -> ()
      %eq3A_41 = arith.constant 15 : i32
      %eq3A_42 = arith.cmpi eq, %arg1, %eq3A_41 : i32
      %convert_element_type3A_43 = arith.extui %eq3A_42 : i1 to i32
      %cond3A_44 = arith.constant 0 : i32
      %cond3A_45 = arith.cmpi ne, %convert_element_type3A_43, %cond3A_44 : i32
      scf.if %cond3A_45 {
        "tpu.region"() ({
          %run_scoped3A = tpu.sem_alloc : memref<!tpu.dma_semaphore, #tpu.memory_space<semaphore_mem>>
          %dma_start3A = arith.constant 9984 : i32
          %dma_start3A_46 = arith.constant 0 : i32
          %dma_start3A_47 = tpu.memref_slice %arg6[%dma_start3A, %dma_start3A_46] : memref<10000x128xf32, #tpu.memory_space<hbm>> -> memref<16x128xf32, #tpu.memory_space<hbm>>
          %dma_start3A_48 = arith.constant 4864 : i32
          %dma_start3A_49 = arith.constant 0 : i32
          %dma_start3A_50 = tpu.memref_slice %arg11[%dma_start3A_48, %dma_start3A_49] : memref<5376x128xf32, #tpu.memory_space<vmem_shared>> -> memref<16x128xf32, #tpu.memory_space<vmem_shared>>
          tpu.enqueue_dma source(%dma_start3A_50 : memref<16x128xf32, #tpu.memory_space<vmem_shared>>) target(%dma_start3A_47 : memref<16x128xf32, #tpu.memory_space<hbm>>) target_semaphore(%run_scoped3A : memref<!tpu.dma_semaphore, #tpu.memory_space<semaphore_mem>>)
          %dma_wait3A = arith.constant 9984 : i32
          %dma_wait3A_51 = arith.constant 0 : i32
          %dma_wait3A_52 = tpu.memref_slice %arg6[%dma_wait3A, %dma_wait3A_51] : memref<10000x128xf32, #tpu.memory_space<hbm>> -> memref<16x128xf32, #tpu.memory_space<hbm>>
          %dma_wait3A_53 = arith.constant 4864 : i32
          %dma_wait3A_54 = arith.constant 0 : i32
          %dma_wait3A_55 = tpu.memref_slice %arg11[%dma_wait3A_53, %dma_wait3A_54] : memref<5376x128xf32, #tpu.memory_space<vmem_shared>> -> memref<16x128xf32, #tpu.memory_space<vmem_shared>>
          tpu.wait_dma2 semaphore(%run_scoped3A : memref<!tpu.dma_semaphore, #tpu.memory_space<semaphore_mem>>) src(%dma_wait3A_55 : memref<16x128xf32, #tpu.memory_space<vmem_shared>>) dst(%dma_wait3A_52 : memref<16x128xf32, #tpu.memory_space<hbm>>)
          tpu.yield
        }) : () -> ()
      } else {
      }
    } else {
    }
    return
  }
}

#map = affine_map<(d0, d1) -> (0, 0)>
#map1 = affine_map<(d0, d1) -> (0, 0, 0)>
module attributes {stable_mosaic.version = 14 : i64} {
  func.func @seg(%arg0: i32, %arg1: i32, %arg2: memref<20000x128xf32, #tpu.memory_space<hbm>>, %arg3: memref<16x160x128xi32, #tpu.memory_space<hbm>>, %arg4: memref<16x160x128xi32, #tpu.memory_space<hbm>>, %arg5: memref<16x160x128xi32, #tpu.memory_space<hbm>>, %arg6: memref<10000x128xf32, #tpu.memory_space<hbm>>, %arg7: memref<160x128xi32, #tpu.memory_space<vmem>>, %arg8: memref<160x128xi32, #tpu.memory_space<vmem>>, %arg9: memref<128x128xf32, #tpu.memory_space<vmem>>, %arg10: memref<128x128xf32, #tpu.memory_space<vmem>>, %arg11: memref<5376x128xf32, #tpu.memory_space<vmem_shared>>, %arg12: memref<!tpu.dma_semaphore, #tpu.memory_space<semaphore_mem>>, %arg13: memref<!tpu.dma_semaphore, #tpu.memory_space<semaphore_mem>>) attributes {dimension_semantics = [#tpu.dimension_semantics<core_parallel>, #tpu.dimension_semantics<subcore_parallel>], iteration_bounds = array<i64: 2, 16>, scalar_prefetch = 0 : i64, scratch_operands = 7 : i64, tpu.core_type = #tpu.core_type<sc_vector_subcore>, window_params = [{transform_indices = #map}, {transform_indices = #map1}, {transform_indices = #map1}, {transform_indices = #map1}, {transform_indices = #map}]} {
    "tpu.region"() ({
      %run_scoped3A = tpu.sem_alloc : memref<!tpu.dma_semaphore, #tpu.memory_space<semaphore_mem>>
      %dma_start3A = arith.constant 0 : i32
      %dma_start3A_35 = arith.constant 0 : i32
      %dma_start3A_36 = tpu.memref_slice %arg3[%arg1, %dma_start3A, %dma_start3A_35] : memref<16x160x128xi32, #tpu.memory_space<hbm>> -> memref<1x160x128xi32, #tpu.memory_space<hbm>>
      %dma_start3A_37 = tpu.memref_squeeze %dma_start3A_36 : memref<1x160x128xi32, #tpu.memory_space<hbm>> -> memref<160x128xi32, #tpu.memory_space<hbm>>
      %dma_start3A_38 = arith.constant 0 : i32
      %dma_start3A_39 = arith.constant 0 : i32
      %dma_start3A_40 = tpu.memref_slice %arg3[%arg1, %dma_start3A_38, %dma_start3A_39] : memref<16x160x128xi32, #tpu.memory_space<hbm>> -> memref<1x160x128xi32, #tpu.memory_space<hbm>>
      %dma_start3A_41 = tpu.memref_squeeze %dma_start3A_40 : memref<1x160x128xi32, #tpu.memory_space<hbm>> -> memref<160x128xi32, #tpu.memory_space<hbm>>
      tpu.enqueue_dma source(%dma_start3A_41 : memref<160x128xi32, #tpu.memory_space<hbm>>) target(%arg7 : memref<160x128xi32, #tpu.memory_space<vmem>>) target_semaphore(%run_scoped3A : memref<!tpu.dma_semaphore, #tpu.memory_space<semaphore_mem>>)
      %dma_wait3A = arith.constant 0 : i32
      %dma_wait3A_42 = arith.constant 0 : i32
      %dma_wait3A_43 = tpu.memref_slice %arg3[%arg1, %dma_wait3A, %dma_wait3A_42] : memref<16x160x128xi32, #tpu.memory_space<hbm>> -> memref<1x160x128xi32, #tpu.memory_space<hbm>>
      %dma_wait3A_44 = tpu.memref_squeeze %dma_wait3A_43 : memref<1x160x128xi32, #tpu.memory_space<hbm>> -> memref<160x128xi32, #tpu.memory_space<hbm>>
      %dma_wait3A_45 = arith.constant 0 : i32
      %dma_wait3A_46 = arith.constant 0 : i32
      %dma_wait3A_47 = tpu.memref_slice %arg3[%arg1, %dma_wait3A_45, %dma_wait3A_46] : memref<16x160x128xi32, #tpu.memory_space<hbm>> -> memref<1x160x128xi32, #tpu.memory_space<hbm>>
      %dma_wait3A_48 = tpu.memref_squeeze %dma_wait3A_47 : memref<1x160x128xi32, #tpu.memory_space<hbm>> -> memref<160x128xi32, #tpu.memory_space<hbm>>
      tpu.wait_dma2 semaphore(%run_scoped3A : memref<!tpu.dma_semaphore, #tpu.memory_space<semaphore_mem>>) src(%dma_wait3A_48 : memref<160x128xi32, #tpu.memory_space<hbm>>) dst(%arg7 : memref<160x128xi32, #tpu.memory_space<vmem>>)
      tpu.yield
    }) : () -> ()
    %eq3A = arith.constant 0 : i32
    %eq3A_0 = arith.cmpi eq, %arg0, %eq3A : i32
    %convert_element_type3A = arith.extui %eq3A_0 : i1 to i32
    %cond3A = arith.constant 0 : i32
    %cond3A_1 = arith.cmpi ne, %convert_element_type3A, %cond3A : i32
    scf.if %cond3A_1 {
      "tpu.region"() ({
        %run_scoped3A = tpu.sem_alloc : memref<!tpu.dma_semaphore, #tpu.memory_space<semaphore_mem>>
        %dma_start3A = arith.constant 0 : i32
        %dma_start3A_35 = arith.constant 0 : i32
        %dma_start3A_36 = tpu.memref_slice %arg4[%arg1, %dma_start3A, %dma_start3A_35] : memref<16x160x128xi32, #tpu.memory_space<hbm>> -> memref<1x160x128xi32, #tpu.memory_space<hbm>>
        %dma_start3A_37 = tpu.memref_squeeze %dma_start3A_36 : memref<1x160x128xi32, #tpu.memory_space<hbm>> -> memref<160x128xi32, #tpu.memory_space<hbm>>
        %dma_start3A_38 = arith.constant 0 : i32
        %dma_start3A_39 = arith.constant 0 : i32
        %dma_start3A_40 = tpu.memref_slice %arg4[%arg1, %dma_start3A_38, %dma_start3A_39] : memref<16x160x128xi32, #tpu.memory_space<hbm>> -> memref<1x160x128xi32, #tpu.memory_space<hbm>>
        %dma_start3A_41 = tpu.memref_squeeze %dma_start3A_40 : memref<1x160x128xi32, #tpu.memory_space<hbm>> -> memref<160x128xi32, #tpu.memory_space<hbm>>
        tpu.enqueue_dma source(%dma_start3A_41 : memref<160x128xi32, #tpu.memory_space<hbm>>) target(%arg8 : memref<160x128xi32, #tpu.memory_space<vmem>>) target_semaphore(%run_scoped3A : memref<!tpu.dma_semaphore, #tpu.memory_space<semaphore_mem>>)
        %dma_wait3A = arith.constant 0 : i32
        %dma_wait3A_42 = arith.constant 0 : i32
        %dma_wait3A_43 = tpu.memref_slice %arg4[%arg1, %dma_wait3A, %dma_wait3A_42] : memref<16x160x128xi32, #tpu.memory_space<hbm>> -> memref<1x160x128xi32, #tpu.memory_space<hbm>>
        %dma_wait3A_44 = tpu.memref_squeeze %dma_wait3A_43 : memref<1x160x128xi32, #tpu.memory_space<hbm>> -> memref<160x128xi32, #tpu.memory_space<hbm>>
        %dma_wait3A_45 = arith.constant 0 : i32
        %dma_wait3A_46 = arith.constant 0 : i32
        %dma_wait3A_47 = tpu.memref_slice %arg4[%arg1, %dma_wait3A_45, %dma_wait3A_46] : memref<16x160x128xi32, #tpu.memory_space<hbm>> -> memref<1x160x128xi32, #tpu.memory_space<hbm>>
        %dma_wait3A_48 = tpu.memref_squeeze %dma_wait3A_47 : memref<1x160x128xi32, #tpu.memory_space<hbm>> -> memref<160x128xi32, #tpu.memory_space<hbm>>
        tpu.wait_dma2 semaphore(%run_scoped3A : memref<!tpu.dma_semaphore, #tpu.memory_space<semaphore_mem>>) src(%dma_wait3A_48 : memref<160x128xi32, #tpu.memory_space<hbm>>) dst(%arg8 : memref<160x128xi32, #tpu.memory_space<vmem>>)
        tpu.yield
      }) : () -> ()
    } else {
    }
    %eq3A_2 = arith.constant 1 : i32
    %eq3A_3 = arith.cmpi eq, %arg0, %eq3A_2 : i32
    %convert_element_type3A_4 = arith.extui %eq3A_3 : i1 to i32
    %cond3A_5 = arith.constant 0 : i32
    %cond3A_6 = arith.cmpi ne, %convert_element_type3A_4, %cond3A_5 : i32
    scf.if %cond3A_6 {
      "tpu.region"() ({
        %run_scoped3A = tpu.sem_alloc : memref<!tpu.dma_semaphore, #tpu.memory_space<semaphore_mem>>
        %dma_start3A = arith.constant 0 : i32
        %dma_start3A_35 = arith.constant 0 : i32
        %dma_start3A_36 = tpu.memref_slice %arg5[%arg1, %dma_start3A, %dma_start3A_35] : memref<16x160x128xi32, #tpu.memory_space<hbm>> -> memref<1x160x128xi32, #tpu.memory_space<hbm>>
        %dma_start3A_37 = tpu.memref_squeeze %dma_start3A_36 : memref<1x160x128xi32, #tpu.memory_space<hbm>> -> memref<160x128xi32, #tpu.memory_space<hbm>>
        %dma_start3A_38 = arith.constant 0 : i32
        %dma_start3A_39 = arith.constant 0 : i32
        %dma_start3A_40 = tpu.memref_slice %arg5[%arg1, %dma_start3A_38, %dma_start3A_39] : memref<16x160x128xi32, #tpu.memory_space<hbm>> -> memref<1x160x128xi32, #tpu.memory_space<hbm>>
        %dma_start3A_41 = tpu.memref_squeeze %dma_start3A_40 : memref<1x160x128xi32, #tpu.memory_space<hbm>> -> memref<160x128xi32, #tpu.memory_space<hbm>>
        tpu.enqueue_dma source(%dma_start3A_41 : memref<160x128xi32, #tpu.memory_space<hbm>>) target(%arg8 : memref<160x128xi32, #tpu.memory_space<vmem>>) target_semaphore(%run_scoped3A : memref<!tpu.dma_semaphore, #tpu.memory_space<semaphore_mem>>)
        %dma_wait3A = arith.constant 0 : i32
        %dma_wait3A_42 = arith.constant 0 : i32
        %dma_wait3A_43 = tpu.memref_slice %arg5[%arg1, %dma_wait3A, %dma_wait3A_42] : memref<16x160x128xi32, #tpu.memory_space<hbm>> -> memref<1x160x128xi32, #tpu.memory_space<hbm>>
        %dma_wait3A_44 = tpu.memref_squeeze %dma_wait3A_43 : memref<1x160x128xi32, #tpu.memory_space<hbm>> -> memref<160x128xi32, #tpu.memory_space<hbm>>
        %dma_wait3A_45 = arith.constant 0 : i32
        %dma_wait3A_46 = arith.constant 0 : i32
        %dma_wait3A_47 = tpu.memref_slice %arg5[%arg1, %dma_wait3A_45, %dma_wait3A_46] : memref<16x160x128xi32, #tpu.memory_space<hbm>> -> memref<1x160x128xi32, #tpu.memory_space<hbm>>
        %dma_wait3A_48 = tpu.memref_squeeze %dma_wait3A_47 : memref<1x160x128xi32, #tpu.memory_space<hbm>> -> memref<160x128xi32, #tpu.memory_space<hbm>>
        tpu.wait_dma2 semaphore(%run_scoped3A : memref<!tpu.dma_semaphore, #tpu.memory_space<semaphore_mem>>) src(%dma_wait3A_48 : memref<160x128xi32, #tpu.memory_space<hbm>>) dst(%arg8 : memref<160x128xi32, #tpu.memory_space<vmem>>)
        tpu.yield
      }) : () -> ()
    } else {
    }
    %broadcast_in_dim3A = arith.constant 0.000000e+00 : f32
    %broadcast_in_dim3A_7 = vector.broadcast %broadcast_in_dim3A : f32 to vector<16xf32>
    %scan3A = arith.constant 0 : i32
    %scan3A_8 = arith.constant 128 : i32
    %scan3A_9 = arith.addi %scan3A, %scan3A_8 : i32
    %scan3A_10 = arith.constant 1 : i32
    scf.for %scan3A_35 = %scan3A to %scan3A_9 step %scan3A_10  : i32 {
      %mul3A_36 = arith.constant 1 : i32
      %mul3A_37 = arith.muli %scan3A_35, %mul3A_36 : i32
      %add3A_38 = arith.constant 0 : i32
      %add3A_39 = arith.addi %add3A_38, %mul3A_37 : i32
      %scan3A_40 = arith.constant 0 : i32
      %scan3A_41 = arith.constant 8 : i32
      %scan3A_42 = arith.addi %scan3A_40, %scan3A_41 : i32
      %scan3A_43 = arith.constant 1 : i32
      scf.for %scan3A_45 = %scan3A_40 to %scan3A_42 step %scan3A_43  : i32 {
        %mul3A_46 = arith.constant 1 : i32
        %mul3A_47 = arith.muli %scan3A_45, %mul3A_46 : i32
        %add3A_48 = arith.constant 0 : i32
        %add3A_49 = arith.addi %add3A_48, %mul3A_47 : i32
        %mul3A_50 = arith.constant 16 : i32
        %mul3A_51 = arith.muli %add3A_49, %mul3A_50 : i32
        %swap3A = arith.index_cast %add3A_39 : i32 to index
        %swap3A_52 = arith.index_cast %mul3A_51 : i32 to index
        %swap3A_53 = tpu.vector_load %arg9[%swap3A, %swap3A_52] {strides = array<i32>} : memref<128x128xf32, #tpu.memory_space<vmem>>, vector<1x16xf32>,
        %swap3A_54 = vector.shape_cast %swap3A_53 : vector<1x16xf32> to vector<16xf32>
        %swap3A_55 = vector.shape_cast %broadcast_in_dim3A_7 : vector<16xf32> to vector<1x16xf32>
        tpu.vector_store %arg9[%swap3A, %swap3A_52], %swap3A_55 {strides = array<i32>} : memref<128x128xf32, #tpu.memory_space<vmem>>, vector<1x16xf32>,
      }
      %scan3A_44 = arith.constant 8 : i32
    }
    %scan3A_11 = arith.constant 128 : i32
    %mul3A = arith.constant 336 : i32
    %mul3A_12 = arith.muli %arg1, %mul3A : i32
    %scan3A_13 = arith.constant 0 : i32
    %scan3A_14 = arith.constant 2 : i32
    %scan3A_15 = arith.addi %scan3A_13, %scan3A_14 : i32
    %scan3A_16 = arith.constant 1 : i32
    scf.for %scan3A_35 = %scan3A_13 to %scan3A_15 step %scan3A_16  : i32 {
      %mul3A_36 = arith.constant 1 : i32
      %mul3A_37 = arith.muli %scan3A_35, %mul3A_36 : i32
      %add3A_38 = arith.constant 0 : i32
      %add3A_39 = arith.addi %add3A_38, %mul3A_37 : i32
      %mul3A_40 = arith.constant 128 : i32
      %mul3A_41 = arith.muli %add3A_39, %mul3A_40 : i32
      %add3A_42 = arith.addi %mul3A_12, %mul3A_41 : i32
      "tpu.region"() ({
        %run_scoped3A = tpu.sem_alloc : memref<!tpu.dma_semaphore, #tpu.memory_space<semaphore_mem>>
        %dma_start3A = arith.constant 0 : i32
        %dma_start3A_43 = tpu.memref_slice %arg11[%add3A_42, %dma_start3A] : memref<5376x128xf32, #tpu.memory_space<vmem_shared>> -> memref<128x128xf32, #tpu.memory_space<vmem_shared>>
        %dma_start3A_44 = arith.constant 0 : i32
        %dma_start3A_45 = tpu.memref_slice %arg11[%add3A_42, %dma_start3A_44] : memref<5376x128xf32, #tpu.memory_space<vmem_shared>> -> memref<128x128xf32, #tpu.memory_space<vmem_shared>>
        tpu.enqueue_dma source(%arg9 : memref<128x128xf32, #tpu.memory_space<vmem>>) target(%dma_start3A_45 : memref<128x128xf32, #tpu.memory_space<vmem_shared>>) target_semaphore(%run_scoped3A : memref<!tpu.dma_semaphore, #tpu.memory_space<semaphore_mem>>)
        %dma_wait3A = arith.constant 0 : i32
        %dma_wait3A_46 = tpu.memref_slice %arg11[%add3A_42, %dma_wait3A] : memref<5376x128xf32, #tpu.memory_space<vmem_shared>> -> memref<128x128xf32, #tpu.memory_space<vmem_shared>>
        %dma_wait3A_47 = arith.constant 0 : i32
        %dma_wait3A_48 = tpu.memref_slice %arg11[%add3A_42, %dma_wait3A_47] : memref<5376x128xf32, #tpu.memory_space<vmem_shared>> -> memref<128x128xf32, #tpu.memory_space<vmem_shared>>
        tpu.wait_dma2 semaphore(%run_scoped3A : memref<!tpu.dma_semaphore, #tpu.memory_space<semaphore_mem>>) src(%arg9 : memref<128x128xf32, #tpu.memory_space<vmem>>) dst(%dma_wait3A_48 : memref<128x128xf32, #tpu.memory_space<vmem_shared>>)
        tpu.yield
      }) : () -> ()
    }
    %scan3A_17 = arith.constant 2 : i32
    %add3A = arith.constant 256 : i32
    %add3A_18 = arith.addi %mul3A_12, %add3A : i32
    "tpu.region"() ({
      %run_scoped3A = tpu.sem_alloc : memref<!tpu.dma_semaphore, #tpu.memory_space<semaphore_mem>>
      %dma_start3A = arith.constant 0 : i32
      %dma_start3A_35 = arith.constant 0 : i32
      %dma_start3A_36 = tpu.memref_slice %arg9[%dma_start3A, %dma_start3A_35] : memref<128x128xf32, #tpu.memory_space<vmem>> -> memref<80x128xf32, #tpu.memory_space<vmem>>
      %dma_start3A_37 = arith.constant 0 : i32
      %dma_start3A_38 = tpu.memref_slice %arg11[%add3A_18, %dma_start3A_37] : memref<5376x128xf32, #tpu.memory_space<vmem_shared>> -> memref<80x128xf32, #tpu.memory_space<vmem_shared>>
      %dma_start3A_39 = arith.constant 0 : i32
      %dma_start3A_40 = tpu.memref_slice %arg11[%add3A_18, %dma_start3A_39] : memref<5376x128xf32, #tpu.memory_space<vmem_shared>> -> memref<80x128xf32, #tpu.memory_space<vmem_shared>>
      %dma_start3A_41 = arith.constant 0 : i32
      %dma_start3A_42 = arith.constant 0 : i32
      %dma_start3A_43 = tpu.memref_slice %arg9[%dma_start3A_41, %dma_start3A_42] : memref<128x128xf32, #tpu.memory_space<vmem>> -> memref<80x128xf32, #tpu.memory_space<vmem>>
      tpu.enqueue_dma source(%dma_start3A_43 : memref<80x128xf32, #tpu.memory_space<vmem>>) target(%dma_start3A_40 : memref<80x128xf32, #tpu.memory_space<vmem_shared>>) target_semaphore(%run_scoped3A : memref<!tpu.dma_semaphore, #tpu.memory_space<semaphore_mem>>)
      %dma_wait3A = arith.constant 0 : i32
      %dma_wait3A_44 = arith.constant 0 : i32
      %dma_wait3A_45 = tpu.memref_slice %arg9[%dma_wait3A, %dma_wait3A_44] : memref<128x128xf32, #tpu.memory_space<vmem>> -> memref<80x128xf32, #tpu.memory_space<vmem>>
      %dma_wait3A_46 = arith.constant 0 : i32
      %dma_wait3A_47 = tpu.memref_slice %arg11[%add3A_18, %dma_wait3A_46] : memref<5376x128xf32, #tpu.memory_space<vmem_shared>> -> memref<80x128xf32, #tpu.memory_space<vmem_shared>>
      %dma_wait3A_48 = arith.constant 0 : i32
      %dma_wait3A_49 = tpu.memref_slice %arg11[%add3A_18, %dma_wait3A_48] : memref<5376x128xf32, #tpu.memory_space<vmem_shared>> -> memref<80x128xf32, #tpu.memory_space<vmem_shared>>
      %dma_wait3A_50 = arith.constant 0 : i32
      %dma_wait3A_51 = arith.constant 0 : i32
      %dma_wait3A_52 = tpu.memref_slice %arg9[%dma_wait3A_50, %dma_wait3A_51] : memref<128x128xf32, #tpu.memory_space<vmem>> -> memref<80x128xf32, #tpu.memory_space<vmem>>
      tpu.wait_dma2 semaphore(%run_scoped3A : memref<!tpu.dma_semaphore, #tpu.memory_space<semaphore_mem>>) src(%dma_wait3A_52 : memref<80x128xf32, #tpu.memory_space<vmem>>) dst(%dma_wait3A_49 : memref<80x128xf32, #tpu.memory_space<vmem_shared>>)
      tpu.yield
    }) : () -> ()
    %barrier3A = arith.constant 0 : index
    tpu.barrier barrier_id(%barrier3A)
    %scan3A_19 = arith.constant 0 : i32
    %scan3A_20 = arith.constant 80 : i32
    %scan3A_21 = arith.addi %scan3A_19, %scan3A_20 : i32
    %scan3A_22 = arith.constant 1 : i32
    scf.for %scan3A_35 = %scan3A_19 to %scan3A_21 step %scan3A_22  : i32 {
      %mul3A_36 = arith.constant 2 : i32
      %mul3A_37 = arith.muli %scan3A_35, %mul3A_36 : i32
      %add3A_38 = arith.constant 0 : i32
      %add3A_39 = arith.addi %add3A_38, %mul3A_37 : i32
      %dma_start3A = arith.constant 0 : i32
      %dma_start3A_40 = tpu.memref_slice %arg7[%add3A_39, %dma_start3A] : memref<160x128xi32, #tpu.memory_space<vmem>> -> memref<1x128xi32, #tpu.memory_space<vmem>>
      %dma_start3A_41 = tpu.memref_squeeze %dma_start3A_40 : memref<1x128xi32, #tpu.memory_space<vmem>> -> memref<128xi32, #tpu.memory_space<vmem>>
      %dma_start3A_42 = arith.constant 0 : i32
      %dma_start3A_43 = arith.constant 0 : i32
      %dma_start3A_44 = tpu.memref_slice %arg2[%dma_start3A_42, %dma_start3A_43] : memref<20000x128xf32, #tpu.memory_space<hbm>> -> memref<20000x128xf32, #tpu.memory_space<hbm>>
      tpu.enqueue_indirect_dma source(%dma_start3A_44 : memref<20000x128xf32, #tpu.memory_space<hbm>>) target(%arg9 : memref<128x128xf32, #tpu.memory_space<vmem>>) offsets(%dma_start3A_41 : memref<128xi32, #tpu.memory_space<vmem>>) semaphore(%arg12 : memref<!tpu.dma_semaphore, #tpu.memory_space<semaphore_mem>>)
      %add3A_45 = arith.constant 1 : i32
      %add3A_46 = arith.addi %add3A_39, %add3A_45 : i32
      %dma_start3A_47 = arith.constant 0 : i32
      %dma_start3A_48 = tpu.memref_slice %arg7[%add3A_46, %dma_start3A_47] : memref<160x128xi32, #tpu.memory_space<vmem>> -> memref<1x128xi32, #tpu.memory_space<vmem>>
      %dma_start3A_49 = tpu.memref_squeeze %dma_start3A_48 : memref<1x128xi32, #tpu.memory_space<vmem>> -> memref<128xi32, #tpu.memory_space<vmem>>
      %dma_start3A_50 = arith.constant 0 : i32
      %dma_start3A_51 = arith.constant 0 : i32
      %dma_start3A_52 = tpu.memref_slice %arg2[%dma_start3A_50, %dma_start3A_51] : memref<20000x128xf32, #tpu.memory_space<hbm>> -> memref<20000x128xf32, #tpu.memory_space<hbm>>
      tpu.enqueue_indirect_dma source(%dma_start3A_52 : memref<20000x128xf32, #tpu.memory_space<hbm>>) target(%arg10 : memref<128x128xf32, #tpu.memory_space<vmem>>) offsets(%dma_start3A_49 : memref<128xi32, #tpu.memory_space<vmem>>) semaphore(%arg13 : memref<!tpu.dma_semaphore, #tpu.memory_space<semaphore_mem>>)
      %dma_wait3A = arith.constant 0 : i32
      %dma_wait3A_53 = tpu.memref_slice %arg7[%add3A_39, %dma_wait3A] : memref<160x128xi32, #tpu.memory_space<vmem>> -> memref<1x128xi32, #tpu.memory_space<vmem>>
      %dma_wait3A_54 = tpu.memref_squeeze %dma_wait3A_53 : memref<1x128xi32, #tpu.memory_space<vmem>> -> memref<128xi32, #tpu.memory_space<vmem>>
      %dma_wait3A_55 = arith.constant 0 : i32
      %dma_wait3A_56 = arith.constant 0 : i32
      %dma_wait3A_57 = tpu.memref_slice %arg2[%dma_wait3A_55, %dma_wait3A_56] : memref<20000x128xf32, #tpu.memory_space<hbm>> -> memref<20000x128xf32, #tpu.memory_space<hbm>>
      tpu.wait_indirect_dma semaphore(%arg12 : memref<!tpu.dma_semaphore, #tpu.memory_space<semaphore_mem>>) src(%dma_wait3A_57 : memref<20000x128xf32, #tpu.memory_space<hbm>>) dst(%arg9 : memref<128x128xf32, #tpu.memory_space<vmem>>)
      "tpu.region"() ({
        %run_scoped3A = tpu.sem_alloc : memref<!tpu.dma_semaphore, #tpu.memory_space<semaphore_mem>>
        %dma_start3A_66 = arith.constant 0 : i32
        %dma_start3A_67 = tpu.memref_slice %arg8[%add3A_39, %dma_start3A_66] : memref<160x128xi32, #tpu.memory_space<vmem>> -> memref<1x128xi32, #tpu.memory_space<vmem>>
        %dma_start3A_68 = tpu.memref_squeeze %dma_start3A_67 : memref<1x128xi32, #tpu.memory_space<vmem>> -> memref<128xi32, #tpu.memory_space<vmem>>
        %dma_start3A_69 = arith.constant 0 : i32
        %dma_start3A_70 = arith.constant 0 : i32
        %dma_start3A_71 = tpu.memref_slice %arg11[%dma_start3A_69, %dma_start3A_70] : memref<5376x128xf32, #tpu.memory_space<vmem_shared>> -> memref<5376x128xf32, #tpu.memory_space<vmem_shared>>
        tpu.enqueue_indirect_dma source(%arg9 : memref<128x128xf32, #tpu.memory_space<vmem>>) target(%dma_start3A_71 : memref<5376x128xf32, #tpu.memory_space<vmem_shared>>) offsets(%dma_start3A_68 : memref<128xi32, #tpu.memory_space<vmem>>) semaphore(%run_scoped3A : memref<!tpu.dma_semaphore, #tpu.memory_space<semaphore_mem>>) {add = true}
        %dma_wait3A_72 = arith.constant 0 : i32
        %dma_wait3A_73 = tpu.memref_slice %arg8[%add3A_39, %dma_wait3A_72] : memref<160x128xi32, #tpu.memory_space<vmem>> -> memref<1x128xi32, #tpu.memory_space<vmem>>
        %dma_wait3A_74 = tpu.memref_squeeze %dma_wait3A_73 : memref<1x128xi32, #tpu.memory_space<vmem>> -> memref<128xi32, #tpu.memory_space<vmem>>
        %dma_wait3A_75 = arith.constant 0 : i32
        %dma_wait3A_76 = arith.constant 0 : i32
        %dma_wait3A_77 = tpu.memref_slice %arg11[%dma_wait3A_75, %dma_wait3A_76] : memref<5376x128xf32, #tpu.memory_space<vmem_shared>> -> memref<5376x128xf32, #tpu.memory_space<vmem_shared>>
        tpu.wait_indirect_dma semaphore(%run_scoped3A : memref<!tpu.dma_semaphore, #tpu.memory_space<semaphore_mem>>) src(%arg9 : memref<128x128xf32, #tpu.memory_space<vmem>>) dst(%dma_wait3A_77 : memref<5376x128xf32, #tpu.memory_space<vmem_shared>>)
        tpu.yield
      }) : () -> ()
      %dma_wait3A_58 = arith.constant 0 : i32
      %dma_wait3A_59 = tpu.memref_slice %arg7[%add3A_46, %dma_wait3A_58] : memref<160x128xi32, #tpu.memory_space<vmem>> -> memref<1x128xi32, #tpu.memory_space<vmem>>
      %dma_wait3A_60 = tpu.memref_squeeze %dma_wait3A_59 : memref<1x128xi32, #tpu.memory_space<vmem>> -> memref<128xi32, #tpu.memory_space<vmem>>
      %dma_wait3A_61 = arith.constant 0 : i32
      %dma_wait3A_62 = arith.constant 0 : i32
      %dma_wait3A_63 = tpu.memref_slice %arg2[%dma_wait3A_61, %dma_wait3A_62] : memref<20000x128xf32, #tpu.memory_space<hbm>> -> memref<20000x128xf32, #tpu.memory_space<hbm>>
      tpu.wait_indirect_dma semaphore(%arg13 : memref<!tpu.dma_semaphore, #tpu.memory_space<semaphore_mem>>) src(%dma_wait3A_63 : memref<20000x128xf32, #tpu.memory_space<hbm>>) dst(%arg10 : memref<128x128xf32, #tpu.memory_space<vmem>>)
      %add3A_64 = arith.constant 1 : i32
      %add3A_65 = arith.addi %add3A_39, %add3A_64 : i32
      "tpu.region"() ({
        %run_scoped3A = tpu.sem_alloc : memref<!tpu.dma_semaphore, #tpu.memory_space<semaphore_mem>>
        %dma_start3A_66 = arith.constant 0 : i32
        %dma_start3A_67 = tpu.memref_slice %arg8[%add3A_65, %dma_start3A_66] : memref<160x128xi32, #tpu.memory_space<vmem>> -> memref<1x128xi32, #tpu.memory_space<vmem>>
        %dma_start3A_68 = tpu.memref_squeeze %dma_start3A_67 : memref<1x128xi32, #tpu.memory_space<vmem>> -> memref<128xi32, #tpu.memory_space<vmem>>
        %dma_start3A_69 = arith.constant 0 : i32
        %dma_start3A_70 = arith.constant 0 : i32
        %dma_start3A_71 = tpu.memref_slice %arg11[%dma_start3A_69, %dma_start3A_70] : memref<5376x128xf32, #tpu.memory_space<vmem_shared>> -> memref<5376x128xf32, #tpu.memory_space<vmem_shared>>
        tpu.enqueue_indirect_dma source(%arg10 : memref<128x128xf32, #tpu.memory_space<vmem>>) target(%dma_start3A_71 : memref<5376x128xf32, #tpu.memory_space<vmem_shared>>) offsets(%dma_start3A_68 : memref<128xi32, #tpu.memory_space<vmem>>) semaphore(%run_scoped3A : memref<!tpu.dma_semaphore, #tpu.memory_space<semaphore_mem>>) {add = true}
        %dma_wait3A_72 = arith.constant 0 : i32
        %dma_wait3A_73 = tpu.memref_slice %arg8[%add3A_65, %dma_wait3A_72] : memref<160x128xi32, #tpu.memory_space<vmem>> -> memref<1x128xi32, #tpu.memory_space<vmem>>
        %dma_wait3A_74 = tpu.memref_squeeze %dma_wait3A_73 : memref<1x128xi32, #tpu.memory_space<vmem>> -> memref<128xi32, #tpu.memory_space<vmem>>
        %dma_wait3A_75 = arith.constant 0 : i32
        %dma_wait3A_76 = arith.constant 0 : i32
        %dma_wait3A_77 = tpu.memref_slice %arg11[%dma_wait3A_75, %dma_wait3A_76] : memref<5376x128xf32, #tpu.memory_space<vmem_shared>> -> memref<5376x128xf32, #tpu.memory_space<vmem_shared>>
        tpu.wait_indirect_dma semaphore(%run_scoped3A : memref<!tpu.dma_semaphore, #tpu.memory_space<semaphore_mem>>) src(%arg10 : memref<128x128xf32, #tpu.memory_space<vmem>>) dst(%dma_wait3A_77 : memref<5376x128xf32, #tpu.memory_space<vmem_shared>>)
        tpu.yield
      }) : () -> ()
    }
    %scan3A_23 = arith.constant 80 : i32
    %barrier3A_24 = arith.constant 0 : index
    tpu.barrier barrier_id(%barrier3A_24)
    %eq3A_25 = arith.constant 0 : i32
    %eq3A_26 = arith.cmpi eq, %arg0, %eq3A_25 : i32
    %convert_element_type3A_27 = arith.extui %eq3A_26 : i1 to i32
    %cond3A_28 = arith.constant 0 : i32
    %cond3A_29 = arith.cmpi ne, %convert_element_type3A_27, %cond3A_28 : i32
    scf.if %cond3A_29 {
      %mul3A_35 = arith.constant 320 : i32
      %mul3A_36 = arith.muli %arg1, %mul3A_35 : i32
      %mul3A_37 = arith.constant 320 : i32
      %mul3A_38 = arith.muli %arg1, %mul3A_37 : i32
      "tpu.region"() ({
        %run_scoped3A = tpu.sem_alloc : memref<!tpu.dma_semaphore, #tpu.memory_space<semaphore_mem>>
        %dma_start3A = arith.constant 0 : i32
        %dma_start3A_39 = tpu.memref_slice %arg6[%mul3A_38, %dma_start3A] : memref<10000x128xf32, #tpu.memory_space<hbm>> -> memref<320x128xf32, #tpu.memory_space<hbm>>
        %dma_start3A_40 = arith.constant 0 : i32
        %dma_start3A_41 = tpu.memref_slice %arg11[%mul3A_36, %dma_start3A_40] : memref<5376x128xf32, #tpu.memory_space<vmem_shared>> -> memref<320x128xf32, #tpu.memory_space<vmem_shared>>
        tpu.enqueue_dma source(%dma_start3A_41 : memref<320x128xf32, #tpu.memory_space<vmem_shared>>) target(%dma_start3A_39 : memref<320x128xf32, #tpu.memory_space<hbm>>) target_semaphore(%run_scoped3A : memref<!tpu.dma_semaphore, #tpu.memory_space<semaphore_mem>>)
        %dma_wait3A = arith.constant 0 : i32
        %dma_wait3A_42 = tpu.memref_slice %arg6[%mul3A_38, %dma_wait3A] : memref<10000x128xf32, #tpu.memory_space<hbm>> -> memref<320x128xf32, #tpu.memory_space<hbm>>
        %dma_wait3A_43 = arith.constant 0 : i32
        %dma_wait3A_44 = tpu.memref_slice %arg11[%mul3A_36, %dma_wait3A_43] : memref<5376x128xf32, #tpu.memory_space<vmem_shared>> -> memref<320x128xf32, #tpu.memory_space<vmem_shared>>
        tpu.wait_dma2 semaphore(%run_scoped3A : memref<!tpu.dma_semaphore, #tpu.memory_space<semaphore_mem>>) src(%dma_wait3A_44 : memref<320x128xf32, #tpu.memory_space<vmem_shared>>) dst(%dma_wait3A_42 : memref<320x128xf32, #tpu.memory_space<hbm>>)
        tpu.yield
      }) : () -> ()
    } else {
    }
    %eq3A_30 = arith.constant 1 : i32
    %eq3A_31 = arith.cmpi eq, %arg0, %eq3A_30 : i32
    %convert_element_type3A_32 = arith.extui %eq3A_31 : i1 to i32
    %cond3A_33 = arith.constant 0 : i32
    %cond3A_34 = arith.cmpi ne, %convert_element_type3A_32, %cond3A_33 : i32
    scf.if %cond3A_34 {
      %mul3A_35 = arith.constant 304 : i32
      %mul3A_36 = arith.muli %arg1, %mul3A_35 : i32
      %mul3A_37 = arith.constant 304 : i32
      %mul3A_38 = arith.muli %arg1, %mul3A_37 : i32
      %add3A_39 = arith.constant 5120 : i32
      %add3A_40 = arith.addi %add3A_39, %mul3A_38 : i32
      "tpu.region"() ({
        %run_scoped3A = tpu.sem_alloc : memref<!tpu.dma_semaphore, #tpu.memory_space<semaphore_mem>>
        %dma_start3A = arith.constant 0 : i32
        %dma_start3A_46 = tpu.memref_slice %arg6[%add3A_40, %dma_start3A] : memref<10000x128xf32, #tpu.memory_space<hbm>> -> memref<304x128xf32, #tpu.memory_space<hbm>>
        %dma_start3A_47 = arith.constant 0 : i32
        %dma_start3A_48 = tpu.memref_slice %arg11[%mul3A_36, %dma_start3A_47] : memref<5376x128xf32, #tpu.memory_space<vmem_shared>> -> memref<304x128xf32, #tpu.memory_space<vmem_shared>>
        tpu.enqueue_dma source(%dma_start3A_48 : memref<304x128xf32, #tpu.memory_space<vmem_shared>>) target(%dma_start3A_46 : memref<304x128xf32, #tpu.memory_space<hbm>>) target_semaphore(%run_scoped3A : memref<!tpu.dma_semaphore, #tpu.memory_space<semaphore_mem>>)
        %dma_wait3A = arith.constant 0 : i32
        %dma_wait3A_49 = tpu.memref_slice %arg6[%add3A_40, %dma_wait3A] : memref<10000x128xf32, #tpu.memory_space<hbm>> -> memref<304x128xf32, #tpu.memory_space<hbm>>
        %dma_wait3A_50 = arith.constant 0 : i32
        %dma_wait3A_51 = tpu.memref_slice %arg11[%mul3A_36, %dma_wait3A_50] : memref<5376x128xf32, #tpu.memory_space<vmem_shared>> -> memref<304x128xf32, #tpu.memory_space<vmem_shared>>
        tpu.wait_dma2 semaphore(%run_scoped3A : memref<!tpu.dma_semaphore, #tpu.memory_space<semaphore_mem>>) src(%dma_wait3A_51 : memref<304x128xf32, #tpu.memory_space<vmem_shared>>) dst(%dma_wait3A_49 : memref<304x128xf32, #tpu.memory_space<hbm>>)
        tpu.yield
      }) : () -> ()
      %eq3A_41 = arith.constant 15 : i32
      %eq3A_42 = arith.cmpi eq, %arg1, %eq3A_41 : i32
      %convert_element_type3A_43 = arith.extui %eq3A_42 : i1 to i32
      %cond3A_44 = arith.constant 0 : i32
      %cond3A_45 = arith.cmpi ne, %convert_element_type3A_43, %cond3A_44 : i32
      scf.if %cond3A_45 {
        "tpu.region"() ({
          %run_scoped3A = tpu.sem_alloc : memref<!tpu.dma_semaphore, #tpu.memory_space<semaphore_mem>>
          %dma_start3A = arith.constant 9984 : i32
          %dma_start3A_46 = arith.constant 0 : i32
          %dma_start3A_47 = tpu.memref_slice %arg6[%dma_start3A, %dma_start3A_46] : memref<10000x128xf32, #tpu.memory_space<hbm>> -> memref<16x128xf32, #tpu.memory_space<hbm>>
          %dma_start3A_48 = arith.constant 4864 : i32
          %dma_start3A_49 = arith.constant 0 : i32
          %dma_start3A_50 = tpu.memref_slice %arg11[%dma_start3A_48, %dma_start3A_49] : memref<5376x128xf32, #tpu.memory_space<vmem_shared>> -> memref<16x128xf32, #tpu.memory_space<vmem_shared>>
          tpu.enqueue_dma source(%dma_start3A_50 : memref<16x128xf32, #tpu.memory_space<vmem_shared>>) target(%dma_start3A_47 : memref<16x128xf32, #tpu.memory_space<hbm>>) target_semaphore(%run_scoped3A : memref<!tpu.dma_semaphore, #tpu.memory_space<semaphore_mem>>)
          %dma_wait3A = arith.constant 9984 : i32
          %dma_wait3A_51 = arith.constant 0 : i32
          %dma_wait3A_52 = tpu.memref_slice %arg6[%dma_wait3A, %dma_wait3A_51] : memref<10000x128xf32, #tpu.memory_space<hbm>> -> memref<16x128xf32, #tpu.memory_space<hbm>>
          %dma_wait3A_53 = arith.constant 4864 : i32
          %dma_wait3A_54 = arith.constant 0 : i32
          %dma_wait3A_55 = tpu.memref_slice %arg11[%dma_wait3A_53, %dma_wait3A_54] : memref<5376x128xf32, #tpu.memory_space<vmem_shared>> -> memref<16x128xf32, #tpu.memory_space<vmem_shared>>
          tpu.wait_dma2 semaphore(%run_scoped3A : memref<!tpu.dma_semaphore, #tpu.memory_space<semaphore_mem>>) src(%dma_wait3A_55 : memref<16x128xf32, #tpu.memory_space<vmem_shared>>) dst(%dma_wait3A_52 : memref<16x128xf32, #tpu.memory_space<hbm>>)
          tpu.yield
        }) : () -> ()
      } else {
      }
    } else {
    }
    return
  }
}

module attributes {stable_mosaic.version = 14 : i64} {
  func.func @body(%arg0: i32, %arg1: memref<1000x128xf32, #tpu.memory_space<vmem>>, %arg2: memref<128x256xf32, #tpu.memory_space<vmem>>, %arg3: memref<1000x16xf32, #tpu.memory_space<vmem>>, %arg4: memref<2x1000x128xf32, #tpu.memory_space<vmem>>) attributes {dimension_semantics = [#tpu.dimension_semantics<arbitrary>], iteration_bounds = array<i64: 10>, scalar_prefetch = 0 : i64, scratch_operands = 0 : i64, tpu.core_type = #tpu.core_type<tc>, window_params = [{transform_indices = @transform_0, window_bounds = array<i64: 1000, 128>}, {pipeline_mode = #tpu.pipeline_mode<synchronous>, transform_indices = @transform_1, window_bounds = array<i64: 128, 256>}, {transform_indices = @transform_2, window_bounds = array<i64: 1000, 16>}, {transform_indices = @transform_3, window_bounds = array<i64: 2, 1000, 128>}]} {
    %get3A = arith.constant 0 : index
    %get3A_0 = arith.constant 0 : index
    %get3A_1 = vector.load %arg3[%get3A, %get3A_0] : memref<1000x16xf32, #tpu.memory_space<vmem>>, vector<1000x1xf32>
    %get3A_2 = arith.constant 0 : index
    %get3A_3 = arith.constant 0 : index
    %get3A_4 = vector.load %arg1[%get3A_2, %get3A_3] : memref<1000x128xf32, #tpu.memory_space<vmem>>, vector<1000x128xf32>
    %get3A_5 = arith.constant 0 : index
    %get3A_6 = arith.constant 0 : index
    %get3A_7 = vector.load %arg2[%get3A_5, %get3A_6] : memref<128x256xf32, #tpu.memory_space<vmem>>, vector<128x256xf32>
    %dot_general3A = arith.constant dense<0.000000e+00> : vector<1000x256xf32>
    %dot_general3A_8 = tpu.matmul %get3A_4, %get3A_7, %dot_general3A {dimension_numbers = #tpu.dot_dimension_numbers<[1], [0], [0], [1], [0, 0, 1, 1], [], []>, transpose_lhs_hint = false} : vector<1000x128xf32>, vector<128x256xf32>, vector<1000x256xf32> -> vector<1000x256xf32>
    %mul3A = vector.broadcast %get3A_1 : vector<1000x1xf32> to vector<1000x256xf32>
    %mul3A_9 = arith.mulf %dot_general3A_8, %mul3A : vector<1000x256xf32>
    %slice3A = vector.extract_strided_slice %mul3A_9 {offsets = [0, 0], sizes = [1000, 128], strides = [1, 1]} : vector<1000x256xf32> to vector<1000x128xf32>
    %swap3A = arith.constant 0 : index
    %swap3A_10 = arith.constant 0 : index
    %swap3A_11 = arith.constant 0 : index
    %swap3A_12 = vector.load %arg4[%swap3A, %swap3A_10, %swap3A_11] : memref<2x1000x128xf32, #tpu.memory_space<vmem>>, vector<1x1000x128xf32>
    %swap3A_13 = vector.shape_cast %swap3A_12 : vector<1x1000x128xf32> to vector<1000x128xf32>
    %swap3A_14 = vector.shape_cast %slice3A : vector<1000x128xf32> to vector<1x1000x128xf32>
    tpu.vector_store %arg4[%swap3A, %swap3A_10, %swap3A_11], %swap3A_14 {strides = array<i32>} : memref<2x1000x128xf32, #tpu.memory_space<vmem>>, vector<1x1000x128xf32>,
    %slice3A_15 = vector.extract_strided_slice %mul3A_9 {offsets = [0, 128], sizes = [1000, 128], strides = [1, 1]} : vector<1000x256xf32> to vector<1000x128xf32>
    %swap3A_16 = arith.constant 1 : index
    %swap3A_17 = arith.constant 0 : index
    %swap3A_18 = arith.constant 0 : index
    %swap3A_19 = vector.load %arg4[%swap3A_16, %swap3A_17, %swap3A_18] : memref<2x1000x128xf32, #tpu.memory_space<vmem>>, vector<1x1000x128xf32>
    %swap3A_20 = vector.shape_cast %swap3A_19 : vector<1x1000x128xf32> to vector<1000x128xf32>
    %swap3A_21 = vector.shape_cast %slice3A_15 : vector<1000x128xf32> to vector<1x1000x128xf32>
    tpu.vector_store %arg4[%swap3A_16, %swap3A_17, %swap3A_18], %swap3A_21 {strides = array<i32>} : memref<2x1000x128xf32, #tpu.memory_space<vmem>>, vector<1x1000x128xf32>,
    return
  }
  func.func @transform_0(%arg0: i32) -> (i32, i32) {
    %c0_i32 = arith.constant 0 : i32
    %c0_i32_0 = arith.constant 0 : i32
    return %arg0, %c0_i32 : i32, i32
  }
  func.func @transform_1(%arg0: i32) -> (i32, i32) {
    %c0_i32 = arith.constant 0 : i32
    %c0_i32_0 = arith.constant 0 : i32
    %c0_i32_1 = arith.constant 0 : i32
    return %c0_i32, %c0_i32_0 : i32, i32
  }
  func.func @transform_2(%arg0: i32) -> (i32, i32) {
    %c0_i32 = arith.constant 0 : i32
    %c0_i32_0 = arith.constant 0 : i32
    return %arg0, %c0_i32 : i32, i32
  }
  func.func @transform_3(%arg0: i32) -> (i32, i32, i32) {
    %c0_i32 = arith.constant 0 : i32
    %c0_i32_0 = arith.constant 0 : i32
    %c0_i32_1 = arith.constant 0 : i32
    return %c0_i32, %arg0, %c0_i32_0 : i32, i32, i32
  }
}

module attributes {stable_mosaic.version = 14 : i64} {
  func.func @body(%arg0: i32, %arg1: memref<1000x128xf32, #tpu.memory_space<vmem>>, %arg2: memref<1000x16xf32, #tpu.memory_space<vmem>>) attributes {dimension_semantics = [#tpu.dimension_semantics<arbitrary>], iteration_bounds = array<i64: 10>, scalar_prefetch = 0 : i64, scratch_operands = 0 : i64, tpu.core_type = #tpu.core_type<tc>, window_params = [{transform_indices = @transform_0, window_bounds = array<i64: 1000, 128>}, {transform_indices = @transform_1, window_bounds = array<i64: 1000, 16>}]} {
    %get3A = arith.constant 0 : index
    %get3A_0 = arith.constant 0 : index
    %get3A_1 = vector.load %arg1[%get3A, %get3A_0] : memref<1000x128xf32, #tpu.memory_space<vmem>>, vector<1000x1xf32>
    %add3A = arith.constant 1.000000e+00 : f32
    %add3A_2 = vector.broadcast %add3A : f32 to vector<1000x1xf32>
    %add3A_3 = arith.addf %get3A_1, %add3A_2 : vector<1000x1xf32>
    %rsqrt3A = math.rsqrt %add3A_3 : vector<1000x1xf32>
    %broadcast_in_dim3A = vector.shape_cast %rsqrt3A : vector<1000x1xf32> to vector<1000x1xf32>
    %broadcast_in_dim3A_4 = vector.broadcast %broadcast_in_dim3A : vector<1000x1xf32> to vector<1000x16xf32>
    %swap3A = arith.constant 0 : index
    %swap3A_5 = arith.constant 0 : index
    %swap3A_6 = vector.load %arg2[%swap3A, %swap3A_5] : memref<1000x16xf32, #tpu.memory_space<vmem>>, vector<1000x16xf32>
    tpu.vector_store %arg2[%swap3A, %swap3A_5], %broadcast_in_dim3A_4 {strides = array<i32>} : memref<1000x16xf32, #tpu.memory_space<vmem>>, vector<1000x16xf32>,
    return
  }
  func.func @transform_0(%arg0: i32) -> (i32, i32) {
    %c0_i32 = arith.constant 0 : i32
    %c0_i32_0 = arith.constant 0 : i32
    return %arg0, %c0_i32 : i32, i32
  }
  func.func @transform_1(%arg0: i32) -> (i32, i32) {
    %c0_i32 = arith.constant 0 : i32
    %c0_i32_0 = arith.constant 0 : i32
    return %arg0, %c0_i32 : i32, i32
  }
}

module attributes {stable_mosaic.version = 14 : i64} {
  func.func @body(%arg0: i32, %arg1: memref<1000x128xf32, #tpu.memory_space<vmem>>, %arg2: memref<1000x128xf32, #tpu.memory_space<vmem>>, %arg3: memref<2x1000x128xf32, #tpu.memory_space<vmem>>, %arg4: memref<1000x16xf32, #tpu.memory_space<vmem>>, %arg5: memref<256x256xf32, #tpu.memory_space<vmem>>, %arg6: memref<2x1000x128xf32, #tpu.memory_space<vmem>>) attributes {dimension_semantics = [#tpu.dimension_semantics<arbitrary>], iteration_bounds = array<i64: 10>, scalar_prefetch = 0 : i64, scratch_operands = 0 : i64, tpu.core_type = #tpu.core_type<tc>, window_params = [{transform_indices = @transform_0, window_bounds = array<i64: 1000, 128>}, {transform_indices = @transform_1, window_bounds = array<i64: 1000, 128>}, {transform_indices = @transform_2, window_bounds = array<i64: 2, 1000, 128>}, {transform_indices = @transform_3, window_bounds = array<i64: 1000, 16>}, {pipeline_mode = #tpu.pipeline_mode<synchronous>, transform_indices = @transform_4, window_bounds = array<i64: 256, 256>}, {transform_indices = @transform_5, window_bounds = array<i64: 2, 1000, 128>}]} {
    %get3A = arith.constant 0 : index
    %get3A_0 = arith.constant 0 : index
    %get3A_1 = vector.load %arg4[%get3A, %get3A_0] : memref<1000x16xf32, #tpu.memory_space<vmem>>, vector<1000x1xf32>
    %get3A_2 = arith.constant 0 : index
    %get3A_3 = arith.constant 0 : index
    %get3A_4 = vector.load %arg1[%get3A_2, %get3A_3] : memref<1000x128xf32, #tpu.memory_space<vmem>>, vector<1000x128xf32>
    %get3A_5 = arith.constant 0 : index
    %get3A_6 = arith.constant 0 : index
    %get3A_7 = vector.load %arg2[%get3A_5, %get3A_6] : memref<1000x128xf32, #tpu.memory_space<vmem>>, vector<1000x128xf32>
    %concatenate3A = tpu.concatenate %get3A_4, %get3A_7 in 1 : vector<1000x128xf32>, vector<1000x128xf32> -> vector<1000x256xf32>
    %get3A_8 = arith.constant 0 : index
    %get3A_9 = arith.constant 0 : index
    %get3A_10 = arith.constant 0 : index
    %get3A_11 = vector.load %arg3[%get3A_8, %get3A_9, %get3A_10] : memref<2x1000x128xf32, #tpu.memory_space<vmem>>, vector<1x1000x128xf32>
    %get3A_12 = vector.shape_cast %get3A_11 : vector<1x1000x128xf32> to vector<1000x128xf32>
    %get3A_13 = arith.constant 1 : index
    %get3A_14 = arith.constant 0 : index
    %get3A_15 = arith.constant 0 : index
    %get3A_16 = vector.load %arg3[%get3A_13, %get3A_14, %get3A_15] : memref<2x1000x128xf32, #tpu.memory_space<vmem>>, vector<1x1000x128xf32>
    %get3A_17 = vector.shape_cast %get3A_16 : vector<1x1000x128xf32> to vector<1000x128xf32>
    %concatenate3A_18 = tpu.concatenate %get3A_12, %get3A_17 in 1 : vector<1000x128xf32>, vector<1000x128xf32> -> vector<1000x256xf32>
    %get3A_19 = arith.constant 0 : index
    %get3A_20 = arith.constant 0 : index
    %get3A_21 = vector.load %arg5[%get3A_19, %get3A_20] : memref<256x256xf32, #tpu.memory_space<vmem>>, vector<256x256xf32>
    %add3A = arith.addf %concatenate3A, %concatenate3A_18 : vector<1000x256xf32>
    %mul3A = vector.broadcast %get3A_1 : vector<1000x1xf32> to vector<1000x256xf32>
    %mul3A_22 = arith.mulf %mul3A, %add3A : vector<1000x256xf32>
    %max3A = arith.constant 0.000000e+00 : f32
    %max3A_23 = vector.broadcast %max3A : f32 to vector<1000x256xf32>
    %max3A_24 = arith.maximumf %mul3A_22, %max3A_23 : vector<1000x256xf32>
    %dot_general3A = arith.constant dense<0.000000e+00> : vector<1000x256xf32>
    %dot_general3A_25 = tpu.matmul %max3A_24, %get3A_21, %dot_general3A {dimension_numbers = #tpu.dot_dimension_numbers<[1], [0], [0], [1], [0, 0, 1, 1], [], []>, transpose_lhs_hint = false} : vector<1000x256xf32>, vector<256x256xf32>, vector<1000x256xf32> -> vector<1000x256xf32>
    %mul3A_26 = vector.broadcast %get3A_1 : vector<1000x1xf32> to vector<1000x256xf32>
    %mul3A_27 = arith.mulf %dot_general3A_25, %mul3A_26 : vector<1000x256xf32>
    %slice3A = vector.extract_strided_slice %mul3A_27 {offsets = [0, 0], sizes = [1000, 128], strides = [1, 1]} : vector<1000x256xf32> to vector<1000x128xf32>
    %swap3A = arith.constant 0 : index
    %swap3A_28 = arith.constant 0 : index
    %swap3A_29 = arith.constant 0 : index
    %swap3A_30 = vector.load %arg6[%swap3A, %swap3A_28, %swap3A_29] : memref<2x1000x128xf32, #tpu.memory_space<vmem>>, vector<1x1000x128xf32>
    %swap3A_31 = vector.shape_cast %swap3A_30 : vector<1x1000x128xf32> to vector<1000x128xf32>
    %swap3A_32 = vector.shape_cast %slice3A : vector<1000x128xf32> to vector<1x1000x128xf32>
    tpu.vector_store %arg6[%swap3A, %swap3A_28, %swap3A_29], %swap3A_32 {strides = array<i32>} : memref<2x1000x128xf32, #tpu.memory_space<vmem>>, vector<1x1000x128xf32>,
    %slice3A_33 = vector.extract_strided_slice %mul3A_27 {offsets = [0, 128], sizes = [1000, 128], strides = [1, 1]} : vector<1000x256xf32> to vector<1000x128xf32>
    %swap3A_34 = arith.constant 1 : index
    %swap3A_35 = arith.constant 0 : index
    %swap3A_36 = arith.constant 0 : index
    %swap3A_37 = vector.load %arg6[%swap3A_34, %swap3A_35, %swap3A_36] : memref<2x1000x128xf32, #tpu.memory_space<vmem>>, vector<1x1000x128xf32>
    %swap3A_38 = vector.shape_cast %swap3A_37 : vector<1x1000x128xf32> to vector<1000x128xf32>
    %swap3A_39 = vector.shape_cast %slice3A_33 : vector<1000x128xf32> to vector<1x1000x128xf32>
    tpu.vector_store %arg6[%swap3A_34, %swap3A_35, %swap3A_36], %swap3A_39 {strides = array<i32>} : memref<2x1000x128xf32, #tpu.memory_space<vmem>>, vector<1x1000x128xf32>,
    return
  }
  func.func @transform_0(%arg0: i32) -> (i32, i32) {
    %c0_i32 = arith.constant 0 : i32
    %c0_i32_0 = arith.constant 0 : i32
    return %arg0, %c0_i32 : i32, i32
  }
  func.func @transform_1(%arg0: i32) -> (i32, i32) {
    %c0_i32 = arith.constant 0 : i32
    %c0_i32_0 = arith.constant 0 : i32
    return %arg0, %c0_i32 : i32, i32
  }
  func.func @transform_2(%arg0: i32) -> (i32, i32, i32) {
    %c0_i32 = arith.constant 0 : i32
    %c0_i32_0 = arith.constant 0 : i32
    %c0_i32_1 = arith.constant 0 : i32
    return %c0_i32, %arg0, %c0_i32_0 : i32, i32, i32
  }
  func.func @transform_3(%arg0: i32) -> (i32, i32) {
    %c0_i32 = arith.constant 0 : i32
    %c0_i32_0 = arith.constant 0 : i32
    return %arg0, %c0_i32 : i32, i32
  }
  func.func @transform_4(%arg0: i32) -> (i32, i32) {
    %c0_i32 = arith.constant 0 : i32
    %c0_i32_0 = arith.constant 0 : i32
    %c0_i32_1 = arith.constant 0 : i32
    return %c0_i32, %c0_i32_0 : i32, i32
  }
  func.func @transform_5(%arg0: i32) -> (i32, i32, i32) {
    %c0_i32 = arith.constant 0 : i32
    %c0_i32_0 = arith.constant 0 : i32
    %c0_i32_1 = arith.constant 0 : i32
    return %c0_i32, %arg0, %c0_i32_0 : i32, i32, i32
  }
}

module attributes {stable_mosaic.version = 14 : i64} {
  func.func @body(%arg0: i32, %arg1: memref<1000x128xf32, #tpu.memory_space<vmem>>, %arg2: memref<1000x128xf32, #tpu.memory_space<vmem>>, %arg3: memref<2x1000x128xf32, #tpu.memory_space<vmem>>, %arg4: memref<1000x16xf32, #tpu.memory_space<vmem>>, %arg5: memref<256x128xf32, #tpu.memory_space<vmem>>, %arg6: memref<2x1000x128xf32, #tpu.memory_space<vmem>>) attributes {dimension_semantics = [#tpu.dimension_semantics<arbitrary>], iteration_bounds = array<i64: 10>, scalar_prefetch = 0 : i64, scratch_operands = 0 : i64, tpu.core_type = #tpu.core_type<tc>, window_params = [{transform_indices = @transform_0, window_bounds = array<i64: 1000, 128>}, {transform_indices = @transform_1, window_bounds = array<i64: 1000, 128>}, {transform_indices = @transform_2, window_bounds = array<i64: 2, 1000, 128>}, {transform_indices = @transform_3, window_bounds = array<i64: 1000, 16>}, {pipeline_mode = #tpu.pipeline_mode<synchronous>, transform_indices = @transform_4, window_bounds = array<i64: 256, 128>}, {transform_indices = @transform_5, window_bounds = array<i64: 2, 1000, 128>}]} {
    %get3A = arith.constant 0 : index
    %get3A_0 = arith.constant 0 : index
    %get3A_1 = vector.load %arg4[%get3A, %get3A_0] : memref<1000x16xf32, #tpu.memory_space<vmem>>, vector<1000x1xf32>
    %get3A_2 = arith.constant 0 : index
    %get3A_3 = arith.constant 0 : index
    %get3A_4 = vector.load %arg1[%get3A_2, %get3A_3] : memref<1000x128xf32, #tpu.memory_space<vmem>>, vector<1000x128xf32>
    %get3A_5 = arith.constant 0 : index
    %get3A_6 = arith.constant 0 : index
    %get3A_7 = vector.load %arg2[%get3A_5, %get3A_6] : memref<1000x128xf32, #tpu.memory_space<vmem>>, vector<1000x128xf32>
    %concatenate3A = tpu.concatenate %get3A_4, %get3A_7 in 1 : vector<1000x128xf32>, vector<1000x128xf32> -> vector<1000x256xf32>
    %get3A_8 = arith.constant 0 : index
    %get3A_9 = arith.constant 0 : index
    %get3A_10 = arith.constant 0 : index
    %get3A_11 = vector.load %arg3[%get3A_8, %get3A_9, %get3A_10] : memref<2x1000x128xf32, #tpu.memory_space<vmem>>, vector<1x1000x128xf32>
    %get3A_12 = vector.shape_cast %get3A_11 : vector<1x1000x128xf32> to vector<1000x128xf32>
    %get3A_13 = arith.constant 1 : index
    %get3A_14 = arith.constant 0 : index
    %get3A_15 = arith.constant 0 : index
    %get3A_16 = vector.load %arg3[%get3A_13, %get3A_14, %get3A_15] : memref<2x1000x128xf32, #tpu.memory_space<vmem>>, vector<1x1000x128xf32>
    %get3A_17 = vector.shape_cast %get3A_16 : vector<1x1000x128xf32> to vector<1000x128xf32>
    %concatenate3A_18 = tpu.concatenate %get3A_12, %get3A_17 in 1 : vector<1000x128xf32>, vector<1000x128xf32> -> vector<1000x256xf32>
    %get3A_19 = arith.constant 0 : index
    %get3A_20 = arith.constant 0 : index
    %get3A_21 = vector.load %arg5[%get3A_19, %get3A_20] : memref<256x128xf32, #tpu.memory_space<vmem>>, vector<256x128xf32>
    %add3A = arith.addf %concatenate3A, %concatenate3A_18 : vector<1000x256xf32>
    %mul3A = vector.broadcast %get3A_1 : vector<1000x1xf32> to vector<1000x256xf32>
    %mul3A_22 = arith.mulf %mul3A, %add3A : vector<1000x256xf32>
    %max3A = arith.constant 0.000000e+00 : f32
    %max3A_23 = vector.broadcast %max3A : f32 to vector<1000x256xf32>
    %max3A_24 = arith.maximumf %mul3A_22, %max3A_23 : vector<1000x256xf32>
    %dot_general3A = arith.constant dense<0.000000e+00> : vector<1000x128xf32>
    %dot_general3A_25 = tpu.matmul %max3A_24, %get3A_21, %dot_general3A {dimension_numbers = #tpu.dot_dimension_numbers<[1], [0], [0], [1], [0, 0, 1, 1], [], []>, transpose_lhs_hint = false} : vector<1000x256xf32>, vector<256x128xf32>, vector<1000x128xf32> -> vector<1000x128xf32>
    %mul3A_26 = vector.broadcast %get3A_1 : vector<1000x1xf32> to vector<1000x128xf32>
    %mul3A_27 = arith.mulf %dot_general3A_25, %mul3A_26 : vector<1000x128xf32>
    %swap3A = arith.constant 0 : index
    %swap3A_28 = arith.constant 0 : index
    %swap3A_29 = arith.constant 0 : index
    %swap3A_30 = vector.load %arg6[%swap3A, %swap3A_28, %swap3A_29] : memref<2x1000x128xf32, #tpu.memory_space<vmem>>, vector<1x1000x128xf32>
    %swap3A_31 = vector.shape_cast %swap3A_30 : vector<1x1000x128xf32> to vector<1000x128xf32>
    %swap3A_32 = vector.shape_cast %mul3A_27 : vector<1000x128xf32> to vector<1x1000x128xf32>
    tpu.vector_store %arg6[%swap3A, %swap3A_28, %swap3A_29], %swap3A_32 {strides = array<i32>} : memref<2x1000x128xf32, #tpu.memory_space<vmem>>, vector<1x1000x128xf32>,
    %broadcast_in_dim3A = arith.constant 0.000000e+00 : f32
    %broadcast_in_dim3A_33 = vector.broadcast %broadcast_in_dim3A : f32 to vector<1000x128xf32>
    %swap3A_34 = arith.constant 1 : index
    %swap3A_35 = arith.constant 0 : index
    %swap3A_36 = arith.constant 0 : index
    %swap3A_37 = vector.load %arg6[%swap3A_34, %swap3A_35, %swap3A_36] : memref<2x1000x128xf32, #tpu.memory_space<vmem>>, vector<1x1000x128xf32>
    %swap3A_38 = vector.shape_cast %swap3A_37 : vector<1x1000x128xf32> to vector<1000x128xf32>
    %swap3A_39 = vector.shape_cast %broadcast_in_dim3A_33 : vector<1000x128xf32> to vector<1x1000x128xf32>
    tpu.vector_store %arg6[%swap3A_34, %swap3A_35, %swap3A_36], %swap3A_39 {strides = array<i32>} : memref<2x1000x128xf32, #tpu.memory_space<vmem>>, vector<1x1000x128xf32>,
    return
  }
  func.func @transform_0(%arg0: i32) -> (i32, i32) {
    %c0_i32 = arith.constant 0 : i32
    %c0_i32_0 = arith.constant 0 : i32
    return %arg0, %c0_i32 : i32, i32
  }
  func.func @transform_1(%arg0: i32) -> (i32, i32) {
    %c0_i32 = arith.constant 0 : i32
    %c0_i32_0 = arith.constant 0 : i32
    return %arg0, %c0_i32 : i32, i32
  }
  func.func @transform_2(%arg0: i32) -> (i32, i32, i32) {
    %c0_i32 = arith.constant 0 : i32
    %c0_i32_0 = arith.constant 0 : i32
    %c0_i32_1 = arith.constant 0 : i32
    return %c0_i32, %arg0, %c0_i32_0 : i32, i32, i32
  }
  func.func @transform_3(%arg0: i32) -> (i32, i32) {
    %c0_i32 = arith.constant 0 : i32
    %c0_i32_0 = arith.constant 0 : i32
    return %arg0, %c0_i32 : i32, i32
  }
  func.func @transform_4(%arg0: i32) -> (i32, i32) {
    %c0_i32 = arith.constant 0 : i32
    %c0_i32_0 = arith.constant 0 : i32
    %c0_i32_1 = arith.constant 0 : i32
    return %c0_i32, %c0_i32_0 : i32, i32
  }
  func.func @transform_5(%arg0: i32) -> (i32, i32, i32) {
    %c0_i32 = arith.constant 0 : i32
    %c0_i32_0 = arith.constant 0 : i32
    %c0_i32_1 = arith.constant 0 : i32
    return %c0_i32, %arg0, %c0_i32_0 : i32, i32, i32
  }
}

module attributes {stable_mosaic.version = 14 : i64} {
  func.func @body(%arg0: i32, %arg1: memref<1000x128xf32, #tpu.memory_space<vmem>>, %arg2: memref<1x1000x128xf32, #tpu.memory_space<vmem>>, %arg3: memref<1000x16xf32, #tpu.memory_space<vmem>>, %arg4: memref<128x64xf32, #tpu.memory_space<vmem>>, %arg5: memref<2x1000x128xf32, #tpu.memory_space<vmem>>) attributes {dimension_semantics = [#tpu.dimension_semantics<arbitrary>], iteration_bounds = array<i64: 10>, scalar_prefetch = 0 : i64, scratch_operands = 0 : i64, tpu.core_type = #tpu.core_type<tc>, window_params = [{transform_indices = @transform_0, window_bounds = array<i64: 1000, 128>}, {transform_indices = @transform_1, window_bounds = array<i64: 1, 1000, 128>}, {transform_indices = @transform_2, window_bounds = array<i64: 1000, 16>}, {pipeline_mode = #tpu.pipeline_mode<synchronous>, transform_indices = @transform_3, window_bounds = array<i64: 128, 64>}, {transform_indices = @transform_4, window_bounds = array<i64: 2, 1000, 128>}]} {
    %get3A = arith.constant 0 : index
    %get3A_0 = arith.constant 0 : index
    %get3A_1 = vector.load %arg3[%get3A, %get3A_0] : memref<1000x16xf32, #tpu.memory_space<vmem>>, vector<1000x1xf32>
    %get3A_2 = arith.constant 0 : index
    %get3A_3 = arith.constant 0 : index
    %get3A_4 = vector.load %arg1[%get3A_2, %get3A_3] : memref<1000x128xf32, #tpu.memory_space<vmem>>, vector<1000x128xf32>
    %get3A_5 = arith.constant 0 : index
    %get3A_6 = arith.constant 0 : index
    %get3A_7 = arith.constant 0 : index
    %get3A_8 = vector.load %arg2[%get3A_5, %get3A_6, %get3A_7] : memref<1x1000x128xf32, #tpu.memory_space<vmem>>, vector<1x1000x128xf32>
    %get3A_9 = vector.shape_cast %get3A_8 : vector<1x1000x128xf32> to vector<1000x128xf32>
    %get3A_10 = arith.constant 0 : index
    %get3A_11 = arith.constant 0 : index
    %get3A_12 = vector.load %arg4[%get3A_10, %get3A_11] : memref<128x64xf32, #tpu.memory_space<vmem>>, vector<128x64xf32>
    %add3A = arith.addf %get3A_4, %get3A_9 : vector<1000x128xf32>
    %mul3A = vector.broadcast %get3A_1 : vector<1000x1xf32> to vector<1000x128xf32>
    %mul3A_13 = arith.mulf %mul3A, %add3A : vector<1000x128xf32>
    %max3A = arith.constant 0.000000e+00 : f32
    %max3A_14 = vector.broadcast %max3A : f32 to vector<1000x128xf32>
    %max3A_15 = arith.maximumf %mul3A_13, %max3A_14 : vector<1000x128xf32>
    %dot_general3A = arith.constant dense<0.000000e+00> : vector<1000x64xf32>
    %dot_general3A_16 = tpu.matmul %max3A_15, %get3A_12, %dot_general3A {dimension_numbers = #tpu.dot_dimension_numbers<[1], [0], [0], [1], [0, 0, 1, 1], [], []>, transpose_lhs_hint = false} : vector<1000x128xf32>, vector<128x64xf32>, vector<1000x64xf32> -> vector<1000x64xf32>
    %mul3A_17 = vector.broadcast %get3A_1 : vector<1000x1xf32> to vector<1000x64xf32>
    %mul3A_18 = arith.mulf %dot_general3A_16, %mul3A_17 : vector<1000x64xf32>
    %broadcast_in_dim3A = arith.constant 0.000000e+00 : f32
    %broadcast_in_dim3A_19 = vector.broadcast %broadcast_in_dim3A : f32 to vector<1000x64xf32>
    %concatenate3A = tpu.concatenate %mul3A_18, %broadcast_in_dim3A_19 in 1 : vector<1000x64xf32>, vector<1000x64xf32> -> vector<1000x128xf32>
    %swap3A = arith.constant 0 : index
    %swap3A_20 = arith.constant 0 : index
    %swap3A_21 = arith.constant 0 : index
    %swap3A_22 = vector.load %arg5[%swap3A, %swap3A_20, %swap3A_21] : memref<2x1000x128xf32, #tpu.memory_space<vmem>>, vector<1x1000x128xf32>
    %swap3A_23 = vector.shape_cast %swap3A_22 : vector<1x1000x128xf32> to vector<1000x128xf32>
    %swap3A_24 = vector.shape_cast %concatenate3A : vector<1000x128xf32> to vector<1x1000x128xf32>
    tpu.vector_store %arg5[%swap3A, %swap3A_20, %swap3A_21], %swap3A_24 {strides = array<i32>} : memref<2x1000x128xf32, #tpu.memory_space<vmem>>, vector<1x1000x128xf32>,
    %broadcast_in_dim3A_25 = arith.constant 0.000000e+00 : f32
    %broadcast_in_dim3A_26 = vector.broadcast %broadcast_in_dim3A_25 : f32 to vector<1000x128xf32>
    %swap3A_27 = arith.constant 1 : index
    %swap3A_28 = arith.constant 0 : index
    %swap3A_29 = arith.constant 0 : index
    %swap3A_30 = vector.load %arg5[%swap3A_27, %swap3A_28, %swap3A_29] : memref<2x1000x128xf32, #tpu.memory_space<vmem>>, vector<1x1000x128xf32>
    %swap3A_31 = vector.shape_cast %swap3A_30 : vector<1x1000x128xf32> to vector<1000x128xf32>
    %swap3A_32 = vector.shape_cast %broadcast_in_dim3A_26 : vector<1000x128xf32> to vector<1x1000x128xf32>
    tpu.vector_store %arg5[%swap3A_27, %swap3A_28, %swap3A_29], %swap3A_32 {strides = array<i32>} : memref<2x1000x128xf32, #tpu.memory_space<vmem>>, vector<1x1000x128xf32>,
    return
  }
  func.func @transform_0(%arg0: i32) -> (i32, i32) {
    %c0_i32 = arith.constant 0 : i32
    %c0_i32_0 = arith.constant 0 : i32
    return %arg0, %c0_i32 : i32, i32
  }
  func.func @transform_1(%arg0: i32) -> (i32, i32, i32) {
    %c0_i32 = arith.constant 0 : i32
    %c0_i32_0 = arith.constant 0 : i32
    %c0_i32_1 = arith.constant 0 : i32
    return %c0_i32, %arg0, %c0_i32_0 : i32, i32, i32
  }
  func.func @transform_2(%arg0: i32) -> (i32, i32) {
    %c0_i32 = arith.constant 0 : i32
    %c0_i32_0 = arith.constant 0 : i32
    return %arg0, %c0_i32 : i32, i32
  }
  func.func @transform_3(%arg0: i32) -> (i32, i32) {
    %c0_i32 = arith.constant 0 : i32
    %c0_i32_0 = arith.constant 0 : i32
    %c0_i32_1 = arith.constant 0 : i32
    return %c0_i32, %c0_i32_0 : i32, i32
  }
  func.func @transform_4(%arg0: i32) -> (i32, i32, i32) {
    %c0_i32 = arith.constant 0 : i32
    %c0_i32_0 = arith.constant 0 : i32
    %c0_i32_1 = arith.constant 0 : i32
    return %c0_i32, %arg0, %c0_i32_0 : i32, i32, i32
  }
}

module attributes {stable_mosaic.version = 14 : i64} {
  func.func @body(%arg0: i32, %arg1: memref<1000x128xf32, #tpu.memory_space<vmem>>, %arg2: memref<1x1000x128xf32, #tpu.memory_space<vmem>>, %arg3: memref<1000x16xf32, #tpu.memory_space<vmem>>, %arg4: memref<64x32xf32, #tpu.memory_space<vmem>>, %arg5: memref<2x1000x128xf32, #tpu.memory_space<vmem>>) attributes {dimension_semantics = [#tpu.dimension_semantics<arbitrary>], iteration_bounds = array<i64: 10>, scalar_prefetch = 0 : i64, scratch_operands = 0 : i64, tpu.core_type = #tpu.core_type<tc>, window_params = [{transform_indices = @transform_0, window_bounds = array<i64: 1000, 128>}, {transform_indices = @transform_1, window_bounds = array<i64: 1, 1000, 128>}, {transform_indices = @transform_2, window_bounds = array<i64: 1000, 16>}, {pipeline_mode = #tpu.pipeline_mode<synchronous>, transform_indices = @transform_3, window_bounds = array<i64: 64, 32>}, {transform_indices = @transform_4, window_bounds = array<i64: 2, 1000, 128>}]} {
    %get3A = arith.constant 0 : index
    %get3A_0 = arith.constant 0 : index
    %get3A_1 = vector.load %arg3[%get3A, %get3A_0] : memref<1000x16xf32, #tpu.memory_space<vmem>>, vector<1000x1xf32>
    %get3A_2 = arith.constant 0 : index
    %get3A_3 = arith.constant 0 : index
    %get3A_4 = vector.load %arg1[%get3A_2, %get3A_3] : memref<1000x128xf32, #tpu.memory_space<vmem>>, vector<1000x64xf32>
    %get3A_5 = arith.constant 0 : index
    %get3A_6 = arith.constant 0 : index
    %get3A_7 = arith.constant 0 : index
    %get3A_8 = vector.load %arg2[%get3A_5, %get3A_6, %get3A_7] : memref<1x1000x128xf32, #tpu.memory_space<vmem>>, vector<1x1000x128xf32>
    %get3A_9 = vector.shape_cast %get3A_8 : vector<1x1000x128xf32> to vector<1000x128xf32>
    %slice3A = vector.extract_strided_slice %get3A_9 {offsets = [0, 0], sizes = [1000, 64], strides = [1, 1]} : vector<1000x128xf32> to vector<1000x64xf32>
    %get3A_10 = arith.constant 0 : index
    %get3A_11 = arith.constant 0 : index
    %get3A_12 = vector.load %arg4[%get3A_10, %get3A_11] : memref<64x32xf32, #tpu.memory_space<vmem>>, vector<64x32xf32>
    %add3A = arith.addf %get3A_4, %slice3A : vector<1000x64xf32>
    %mul3A = vector.broadcast %get3A_1 : vector<1000x1xf32> to vector<1000x64xf32>
    %mul3A_13 = arith.mulf %mul3A, %add3A : vector<1000x64xf32>
    %max3A = arith.constant 0.000000e+00 : f32
    %max3A_14 = vector.broadcast %max3A : f32 to vector<1000x64xf32>
    %max3A_15 = arith.maximumf %mul3A_13, %max3A_14 : vector<1000x64xf32>
    %dot_general3A = arith.constant dense<0.000000e+00> : vector<1000x32xf32>
    %dot_general3A_16 = tpu.matmul %max3A_15, %get3A_12, %dot_general3A {dimension_numbers = #tpu.dot_dimension_numbers<[1], [0], [0], [1], [0, 0, 1, 1], [], []>, transpose_lhs_hint = false} : vector<1000x64xf32>, vector<64x32xf32>, vector<1000x32xf32> -> vector<1000x32xf32>
    %mul3A_17 = vector.broadcast %get3A_1 : vector<1000x1xf32> to vector<1000x32xf32>
    %mul3A_18 = arith.mulf %dot_general3A_16, %mul3A_17 : vector<1000x32xf32>
    %broadcast_in_dim3A = arith.constant 0.000000e+00 : f32
    %broadcast_in_dim3A_19 = vector.broadcast %broadcast_in_dim3A : f32 to vector<1000x96xf32>
    %concatenate3A = tpu.concatenate %mul3A_18, %broadcast_in_dim3A_19 in 1 : vector<1000x32xf32>, vector<1000x96xf32> -> vector<1000x128xf32>
    %swap3A = arith.constant 0 : index
    %swap3A_20 = arith.constant 0 : index
    %swap3A_21 = arith.constant 0 : index
    %swap3A_22 = vector.load %arg5[%swap3A, %swap3A_20, %swap3A_21] : memref<2x1000x128xf32, #tpu.memory_space<vmem>>, vector<1x1000x128xf32>
    %swap3A_23 = vector.shape_cast %swap3A_22 : vector<1x1000x128xf32> to vector<1000x128xf32>
    %swap3A_24 = vector.shape_cast %concatenate3A : vector<1000x128xf32> to vector<1x1000x128xf32>
    tpu.vector_store %arg5[%swap3A, %swap3A_20, %swap3A_21], %swap3A_24 {strides = array<i32>} : memref<2x1000x128xf32, #tpu.memory_space<vmem>>, vector<1x1000x128xf32>,
    %broadcast_in_dim3A_25 = arith.constant 0.000000e+00 : f32
    %broadcast_in_dim3A_26 = vector.broadcast %broadcast_in_dim3A_25 : f32 to vector<1000x128xf32>
    %swap3A_27 = arith.constant 1 : index
    %swap3A_28 = arith.constant 0 : index
    %swap3A_29 = arith.constant 0 : index
    %swap3A_30 = vector.load %arg5[%swap3A_27, %swap3A_28, %swap3A_29] : memref<2x1000x128xf32, #tpu.memory_space<vmem>>, vector<1x1000x128xf32>
    %swap3A_31 = vector.shape_cast %swap3A_30 : vector<1x1000x128xf32> to vector<1000x128xf32>
    %swap3A_32 = vector.shape_cast %broadcast_in_dim3A_26 : vector<1000x128xf32> to vector<1x1000x128xf32>
    tpu.vector_store %arg5[%swap3A_27, %swap3A_28, %swap3A_29], %swap3A_32 {strides = array<i32>} : memref<2x1000x128xf32, #tpu.memory_space<vmem>>, vector<1x1000x128xf32>,
    return
  }
  func.func @transform_0(%arg0: i32) -> (i32, i32) {
    %c0_i32 = arith.constant 0 : i32
    %c0_i32_0 = arith.constant 0 : i32
    return %arg0, %c0_i32 : i32, i32
  }
  func.func @transform_1(%arg0: i32) -> (i32, i32, i32) {
    %c0_i32 = arith.constant 0 : i32
    %c0_i32_0 = arith.constant 0 : i32
    %c0_i32_1 = arith.constant 0 : i32
    return %c0_i32, %arg0, %c0_i32_0 : i32, i32, i32
  }
  func.func @transform_2(%arg0: i32) -> (i32, i32) {
    %c0_i32 = arith.constant 0 : i32
    %c0_i32_0 = arith.constant 0 : i32
    return %arg0, %c0_i32 : i32, i32
  }
  func.func @transform_3(%arg0: i32) -> (i32, i32) {
    %c0_i32 = arith.constant 0 : i32
    %c0_i32_0 = arith.constant 0 : i32
    %c0_i32_1 = arith.constant 0 : i32
    return %c0_i32, %c0_i32_0 : i32, i32
  }
  func.func @transform_4(%arg0: i32) -> (i32, i32, i32) {
    %c0_i32 = arith.constant 0 : i32
    %c0_i32_0 = arith.constant 0 : i32
    %c0_i32_1 = arith.constant 0 : i32
    return %c0_i32, %arg0, %c0_i32_0 : i32, i32, i32
  }
}

module attributes {stable_mosaic.version = 14 : i64} {
  func.func @body(%arg0: i32, %arg1: memref<1000x128xf32, #tpu.memory_space<vmem>>, %arg2: memref<1x1000x128xf32, #tpu.memory_space<vmem>>, %arg3: memref<1000x16xf32, #tpu.memory_space<vmem>>, %arg4: memref<1000x32xf32, #tpu.memory_space<vmem>>) attributes {dimension_semantics = [#tpu.dimension_semantics<arbitrary>], iteration_bounds = array<i64: 10>, scalar_prefetch = 0 : i64, scratch_operands = 0 : i64, tpu.core_type = #tpu.core_type<tc>, window_params = [{transform_indices = @transform_0, window_bounds = array<i64: 1000, 128>}, {transform_indices = @transform_1, window_bounds = array<i64: 1, 1000, 128>}, {transform_indices = @transform_2, window_bounds = array<i64: 1000, 16>}, {transform_indices = @transform_3, window_bounds = array<i64: 1000, 32>}]} {
    %get3A = arith.constant 0 : index
    %get3A_0 = arith.constant 0 : index
    %get3A_1 = vector.load %arg3[%get3A, %get3A_0] : memref<1000x16xf32, #tpu.memory_space<vmem>>, vector<1000x1xf32>
    %get3A_2 = arith.constant 0 : index
    %get3A_3 = arith.constant 0 : index
    %get3A_4 = vector.load %arg1[%get3A_2, %get3A_3] : memref<1000x128xf32, #tpu.memory_space<vmem>>, vector<1000x128xf32>
    %get3A_5 = arith.constant 0 : index
    %get3A_6 = arith.constant 0 : index
    %get3A_7 = arith.constant 0 : index
    %get3A_8 = vector.load %arg2[%get3A_5, %get3A_6, %get3A_7] : memref<1x1000x128xf32, #tpu.memory_space<vmem>>, vector<1x1000x128xf32>
    %get3A_9 = vector.shape_cast %get3A_8 : vector<1x1000x128xf32> to vector<1000x128xf32>
    %add3A = arith.addf %get3A_4, %get3A_9 : vector<1000x128xf32>
    %mul3A = vector.broadcast %get3A_1 : vector<1000x1xf32> to vector<1000x128xf32>
    %mul3A_10 = arith.mulf %mul3A, %add3A : vector<1000x128xf32>
    %slice3A = vector.extract_strided_slice %mul3A_10 {offsets = [0, 0], sizes = [1000, 32], strides = [1, 1]} : vector<1000x128xf32> to vector<1000x32xf32>
    %mul3A_11 = arith.mulf %slice3A, %slice3A : vector<1000x32xf32>
    %reduce_sum3A = arith.constant dense<0.000000e+00> : vector<1000xf32>
    %reduce_sum3A_12 = vector.multi_reduction <add>, %mul3A_11, %reduce_sum3A [1] : vector<1000x32xf32> to vector<1000xf32>
    %broadcast_in_dim3A = vector.shape_cast %reduce_sum3A_12 : vector<1000xf32> to vector<1000x1xf32>
    %max3A = arith.constant 9.99999996E-13 : f32
    %max3A_13 = vector.broadcast %max3A : f32 to vector<1000x1xf32>
    %max3A_14 = arith.maximumf %broadcast_in_dim3A, %max3A_13 : vector<1000x1xf32>
    %sqrt3A = math.sqrt %max3A_14 : vector<1000x1xf32>
    %div3A = vector.broadcast %sqrt3A : vector<1000x1xf32> to vector<1000x32xf32>
    %div3A_15 = arith.divf %slice3A, %div3A : vector<1000x32xf32>
    %swap3A = arith.constant 0 : index
    %swap3A_16 = arith.constant 0 : index
    %swap3A_17 = vector.load %arg4[%swap3A, %swap3A_16] : memref<1000x32xf32, #tpu.memory_space<vmem>>, vector<1000x32xf32>
    tpu.vector_store %arg4[%swap3A, %swap3A_16], %div3A_15 {strides = array<i32>} : memref<1000x32xf32, #tpu.memory_space<vmem>>, vector<1000x32xf32>,
    return
  }
  func.func @transform_0(%arg0: i32) -> (i32, i32) {
    %c0_i32 = arith.constant 0 : i32
    %c0_i32_0 = arith.constant 0 : i32
    return %arg0, %c0_i32 : i32, i32
  }
  func.func @transform_1(%arg0: i32) -> (i32, i32, i32) {
    %c0_i32 = arith.constant 0 : i32
    %c0_i32_0 = arith.constant 0 : i32
    %c0_i32_1 = arith.constant 0 : i32
    return %c0_i32, %arg0, %c0_i32_0 : i32, i32, i32
  }
  func.func @transform_2(%arg0: i32) -> (i32, i32) {
    %c0_i32 = arith.constant 0 : i32
    %c0_i32_0 = arith.constant 0 : i32
    return %arg0, %c0_i32 : i32, i32
  }
  func.func @transform_3(%arg0: i32) -> (i32, i32) {
    %c0_i32 = arith.constant 0 : i32
    %c0_i32_0 = arith.constant 0 : i32
    return %arg0, %c0_i32 : i32, i32
  }
}

module attributes {stable_mosaic.version = 14 : i64} {
  func.func @body(%arg0: i32, %arg1: memref<256x32xf32, #tpu.memory_space<vmem>>, %arg2: memref<10000x32xf32, #tpu.memory_space<vmem>>, %arg3: memref<256x10000xf32, #tpu.memory_space<vmem>>) attributes {dimension_semantics = [#tpu.dimension_semantics<arbitrary>], iteration_bounds = array<i64: 40>, scalar_prefetch = 0 : i64, scratch_operands = 0 : i64, tpu.core_type = #tpu.core_type<tc>, window_params = [{transform_indices = @transform_0, window_bounds = array<i64: 256, 32>}, {pipeline_mode = #tpu.pipeline_mode<synchronous>, transform_indices = @transform_1, window_bounds = array<i64: 10000, 32>}, {transform_indices = @transform_2, window_bounds = array<i64: 256, 10000>}]} {
    %get3A = arith.constant 0 : index
    %get3A_0 = arith.constant 0 : index
    %get3A_1 = vector.load %arg1[%get3A, %get3A_0] : memref<256x32xf32, #tpu.memory_space<vmem>>, vector<256x32xf32>
    %get3A_2 = arith.constant 0 : index
    %get3A_3 = arith.constant 0 : index
    %get3A_4 = vector.load %arg2[%get3A_2, %get3A_3] : memref<10000x32xf32, #tpu.memory_space<vmem>>, vector<10000x32xf32>
    %dot_general3A = arith.constant dense<0.000000e+00> : vector<256x10000xf32>
    %dot_general3A_5 = tpu.matmul %get3A_1, %get3A_4, %dot_general3A {dimension_numbers = #tpu.dot_dimension_numbers<[1], [1], [0], [0], [0, 0, 1, 0], [], []>, transpose_lhs_hint = false} : vector<256x32xf32>, vector<10000x32xf32>, vector<256x10000xf32> -> vector<256x10000xf32>
    %swap3A = arith.constant 0 : index
    %swap3A_6 = arith.constant 0 : index
    %swap3A_7 = vector.load %arg3[%swap3A, %swap3A_6] : memref<256x10000xf32, #tpu.memory_space<vmem>>, vector<256x10000xf32>
    tpu.vector_store %arg3[%swap3A, %swap3A_6], %dot_general3A_5 {strides = array<i32>} : memref<256x10000xf32, #tpu.memory_space<vmem>>, vector<256x10000xf32>,
    return
  }
  func.func @transform_0(%arg0: i32) -> (i32, i32) {
    %c0_i32 = arith.constant 0 : i32
    %c0_i32_0 = arith.constant 0 : i32
    return %arg0, %c0_i32 : i32, i32
  }
  func.func @transform_1(%arg0: i32) -> (i32, i32) {
    %c0_i32 = arith.constant 0 : i32
    %c0_i32_0 = arith.constant 0 : i32
    %c0_i32_1 = arith.constant 0 : i32
    return %c0_i32, %c0_i32_0 : i32, i32
  }
  func.func @transform_2(%arg0: i32) -> (i32, i32) {
    %c0_i32 = arith.constant 0 : i32
    %c0_i32_0 = arith.constant 0 : i32
    return %arg0, %c0_i32 : i32, i32
  }
}

</mosaic_0001>

<sc_bundles>
// kernel: kernel.18.cloned.1.call-start
scs
__scs_entry_jumppad:
0x0: {  	(pc) =	sbr.rel $0x88, $3  }
0x1: {  	(tag) =	ssettag $0x0;
	lr =	simm.s32 $0x1  }
0x2: {  	[smem:$0x3F9A] =	sst lr;
	_ =	strace $0xD0000000  }
0x3: {  	_ = 	snop  }
0x4: {  	_ = 	snop  }
0x5: {  	_ = 	snop  }
0x6: {  	_ = 	snop  }
0x7: {  	_ = 	snop  }
__scs_overlays_trampoline_lowered:
0x8: {  	[smem:$0x3FA9] =	sst s0  }
0x9: {  	[smem:$0x3FAA] =	sst s1  }
0xa: {  	[smem:$0x3FAB] =	sst s2  }
0xb: {  	[smem:$0x3FAC] =	sst s3  }
0xc: {  	[smem:$0x3FAD] =	sst s4  }
0xd: {  	[smem:$0x3FAE] =	sst s5  }
0xe: {  	[smem:$0x3FAF] =	sst s6  }
0xf: {  	[smem:$0x3FB0] =	sst s7  }
0x10: {  	[smem:$0x3FB1] =	sst s8  }
0x11: {  	[smem:$0x3FB2] =	sst s9;
	s0 =	simm.s32 @!p0 $0x0  }
0x12: {  	s1 =	sld [smem:$0x3F98];
	s0 =	simm.s32 @p0 $0x1  }
0x13: {  	[smem:$0x3FB3] =	sst s0;
	s0 =	simm.s32 @!p1 $0x0  }
0x14: {  	s2 =	sld [smem:$0x3F97];
	s0 =	simm.s32 @p1 $0x1  }
0x15: {  	[smem:$0x3FB4] =	sst s0;
	s0 =	simm.s32 @!p2 $0x0  }
0x16: {  	s3 =	sld [smem:$0x3FDB];
	s0 =	simm.s32 @p2 $0x1  }
0x17: {  	s4 =	simm.s32 $0x1BF5;
	[smem:$0x3FB6] =	sst s0  }
0x18: {  	s0 =	sld [smem:$0x3F99];
	_ =	swait.ge [sflag:s4], $0x0  }
0x19: {  	s7 =	sld [smem:$0x3F9A]  }
0x1a: {  	s8 =	sadd.s32 $0xFFFFE003, lr  }
0x1b: {  	s9 =	sadd.s32 $0xFFFFFEF7, lr;
	s5 =	simm.s32 $0xFFFFFFFF;
	p2 =	slt.u32 s8, $0xFFFFF086  }
0x1c: {  	p1 =	slt.u32 s9, $0xF7A;
	s5 =	simm.s32 @!p2 $0x0  }
0x1d: {  	s5 =	simm.s32 @p1 $0x1;
	p0 =	seq.s32 s7, s2  }
0x1e: {  	s7 =	smul.u32 @!p0 $0xF7A, s2;
	p2 =	seq.s32 @!p0 s5, $0x0  }
0x1f: {  	s9 =	smul.u32 $0xF7A, s1;
	s8 =	simm.s32 @!p0 $0x1BF5;
	p2 =	por !p2, p0  }
0x20: {  	[sflag:s8] =	ssyncset.s32 @!p0 $0xFFFFF086;
	s6 =	sadd.s32 @!p0 s3, s7;
	s7 =	simm.s32 @!p0 $0x108  }
0x21: {  	s3 =	sadd.s32 s3, s9;
	s6 =	sadd.s32 @!p0 $0x88, s6;
	s7 =	simm.s32 @p2 $0x1082  }
0x22: {  	[simem:s7], [sflag:s8] =	dma.local @!p0 [hbm:s6], $0xF7A  }
0x23: {  	s9 =	sor.u32 $0xD0000000, s2;
	s6 =	simm.s32 $0x108;
	_ =	swait.ge @!p0 [sflag:s8], $0x0  }
0x24: {  	s3 =	sadd.s32 $0x88, s3;
	s6 =	simm.s32 @!p1 $0x1082;
	[sflag:s4] =	ssyncset.s32 $0xFFFFF086  }
0x25: {  	[simem:s6], [sflag:s4] =	dma.local [hbm:s3], $0xF7A  }
0x26: {  	[smem:$0x3F9A] =	sst s1;
	(tag) =	ssettag s2;
	_ =	strace s9  }
0x27: {  	s1 =	sld [smem:$0x3FAA]  }
0x28: {  	s2 =	sld [smem:$0x3FAB]  }
0x29: {  	s4 =	sld [smem:$0x3FAD]  }
0x2a: {  	p0 =	seq.s32 s5, $0x0;
	s5 =	sld [smem:$0x3FAE]  }
0x2b: {  	s6 =	sld [smem:$0x3FAF]  }
0x2c: {  	s7 =	sld [smem:$0x3FB0]  }
0x2d: {  	s3 =	simm.s32 $0x108;
	s8 =	sld [smem:$0x3FB1]  }
0x2e: {  	s3 =	simm.s32 @!p0 $0x1082;
	s9 =	sld [smem:$0x3FB2]  }
0x2f: {  	lr =	sadd.s32 s0, s3;
	s0 =	sld [smem:$0x3FA9]  }
0x30: {  	s3 =	sld [smem:$0x3FAC]  }
0x31: {  	[smem:$0x3FB5] =	sst s10  }
0x32: {  	s10 =	sld [smem:$0x3FB3];
	_ =	sdelay $0x3  }
0x33: {  	p0 =	seq.s32 s10, $0x1;
	s10 =	sld [smem:$0x3FB5];
	_ =	sdelay $0x3  }
0x34: {  	[smem:$0x3FB5] =	sst s10  }
0x35: {  	s10 =	sld [smem:$0x3FB4];
	_ =	sdelay $0x3  }
0x36: {  	p1 =	seq.s32 s10, $0x1;
	s10 =	sld [smem:$0x3FB5];
	_ =	sdelay $0x3  }
0x37: {  	[smem:$0x3FB5] =	sst s10  }
0x38: {  	s10 =	sld [smem:$0x3FB6]  }
0x39: {  	_ = 	snop;
	(pc) =	sbr.ind lr, $3  }
0x3a: {  	_ = 	snop  }
0x3b: {  	_ = 	snop  }
0x3c: {  	p2 =	seq.s32 s10, $0x1;
	s10 =	sld [smem:$0x3FB5]  }
0x3d: {  	_ =	shalt  }
0x3e: {  	_ =	shalt  }
0x3f: {  	_ =	shalt  }
0x40: {  	_ =	shalt  }
0x41: {  	_ =	shalt  }
0x42: {  	_ =	shalt  }
0x43: {  	_ =	shalt  }
0x44: {  	_ =	shalt  }
0x45: {  	_ =	shalt  }
0x46: {  	_ =	shalt  }
0x47: {  	_ =	shalt  }
0x48: {  	_ =	shalt  }
0x49: {  	_ =	shalt  }
0x4a: {  	_ =	shalt  }
0x4b: {  	_ =	shalt  }
0x4c: {  	_ =	shalt  }
0x4d: {  	_ =	shalt  }
0x4e: {  	_ =	shalt  }
0x4f: {  	_ =	shalt  }
0x50: {  	_ =	shalt  }
0x51: {  	_ =	shalt  }
0x52: {  	_ =	shalt  }
0x53: {  	_ =	shalt  }
0x54: {  	_ =	shalt  }
0x55: {  	_ =	shalt  }
0x56: {  	_ =	shalt  }
0x57: {  	_ =	shalt  }
0x58: {  	_ =	shalt  }
0x59: {  	_ =	shalt  }
0x5a: {  	_ =	shalt  }
0x5b: {  	_ =	shalt  }
0x5c: {  	_ =	shalt  }
0x5d: {  	_ =	shalt  }
0x5e: {  	_ =	shalt  }
0x5f: {  	_ =	shalt  }
0x60: {  	_ =	shalt  }
0x61: {  	_ =	shalt  }
0x62: {  	_ =	shalt  }
0x63: {  	_ =	shalt  }
0x64: {  	_ =	shalt  }
0x65: {  	_ =	shalt  }
0x66: {  	_ =	shalt  }
0x67: {  	_ =	shalt  }
0x68: {  	_ =	shalt  }
0x69: {  	_ =	shalt  }
0x6a: {  	_ =	shalt  }
0x6b: {  	_ =	shalt  }
0x6c: {  	_ =	shalt  }
0x6d: {  	_ =	shalt  }
0x6e: {  	_ =	shalt  }
0x6f: {  	_ =	shalt  }
0x70: {  	_ =	shalt  }
0x71: {  	_ =	shalt  }
0x72: {  	_ =	shalt  }
0x73: {  	_ =	shalt  }
0x74: {  	_ =	shalt  }
0x75: {  	_ =	shalt  }
0x76: {  	_ =	shalt  }
0x77: {  	_ =	shalt  }
0x78: {  	_ =	shalt  }
0x79: {  	_ =	shalt  }
0x7a: {  	_ =	shalt  }
0x7b: {  	_ =	shalt  }
0x7c: {  	_ =	shalt  }
0x7d: {  	_ =	shalt  }
0x7e: {  	_ =	shalt  }
0x7f: {  	_ =	shalt  }
0x80: {  	_ =	shalt  }
0x81: {  	_ =	shalt  }
0x82: {  	_ =	shalt  }
0x83: {  	_ =	shalt  }
0x84: {  	_ =	shalt  }
0x85: {  	_ =	shalt  }
0x86: {  	_ =	shalt  }
0x87: {  	_ =	shalt  }
.Lfunc_end0:
.L_simem_size_0:
called_computation_lowered:
.L_overlay_start_0:
0x88: {  	s2 =	sld [smem:$0x3FD9]  }
0x89: {  	s3 =	sld [smem:$0x3FFE];
	_ =	sdelay $0x1  }
0x8a: {  	s1 =	srdreg.scid  }
0x8b: {  	s0 =	sand.u32 $0x1, s1  }
0x8c: {  	s17 =	sshll.u32 s0, $0xA;
	s2 =	sadd.s32 s3, s2  }
0x8d: {  	s2 =	sadd.s32 s2, s17  }
0x8e: {  	[smem:$0x3FC1] =	sst s2  }
0x8f: {  	_ = 	snop  }
0x90: {  	s2 =	sld [smem:$0x3FD0];
	(tm) =	ssettm $0x1  }
0x91: {  	s18 =	sld [smem:$0x3FFB];
	_ =	sdelay $0x3  }
0x92: {  	_ =	strace s18  }
0x93: {  	s3 =	sld [smem:$0x3FFC];
	_ =	sdelay $0x3  }
0x94: {  	_ =	strace s3  }
0x95: {  	s3 =	sld [smem:$0x3FFD];
	_ =	sdelay $0x3  }
0x96: {  	_ =	strace s3  }
0x97: {  	_ =	strace $0x8FFFFFFF  }
0x98: {  	s19 =	sld [smem:$0x3FDB];
	_ =	sdelay $0x1  }
0x99: {  	s4 =	simm.s32 $_scs_section_size  }
0x9a: {  	s5 =	simm.s32 $_size__tile_overlayer_lowered;
	s6 =	simm.s32 $_tile_overlayer_lowered  }
0x9b: {  	s22 =	simm.s32 $0x1BFF;
	s21 =	sshll.u32 s6, $0x1;
	s3 =	sadd.s32 s4, s19  }
0x9c: {  	s7 =	simm.s32 $0x0;
	s20 =	sshll.u32 s5, $0x1;
	s5 =	sadd.s32 s21, s3  }
0x9d: {  	[timem:s7], [sflag:s22] =	dma.local [hbm:s5], s20  }
0x9e: {  	_ =	swait.ge [sflag:s22], s20  }
0x9f: {  	s4 =	ssub.s32 $0x0, s20;
	[sflag:s22] =	ssyncset.done $0x0  }
0xa0: {  	[sflag:s22] =	ssyncadd.s32 s4;
	_ =	sdelay $0x1  }
0xa1: {  	s23 =	simm.s32 $0x1B8B  }
0xa2: {  	_ =	swait.ge [sflag:s23], $0x1  }
0xa3: {  	[sflag:s23] =	ssyncset.done $0x0  }
0xa4: {  	s25 =	simm.s32 $0x1B8E;
	s24 =	sld [smem:$0x3FFE];
	[sflag:s23] =	ssyncadd.s32 $0xFFFFFFFF  }
0xa5: {  	s26 =	simm.s32 $execute0_lowered;
	[smem:$0x3FD2] =	sst s25  }
0xa6: {  	s5 =	sshll.u32 s26, $0x1;
	_ =	strace $0x80000046;
	[dreg:$0x1] =	wrdreg $0xFFFFFFFF  }
0xa7: {  	s28 =	simm.s32 $_size_execute0_lowered;
	s3 =	sadd.s32 s3, s5;
	[dreg:$0x0] =	wrdreg $0x0  }
0xa8: {  	s5 =	sshll.u32 s28, $0x1;
	[dreg:$0x2] =	wrdreg s3  }
0xa9: {  	[dreg:$0x3] =	wrdreg s5  }
0xaa: {  	[dreg:$0x4] =	wrdreg $0xC0  }
0xab: {  	_ =	task [dreg:s7], $0x5FFFF  }
0xac: {  	[dreg:$0x1] =	wrdreg $0xFFFFFFFF  }
0xad: {  	[dreg:$0x0] =	wrdreg $0x60  }
0xae: {  	[dreg:$0x2] =	wrdreg s2  }
0xaf: {  	[dreg:$0x3] =	wrdreg s24  }
0xb0: {  	[dreg:$0x4] =	wrdreg $0x120000  }
0xb1: {  	[dreg:$0x5] =	wrdreg $0x9  }
0xb2: {  	_ =	task.clear_ibuf [dreg:s7], $0x6FFFF;
	_ =	strace $0x90000046  }
0xb3: {  	s29 =	simm.s32 $0x9;
	_ =	strace $0x80000048  }
0xb4: {  	_ =	swait.ge [sflag:s29], $0x1  }
0xb5: {  	[sflag:s29] =	ssyncadd.s32 $0xFFFFFFFF  }
0xb6: {  	_ =	strace $0x90000048  }
0xb7: {  	_ =	sfence  }
0xb8: {  	s30 =	sld [smem:$0x0];
	_ =	sdelay $0x2  }
0xb9: {  	s31 =	sshll.u32 s1, $0xD;
	s1 =	sshrl.u32 s1, $0x2  }
0xba: {  	s3 =	sand.u32 $0x4000, s31;
	s1 =	sadd.s32 s1, s30  }
0xbb: {  	s0 =	sor.u32 s3, s0;
	s1 =	sshll.u32 s1, $0x11  }
0xbc: {  	s0 =	sor.u32 s1, s0  }
0xbd: {  	s0 =	sadd.s32 $0x8F2B, s0  }
0xbe: {  	[sflag:s0] =	ssyncadd.remote.s32 $0x1  }
0xbf: {  	_ =	sfence.sel $0xFFFF  }
0xc0: {  	[dreg:$0x0] =	wrdreg $0xFFFFFFFF;
	(pc) =	sbr.abs _section_cstart, $3  }
0xc1: {  	[dreg:$0x1] =	wrdreg $0xFFFFFFFF  }
0xc2: {  	_ =	task.clear_ibuf [dreg:s7], $0x2FFFF;
	_ =	strace $0x9FFFFFFF  }
0xc3: {  	(tm) =	ssettm $0x7FFFFFFF  }
tec
execute0_lowered:
.L_overlay_start_1:
0x0: {  	(tag) =	ssettag $0x1  }
0x1: {  	s1 =	rddreg [dreg:$0x0]  }
0x2: {  	s9 =	rddreg [dreg:$0x1]  }
0x3: {  	s3 =	rddreg [dreg:$0x2];
	s2 =	stileid.u32  }
0x4: {  	s0 =	rddreg [dreg:$0x3];
	s4 =	simm.s32 $0x0;
	s6 =	smul.u32 $0xA00, s2  }
0x5: {  	s5 =	srdreg.scid;
	s15 =	simm.s32 $0x5000;
	s7 =	smul.u32 $0x2A000, s2  }
0x6: {  	s16 =	simm.s32 $0xA000;
	s17 =	simm.s32 $0x80;
	s8 =	smul.u32 $0x9800, s2  }
0x7: {  	s19 =	simm.s32 $0x1;
	s20 =	simm.s32 $0x2;
	s12 =	smul.u32 $0x26000, s2  }
0x8: {  	s24 =	simm.s32 $0x0;
	[smem:$0x7FF] =	sst s4;
	s14 =	smul.u32 $0x28000, s2  }
0x9: {  	s18 =	sand.u32 $0x1, s5;
	s10 =	sadd.s32 $0x2C400, s9;
	s31 =	smul.u32 $0x1400, s2  }
0xa: {  	s22 =	sadd.s32 $0x98000, s3;
	_ =	strace $0x80000047;
	s5 =	ssub.s32 $0x2, s18  }
0xb: {  	p0 =	seq.s32 s18, $0x0;
	s13 =	sadd.s32 s6, s9;
	s29 =	sshrl.u32 s5, $0x1  }
0xc: {  	s30 =	sshrl.u32 s7, $0x2;
	s8 =	sshrl.u32 s8, $0x3;
	s12 =	sshrl.u32 s12, $0x2  }
0xd: {  	s9 =	sadd.s32 $0x53400, s9;
	s14 =	sshrl.u32 s14, $0x2;
	s11 =	ssub.s32 s5, s29  }
0xe: {  	s5 =	sadd.s32 $0x4400, s13;
	s6 =	sadd.s32 s30, s3;
	s8 =	sadd.s32 s10, s8  }
0xf: {  	s21 =	sadd.s32 s12, s3;
	s23 =	sadd.s32 s14, s3;
	s10 =	sadd.s32 s10, s31  }
0x10: {  	s14 =	simm.s32 $0x22400;
	s7 =	sadd.s32 $0x8000, s6;
	s8 =	sadd.s32 $0x14000, s8  }
0x11: {  	s11 =	smax.u32 s11, $0x1;
	s14 =	simm.s32 @!p0 $0x18400;
	p0 =	sne.s32 s18, $0x0  }
0x12: {  	s12 =	sadd.s32 $0x4000, s6;
	s18 =	simm.s32 $0xE000;
	p1 =	sne.s32 @p0 s2, $0xF  }
0x13: {  	s13 =	sadd.s32 s14, s13;
	s14 =	simm.s32 $0x3;
	p1 =	por p1, !p0  }
0x14: {  	v0 =	vimm.f32 $0.0e+00;
	s21 =	sshrl.u32 @p0 s21, $0x3;
	s23 =	sshrl.u32 @!p0 s23, $0x3;
	s22 =	sshrl.u32 @!p1 s22, $0x3  }
.LBB2_1:
0x15: {  	[tilespmem:s4], [sflag:$0x3] =	stream.linear.gather [hbm4b:s5+s4], $0x5000, $0x38;
	[tilespmem:$0x1C800] =	vst v63  }
0x16: {  	_ =	swait.ge [sflag:s14], $0x5000  }
0x17: {  	[sflag:s14] =	ssyncset.done $0x0  }
0x18: {  	[sflag:s14] =	ssyncadd.s32 $0xFFFFB000  }
0x19: {  	[tilespmem:s15], [sflag:$0x3] =	stream.linear.gather [hbm4b:s13+s4], $0x5000, $0x38;
	[tilespmem:$0x1C800] =	vst v63  }
0x1a: {  	_ =	swait.ge [sflag:s14], $0x5000  }
0x1b: {  	[sflag:s14] =	ssyncset.done $0x0  }
0x1c: {  	s25 =	simm.s32 $0x0;
	s26 =	simm.s32 $0x200;
	[sflag:s14] =	ssyncadd.s32 $0xFFFFB000  }
.LBB2_2:
0x1d: {  	p2 =	sne.s32 s26, $0xFE00;
	[tilespmem:s25+$0xA070] =	vst v0  }
0x1e: {  	[tilespmem:s25+$0xA000] =	vst v0  }
0x1f: {  	[tilespmem:s25+$0xA010] =	vst v0  }
.Ltmp0:
0x20: {  	[tilespmem:s25+$0xA020] =	vst v0;
	(pc) =	sbr.rel @p2 .LBB2_2-.Ltmp0, $4  }
0x21: {  	[tilespmem:s25+$0xA030] =	vst v0  }
0x22: {  	[tilespmem:s25+$0xA040] =	vst v0  }
0x23: {  	[tilespmem:s25+$0xA050] =	vst v0  }
0x24: {  	[tilespmem:s25+$0xA060] =	vst v0;
	s25 =	sshra.s32 s26, $0x2;
	s26 =	sadd.s32 $0x200, s26  }
0x25: {  	[tilespmem:s25+$0xA070] =	vst v0  }
0x26: {  	[tilespmem:s25+$0xA000] =	vst v0  }
0x27: {  	[tilespmem:s25+$0xA010] =	vst v0  }
0x28: {  	[tilespmem:s25+$0xA020] =	vst v0  }
0x29: {  	[tilespmem:s25+$0xA030] =	vst v0  }
0x2a: {  	[tilespmem:s25+$0xA040] =	vst v0  }
0x2b: {  	[tilespmem:s25+$0xA050] =	vst v0  }
0x2c: {  	[tilespmem:s25+$0xA060] =	vst v0  }
0x2d: {  	[spmem:s6] =	stream.linear.scatter [tilespmem:s16], [sflag:$0x3], $0x4000, $0x38;
	[tilespmem:$0x1C800] =	vst v63  }
0x2e: {  	_ =	swait.ge [sflag:s14], $0x4000  }
0x2f: {  	[sflag:s14] =	ssyncset.done $0x0  }
0x30: {  	[sflag:s14] =	ssyncadd.s32 $0xFFFFC000  }
0x31: {  	[spmem:s12] =	stream.linear.scatter [tilespmem:s16], [sflag:$0x3], $0x4000, $0x38;
	[tilespmem:$0x1C800] =	vst v63  }
0x32: {  	_ =	swait.ge [sflag:s14], $0x4000  }
0x33: {  	[sflag:s14] =	ssyncset.done $0x0  }
0x34: {  	[sflag:s14] =	ssyncadd.s32 $0xFFFFC000  }
0x35: {  	[spmem:s7] =	stream.linear.scatter [tilespmem:s16], [sflag:$0x3], $0x2800, $0x38;
	[tilespmem:$0x1C800] =	vst v63  }
0x36: {  	_ =	swait.ge [sflag:s14], $0x2800  }
0x37: {  	[sflag:s14] =	ssyncset.done $0x0  }
0x38: {  	[sflag:s14] =	ssyncadd.s32 $0xFFFFD800  }
0x39: {  	s28 =	simm.s32 $0x0;
	[bflag:$0x0] =	sbarrier.arrive $0xFFFF  }
0x3a: {  	[tilespmem:s16], [sflag:$0x1] =	stream.indirect.gather [hbm4b:s1+s17], $0x80, s28, s17, $0xb8;
	[tilespmem:$0x1C800] =	vst v63  }
0x3b: {  	s29 =	simm.s32 $0x80  }
0x3c: {  	[tilespmem:s18], [sflag:$0x2] =	stream.indirect.gather [hbm4b:s1+s17], $0x80, s29, s17, $0xb8;
	[tilespmem:$0x1C800] =	vst v63  }
0x3d: {  	_ =	swait.ge [sflag:s19], $0x4000  }
0x3e: {  	[sflag:s19] =	ssyncset.done $0x0  }
0x3f: {  	s30 =	simm.s32 $0x5000;
	[sflag:s19] =	ssyncadd.s32 $0xFFFFC000  }
0x40: {  	[spmem:s3] =	stream.indirect.scatter.add.f32 [tilespmem:s16], [sflag:$0x3], $0x80, s30, s17, $0xb8;
	[tilespmem:$0x1C800] =	vst v63  }
0x41: {  	_ =	swait.ge [sflag:s14], $0x4000  }
0x42: {  	[sflag:s14] =	ssyncset.done $0x0  }
0x43: {  	[sflag:s14] =	ssyncadd.s32 $0xFFFFC000  }
0x44: {  	_ =	swait.ge [sflag:s20], $0x4000  }
0x45: {  	[sflag:s20] =	ssyncset.done $0x0  }
0x46: {  	s31 =	simm.s32 $0x5080;
	[sflag:s20] =	ssyncadd.s32 $0xFFFFC000  }
0x47: {  	[spmem:s3] =	stream.indirect.scatter.add.f32 [tilespmem:s18], [sflag:$0x3], $0x80, s31, s17, $0xb8;
	[tilespmem:$0x1C800] =	vst v63  }
0x48: {  	_ =	swait.ge [sflag:s14], $0x4000  }
0x49: {  	s25 =	simm.s32 $0x400;
	s26 =	simm.s32 $0x800;
	[sflag:s14] =	ssyncset.done $0x0  }
.LBB2_4:
0x4a: {  	s28 =	sshra.s32 s25, $0x2  }
0x4b: {  	[sflag:s14] =	ssyncadd.s32 $0xFFFFC000;
	s25 =	smov.u32 s26;
	s29 =	sadd.s32 $0x400, s26  }
0x4c: {  	[tilespmem:s16], [sflag:$0x1] =	stream.indirect.gather [hbm4b:s1+s17], $0x80, s28, s17, $0xb8;
	[tilespmem:$0x1C800] =	vst v63  }
0x4d: {  	p2 =	sne.s32 s26, $0x13C00;
	s26 =	sadd.s32 $0x80, s28  }
0x4e: {  	[tilespmem:s18], [sflag:$0x2] =	stream.indirect.gather [hbm4b:s1+s17], $0x80, s26, s17, $0xb8;
	[tilespmem:$0x1C800] =	vst v63  }
0x4f: {  	_ =	swait.ge [sflag:s19], $0x4000  }
0x50: {  	[sflag:s19] =	ssyncset.done $0x0  }
0x51: {  	s26 =	sadd.s32 $0x5000, s28;
	[sflag:s19] =	ssyncadd.s32 $0xFFFFC000  }
0x52: {  	[spmem:s3] =	stream.indirect.scatter.add.f32 [tilespmem:s16], [sflag:$0x3], $0x80, s26, s17, $0xb8;
	[tilespmem:$0x1C800] =	vst v63  }
0x53: {  	_ =	swait.ge [sflag:s14], $0x4000  }
0x54: {  	[sflag:s14] =	ssyncset.done $0x0  }
0x55: {  	[sflag:s14] =	ssyncadd.s32 $0xFFFFC000  }
0x56: {  	_ =	swait.ge [sflag:s20], $0x4000  }
.Ltmp1:
0x57: {  	[sflag:s20] =	ssyncset.done $0x0;
	(pc) =	sbr.rel @p2 .LBB2_4-.Ltmp1, $4  }
0x58: {  	s26 =	sadd.s32 $0x5080, s28;
	[sflag:s20] =	ssyncadd.s32 $0xFFFFC000  }
0x59: {  	[spmem:s3] =	stream.indirect.scatter.add.f32 [tilespmem:s18], [sflag:$0x3], $0x80, s26, s17, $0xb8;
	[tilespmem:$0x1C800] =	vst v63  }
0x5a: {  	_ =	swait.ge [sflag:s14], $0x4000  }
0x5b: {  	s26 =	smov.u32 s29;
	[sflag:s14] =	ssyncset.done $0x0  }
0x5c: {  	s25 =	sshra.s32 s25, $0x2;
	[sflag:s14] =	ssyncadd.s32 $0xFFFFC000  }
0x5d: {  	[tilespmem:s16], [sflag:$0x1] =	stream.indirect.gather [hbm4b:s1+s17], $0x80, s25, s17, $0xb8;
	[tilespmem:$0x1C800] =	vst v63  }
0x5e: {  	s26 =	sadd.s32 $0x80, s25  }
0x5f: {  	[tilespmem:s18], [sflag:$0x2] =	stream.indirect.gather [hbm4b:s1+s17], $0x80, s26, s17, $0xb8;
	[tilespmem:$0x1C800] =	vst v63  }
0x60: {  	_ =	swait.ge [sflag:s19], $0x4000  }
0x61: {  	[sflag:s19] =	ssyncset.done $0x0  }
0x62: {  	s31 =	sadd.s32 $0x5000, s25;
	[sflag:s19] =	ssyncadd.s32 $0xFFFFC000  }
0x63: {  	[spmem:s3] =	stream.indirect.scatter.add.f32 [tilespmem:s16], [sflag:$0x3], $0x80, s31, s17, $0xb8;
	[tilespmem:$0x1C800] =	vst v63  }
0x64: {  	_ =	swait.ge [sflag:s14], $0x4000  }
0x65: {  	[sflag:s14] =	ssyncset.done $0x0  }
0x66: {  	[sflag:s14] =	ssyncadd.s32 $0xFFFFC000  }
0x67: {  	_ =	swait.ge [sflag:s20], $0x4000  }
0x68: {  	[sflag:s20] =	ssyncset.done $0x0  }
0x69: {  	s25 =	sadd.s32 $0x5080, s25;
	[sflag:s20] =	ssyncadd.s32 $0xFFFFC000  }
0x6a: {  	[spmem:s3] =	stream.indirect.scatter.add.f32 [tilespmem:s18], [sflag:$0x3], $0x80, s25, s17, $0xb8;
	[tilespmem:$0x1C800] =	vst v63  }
0x6b: {  	_ =	swait.ge [sflag:s14], $0x4000  }
0x6c: {  	[sflag:s14] =	ssyncset.done $0x0  }
0x6d: {  	s25 =	sshll.u32 @p0 s2, $0x6;
	[sflag:s14] =	ssyncadd.s32 $0xFFFFC000  }
0x6e: {  	s26 =	simm.s32 @p0 $0x3;
	s25 =	sor.u32 @p0 $0x1C03, s25;
	[bflag:$0x0] =	sbarrier.arrive $0xFFFF  }
0x6f: {  	[hbm:s8], [sflag:s25] =	dma.local @p0 [spmem:s21], $0x1300  }
0x70: {  	_ =	swait.ge @p0 [sflag:s26], $0x1300  }
0x71: {  	[sflag:s26] =	ssyncset.done @p0 $0x0  }
0x72: {  	[sflag:s26] =	ssyncadd.s32 @p0 $0xFFFFED00  }
0x73: {  	[hbm:s9], [sflag:s25] =	dma.local @!p1 [spmem:s22], $0x100  }
0x74: {  	s25 =	simm.s32 @!p1 $0x3  }
0x75: {  	_ =	swait.ge @!p1 [sflag:s25], $0x100  }
0x76: {  	s24 =	sadd.s32 $0x1, s24;
	s26 =	sshll.u32 @!p0 s2, $0x6;
	[sflag:s25] =	ssyncset.done @!p1 $0x0  }
0x77: {  	p2 =	sne.s32 s24, s11;
	[sflag:s25] =	ssyncadd.s32 @!p1 $0xFFFFFF00;
	s25 =	sor.u32 @!p0 $0x1C03, s26  }
0x78: {  	[hbm:s10], [sflag:s25] =	dma.local @!p0 [spmem:s23], $0x1400  }
.Ltmp2:
0x79: {  	_ = 	snop;
	(pc) =	sbr.rel @p2 .LBB2_1-.Ltmp2, $4  }
0x7a: {  	s25 =	simm.s32 @!p0 $0x3  }
0x7b: {  	_ =	swait.ge @!p0 [sflag:s25], $0x1400  }
0x7c: {  	[sflag:s25] =	ssyncset.done @!p0 $0x0  }
0x7d: {  	[sflag:s25] =	ssyncadd.s32 @!p0 $0xFFFFEC00  }
0x7e: {  	_ =	sfence.sel $0x180000  }
0x7f: {  	[bflag:$0x0] =	sbarrier.arrive $0xFFFF  }
0x80: {  	p0 =	sne.s32 s2, $0x0;
	_ =	strace $0x90000047  }
0x81: {  	s0 =	sadd.s32 @!p0 $0x100000, s0;
	[bflag:$0x2] =	sbarrier.arrive $0xFFFF  }
0x82: {  	[sflag:s0] =	ssyncadd.tile.s32 @!p0 $0x1;
	_ =	shalt  }
.Lfunc_end2:
_tile_overlayer_lowered:
.L_overlay_start_2:
0x83: {  	(tag) =	ssettag $0x2  }
0x84: {  	s0 =	rddreg [dreg:$0x0];
	s2 =	stileid.u32  }
0x85: {  	s1 =	rddreg [dreg:$0x1];
	p0 =	sne.s32 s2, $0x0  }
0x86: {  	s3 =	rddreg [dreg:$0x2];
	[bflag:$0x3] =	sbarrier.arrive $0xFFFF;
	s2 =	simm.s32 @!p0 $0x1C03  }
0x87: {  	[timem:s3], [sflag:s2] =	dma.local @!p0 [hbm:s0], s1  }
0x88: {  	s0 =	simm.s32 @!p0 $0x3  }
0x89: {  	_ =	swait.ge @!p0 [sflag:s0], s1  }
0x8a: {  	s1 =	ssub.s32 @!p0 $0x0, s1;
	[sflag:s0] =	ssyncset.done @!p0 $0x0  }
0x8b: {  	[sflag:s0] =	ssyncadd.s32 @!p0 s1  }
0x8c: {  	[bflag:$0x3] =	sbarrier.arrive $0xFFFF  }
0x8d: {  	_ =	shalt  }

// kernel: kernel.21.cloned.1.call-start
scs
__scs_entry_jumppad:
0x0: {  	(pc) =	sbr.rel $0x88, $3  }
0x1: {  	(tag) =	ssettag $0x0;
	lr =	simm.s32 $0x1  }
0x2: {  	[smem:$0x3F9A] =	sst lr;
	_ =	strace $0xD0000000  }
0x3: {  	_ = 	snop  }
0x4: {  	_ = 	snop  }
0x5: {  	_ = 	snop  }
0x6: {  	_ = 	snop  }
0x7: {  	_ = 	snop  }
__scs_overlays_trampoline_lowered:
0x8: {  	[smem:$0x3FA9] =	sst s0  }
0x9: {  	[smem:$0x3FAA] =	sst s1  }
0xa: {  	[smem:$0x3FAB] =	sst s2  }
0xb: {  	[smem:$0x3FAC] =	sst s3  }
0xc: {  	[smem:$0x3FAD] =	sst s4  }
0xd: {  	[smem:$0x3FAE] =	sst s5  }
0xe: {  	[smem:$0x3FAF] =	sst s6  }
0xf: {  	[smem:$0x3FB0] =	sst s7  }
0x10: {  	[smem:$0x3FB1] =	sst s8  }
0x11: {  	[smem:$0x3FB2] =	sst s9;
	s0 =	simm.s32 @!p0 $0x0  }
0x12: {  	s1 =	sld [smem:$0x3F98];
	s0 =	simm.s32 @p0 $0x1  }
0x13: {  	[smem:$0x3FB3] =	sst s0;
	s0 =	simm.s32 @!p1 $0x0  }
0x14: {  	s2 =	sld [smem:$0x3F97];
	s0 =	simm.s32 @p1 $0x1  }
0x15: {  	[smem:$0x3FB4] =	sst s0;
	s0 =	simm.s32 @!p2 $0x0  }
0x16: {  	s3 =	sld [smem:$0x3FDB];
	s0 =	simm.s32 @p2 $0x1  }
0x17: {  	s4 =	simm.s32 $0x1BF5;
	[smem:$0x3FB6] =	sst s0  }
0x18: {  	s0 =	sld [smem:$0x3F99];
	_ =	swait.ge [sflag:s4], $0x0  }
0x19: {  	s7 =	sld [smem:$0x3F9A]  }
0x1a: {  	s8 =	sadd.s32 $0xFFFFE003, lr  }
0x1b: {  	s9 =	sadd.s32 $0xFFFFFEF7, lr;
	s5 =	simm.s32 $0xFFFFFFFF;
	p2 =	slt.u32 s8, $0xFFFFF086  }
0x1c: {  	p1 =	slt.u32 s9, $0xF7A;
	s5 =	simm.s32 @!p2 $0x0  }
0x1d: {  	s5 =	simm.s32 @p1 $0x1;
	p0 =	seq.s32 s7, s2  }
0x1e: {  	s7 =	smul.u32 @!p0 $0xF7A, s2;
	p2 =	seq.s32 @!p0 s5, $0x0  }
0x1f: {  	s9 =	smul.u32 $0xF7A, s1;
	s8 =	simm.s32 @!p0 $0x1BF5;
	p2 =	por !p2, p0  }
0x20: {  	[sflag:s8] =	ssyncset.s32 @!p0 $0xFFFFF086;
	s6 =	sadd.s32 @!p0 s3, s7;
	s7 =	simm.s32 @!p0 $0x108  }
0x21: {  	s3 =	sadd.s32 s3, s9;
	s6 =	sadd.s32 @!p0 $0x88, s6;
	s7 =	simm.s32 @p2 $0x1082  }
0x22: {  	[simem:s7], [sflag:s8] =	dma.local @!p0 [hbm:s6], $0xF7A  }
0x23: {  	s9 =	sor.u32 $0xD0000000, s2;
	s6 =	simm.s32 $0x108;
	_ =	swait.ge @!p0 [sflag:s8], $0x0  }
0x24: {  	s3 =	sadd.s32 $0x88, s3;
	s6 =	simm.s32 @!p1 $0x1082;
	[sflag:s4] =	ssyncset.s32 $0xFFFFF086  }
0x25: {  	[simem:s6], [sflag:s4] =	dma.local [hbm:s3], $0xF7A  }
0x26: {  	[smem:$0x3F9A] =	sst s1;
	(tag) =	ssettag s2;
	_ =	strace s9  }
0x27: {  	s1 =	sld [smem:$0x3FAA]  }
0x28: {  	s2 =	sld [smem:$0x3FAB]  }
0x29: {  	s4 =	sld [smem:$0x3FAD]  }
0x2a: {  	p0 =	seq.s32 s5, $0x0;
	s5 =	sld [smem:$0x3FAE]  }
0x2b: {  	s6 =	sld [smem:$0x3FAF]  }
0x2c: {  	s7 =	sld [smem:$0x3FB0]  }
0x2d: {  	s3 =	simm.s32 $0x108;
	s8 =	sld [smem:$0x3FB1]  }
0x2e: {  	s3 =	simm.s32 @!p0 $0x1082;
	s9 =	sld [smem:$0x3FB2]  }
0x2f: {  	lr =	sadd.s32 s0, s3;
	s0 =	sld [smem:$0x3FA9]  }
0x30: {  	s3 =	sld [smem:$0x3FAC]  }
0x31: {  	[smem:$0x3FB5] =	sst s10  }
0x32: {  	s10 =	sld [smem:$0x3FB3];
	_ =	sdelay $0x3  }
0x33: {  	p0 =	seq.s32 s10, $0x1;
	s10 =	sld [smem:$0x3FB5];
	_ =	sdelay $0x3  }
0x34: {  	[smem:$0x3FB5] =	sst s10  }
0x35: {  	s10 =	sld [smem:$0x3FB4];
	_ =	sdelay $0x3  }
0x36: {  	p1 =	seq.s32 s10, $0x1;
	s10 =	sld [smem:$0x3FB5];
	_ =	sdelay $0x3  }
0x37: {  	[smem:$0x3FB5] =	sst s10  }
0x38: {  	s10 =	sld [smem:$0x3FB6]  }
0x39: {  	_ = 	snop;
	(pc) =	sbr.ind lr, $3  }
0x3a: {  	_ = 	snop  }
0x3b: {  	_ = 	snop  }
0x3c: {  	p2 =	seq.s32 s10, $0x1;
	s10 =	sld [smem:$0x3FB5]  }
0x3d: {  	_ =	shalt  }
0x3e: {  	_ =	shalt  }
0x3f: {  	_ =	shalt  }
0x40: {  	_ =	shalt  }
0x41: {  	_ =	shalt  }
0x42: {  	_ =	shalt  }
0x43: {  	_ =	shalt  }
0x44: {  	_ =	shalt  }
0x45: {  	_ =	shalt  }
0x46: {  	_ =	shalt  }
0x47: {  	_ =	shalt  }
0x48: {  	_ =	shalt  }
0x49: {  	_ =	shalt  }
0x4a: {  	_ =	shalt  }
0x4b: {  	_ =	shalt  }
0x4c: {  	_ =	shalt  }
0x4d: {  	_ =	shalt  }
0x4e: {  	_ =	shalt  }
0x4f: {  	_ =	shalt  }
0x50: {  	_ =	shalt  }
0x51: {  	_ =	shalt  }
0x52: {  	_ =	shalt  }
0x53: {  	_ =	shalt  }
0x54: {  	_ =	shalt  }
0x55: {  	_ =	shalt  }
0x56: {  	_ =	shalt  }
0x57: {  	_ =	shalt  }
0x58: {  	_ =	shalt  }
0x59: {  	_ =	shalt  }
0x5a: {  	_ =	shalt  }
0x5b: {  	_ =	shalt  }
0x5c: {  	_ =	shalt  }
0x5d: {  	_ =	shalt  }
0x5e: {  	_ =	shalt  }
0x5f: {  	_ =	shalt  }
0x60: {  	_ =	shalt  }
0x61: {  	_ =	shalt  }
0x62: {  	_ =	shalt  }
0x63: {  	_ =	shalt  }
0x64: {  	_ =	shalt  }
0x65: {  	_ =	shalt  }
0x66: {  	_ =	shalt  }
0x67: {  	_ =	shalt  }
0x68: {  	_ =	shalt  }
0x69: {  	_ =	shalt  }
0x6a: {  	_ =	shalt  }
0x6b: {  	_ =	shalt  }
0x6c: {  	_ =	shalt  }
0x6d: {  	_ =	shalt  }
0x6e: {  	_ =	shalt  }
0x6f: {  	_ =	shalt  }
0x70: {  	_ =	shalt  }
0x71: {  	_ =	shalt  }
0x72: {  	_ =	shalt  }
0x73: {  	_ =	shalt  }
0x74: {  	_ =	shalt  }
0x75: {  	_ =	shalt  }
0x76: {  	_ =	shalt  }
0x77: {  	_ =	shalt  }
0x78: {  	_ =	shalt  }
0x79: {  	_ =	shalt  }
0x7a: {  	_ =	shalt  }
0x7b: {  	_ =	shalt  }
0x7c: {  	_ =	shalt  }
0x7d: {  	_ =	shalt  }
0x7e: {  	_ =	shalt  }
0x7f: {  	_ =	shalt  }
0x80: {  	_ =	shalt  }
0x81: {  	_ =	shalt  }
0x82: {  	_ =	shalt  }
0x83: {  	_ =	shalt  }
0x84: {  	_ =	shalt  }
0x85: {  	_ =	shalt  }
0x86: {  	_ =	shalt  }
0x87: {  	_ =	shalt  }
.Lfunc_end0:
.L_simem_size_0:
called_computation.1_lowered:
.L_overlay_start_0:
0x88: {  	s2 =	sld [smem:$0x3FD9]  }
0x89: {  	s3 =	sld [smem:$0x3FFE];
	_ =	sdelay $0x1  }
0x8a: {  	s1 =	srdreg.scid  }
0x8b: {  	s0 =	sand.u32 $0x1, s1  }
0x8c: {  	s17 =	sshll.u32 s0, $0xA;
	s2 =	sadd.s32 s3, s2  }
0x8d: {  	s2 =	sadd.s32 s2, s17  }
0x8e: {  	[smem:$0x3FC1] =	sst s2  }
0x8f: {  	_ = 	snop  }
0x90: {  	s18 =	sld [smem:$0x3FD0];
	(tm) =	ssettm $0x1  }
0x91: {  	s19 =	sld [smem:$0x3FFB];
	_ =	sdelay $0x3  }
0x92: {  	_ =	strace s19  }
0x93: {  	s2 =	sld [smem:$0x3FFC];
	_ =	sdelay $0x3  }
0x94: {  	_ =	strace s2  }
0x95: {  	s2 =	sld [smem:$0x3FFD];
	_ =	sdelay $0x3  }
0x96: {  	_ =	strace s2  }
0x97: {  	_ =	strace $0x8FFFFFFF  }
0x98: {  	s20 =	sld [smem:$0x3FDB];
	_ =	sdelay $0x1  }
0x99: {  	s4 =	simm.s32 $_scs_section_size  }
0x9a: {  	s5 =	simm.s32 $_size__tile_overlayer_lowered;
	s6 =	simm.s32 $_tile_overlayer_lowered  }
0x9b: {  	s7 =	simm.s32 $0x1BFF;
	s21 =	sshll.u32 s6, $0x1;
	s4 =	sadd.s32 s4, s20  }
0x9c: {  	s22 =	simm.s32 $0x0;
	s5 =	sshll.u32 s5, $0x1;
	s6 =	sadd.s32 s21, s4  }
0x9d: {  	[timem:s22], [sflag:s7] =	dma.local [hbm:s6], s5  }
0x9e: {  	_ =	swait.ge [sflag:s7], s5  }
0x9f: {  	s5 =	ssub.s32 $0x0, s5;
	[sflag:s7] =	ssyncset.done $0x0  }
0xa0: {  	[sflag:s7] =	ssyncadd.s32 s5;
	_ =	sdelay $0x1  }
0xa1: {  	s23 =	simm.s32 $0x1B8B  }
0xa2: {  	_ =	swait.ge [sflag:s23], $0x1  }
0xa3: {  	[sflag:s23] =	ssyncset.done $0x0  }
0xa4: {  	[sflag:s23] =	ssyncadd.s32 $0xFFFFFFFF  }
0xa5: {  	s5 =	sld [smem:$0x0]  }
0xa6: {  	s6 =	sand.u32 $0xFFFFFFFE, s1  }
0xa7: {  	p0 =	sne.s32 s1, s6  }
0xa8: {  	s6 =	sshll.u32 @p0 s6, $0xE  }
0xa9: {  	s6 =	sadd.s32 @p0 $0x11B8D, s6;
	s7 =	sshll.u32 @p0 s5, $0x11  }
0xaa: {  	s6 =	sor.u32 @p0 s7, s6  }
0xab: {  	[sflag:s6] =	ssyncadd.remote.s32 @p0 $0x1;
	_ =	sdelay $0x1  }
0xac: {  	s6 =	simm.s32 @p0 $0x1B8D  }
0xad: {  	_ =	swait.eq @p0 [sflag:s6], $0x1  }
0xae: {  	[sflag:s6] =	ssyncadd.s32 @p0 $0xFFFFFFFF  }
0xaf: {  	s7 =	sshll.u32 @!p0 s1, $0xE  }
0xb0: {  	s7 =	sor.u32 @!p0 $0x4000, s7;
	s6 =	simm.s32 @!p0 $0x1B8D  }
0xb1: {  	s5 =	sshll.u32 @!p0 s5, $0x11;
	s7 =	sadd.s32 @!p0 $0x11B8D, s7;
	_ =	swait.eq @!p0 [sflag:s6], $0x1  }
0xb2: {  	s5 =	sor.u32 @!p0 s5, s7;
	[sflag:s6] =	ssyncadd.s32 @!p0 $0xFFFFFFFF  }
0xb3: {  	s25 =	simm.s32 $0x1B8E;
	s24 =	sld [smem:$0x3FFE];
	[sflag:s5] =	ssyncadd.remote.s32 @!p0 $0x1  }
0xb4: {  	s26 =	simm.s32 $execute0_lowered;
	[smem:$0x3FD2] =	sst s25  }
0xb5: {  	s6 =	sshll.u32 s26, $0x1;
	_ =	strace $0x8000004C;
	[dreg:$0x1] =	wrdreg $0xFFFFFFFF  }
0xb6: {  	s28 =	simm.s32 $_size_execute0_lowered;
	s4 =	sadd.s32 s4, s6;
	[dreg:$0x0] =	wrdreg $0x0  }
0xb7: {  	s6 =	sshll.u32 s28, $0x1;
	[dreg:$0x2] =	wrdreg s4  }
0xb8: {  	[dreg:$0x3] =	wrdreg s6  }
0xb9: {  	[dreg:$0x4] =	wrdreg $0xC0  }
0xba: {  	_ =	task [dreg:s22], $0x5FFFF  }
0xbb: {  	[dreg:$0x1] =	wrdreg $0xFFFFFFFF  }
0xbc: {  	[dreg:$0x0] =	wrdreg $0x60  }
0xbd: {  	[dreg:$0x2] =	wrdreg s18  }
0xbe: {  	[dreg:$0x3] =	wrdreg s24  }
0xbf: {  	[dreg:$0x4] =	wrdreg $0x120000  }
0xc0: {  	[dreg:$0x5] =	wrdreg $0x9  }
0xc1: {  	_ =	task.clear_ibuf [dreg:s22], $0x6FFFF;
	_ =	strace $0x9000004C  }
0xc2: {  	s29 =	simm.s32 $0x9;
	_ =	strace $0x8000004E  }
0xc3: {  	_ =	swait.ge [sflag:s29], $0x1  }
0xc4: {  	[sflag:s29] =	ssyncadd.s32 $0xFFFFFFFF  }
0xc5: {  	_ =	strace $0x9000004E  }
0xc6: {  	_ =	sfence  }
0xc7: {  	s30 =	sld [smem:$0x0];
	_ =	sdelay $0x2  }
0xc8: {  	s31 =	sshll.u32 s1, $0xD;
	s1 =	sshrl.u32 s1, $0x2  }
0xc9: {  	s4 =	sand.u32 $0x4000, s31;
	s1 =	sadd.s32 s1, s30  }
0xca: {  	s0 =	sor.u32 s4, s0;
	s1 =	sshll.u32 s1, $0x11  }
0xcb: {  	s0 =	sor.u32 s1, s0  }
0xcc: {  	s0 =	sadd.s32 $0x8F2B, s0  }
0xcd: {  	[sflag:s0] =	ssyncadd.remote.s32 $0x1  }
0xce: {  	_ =	sfence.sel $0xFFFF  }
0xcf: {  	[dreg:$0x0] =	wrdreg $0xFFFFFFFF;
	(pc) =	sbr.abs _section_cstart, $3  }
0xd0: {  	[dreg:$0x1] =	wrdreg $0xFFFFFFFF  }
0xd1: {  	_ =	task.clear_ibuf [dreg:s22], $0x2FFFF;
	_ =	strace $0x9FFFFFFF  }
0xd2: {  	(tm) =	ssettm $0x7FFFFFFF  }
0xd3: {  	_ =	shalt  }
tec
execute0_lowered:
.L_overlay_start_1:
0x0: {  	(tag) =	ssettag $0x1  }
0x1: {  	s1 =	rddreg [dreg:$0x0]  }
0x2: {  	s9 =	rddreg [dreg:$0x1]  }
0x3: {  	s3 =	rddreg [dreg:$0x2];
	s2 =	stileid.u32  }
0x4: {  	s0 =	rddreg [dreg:$0x3];
	s4 =	simm.s32 $0x0;
	s6 =	smul.u32 $0xA00, s2  }
0x5: {  	s5 =	srdreg.scid;
	s15 =	simm.s32 $0x5000;
	s7 =	smul.u32 $0x2A000, s2  }
0x6: {  	s16 =	simm.s32 $0xA000;
	s17 =	simm.s32 $0x80;
	s8 =	smul.u32 $0x9800, s2  }
0x7: {  	s19 =	simm.s32 $0x1;
	s20 =	simm.s32 $0x2;
	s12 =	smul.u32 $0x26000, s2  }
0x8: {  	s24 =	simm.s32 $0x0;
	[smem:$0x7FF] =	sst s4;
	s14 =	smul.u32 $0x28000, s2  }
0x9: {  	s18 =	sand.u32 $0x1, s5;
	s10 =	sadd.s32 $0x53600, s9;
	s31 =	smul.u32 $0x1400, s2  }
0xa: {  	s22 =	sadd.s32 $0x98000, s3;
	_ =	strace $0x8000004D;
	s5 =	ssub.s32 $0x2, s18  }
0xb: {  	p0 =	seq.s32 s18, $0x0;
	s13 =	sadd.s32 s6, s9;
	s29 =	sshrl.u32 s5, $0x1  }
0xc: {  	s30 =	sshrl.u32 s7, $0x2;
	s8 =	sshrl.u32 s8, $0x3;
	s12 =	sshrl.u32 s12, $0x2  }
0xd: {  	s9 =	sadd.s32 $0x7A600, s9;
	s14 =	sshrl.u32 s14, $0x2;
	s11 =	ssub.s32 s5, s29  }
0xe: {  	s5 =	sadd.s32 $0x4400, s13;
	s6 =	sadd.s32 s30, s3;
	s8 =	sadd.s32 s10, s8  }
0xf: {  	s21 =	sadd.s32 s12, s3;
	s23 =	sadd.s32 s14, s3;
	s10 =	sadd.s32 s10, s31  }
0x10: {  	s14 =	simm.s32 $0x22400;
	s7 =	sadd.s32 $0x8000, s6;
	s8 =	sadd.s32 $0x14000, s8  }
0x11: {  	s11 =	smax.u32 s11, $0x1;
	s14 =	simm.s32 @!p0 $0x18400;
	p0 =	sne.s32 s18, $0x0  }
0x12: {  	s12 =	sadd.s32 $0x4000, s6;
	s18 =	simm.s32 $0xE000;
	p1 =	sne.s32 @p0 s2, $0xF  }
0x13: {  	s13 =	sadd.s32 s14, s13;
	s14 =	simm.s32 $0x3;
	p1 =	por p1, !p0  }
0x14: {  	v0 =	vimm.f32 $0.0e+00;
	s21 =	sshrl.u32 @p0 s21, $0x3;
	s23 =	sshrl.u32 @!p0 s23, $0x3;
	s22 =	sshrl.u32 @!p1 s22, $0x3  }
.LBB2_1:
0x15: {  	[tilespmem:s4], [sflag:$0x3] =	stream.linear.gather [hbm4b:s5+s4], $0x5000, $0x38;
	[tilespmem:$0x1C800] =	vst v63  }
0x16: {  	_ =	swait.ge [sflag:s14], $0x5000  }
0x17: {  	[sflag:s14] =	ssyncset.done $0x0  }
0x18: {  	[sflag:s14] =	ssyncadd.s32 $0xFFFFB000  }
0x19: {  	[tilespmem:s15], [sflag:$0x3] =	stream.linear.gather [hbm4b:s13+s4], $0x5000, $0x38;
	[tilespmem:$0x1C800] =	vst v63  }
0x1a: {  	_ =	swait.ge [sflag:s14], $0x5000  }
0x1b: {  	[sflag:s14] =	ssyncset.done $0x0  }
0x1c: {  	s25 =	simm.s32 $0x0;
	s26 =	simm.s32 $0x200;
	[sflag:s14] =	ssyncadd.s32 $0xFFFFB000  }
.LBB2_2:
0x1d: {  	p2 =	sne.s32 s26, $0xFE00;
	[tilespmem:s25+$0xA070] =	vst v0  }
0x1e: {  	[tilespmem:s25+$0xA000] =	vst v0  }
0x1f: {  	[tilespmem:s25+$0xA010] =	vst v0  }
.Ltmp0:
0x20: {  	[tilespmem:s25+$0xA020] =	vst v0;
	(pc) =	sbr.rel @p2 .LBB2_2-.Ltmp0, $4  }
0x21: {  	[tilespmem:s25+$0xA030] =	vst v0  }
0x22: {  	[tilespmem:s25+$0xA040] =	vst v0  }
0x23: {  	[tilespmem:s25+$0xA050] =	vst v0  }
0x24: {  	[tilespmem:s25+$0xA060] =	vst v0;
	s25 =	sshra.s32 s26, $0x2;
	s26 =	sadd.s32 $0x200, s26  }
0x25: {  	[tilespmem:s25+$0xA070] =	vst v0  }
0x26: {  	[tilespmem:s25+$0xA000] =	vst v0  }
0x27: {  	[tilespmem:s25+$0xA010] =	vst v0  }
0x28: {  	[tilespmem:s25+$0xA020] =	vst v0  }
0x29: {  	[tilespmem:s25+$0xA030] =	vst v0  }
0x2a: {  	[tilespmem:s25+$0xA040] =	vst v0  }
0x2b: {  	[tilespmem:s25+$0xA050] =	vst v0  }
0x2c: {  	[tilespmem:s25+$0xA060] =	vst v0  }
0x2d: {  	[spmem:s6] =	stream.linear.scatter [tilespmem:s16], [sflag:$0x3], $0x4000, $0x38;
	[tilespmem:$0x1C800] =	vst v63  }
0x2e: {  	_ =	swait.ge [sflag:s14], $0x4000  }
0x2f: {  	[sflag:s14] =	ssyncset.done $0x0  }
0x30: {  	[sflag:s14] =	ssyncadd.s32 $0xFFFFC000  }
0x31: {  	[spmem:s12] =	stream.linear.scatter [tilespmem:s16], [sflag:$0x3], $0x4000, $0x38;
	[tilespmem:$0x1C800] =	vst v63  }
0x32: {  	_ =	swait.ge [sflag:s14], $0x4000  }
0x33: {  	[sflag:s14] =	ssyncset.done $0x0  }
0x34: {  	[sflag:s14] =	ssyncadd.s32 $0xFFFFC000  }
0x35: {  	[spmem:s7] =	stream.linear.scatter [tilespmem:s16], [sflag:$0x3], $0x2800, $0x38;
	[tilespmem:$0x1C800] =	vst v63  }
0x36: {  	_ =	swait.ge [sflag:s14], $0x2800  }
0x37: {  	[sflag:s14] =	ssyncset.done $0x0  }
0x38: {  	[sflag:s14] =	ssyncadd.s32 $0xFFFFD800  }
0x39: {  	s28 =	simm.s32 $0x0;
	[bflag:$0x0] =	sbarrier.arrive $0xFFFF  }
0x3a: {  	[tilespmem:s16], [sflag:$0x1] =	stream.indirect.gather [hbm4b:s1+s17], $0x80, s28, s17, $0xb8;
	[tilespmem:$0x1C800] =	vst v63  }
0x3b: {  	s29 =	simm.s32 $0x80  }
0x3c: {  	[tilespmem:s18], [sflag:$0x2] =	stream.indirect.gather [hbm4b:s1+s17], $0x80, s29, s17, $0xb8;
	[tilespmem:$0x1C800] =	vst v63  }
0x3d: {  	_ =	swait.ge [sflag:s19], $0x4000  }
0x3e: {  	[sflag:s19] =	ssyncset.done $0x0  }
0x3f: {  	s30 =	simm.s32 $0x5000;
	[sflag:s19] =	ssyncadd.s32 $0xFFFFC000  }
0x40: {  	[spmem:s3] =	stream.indirect.scatter.add.f32 [tilespmem:s16], [sflag:$0x3], $0x80, s30, s17, $0xb8;
	[tilespmem:$0x1C800] =	vst v63  }
0x41: {  	_ =	swait.ge [sflag:s14], $0x4000  }
0x42: {  	[sflag:s14] =	ssyncset.done $0x0  }
0x43: {  	[sflag:s14] =	ssyncadd.s32 $0xFFFFC000  }
0x44: {  	_ =	swait.ge [sflag:s20], $0x4000  }
0x45: {  	[sflag:s20] =	ssyncset.done $0x0  }
0x46: {  	s31 =	simm.s32 $0x5080;
	[sflag:s20] =	ssyncadd.s32 $0xFFFFC000  }
0x47: {  	[spmem:s3] =	stream.indirect.scatter.add.f32 [tilespmem:s18], [sflag:$0x3], $0x80, s31, s17, $0xb8;
	[tilespmem:$0x1C800] =	vst v63  }
0x48: {  	_ =	swait.ge [sflag:s14], $0x4000  }
0x49: {  	s25 =	simm.s32 $0x400;
	s26 =	simm.s32 $0x800;
	[sflag:s14] =	ssyncset.done $0x0  }
.LBB2_4:
0x4a: {  	s28 =	sshra.s32 s25, $0x2  }
0x4b: {  	[sflag:s14] =	ssyncadd.s32 $0xFFFFC000;
	s25 =	smov.u32 s26;
	s29 =	sadd.s32 $0x400, s26  }
0x4c: {  	[tilespmem:s16], [sflag:$0x1] =	stream.indirect.gather [hbm4b:s1+s17], $0x80, s28, s17, $0xb8;
	[tilespmem:$0x1C800] =	vst v63  }
0x4d: {  	p2 =	sne.s32 s26, $0x13C00;
	s26 =	sadd.s32 $0x80, s28  }
0x4e: {  	[tilespmem:s18], [sflag:$0x2] =	stream.indirect.gather [hbm4b:s1+s17], $0x80, s26, s17, $0xb8;
	[tilespmem:$0x1C800] =	vst v63  }
0x4f: {  	_ =	swait.ge [sflag:s19], $0x4000  }
0x50: {  	[sflag:s19] =	ssyncset.done $0x0  }
0x51: {  	s26 =	sadd.s32 $0x5000, s28;
	[sflag:s19] =	ssyncadd.s32 $0xFFFFC000  }
0x52: {  	[spmem:s3] =	stream.indirect.scatter.add.f32 [tilespmem:s16], [sflag:$0x3], $0x80, s26, s17, $0xb8;
	[tilespmem:$0x1C800] =	vst v63  }
0x53: {  	_ =	swait.ge [sflag:s14], $0x4000  }
0x54: {  	[sflag:s14] =	ssyncset.done $0x0  }
0x55: {  	[sflag:s14] =	ssyncadd.s32 $0xFFFFC000  }
0x56: {  	_ =	swait.ge [sflag:s20], $0x4000  }
.Ltmp1:
0x57: {  	[sflag:s20] =	ssyncset.done $0x0;
	(pc) =	sbr.rel @p2 .LBB2_4-.Ltmp1, $4  }
0x58: {  	s26 =	sadd.s32 $0x5080, s28;
	[sflag:s20] =	ssyncadd.s32 $0xFFFFC000  }
0x59: {  	[spmem:s3] =	stream.indirect.scatter.add.f32 [tilespmem:s18], [sflag:$0x3], $0x80, s26, s17, $0xb8;
	[tilespmem:$0x1C800] =	vst v63  }
0x5a: {  	_ =	swait.ge [sflag:s14], $0x4000  }
0x5b: {  	s26 =	smov.u32 s29;
	[sflag:s14] =	ssyncset.done $0x0  }
0x5c: {  	s25 =	sshra.s32 s25, $0x2;
	[sflag:s14] =	ssyncadd.s32 $0xFFFFC000  }
0x5d: {  	[tilespmem:s16], [sflag:$0x1] =	stream.indirect.gather [hbm4b:s1+s17], $0x80, s25, s17, $0xb8;
	[tilespmem:$0x1C800] =	vst v63  }
0x5e: {  	s26 =	sadd.s32 $0x80, s25  }
0x5f: {  	[tilespmem:s18], [sflag:$0x2] =	stream.indirect.gather [hbm4b:s1+s17], $0x80, s26, s17, $0xb8;
	[tilespmem:$0x1C800] =	vst v63  }
0x60: {  	_ =	swait.ge [sflag:s19], $0x4000  }
0x61: {  	[sflag:s19] =	ssyncset.done $0x0  }
0x62: {  	s31 =	sadd.s32 $0x5000, s25;
	[sflag:s19] =	ssyncadd.s32 $0xFFFFC000  }
0x63: {  	[spmem:s3] =	stream.indirect.scatter.add.f32 [tilespmem:s16], [sflag:$0x3], $0x80, s31, s17, $0xb8;
	[tilespmem:$0x1C800] =	vst v63  }
0x64: {  	_ =	swait.ge [sflag:s14], $0x4000  }
0x65: {  	[sflag:s14] =	ssyncset.done $0x0  }
0x66: {  	[sflag:s14] =	ssyncadd.s32 $0xFFFFC000  }
0x67: {  	_ =	swait.ge [sflag:s20], $0x4000  }
0x68: {  	[sflag:s20] =	ssyncset.done $0x0  }
0x69: {  	s25 =	sadd.s32 $0x5080, s25;
	[sflag:s20] =	ssyncadd.s32 $0xFFFFC000  }
0x6a: {  	[spmem:s3] =	stream.indirect.scatter.add.f32 [tilespmem:s18], [sflag:$0x3], $0x80, s25, s17, $0xb8;
	[tilespmem:$0x1C800] =	vst v63  }
0x6b: {  	_ =	swait.ge [sflag:s14], $0x4000  }
0x6c: {  	[sflag:s14] =	ssyncset.done $0x0  }
0x6d: {  	s25 =	sshll.u32 @p0 s2, $0x6;
	[sflag:s14] =	ssyncadd.s32 $0xFFFFC000  }
0x6e: {  	s26 =	simm.s32 @p0 $0x3;
	s25 =	sor.u32 @p0 $0x1C03, s25;
	[bflag:$0x0] =	sbarrier.arrive $0xFFFF  }
0x6f: {  	[hbm:s8], [sflag:s25] =	dma.local @p0 [spmem:s21], $0x1300  }
0x70: {  	_ =	swait.ge @p0 [sflag:s26], $0x1300  }
0x71: {  	[sflag:s26] =	ssyncset.done @p0 $0x0  }
0x72: {  	[sflag:s26] =	ssyncadd.s32 @p0 $0xFFFFED00  }
0x73: {  	[hbm:s9], [sflag:s25] =	dma.local @!p1 [spmem:s22], $0x100  }
0x74: {  	s25 =	simm.s32 @!p1 $0x3  }
0x75: {  	_ =	swait.ge @!p1 [sflag:s25], $0x100  }
0x76: {  	s24 =	sadd.s32 $0x1, s24;
	s26 =	sshll.u32 @!p0 s2, $0x6;
	[sflag:s25] =	ssyncset.done @!p1 $0x0  }
0x77: {  	p2 =	sne.s32 s24, s11;
	[sflag:s25] =	ssyncadd.s32 @!p1 $0xFFFFFF00;
	s25 =	sor.u32 @!p0 $0x1C03, s26  }
0x78: {  	[hbm:s10], [sflag:s25] =	dma.local @!p0 [spmem:s23], $0x1400  }
.Ltmp2:
0x79: {  	_ = 	snop;
	(pc) =	sbr.rel @p2 .LBB2_1-.Ltmp2, $4  }
0x7a: {  	s25 =	simm.s32 @!p0 $0x3  }
0x7b: {  	_ =	swait.ge @!p0 [sflag:s25], $0x1400  }
0x7c: {  	[sflag:s25] =	ssyncset.done @!p0 $0x0  }
0x7d: {  	[sflag:s25] =	ssyncadd.s32 @!p0 $0xFFFFEC00  }
0x7e: {  	_ =	sfence.sel $0x180000  }
0x7f: {  	[bflag:$0x0] =	sbarrier.arrive $0xFFFF  }
0x80: {  	p0 =	sne.s32 s2, $0x0;
	_ =	strace $0x9000004D  }
0x81: {  	s0 =	sadd.s32 @!p0 $0x100000, s0;
	[bflag:$0x2] =	sbarrier.arrive $0xFFFF  }
0x82: {  	[sflag:s0] =	ssyncadd.tile.s32 @!p0 $0x1;
	_ =	shalt  }
.Lfunc_end2:
_tile_overlayer_lowered:
.L_overlay_start_2:
0x83: {  	(tag) =	ssettag $0x2  }
0x84: {  	s0 =	rddreg [dreg:$0x0];
	s2 =	stileid.u32  }
0x85: {  	s1 =	rddreg [dreg:$0x1];
	p0 =	sne.s32 s2, $0x0  }
0x86: {  	s3 =	rddreg [dreg:$0x2];
	[bflag:$0x3] =	sbarrier.arrive $0xFFFF;
	s2 =	simm.s32 @!p0 $0x1C03  }
0x87: {  	[timem:s3], [sflag:s2] =	dma.local @!p0 [hbm:s0], s1  }
0x88: {  	s0 =	simm.s32 @!p0 $0x3  }
0x89: {  	_ =	swait.ge @!p0 [sflag:s0], s1  }
0x8a: {  	s1 =	ssub.s32 @!p0 $0x0, s1;
	[sflag:s0] =	ssyncset.done @!p0 $0x0  }
0x8b: {  	[sflag:s0] =	ssyncadd.s32 @!p0 s1  }
0x8c: {  	[bflag:$0x3] =	sbarrier.arrive $0xFFFF  }
0x8d: {  	_ =	shalt  }

// kernel: kernel.24.cloned.1.call-start
scs
__scs_entry_jumppad:
0x0: {  	(pc) =	sbr.rel $0x88, $3  }
0x1: {  	(tag) =	ssettag $0x0;
	lr =	simm.s32 $0x1  }
0x2: {  	[smem:$0x3F9A] =	sst lr;
	_ =	strace $0xD0000000  }
0x3: {  	_ = 	snop  }
0x4: {  	_ = 	snop  }
0x5: {  	_ = 	snop  }
0x6: {  	_ = 	snop  }
0x7: {  	_ = 	snop  }
__scs_overlays_trampoline_lowered:
0x8: {  	[smem:$0x3FA9] =	sst s0  }
0x9: {  	[smem:$0x3FAA] =	sst s1  }
0xa: {  	[smem:$0x3FAB] =	sst s2  }
0xb: {  	[smem:$0x3FAC] =	sst s3  }
0xc: {  	[smem:$0x3FAD] =	sst s4  }
0xd: {  	[smem:$0x3FAE] =	sst s5  }
0xe: {  	[smem:$0x3FAF] =	sst s6  }
0xf: {  	[smem:$0x3FB0] =	sst s7  }
0x10: {  	[smem:$0x3FB1] =	sst s8  }
0x11: {  	[smem:$0x3FB2] =	sst s9;
	s0 =	simm.s32 @!p0 $0x0  }
0x12: {  	s1 =	sld [smem:$0x3F98];
	s0 =	simm.s32 @p0 $0x1  }
0x13: {  	[smem:$0x3FB3] =	sst s0;
	s0 =	simm.s32 @!p1 $0x0  }
0x14: {  	s2 =	sld [smem:$0x3F97];
	s0 =	simm.s32 @p1 $0x1  }
0x15: {  	[smem:$0x3FB4] =	sst s0;
	s0 =	simm.s32 @!p2 $0x0  }
0x16: {  	s3 =	sld [smem:$0x3FDB];
	s0 =	simm.s32 @p2 $0x1  }
0x17: {  	s4 =	simm.s32 $0x1BF5;
	[smem:$0x3FB6] =	sst s0  }
0x18: {  	s0 =	sld [smem:$0x3F99];
	_ =	swait.ge [sflag:s4], $0x0  }
0x19: {  	s7 =	sld [smem:$0x3F9A]  }
0x1a: {  	s8 =	sadd.s32 $0xFFFFE003, lr  }
0x1b: {  	s9 =	sadd.s32 $0xFFFFFEF7, lr;
	s5 =	simm.s32 $0xFFFFFFFF;
	p2 =	slt.u32 s8, $0xFFFFF086  }
0x1c: {  	p1 =	slt.u32 s9, $0xF7A;
	s5 =	simm.s32 @!p2 $0x0  }
0x1d: {  	s5 =	simm.s32 @p1 $0x1;
	p0 =	seq.s32 s7, s2  }
0x1e: {  	s7 =	smul.u32 @!p0 $0xF7A, s2;
	p2 =	seq.s32 @!p0 s5, $0x0  }
0x1f: {  	s9 =	smul.u32 $0xF7A, s1;
	s8 =	simm.s32 @!p0 $0x1BF5;
	p2 =	por !p2, p0  }
0x20: {  	[sflag:s8] =	ssyncset.s32 @!p0 $0xFFFFF086;
	s6 =	sadd.s32 @!p0 s3, s7;
	s7 =	simm.s32 @!p0 $0x108  }
0x21: {  	s3 =	sadd.s32 s3, s9;
	s6 =	sadd.s32 @!p0 $0x88, s6;
	s7 =	simm.s32 @p2 $0x1082  }
0x22: {  	[simem:s7], [sflag:s8] =	dma.local @!p0 [hbm:s6], $0xF7A  }
0x23: {  	s9 =	sor.u32 $0xD0000000, s2;
	s6 =	simm.s32 $0x108;
	_ =	swait.ge @!p0 [sflag:s8], $0x0  }
0x24: {  	s3 =	sadd.s32 $0x88, s3;
	s6 =	simm.s32 @!p1 $0x1082;
	[sflag:s4] =	ssyncset.s32 $0xFFFFF086  }
0x25: {  	[simem:s6], [sflag:s4] =	dma.local [hbm:s3], $0xF7A  }
0x26: {  	[smem:$0x3F9A] =	sst s1;
	(tag) =	ssettag s2;
	_ =	strace s9  }
0x27: {  	s1 =	sld [smem:$0x3FAA]  }
0x28: {  	s2 =	sld [smem:$0x3FAB]  }
0x29: {  	s4 =	sld [smem:$0x3FAD]  }
0x2a: {  	p0 =	seq.s32 s5, $0x0;
	s5 =	sld [smem:$0x3FAE]  }
0x2b: {  	s6 =	sld [smem:$0x3FAF]  }
0x2c: {  	s7 =	sld [smem:$0x3FB0]  }
0x2d: {  	s3 =	simm.s32 $0x108;
	s8 =	sld [smem:$0x3FB1]  }
0x2e: {  	s3 =	simm.s32 @!p0 $0x1082;
	s9 =	sld [smem:$0x3FB2]  }
0x2f: {  	lr =	sadd.s32 s0, s3;
	s0 =	sld [smem:$0x3FA9]  }
0x30: {  	s3 =	sld [smem:$0x3FAC]  }
0x31: {  	[smem:$0x3FB5] =	sst s10  }
0x32: {  	s10 =	sld [smem:$0x3FB3];
	_ =	sdelay $0x3  }
0x33: {  	p0 =	seq.s32 s10, $0x1;
	s10 =	sld [smem:$0x3FB5];
	_ =	sdelay $0x3  }
0x34: {  	[smem:$0x3FB5] =	sst s10  }
0x35: {  	s10 =	sld [smem:$0x3FB4];
	_ =	sdelay $0x3  }
0x36: {  	p1 =	seq.s32 s10, $0x1;
	s10 =	sld [smem:$0x3FB5];
	_ =	sdelay $0x3  }
0x37: {  	[smem:$0x3FB5] =	sst s10  }
0x38: {  	s10 =	sld [smem:$0x3FB6]  }
0x39: {  	_ = 	snop;
	(pc) =	sbr.ind lr, $3  }
0x3a: {  	_ = 	snop  }
0x3b: {  	_ = 	snop  }
0x3c: {  	p2 =	seq.s32 s10, $0x1;
	s10 =	sld [smem:$0x3FB5]  }
0x3d: {  	_ =	shalt  }
0x3e: {  	_ =	shalt  }
0x3f: {  	_ =	shalt  }
0x40: {  	_ =	shalt  }
0x41: {  	_ =	shalt  }
0x42: {  	_ =	shalt  }
0x43: {  	_ =	shalt  }
0x44: {  	_ =	shalt  }
0x45: {  	_ =	shalt  }
0x46: {  	_ =	shalt  }
0x47: {  	_ =	shalt  }
0x48: {  	_ =	shalt  }
0x49: {  	_ =	shalt  }
0x4a: {  	_ =	shalt  }
0x4b: {  	_ =	shalt  }
0x4c: {  	_ =	shalt  }
0x4d: {  	_ =	shalt  }
0x4e: {  	_ =	shalt  }
0x4f: {  	_ =	shalt  }
0x50: {  	_ =	shalt  }
0x51: {  	_ =	shalt  }
0x52: {  	_ =	shalt  }
0x53: {  	_ =	shalt  }
0x54: {  	_ =	shalt  }
0x55: {  	_ =	shalt  }
0x56: {  	_ =	shalt  }
0x57: {  	_ =	shalt  }
0x58: {  	_ =	shalt  }
0x59: {  	_ =	shalt  }
0x5a: {  	_ =	shalt  }
0x5b: {  	_ =	shalt  }
0x5c: {  	_ =	shalt  }
0x5d: {  	_ =	shalt  }
0x5e: {  	_ =	shalt  }
0x5f: {  	_ =	shalt  }
0x60: {  	_ =	shalt  }
0x61: {  	_ =	shalt  }
0x62: {  	_ =	shalt  }
0x63: {  	_ =	shalt  }
0x64: {  	_ =	shalt  }
0x65: {  	_ =	shalt  }
0x66: {  	_ =	shalt  }
0x67: {  	_ =	shalt  }
0x68: {  	_ =	shalt  }
0x69: {  	_ =	shalt  }
0x6a: {  	_ =	shalt  }
0x6b: {  	_ =	shalt  }
0x6c: {  	_ =	shalt  }
0x6d: {  	_ =	shalt  }
0x6e: {  	_ =	shalt  }
0x6f: {  	_ =	shalt  }
0x70: {  	_ =	shalt  }
0x71: {  	_ =	shalt  }
0x72: {  	_ =	shalt  }
0x73: {  	_ =	shalt  }
0x74: {  	_ =	shalt  }
0x75: {  	_ =	shalt  }
0x76: {  	_ =	shalt  }
0x77: {  	_ =	shalt  }
0x78: {  	_ =	shalt  }
0x79: {  	_ =	shalt  }
0x7a: {  	_ =	shalt  }
0x7b: {  	_ =	shalt  }
0x7c: {  	_ =	shalt  }
0x7d: {  	_ =	shalt  }
0x7e: {  	_ =	shalt  }
0x7f: {  	_ =	shalt  }
0x80: {  	_ =	shalt  }
0x81: {  	_ =	shalt  }
0x82: {  	_ =	shalt  }
0x83: {  	_ =	shalt  }
0x84: {  	_ =	shalt  }
0x85: {  	_ =	shalt  }
0x86: {  	_ =	shalt  }
0x87: {  	_ =	shalt  }
.Lfunc_end0:
.L_simem_size_0:
called_computation.2_lowered:
.L_overlay_start_0:
0x88: {  	s2 =	sld [smem:$0x3FD9]  }
0x89: {  	s3 =	sld [smem:$0x3FFE];
	_ =	sdelay $0x1  }
0x8a: {  	s1 =	srdreg.scid  }
0x8b: {  	s0 =	sand.u32 $0x1, s1  }
0x8c: {  	s17 =	sshll.u32 s0, $0xA;
	s2 =	sadd.s32 s3, s2  }
0x8d: {  	s2 =	sadd.s32 s2, s17  }
0x8e: {  	[smem:$0x3FC1] =	sst s2  }
0x8f: {  	_ = 	snop  }
0x90: {  	s2 =	sld [smem:$0x3FD0];
	(tm) =	ssettm $0x1  }
0x91: {  	s18 =	sld [smem:$0x3FFB];
	_ =	sdelay $0x3  }
0x92: {  	_ =	strace s18  }
0x93: {  	s3 =	sld [smem:$0x3FFC];
	_ =	sdelay $0x3  }
0x94: {  	_ =	strace s3  }
0x95: {  	s3 =	sld [smem:$0x3FFD];
	_ =	sdelay $0x3  }
0x96: {  	_ =	strace s3  }
0x97: {  	_ =	strace $0x8FFFFFFF  }
0x98: {  	s19 =	sld [smem:$0x3FDB];
	_ =	sdelay $0x1  }
0x99: {  	s4 =	simm.s32 $_scs_section_size  }
0x9a: {  	s5 =	simm.s32 $_size__tile_overlayer_lowered;
	s6 =	simm.s32 $_tile_overlayer_lowered  }
0x9b: {  	s22 =	simm.s32 $0x1BFF;
	s21 =	sshll.u32 s6, $0x1;
	s3 =	sadd.s32 s4, s19  }
0x9c: {  	s7 =	simm.s32 $0x0;
	s20 =	sshll.u32 s5, $0x1;
	s5 =	sadd.s32 s21, s3  }
0x9d: {  	[timem:s7], [sflag:s22] =	dma.local [hbm:s5], s20  }
0x9e: {  	_ =	swait.ge [sflag:s22], s20  }
0x9f: {  	s4 =	ssub.s32 $0x0, s20;
	[sflag:s22] =	ssyncset.done $0x0  }
0xa0: {  	[sflag:s22] =	ssyncadd.s32 s4;
	_ =	sdelay $0x1  }
0xa1: {  	s23 =	simm.s32 $0x1B8B  }
0xa2: {  	_ =	swait.ge [sflag:s23], $0x1  }
0xa3: {  	[sflag:s23] =	ssyncset.done $0x0  }
0xa4: {  	s25 =	simm.s32 $0x1B8E;
	s24 =	sld [smem:$0x3FFE];
	[sflag:s23] =	ssyncadd.s32 $0xFFFFFFFF  }
0xa5: {  	s26 =	simm.s32 $execute0_lowered;
	[smem:$0x3FD2] =	sst s25  }
0xa6: {  	s5 =	sshll.u32 s26, $0x1;
	_ =	strace $0x80000049;
	[dreg:$0x1] =	wrdreg $0xFFFFFFFF  }
0xa7: {  	s28 =	simm.s32 $_size_execute0_lowered;
	s3 =	sadd.s32 s3, s5;
	[dreg:$0x0] =	wrdreg $0x0  }
0xa8: {  	s5 =	sshll.u32 s28, $0x1;
	[dreg:$0x2] =	wrdreg s3  }
0xa9: {  	[dreg:$0x3] =	wrdreg s5  }
0xaa: {  	[dreg:$0x4] =	wrdreg $0xC0  }
0xab: {  	_ =	task [dreg:s7], $0x5FFFF  }
0xac: {  	[dreg:$0x1] =	wrdreg $0xFFFFFFFF  }
0xad: {  	[dreg:$0x0] =	wrdreg $0x60  }
0xae: {  	[dreg:$0x2] =	wrdreg s2  }
0xaf: {  	[dreg:$0x3] =	wrdreg s24  }
0xb0: {  	[dreg:$0x4] =	wrdreg $0x120000  }
0xb1: {  	[dreg:$0x5] =	wrdreg $0xA  }
0xb2: {  	_ =	task.clear_ibuf [dreg:s7], $0x6FFFF;
	_ =	strace $0x90000049  }
0xb3: {  	s29 =	simm.s32 $0xA;
	_ =	strace $0x8000004B  }
0xb4: {  	_ =	swait.ge [sflag:s29], $0x1  }
0xb5: {  	[sflag:s29] =	ssyncadd.s32 $0xFFFFFFFF  }
0xb6: {  	_ =	strace $0x9000004B  }
0xb7: {  	_ =	sfence  }
0xb8: {  	s30 =	sld [smem:$0x0];
	_ =	sdelay $0x2  }
0xb9: {  	s31 =	sshll.u32 s1, $0xD;
	s1 =	sshrl.u32 s1, $0x2  }
0xba: {  	s3 =	sand.u32 $0x4000, s31;
	s1 =	sadd.s32 s1, s30  }
0xbb: {  	s0 =	sor.u32 s3, s0;
	s1 =	sshll.u32 s1, $0x11  }
0xbc: {  	s0 =	sor.u32 s1, s0  }
0xbd: {  	s0 =	sadd.s32 $0x8F2B, s0  }
0xbe: {  	[sflag:s0] =	ssyncadd.remote.s32 $0x1  }
0xbf: {  	_ =	sfence.sel $0xFFFF  }
0xc0: {  	[dreg:$0x0] =	wrdreg $0xFFFFFFFF;
	(pc) =	sbr.abs _section_cstart, $3  }
0xc1: {  	[dreg:$0x1] =	wrdreg $0xFFFFFFFF  }
0xc2: {  	_ =	task.clear_ibuf [dreg:s7], $0x2FFFF;
	_ =	strace $0x9FFFFFFF  }
0xc3: {  	(tm) =	ssettm $0x7FFFFFFF  }
tec
execute0_lowered:
.L_overlay_start_1:
0x0: {  	(tag) =	ssettag $0x1  }
0x1: {  	s1 =	rddreg [dreg:$0x0]  }
0x2: {  	s9 =	rddreg [dreg:$0x1]  }
0x3: {  	s3 =	rddreg [dreg:$0x2];
	s2 =	stileid.u32  }
0x4: {  	s0 =	rddreg [dreg:$0x3];
	s4 =	simm.s32 $0x0;
	s6 =	smul.u32 $0xA00, s2  }
0x5: {  	s5 =	srdreg.scid;
	s15 =	simm.s32 $0x5000;
	s7 =	smul.u32 $0x2A000, s2  }
0x6: {  	s16 =	simm.s32 $0xA000;
	s17 =	simm.s32 $0x80;
	s8 =	smul.u32 $0x9800, s2  }
0x7: {  	s19 =	simm.s32 $0x1;
	s20 =	simm.s32 $0x2;
	s12 =	smul.u32 $0x26000, s2  }
0x8: {  	s24 =	simm.s32 $0x0;
	[smem:$0x7FF] =	sst s4;
	s14 =	smul.u32 $0x28000, s2  }
0x9: {  	s18 =	sand.u32 $0x1, s5;
	s10 =	sadd.s32 $0x2C400, s9;
	s31 =	smul.u32 $0x1400, s2  }
0xa: {  	s22 =	sadd.s32 $0x98000, s3;
	_ =	strace $0x8000004A;
	s5 =	ssub.s32 $0x2, s18  }
0xb: {  	p0 =	seq.s32 s18, $0x0;
	s13 =	sadd.s32 s6, s9;
	s29 =	sshrl.u32 s5, $0x1  }
0xc: {  	s30 =	sshrl.u32 s7, $0x2;
	s8 =	sshrl.u32 s8, $0x3;
	s12 =	sshrl.u32 s12, $0x2  }
0xd: {  	s9 =	sadd.s32 $0x53400, s9;
	s14 =	sshrl.u32 s14, $0x2;
	s11 =	ssub.s32 s5, s29  }
0xe: {  	s5 =	sadd.s32 $0xE400, s13;
	s6 =	sadd.s32 s30, s3;
	s8 =	sadd.s32 s10, s8  }
0xf: {  	s21 =	sadd.s32 s12, s3;
	s23 =	sadd.s32 s14, s3;
	s10 =	sadd.s32 s10, s31  }
0x10: {  	s14 =	simm.s32 $0x22400;
	s7 =	sadd.s32 $0x8000, s6;
	s8 =	sadd.s32 $0x14000, s8  }
0x11: {  	s11 =	smax.u32 s11, $0x1;
	s14 =	simm.s32 @!p0 $0x18400;
	p0 =	sne.s32 s18, $0x0  }
0x12: {  	s12 =	sadd.s32 $0x4000, s6;
	s18 =	simm.s32 $0xE000;
	p1 =	sne.s32 @p0 s2, $0xF  }
0x13: {  	s13 =	sadd.s32 s14, s13;
	s14 =	simm.s32 $0x3;
	p1 =	por p1, !p0  }
0x14: {  	v0 =	vimm.f32 $0.0e+00;
	s21 =	sshrl.u32 @p0 s21, $0x3;
	s23 =	sshrl.u32 @!p0 s23, $0x3;
	s22 =	sshrl.u32 @!p1 s22, $0x3  }
.LBB2_1:
0x15: {  	[tilespmem:s4], [sflag:$0x3] =	stream.linear.gather [hbm4b:s5+s4], $0x5000, $0x38;
	[tilespmem:$0x1C800] =	vst v63  }
0x16: {  	_ =	swait.ge [sflag:s14], $0x5000  }
0x17: {  	[sflag:s14] =	ssyncset.done $0x0  }
0x18: {  	[sflag:s14] =	ssyncadd.s32 $0xFFFFB000  }
0x19: {  	[tilespmem:s15], [sflag:$0x3] =	stream.linear.gather [hbm4b:s13+s4], $0x5000, $0x38;
	[tilespmem:$0x1C800] =	vst v63  }
0x1a: {  	_ =	swait.ge [sflag:s14], $0x5000  }
0x1b: {  	[sflag:s14] =	ssyncset.done $0x0  }
0x1c: {  	s25 =	simm.s32 $0x0;
	s26 =	simm.s32 $0x200;
	[sflag:s14] =	ssyncadd.s32 $0xFFFFB000  }
.LBB2_2:
0x1d: {  	p2 =	sne.s32 s26, $0xFE00;
	[tilespmem:s25+$0xA070] =	vst v0  }
0x1e: {  	[tilespmem:s25+$0xA000] =	vst v0  }
0x1f: {  	[tilespmem:s25+$0xA010] =	vst v0  }
.Ltmp0:
0x20: {  	[tilespmem:s25+$0xA020] =	vst v0;
	(pc) =	sbr.rel @p2 .LBB2_2-.Ltmp0, $4  }
0x21: {  	[tilespmem:s25+$0xA030] =	vst v0  }
0x22: {  	[tilespmem:s25+$0xA040] =	vst v0  }
0x23: {  	[tilespmem:s25+$0xA050] =	vst v0  }
0x24: {  	[tilespmem:s25+$0xA060] =	vst v0;
	s25 =	sshra.s32 s26, $0x2;
	s26 =	sadd.s32 $0x200, s26  }
0x25: {  	[tilespmem:s25+$0xA070] =	vst v0  }
0x26: {  	[tilespmem:s25+$0xA000] =	vst v0  }
0x27: {  	[tilespmem:s25+$0xA010] =	vst v0  }
0x28: {  	[tilespmem:s25+$0xA020] =	vst v0  }
0x29: {  	[tilespmem:s25+$0xA030] =	vst v0  }
0x2a: {  	[tilespmem:s25+$0xA040] =	vst v0  }
0x2b: {  	[tilespmem:s25+$0xA050] =	vst v0  }
0x2c: {  	[tilespmem:s25+$0xA060] =	vst v0  }
0x2d: {  	[spmem:s6] =	stream.linear.scatter [tilespmem:s16], [sflag:$0x3], $0x4000, $0x38;
	[tilespmem:$0x1C800] =	vst v63  }
0x2e: {  	_ =	swait.ge [sflag:s14], $0x4000  }
0x2f: {  	[sflag:s14] =	ssyncset.done $0x0  }
0x30: {  	[sflag:s14] =	ssyncadd.s32 $0xFFFFC000  }
0x31: {  	[spmem:s12] =	stream.linear.scatter [tilespmem:s16], [sflag:$0x3], $0x4000, $0x38;
	[tilespmem:$0x1C800] =	vst v63  }
0x32: {  	_ =	swait.ge [sflag:s14], $0x4000  }
0x33: {  	[sflag:s14] =	ssyncset.done $0x0  }
0x34: {  	[sflag:s14] =	ssyncadd.s32 $0xFFFFC000  }
0x35: {  	[spmem:s7] =	stream.linear.scatter [tilespmem:s16], [sflag:$0x3], $0x2800, $0x38;
	[tilespmem:$0x1C800] =	vst v63  }
0x36: {  	_ =	swait.ge [sflag:s14], $0x2800  }
0x37: {  	[sflag:s14] =	ssyncset.done $0x0  }
0x38: {  	[sflag:s14] =	ssyncadd.s32 $0xFFFFD800  }
0x39: {  	s28 =	simm.s32 $0x0;
	[bflag:$0x0] =	sbarrier.arrive $0xFFFF  }
0x3a: {  	[tilespmem:s16], [sflag:$0x1] =	stream.indirect.gather [hbm4b:s1+s17], $0x80, s28, s17, $0xb8;
	[tilespmem:$0x1C800] =	vst v63  }
0x3b: {  	s29 =	simm.s32 $0x80  }
0x3c: {  	[tilespmem:s18], [sflag:$0x2] =	stream.indirect.gather [hbm4b:s1+s17], $0x80, s29, s17, $0xb8;
	[tilespmem:$0x1C800] =	vst v63  }
0x3d: {  	_ =	swait.ge [sflag:s19], $0x4000  }
0x3e: {  	[sflag:s19] =	ssyncset.done $0x0  }
0x3f: {  	s30 =	simm.s32 $0x5000;
	[sflag:s19] =	ssyncadd.s32 $0xFFFFC000  }
0x40: {  	[spmem:s3] =	stream.indirect.scatter.add.f32 [tilespmem:s16], [sflag:$0x3], $0x80, s30, s17, $0xb8;
	[tilespmem:$0x1C800] =	vst v63  }
0x41: {  	_ =	swait.ge [sflag:s14], $0x4000  }
0x42: {  	[sflag:s14] =	ssyncset.done $0x0  }
0x43: {  	[sflag:s14] =	ssyncadd.s32 $0xFFFFC000  }
0x44: {  	_ =	swait.ge [sflag:s20], $0x4000  }
0x45: {  	[sflag:s20] =	ssyncset.done $0x0  }
0x46: {  	s31 =	simm.s32 $0x5080;
	[sflag:s20] =	ssyncadd.s32 $0xFFFFC000  }
0x47: {  	[spmem:s3] =	stream.indirect.scatter.add.f32 [tilespmem:s18], [sflag:$0x3], $0x80, s31, s17, $0xb8;
	[tilespmem:$0x1C800] =	vst v63  }
0x48: {  	_ =	swait.ge [sflag:s14], $0x4000  }
0x49: {  	s25 =	simm.s32 $0x400;
	s26 =	simm.s32 $0x800;
	[sflag:s14] =	ssyncset.done $0x0  }
.LBB2_4:
0x4a: {  	s28 =	sshra.s32 s25, $0x2  }
0x4b: {  	[sflag:s14] =	ssyncadd.s32 $0xFFFFC000;
	s25 =	smov.u32 s26;
	s29 =	sadd.s32 $0x400, s26  }
0x4c: {  	[tilespmem:s16], [sflag:$0x1] =	stream.indirect.gather [hbm4b:s1+s17], $0x80, s28, s17, $0xb8;
	[tilespmem:$0x1C800] =	vst v63  }
0x4d: {  	p2 =	sne.s32 s26, $0x13C00;
	s26 =	sadd.s32 $0x80, s28  }
0x4e: {  	[tilespmem:s18], [sflag:$0x2] =	stream.indirect.gather [hbm4b:s1+s17], $0x80, s26, s17, $0xb8;
	[tilespmem:$0x1C800] =	vst v63  }
0x4f: {  	_ =	swait.ge [sflag:s19], $0x4000  }
0x50: {  	[sflag:s19] =	ssyncset.done $0x0  }
0x51: {  	s26 =	sadd.s32 $0x5000, s28;
	[sflag:s19] =	ssyncadd.s32 $0xFFFFC000  }
0x52: {  	[spmem:s3] =	stream.indirect.scatter.add.f32 [tilespmem:s16], [sflag:$0x3], $0x80, s26, s17, $0xb8;
	[tilespmem:$0x1C800] =	vst v63  }
0x53: {  	_ =	swait.ge [sflag:s14], $0x4000  }
0x54: {  	[sflag:s14] =	ssyncset.done $0x0  }
0x55: {  	[sflag:s14] =	ssyncadd.s32 $0xFFFFC000  }
0x56: {  	_ =	swait.ge [sflag:s20], $0x4000  }
.Ltmp1:
0x57: {  	[sflag:s20] =	ssyncset.done $0x0;
	(pc) =	sbr.rel @p2 .LBB2_4-.Ltmp1, $4  }
0x58: {  	s26 =	sadd.s32 $0x5080, s28;
	[sflag:s20] =	ssyncadd.s32 $0xFFFFC000  }
0x59: {  	[spmem:s3] =	stream.indirect.scatter.add.f32 [tilespmem:s18], [sflag:$0x3], $0x80, s26, s17, $0xb8;
	[tilespmem:$0x1C800] =	vst v63  }
0x5a: {  	_ =	swait.ge [sflag:s14], $0x4000  }
0x5b: {  	s26 =	smov.u32 s29;
	[sflag:s14] =	ssyncset.done $0x0  }
0x5c: {  	s25 =	sshra.s32 s25, $0x2;
	[sflag:s14] =	ssyncadd.s32 $0xFFFFC000  }
0x5d: {  	[tilespmem:s16], [sflag:$0x1] =	stream.indirect.gather [hbm4b:s1+s17], $0x80, s25, s17, $0xb8;
	[tilespmem:$0x1C800] =	vst v63  }
0x5e: {  	s26 =	sadd.s32 $0x80, s25  }
0x5f: {  	[tilespmem:s18], [sflag:$0x2] =	stream.indirect.gather [hbm4b:s1+s17], $0x80, s26, s17, $0xb8;
	[tilespmem:$0x1C800] =	vst v63  }
0x60: {  	_ =	swait.ge [sflag:s19], $0x4000  }
0x61: {  	[sflag:s19] =	ssyncset.done $0x0  }
0x62: {  	s31 =	sadd.s32 $0x5000, s25;
	[sflag:s19] =	ssyncadd.s32 $0xFFFFC000  }
0x63: {  	[spmem:s3] =	stream.indirect.scatter.add.f32 [tilespmem:s16], [sflag:$0x3], $0x80, s31, s17, $0xb8;
	[tilespmem:$0x1C800] =	vst v63  }
0x64: {  	_ =	swait.ge [sflag:s14], $0x4000  }
0x65: {  	[sflag:s14] =	ssyncset.done $0x0  }
0x66: {  	[sflag:s14] =	ssyncadd.s32 $0xFFFFC000  }
0x67: {  	_ =	swait.ge [sflag:s20], $0x4000  }
0x68: {  	[sflag:s20] =	ssyncset.done $0x0  }
0x69: {  	s25 =	sadd.s32 $0x5080, s25;
	[sflag:s20] =	ssyncadd.s32 $0xFFFFC000  }
0x6a: {  	[spmem:s3] =	stream.indirect.scatter.add.f32 [tilespmem:s18], [sflag:$0x3], $0x80, s25, s17, $0xb8;
	[tilespmem:$0x1C800] =	vst v63  }
0x6b: {  	_ =	swait.ge [sflag:s14], $0x4000  }
0x6c: {  	[sflag:s14] =	ssyncset.done $0x0  }
0x6d: {  	s25 =	sshll.u32 @p0 s2, $0x6;
	[sflag:s14] =	ssyncadd.s32 $0xFFFFC000  }
0x6e: {  	s26 =	simm.s32 @p0 $0x3;
	s25 =	sor.u32 @p0 $0x1C03, s25;
	[bflag:$0x0] =	sbarrier.arrive $0xFFFF  }
0x6f: {  	[hbm:s8], [sflag:s25] =	dma.local @p0 [spmem:s21], $0x1300  }
0x70: {  	_ =	swait.ge @p0 [sflag:s26], $0x1300  }
0x71: {  	[sflag:s26] =	ssyncset.done @p0 $0x0  }
0x72: {  	[sflag:s26] =	ssyncadd.s32 @p0 $0xFFFFED00  }
0x73: {  	[hbm:s9], [sflag:s25] =	dma.local @!p1 [spmem:s22], $0x100  }
0x74: {  	s25 =	simm.s32 @!p1 $0x3  }
0x75: {  	_ =	swait.ge @!p1 [sflag:s25], $0x100  }
0x76: {  	s24 =	sadd.s32 $0x1, s24;
	s26 =	sshll.u32 @!p0 s2, $0x6;
	[sflag:s25] =	ssyncset.done @!p1 $0x0  }
0x77: {  	p2 =	sne.s32 s24, s11;
	[sflag:s25] =	ssyncadd.s32 @!p1 $0xFFFFFF00;
	s25 =	sor.u32 @!p0 $0x1C03, s26  }
0x78: {  	[hbm:s10], [sflag:s25] =	dma.local @!p0 [spmem:s23], $0x1400  }
.Ltmp2:
0x79: {  	_ = 	snop;
	(pc) =	sbr.rel @p2 .LBB2_1-.Ltmp2, $4  }
0x7a: {  	s25 =	simm.s32 @!p0 $0x3  }
0x7b: {  	_ =	swait.ge @!p0 [sflag:s25], $0x1400  }
0x7c: {  	[sflag:s25] =	ssyncset.done @!p0 $0x0  }
0x7d: {  	[sflag:s25] =	ssyncadd.s32 @!p0 $0xFFFFEC00  }
0x7e: {  	_ =	sfence.sel $0x180000  }
0x7f: {  	[bflag:$0x0] =	sbarrier.arrive $0xFFFF  }
0x80: {  	p0 =	sne.s32 s2, $0x0;
	_ =	strace $0x9000004A  }
0x81: {  	s0 =	sadd.s32 @!p0 $0x100000, s0;
	[bflag:$0x2] =	sbarrier.arrive $0xFFFF  }
0x82: {  	[sflag:s0] =	ssyncadd.tile.s32 @!p0 $0x1;
	_ =	shalt  }
.Lfunc_end2:
_tile_overlayer_lowered:
.L_overlay_start_2:
0x83: {  	(tag) =	ssettag $0x2  }
0x84: {  	s0 =	rddreg [dreg:$0x0];
	s2 =	stileid.u32  }
0x85: {  	s1 =	rddreg [dreg:$0x1];
	p0 =	sne.s32 s2, $0x0  }
0x86: {  	s3 =	rddreg [dreg:$0x2];
	[bflag:$0x3] =	sbarrier.arrive $0xFFFF;
	s2 =	simm.s32 @!p0 $0x1C03  }
0x87: {  	[timem:s3], [sflag:s2] =	dma.local @!p0 [hbm:s0], s1  }
0x88: {  	s0 =	simm.s32 @!p0 $0x3  }
0x89: {  	_ =	swait.ge @!p0 [sflag:s0], s1  }
0x8a: {  	s1 =	ssub.s32 @!p0 $0x0, s1;
	[sflag:s0] =	ssyncset.done @!p0 $0x0  }
0x8b: {  	[sflag:s0] =	ssyncadd.s32 @!p0 s1  }
0x8c: {  	[bflag:$0x3] =	sbarrier.arrive $0xFFFF  }
0x8d: {  	_ =	shalt  }

// kernel: kernel.27.cloned.1.call-start
scs
__scs_entry_jumppad:
0x0: {  	(pc) =	sbr.rel $0x88, $3  }
0x1: {  	(tag) =	ssettag $0x0;
	lr =	simm.s32 $0x1  }
0x2: {  	[smem:$0x3F9A] =	sst lr;
	_ =	strace $0xD0000000  }
0x3: {  	_ = 	snop  }
0x4: {  	_ = 	snop  }
0x5: {  	_ = 	snop  }
0x6: {  	_ = 	snop  }
0x7: {  	_ = 	snop  }
__scs_overlays_trampoline_lowered:
0x8: {  	[smem:$0x3FA9] =	sst s0  }
0x9: {  	[smem:$0x3FAA] =	sst s1  }
0xa: {  	[smem:$0x3FAB] =	sst s2  }
0xb: {  	[smem:$0x3FAC] =	sst s3  }
0xc: {  	[smem:$0x3FAD] =	sst s4  }
0xd: {  	[smem:$0x3FAE] =	sst s5  }
0xe: {  	[smem:$0x3FAF] =	sst s6  }
0xf: {  	[smem:$0x3FB0] =	sst s7  }
0x10: {  	[smem:$0x3FB1] =	sst s8  }
0x11: {  	[smem:$0x3FB2] =	sst s9;
	s0 =	simm.s32 @!p0 $0x0  }
0x12: {  	s1 =	sld [smem:$0x3F98];
	s0 =	simm.s32 @p0 $0x1  }
0x13: {  	[smem:$0x3FB3] =	sst s0;
	s0 =	simm.s32 @!p1 $0x0  }
0x14: {  	s2 =	sld [smem:$0x3F97];
	s0 =	simm.s32 @p1 $0x1  }
0x15: {  	[smem:$0x3FB4] =	sst s0;
	s0 =	simm.s32 @!p2 $0x0  }
0x16: {  	s3 =	sld [smem:$0x3FDB];
	s0 =	simm.s32 @p2 $0x1  }
0x17: {  	s4 =	simm.s32 $0x1BF5;
	[smem:$0x3FB6] =	sst s0  }
0x18: {  	s0 =	sld [smem:$0x3F99];
	_ =	swait.ge [sflag:s4], $0x0  }
0x19: {  	s7 =	sld [smem:$0x3F9A]  }
0x1a: {  	s8 =	sadd.s32 $0xFFFFE003, lr  }
0x1b: {  	s9 =	sadd.s32 $0xFFFFFEF7, lr;
	s5 =	simm.s32 $0xFFFFFFFF;
	p2 =	slt.u32 s8, $0xFFFFF086  }
0x1c: {  	p1 =	slt.u32 s9, $0xF7A;
	s5 =	simm.s32 @!p2 $0x0  }
0x1d: {  	s5 =	simm.s32 @p1 $0x1;
	p0 =	seq.s32 s7, s2  }
0x1e: {  	s7 =	smul.u32 @!p0 $0xF7A, s2;
	p2 =	seq.s32 @!p0 s5, $0x0  }
0x1f: {  	s9 =	smul.u32 $0xF7A, s1;
	s8 =	simm.s32 @!p0 $0x1BF5;
	p2 =	por !p2, p0  }
0x20: {  	[sflag:s8] =	ssyncset.s32 @!p0 $0xFFFFF086;
	s6 =	sadd.s32 @!p0 s3, s7;
	s7 =	simm.s32 @!p0 $0x108  }
0x21: {  	s3 =	sadd.s32 s3, s9;
	s6 =	sadd.s32 @!p0 $0x88, s6;
	s7 =	simm.s32 @p2 $0x1082  }
0x22: {  	[simem:s7], [sflag:s8] =	dma.local @!p0 [hbm:s6], $0xF7A  }
0x23: {  	s9 =	sor.u32 $0xD0000000, s2;
	s6 =	simm.s32 $0x108;
	_ =	swait.ge @!p0 [sflag:s8], $0x0  }
0x24: {  	s3 =	sadd.s32 $0x88, s3;
	s6 =	simm.s32 @!p1 $0x1082;
	[sflag:s4] =	ssyncset.s32 $0xFFFFF086  }
0x25: {  	[simem:s6], [sflag:s4] =	dma.local [hbm:s3], $0xF7A  }
0x26: {  	[smem:$0x3F9A] =	sst s1;
	(tag) =	ssettag s2;
	_ =	strace s9  }
0x27: {  	s1 =	sld [smem:$0x3FAA]  }
0x28: {  	s2 =	sld [smem:$0x3FAB]  }
0x29: {  	s4 =	sld [smem:$0x3FAD]  }
0x2a: {  	p0 =	seq.s32 s5, $0x0;
	s5 =	sld [smem:$0x3FAE]  }
0x2b: {  	s6 =	sld [smem:$0x3FAF]  }
0x2c: {  	s7 =	sld [smem:$0x3FB0]  }
0x2d: {  	s3 =	simm.s32 $0x108;
	s8 =	sld [smem:$0x3FB1]  }
0x2e: {  	s3 =	simm.s32 @!p0 $0x1082;
	s9 =	sld [smem:$0x3FB2]  }
0x2f: {  	lr =	sadd.s32 s0, s3;
	s0 =	sld [smem:$0x3FA9]  }
0x30: {  	s3 =	sld [smem:$0x3FAC]  }
0x31: {  	[smem:$0x3FB5] =	sst s10  }
0x32: {  	s10 =	sld [smem:$0x3FB3];
	_ =	sdelay $0x3  }
0x33: {  	p0 =	seq.s32 s10, $0x1;
	s10 =	sld [smem:$0x3FB5];
	_ =	sdelay $0x3  }
0x34: {  	[smem:$0x3FB5] =	sst s10  }
0x35: {  	s10 =	sld [smem:$0x3FB4];
	_ =	sdelay $0x3  }
0x36: {  	p1 =	seq.s32 s10, $0x1;
	s10 =	sld [smem:$0x3FB5];
	_ =	sdelay $0x3  }
0x37: {  	[smem:$0x3FB5] =	sst s10  }
0x38: {  	s10 =	sld [smem:$0x3FB6]  }
0x39: {  	_ = 	snop;
	(pc) =	sbr.ind lr, $3  }
0x3a: {  	_ = 	snop  }
0x3b: {  	_ = 	snop  }
0x3c: {  	p2 =	seq.s32 s10, $0x1;
	s10 =	sld [smem:$0x3FB5]  }
0x3d: {  	_ =	shalt  }
0x3e: {  	_ =	shalt  }
0x3f: {  	_ =	shalt  }
0x40: {  	_ =	shalt  }
0x41: {  	_ =	shalt  }
0x42: {  	_ =	shalt  }
0x43: {  	_ =	shalt  }
0x44: {  	_ =	shalt  }
0x45: {  	_ =	shalt  }
0x46: {  	_ =	shalt  }
0x47: {  	_ =	shalt  }
0x48: {  	_ =	shalt  }
0x49: {  	_ =	shalt  }
0x4a: {  	_ =	shalt  }
0x4b: {  	_ =	shalt  }
0x4c: {  	_ =	shalt  }
0x4d: {  	_ =	shalt  }
0x4e: {  	_ =	shalt  }
0x4f: {  	_ =	shalt  }
0x50: {  	_ =	shalt  }
0x51: {  	_ =	shalt  }
0x52: {  	_ =	shalt  }
0x53: {  	_ =	shalt  }
0x54: {  	_ =	shalt  }
0x55: {  	_ =	shalt  }
0x56: {  	_ =	shalt  }
0x57: {  	_ =	shalt  }
0x58: {  	_ =	shalt  }
0x59: {  	_ =	shalt  }
0x5a: {  	_ =	shalt  }
0x5b: {  	_ =	shalt  }
0x5c: {  	_ =	shalt  }
0x5d: {  	_ =	shalt  }
0x5e: {  	_ =	shalt  }
0x5f: {  	_ =	shalt  }
0x60: {  	_ =	shalt  }
0x61: {  	_ =	shalt  }
0x62: {  	_ =	shalt  }
0x63: {  	_ =	shalt  }
0x64: {  	_ =	shalt  }
0x65: {  	_ =	shalt  }
0x66: {  	_ =	shalt  }
0x67: {  	_ =	shalt  }
0x68: {  	_ =	shalt  }
0x69: {  	_ =	shalt  }
0x6a: {  	_ =	shalt  }
0x6b: {  	_ =	shalt  }
0x6c: {  	_ =	shalt  }
0x6d: {  	_ =	shalt  }
0x6e: {  	_ =	shalt  }
0x6f: {  	_ =	shalt  }
0x70: {  	_ =	shalt  }
0x71: {  	_ =	shalt  }
0x72: {  	_ =	shalt  }
0x73: {  	_ =	shalt  }
0x74: {  	_ =	shalt  }
0x75: {  	_ =	shalt  }
0x76: {  	_ =	shalt  }
0x77: {  	_ =	shalt  }
0x78: {  	_ =	shalt  }
0x79: {  	_ =	shalt  }
0x7a: {  	_ =	shalt  }
0x7b: {  	_ =	shalt  }
0x7c: {  	_ =	shalt  }
0x7d: {  	_ =	shalt  }
0x7e: {  	_ =	shalt  }
0x7f: {  	_ =	shalt  }
0x80: {  	_ =	shalt  }
0x81: {  	_ =	shalt  }
0x82: {  	_ =	shalt  }
0x83: {  	_ =	shalt  }
0x84: {  	_ =	shalt  }
0x85: {  	_ =	shalt  }
0x86: {  	_ =	shalt  }
0x87: {  	_ =	shalt  }
.Lfunc_end0:
.L_simem_size_0:
called_computation.3_lowered:
.L_overlay_start_0:
0x88: {  	s2 =	sld [smem:$0x3FD9]  }
0x89: {  	s3 =	sld [smem:$0x3FFE];
	_ =	sdelay $0x1  }
0x8a: {  	s1 =	srdreg.scid  }
0x8b: {  	s0 =	sand.u32 $0x1, s1  }
0x8c: {  	s17 =	sshll.u32 s0, $0xA;
	s2 =	sadd.s32 s3, s2  }
0x8d: {  	s2 =	sadd.s32 s2, s17  }
0x8e: {  	[smem:$0x3FC1] =	sst s2  }
0x8f: {  	_ = 	snop  }
0x90: {  	s18 =	sld [smem:$0x3FD0];
	(tm) =	ssettm $0x1  }
0x91: {  	s19 =	sld [smem:$0x3FFB];
	_ =	sdelay $0x3  }
0x92: {  	_ =	strace s19  }
0x93: {  	s2 =	sld [smem:$0x3FFC];
	_ =	sdelay $0x3  }
0x94: {  	_ =	strace s2  }
0x95: {  	s2 =	sld [smem:$0x3FFD];
	_ =	sdelay $0x3  }
0x96: {  	_ =	strace s2  }
0x97: {  	_ =	strace $0x8FFFFFFF  }
0x98: {  	s20 =	sld [smem:$0x3FDB];
	_ =	sdelay $0x1  }
0x99: {  	s4 =	simm.s32 $_scs_section_size  }
0x9a: {  	s5 =	simm.s32 $_size__tile_overlayer_lowered;
	s6 =	simm.s32 $_tile_overlayer_lowered  }
0x9b: {  	s7 =	simm.s32 $0x1BFF;
	s21 =	sshll.u32 s6, $0x1;
	s4 =	sadd.s32 s4, s20  }
0x9c: {  	s22 =	simm.s32 $0x0;
	s5 =	sshll.u32 s5, $0x1;
	s6 =	sadd.s32 s21, s4  }
0x9d: {  	[timem:s22], [sflag:s7] =	dma.local [hbm:s6], s5  }
0x9e: {  	_ =	swait.ge [sflag:s7], s5  }
0x9f: {  	s5 =	ssub.s32 $0x0, s5;
	[sflag:s7] =	ssyncset.done $0x0  }
0xa0: {  	[sflag:s7] =	ssyncadd.s32 s5;
	_ =	sdelay $0x1  }
0xa1: {  	s23 =	simm.s32 $0x1B8B  }
0xa2: {  	_ =	swait.ge [sflag:s23], $0x1  }
0xa3: {  	[sflag:s23] =	ssyncset.done $0x0  }
0xa4: {  	[sflag:s23] =	ssyncadd.s32 $0xFFFFFFFF  }
0xa5: {  	s5 =	sld [smem:$0x0]  }
0xa6: {  	s6 =	sand.u32 $0xFFFFFFFE, s1  }
0xa7: {  	p0 =	sne.s32 s1, s6  }
0xa8: {  	s6 =	sshll.u32 @p0 s6, $0xE  }
0xa9: {  	s6 =	sadd.s32 @p0 $0x11B8D, s6;
	s7 =	sshll.u32 @p0 s5, $0x11  }
0xaa: {  	s6 =	sor.u32 @p0 s7, s6  }
0xab: {  	[sflag:s6] =	ssyncadd.remote.s32 @p0 $0x1;
	_ =	sdelay $0x1  }
0xac: {  	s6 =	simm.s32 @p0 $0x1B8D  }
0xad: {  	_ =	swait.eq @p0 [sflag:s6], $0x1  }
0xae: {  	[sflag:s6] =	ssyncadd.s32 @p0 $0xFFFFFFFF  }
0xaf: {  	s7 =	sshll.u32 @!p0 s1, $0xE  }
0xb0: {  	s7 =	sor.u32 @!p0 $0x4000, s7;
	s6 =	simm.s32 @!p0 $0x1B8D  }
0xb1: {  	s5 =	sshll.u32 @!p0 s5, $0x11;
	s7 =	sadd.s32 @!p0 $0x11B8D, s7;
	_ =	swait.eq @!p0 [sflag:s6], $0x1  }
0xb2: {  	s5 =	sor.u32 @!p0 s5, s7;
	[sflag:s6] =	ssyncadd.s32 @!p0 $0xFFFFFFFF  }
0xb3: {  	s25 =	simm.s32 $0x1B8E;
	s24 =	sld [smem:$0x3FFE];
	[sflag:s5] =	ssyncadd.remote.s32 @!p0 $0x1  }
0xb4: {  	s26 =	simm.s32 $execute0_lowered;
	[smem:$0x3FD2] =	sst s25  }
0xb5: {  	s6 =	sshll.u32 s26, $0x1;
	_ =	strace $0x80000052;
	[dreg:$0x1] =	wrdreg $0xFFFFFFFF  }
0xb6: {  	s28 =	simm.s32 $_size_execute0_lowered;
	s4 =	sadd.s32 s4, s6;
	[dreg:$0x0] =	wrdreg $0x0  }
0xb7: {  	s6 =	sshll.u32 s28, $0x1;
	[dreg:$0x2] =	wrdreg s4  }
0xb8: {  	[dreg:$0x3] =	wrdreg s6  }
0xb9: {  	[dreg:$0x4] =	wrdreg $0xC0  }
0xba: {  	_ =	task [dreg:s22], $0x5FFFF  }
0xbb: {  	[dreg:$0x1] =	wrdreg $0xFFFFFFFF  }
0xbc: {  	[dreg:$0x0] =	wrdreg $0x60  }
0xbd: {  	[dreg:$0x2] =	wrdreg s24  }
0xbe: {  	[dreg:$0x3] =	wrdreg s18  }
0xbf: {  	[dreg:$0x4] =	wrdreg $0x120000  }
0xc0: {  	[dreg:$0x5] =	wrdreg $0x9  }
0xc1: {  	_ =	task.clear_ibuf [dreg:s22], $0x6FFFF;
	_ =	strace $0x90000052  }
0xc2: {  	s29 =	simm.s32 $0x9;
	_ =	strace $0x80000054  }
0xc3: {  	_ =	swait.ge [sflag:s29], $0x1  }
0xc4: {  	[sflag:s29] =	ssyncadd.s32 $0xFFFFFFFF  }
0xc5: {  	_ =	strace $0x90000054  }
0xc6: {  	_ =	sfence  }
0xc7: {  	s30 =	sld [smem:$0x0];
	_ =	sdelay $0x2  }
0xc8: {  	s31 =	sshll.u32 s1, $0xD;
	s1 =	sshrl.u32 s1, $0x2  }
0xc9: {  	s4 =	sand.u32 $0x4000, s31;
	s1 =	sadd.s32 s1, s30  }
0xca: {  	s0 =	sor.u32 s4, s0;
	s1 =	sshll.u32 s1, $0x11  }
0xcb: {  	s0 =	sor.u32 s1, s0  }
0xcc: {  	s0 =	sadd.s32 $0x8F2B, s0  }
0xcd: {  	[sflag:s0] =	ssyncadd.remote.s32 $0x1  }
0xce: {  	_ =	sfence.sel $0xFFFF  }
0xcf: {  	[dreg:$0x0] =	wrdreg $0xFFFFFFFF;
	(pc) =	sbr.abs _section_cstart, $3  }
0xd0: {  	[dreg:$0x1] =	wrdreg $0xFFFFFFFF  }
0xd1: {  	_ =	task.clear_ibuf [dreg:s22], $0x2FFFF;
	_ =	strace $0x9FFFFFFF  }
0xd2: {  	(tm) =	ssettm $0x7FFFFFFF  }
0xd3: {  	_ =	shalt  }
tec
execute0_lowered:
.L_overlay_start_1:
0x0: {  	(tag) =	ssettag $0x1  }
0x1: {  	s5 =	rddreg [dreg:$0x0]  }
0x2: {  	s10 =	rddreg [dreg:$0x1]  }
0x3: {  	s2 =	rddreg [dreg:$0x2];
	s1 =	stileid.u32  }
0x4: {  	s0 =	rddreg [dreg:$0x3];
	s3 =	simm.s32 $0x0;
	s6 =	smul.u32 $0xA00, s1  }
0x5: {  	s4 =	srdreg.scid;
	s15 =	simm.s32 $0x5000;
	s8 =	smul.u32 $0x2A000, s1  }
0x6: {  	s16 =	simm.s32 $0xA000;
	s17 =	simm.s32 $0x80;
	s31 =	smul.u32 $0x9800, s1  }
0x7: {  	s19 =	simm.s32 $0x1;
	s20 =	simm.s32 $0x2;
	s9 =	smul.u32 $0x26000, s1  }
0x8: {  	s24 =	simm.s32 $0x0;
	[smem:$0x7FF] =	sst s3;
	s12 =	smul.u32 $0x28000, s1  }
0x9: {  	s18 =	sand.u32 $0x1, s4;
	s4 =	sadd.s32 $0x2C400, s5;
	s14 =	smul.u32 $0x1400, s1  }
0xa: {  	s22 =	sadd.s32 $0x98000, s2;
	_ =	strace $0x80000053;
	s7 =	ssub.s32 $0x2, s18  }
0xb: {  	p0 =	seq.s32 s18, $0x0;
	s13 =	sadd.s32 s6, s5;
	s29 =	sshrl.u32 s7, $0x1  }
0xc: {  	s30 =	sshrl.u32 s8, $0x2;
	s8 =	sshrl.u32 s31, $0x3;
	s9 =	sshrl.u32 s9, $0x2  }
0xd: {  	s12 =	sshrl.u32 s12, $0x2;
	s11 =	ssub.s32 s7, s29;
	s5 =	sadd.s32 $0x4400, s13  }
0xe: {  	s6 =	sadd.s32 s30, s2;
	s8 =	sadd.s32 s10, s8;
	s21 =	sadd.s32 s9, s2  }
0xf: {  	s9 =	sadd.s32 $0x27000, s10;
	s23 =	sadd.s32 s12, s2;
	s10 =	sadd.s32 s10, s14  }
0x10: {  	s14 =	simm.s32 $0x22400;
	s7 =	sadd.s32 $0x8000, s6;
	s8 =	sadd.s32 $0x14000, s8  }
0x11: {  	s11 =	smax.u32 s11, $0x1;
	s14 =	simm.s32 @!p0 $0x18400;
	p0 =	sne.s32 s18, $0x0  }
0x12: {  	s12 =	sadd.s32 $0x4000, s6;
	s18 =	simm.s32 $0xE000;
	p1 =	sne.s32 @p0 s1, $0xF  }
0x13: {  	s13 =	sadd.s32 s14, s13;
	s14 =	simm.s32 $0x3;
	p1 =	por p1, !p0  }
0x14: {  	v0 =	vimm.f32 $0.0e+00;
	s21 =	sshrl.u32 @p0 s21, $0x3;
	s23 =	sshrl.u32 @!p0 s23, $0x3;
	s22 =	sshrl.u32 @!p1 s22, $0x3  }
.LBB2_1:
0x15: {  	[tilespmem:s3], [sflag:$0x3] =	stream.linear.gather [hbm4b:s5+s3], $0x5000, $0x38;
	[tilespmem:$0x1C800] =	vst v63  }
0x16: {  	_ =	swait.ge [sflag:s14], $0x5000  }
0x17: {  	[sflag:s14] =	ssyncset.done $0x0  }
0x18: {  	[sflag:s14] =	ssyncadd.s32 $0xFFFFB000  }
0x19: {  	[tilespmem:s15], [sflag:$0x3] =	stream.linear.gather [hbm4b:s13+s3], $0x5000, $0x38;
	[tilespmem:$0x1C800] =	vst v63  }
0x1a: {  	_ =	swait.ge [sflag:s14], $0x5000  }
0x1b: {  	[sflag:s14] =	ssyncset.done $0x0  }
0x1c: {  	s25 =	simm.s32 $0x0;
	s26 =	simm.s32 $0x200;
	[sflag:s14] =	ssyncadd.s32 $0xFFFFB000  }
.LBB2_2:
0x1d: {  	p2 =	sne.s32 s26, $0xFE00;
	[tilespmem:s25+$0xA070] =	vst v0  }
0x1e: {  	[tilespmem:s25+$0xA000] =	vst v0  }
0x1f: {  	[tilespmem:s25+$0xA010] =	vst v0  }
.Ltmp0:
0x20: {  	[tilespmem:s25+$0xA020] =	vst v0;
	(pc) =	sbr.rel @p2 .LBB2_2-.Ltmp0, $4  }
0x21: {  	[tilespmem:s25+$0xA030] =	vst v0  }
0x22: {  	[tilespmem:s25+$0xA040] =	vst v0  }
0x23: {  	[tilespmem:s25+$0xA050] =	vst v0  }
0x24: {  	[tilespmem:s25+$0xA060] =	vst v0;
	s25 =	sshra.s32 s26, $0x2;
	s26 =	sadd.s32 $0x200, s26  }
0x25: {  	[tilespmem:s25+$0xA070] =	vst v0  }
0x26: {  	[tilespmem:s25+$0xA000] =	vst v0  }
0x27: {  	[tilespmem:s25+$0xA010] =	vst v0  }
0x28: {  	[tilespmem:s25+$0xA020] =	vst v0  }
0x29: {  	[tilespmem:s25+$0xA030] =	vst v0  }
0x2a: {  	[tilespmem:s25+$0xA040] =	vst v0  }
0x2b: {  	[tilespmem:s25+$0xA050] =	vst v0  }
0x2c: {  	[tilespmem:s25+$0xA060] =	vst v0  }
0x2d: {  	[spmem:s6] =	stream.linear.scatter [tilespmem:s16], [sflag:$0x3], $0x4000, $0x38;
	[tilespmem:$0x1C800] =	vst v63  }
0x2e: {  	_ =	swait.ge [sflag:s14], $0x4000  }
0x2f: {  	[sflag:s14] =	ssyncset.done $0x0  }
0x30: {  	[sflag:s14] =	ssyncadd.s32 $0xFFFFC000  }
0x31: {  	[spmem:s12] =	stream.linear.scatter [tilespmem:s16], [sflag:$0x3], $0x4000, $0x38;
	[tilespmem:$0x1C800] =	vst v63  }
0x32: {  	_ =	swait.ge [sflag:s14], $0x4000  }
0x33: {  	[sflag:s14] =	ssyncset.done $0x0  }
0x34: {  	[sflag:s14] =	ssyncadd.s32 $0xFFFFC000  }
0x35: {  	[spmem:s7] =	stream.linear.scatter [tilespmem:s16], [sflag:$0x3], $0x2800, $0x38;
	[tilespmem:$0x1C800] =	vst v63  }
0x36: {  	_ =	swait.ge [sflag:s14], $0x2800  }
0x37: {  	[sflag:s14] =	ssyncset.done $0x0  }
0x38: {  	[sflag:s14] =	ssyncadd.s32 $0xFFFFD800  }
0x39: {  	s28 =	simm.s32 $0x0;
	[bflag:$0x0] =	sbarrier.arrive $0xFFFF  }
0x3a: {  	[tilespmem:s16], [sflag:$0x1] =	stream.indirect.gather [hbm4b:s4+s17], $0x80, s28, s17, $0xb8;
	[tilespmem:$0x1C800] =	vst v63  }
0x3b: {  	s29 =	simm.s32 $0x80  }
0x3c: {  	[tilespmem:s18], [sflag:$0x2] =	stream.indirect.gather [hbm4b:s4+s17], $0x80, s29, s17, $0xb8;
	[tilespmem:$0x1C800] =	vst v63  }
0x3d: {  	_ =	swait.ge [sflag:s19], $0x4000  }
0x3e: {  	[sflag:s19] =	ssyncset.done $0x0  }
0x3f: {  	s30 =	simm.s32 $0x5000;
	[sflag:s19] =	ssyncadd.s32 $0xFFFFC000  }
0x40: {  	[spmem:s2] =	stream.indirect.scatter.add.f32 [tilespmem:s16], [sflag:$0x3], $0x80, s30, s17, $0xb8;
	[tilespmem:$0x1C800] =	vst v63  }
0x41: {  	_ =	swait.ge [sflag:s14], $0x4000  }
0x42: {  	[sflag:s14] =	ssyncset.done $0x0  }
0x43: {  	[sflag:s14] =	ssyncadd.s32 $0xFFFFC000  }
0x44: {  	_ =	swait.ge [sflag:s20], $0x4000  }
0x45: {  	[sflag:s20] =	ssyncset.done $0x0  }
0x46: {  	s31 =	simm.s32 $0x5080;
	[sflag:s20] =	ssyncadd.s32 $0xFFFFC000  }
0x47: {  	[spmem:s2] =	stream.indirect.scatter.add.f32 [tilespmem:s18], [sflag:$0x3], $0x80, s31, s17, $0xb8;
	[tilespmem:$0x1C800] =	vst v63  }
0x48: {  	_ =	swait.ge [sflag:s14], $0x4000  }
0x49: {  	s25 =	simm.s32 $0x400;
	s26 =	simm.s32 $0x800;
	[sflag:s14] =	ssyncset.done $0x0  }
.LBB2_4:
0x4a: {  	s28 =	sshra.s32 s25, $0x2  }
0x4b: {  	[sflag:s14] =	ssyncadd.s32 $0xFFFFC000;
	s25 =	smov.u32 s26;
	s29 =	sadd.s32 $0x400, s26  }
0x4c: {  	[tilespmem:s16], [sflag:$0x1] =	stream.indirect.gather [hbm4b:s4+s17], $0x80, s28, s17, $0xb8;
	[tilespmem:$0x1C800] =	vst v63  }
0x4d: {  	p2 =	sne.s32 s26, $0x13C00;
	s26 =	sadd.s32 $0x80, s28  }
0x4e: {  	[tilespmem:s18], [sflag:$0x2] =	stream.indirect.gather [hbm4b:s4+s17], $0x80, s26, s17, $0xb8;
	[tilespmem:$0x1C800] =	vst v63  }
0x4f: {  	_ =	swait.ge [sflag:s19], $0x4000  }
0x50: {  	[sflag:s19] =	ssyncset.done $0x0  }
0x51: {  	s26 =	sadd.s32 $0x5000, s28;
	[sflag:s19] =	ssyncadd.s32 $0xFFFFC000  }
0x52: {  	[spmem:s2] =	stream.indirect.scatter.add.f32 [tilespmem:s16], [sflag:$0x3], $0x80, s26, s17, $0xb8;
	[tilespmem:$0x1C800] =	vst v63  }
0x53: {  	_ =	swait.ge [sflag:s14], $0x4000  }
0x54: {  	[sflag:s14] =	ssyncset.done $0x0  }
0x55: {  	[sflag:s14] =	ssyncadd.s32 $0xFFFFC000  }
0x56: {  	_ =	swait.ge [sflag:s20], $0x4000  }
.Ltmp1:
0x57: {  	[sflag:s20] =	ssyncset.done $0x0;
	(pc) =	sbr.rel @p2 .LBB2_4-.Ltmp1, $4  }
0x58: {  	s26 =	sadd.s32 $0x5080, s28;
	[sflag:s20] =	ssyncadd.s32 $0xFFFFC000  }
0x59: {  	[spmem:s2] =	stream.indirect.scatter.add.f32 [tilespmem:s18], [sflag:$0x3], $0x80, s26, s17, $0xb8;
	[tilespmem:$0x1C800] =	vst v63  }
0x5a: {  	_ =	swait.ge [sflag:s14], $0x4000  }
0x5b: {  	s26 =	smov.u32 s29;
	[sflag:s14] =	ssyncset.done $0x0  }
0x5c: {  	s25 =	sshra.s32 s25, $0x2;
	[sflag:s14] =	ssyncadd.s32 $0xFFFFC000  }
0x5d: {  	[tilespmem:s16], [sflag:$0x1] =	stream.indirect.gather [hbm4b:s4+s17], $0x80, s25, s17, $0xb8;
	[tilespmem:$0x1C800] =	vst v63  }
0x5e: {  	s26 =	sadd.s32 $0x80, s25  }
0x5f: {  	[tilespmem:s18], [sflag:$0x2] =	stream.indirect.gather [hbm4b:s4+s17], $0x80, s26, s17, $0xb8;
	[tilespmem:$0x1C800] =	vst v63  }
0x60: {  	_ =	swait.ge [sflag:s19], $0x4000  }
0x61: {  	[sflag:s19] =	ssyncset.done $0x0  }
0x62: {  	s31 =	sadd.s32 $0x5000, s25;
	[sflag:s19] =	ssyncadd.s32 $0xFFFFC000  }
0x63: {  	[spmem:s2] =	stream.indirect.scatter.add.f32 [tilespmem:s16], [sflag:$0x3], $0x80, s31, s17, $0xb8;
	[tilespmem:$0x1C800] =	vst v63  }
0x64: {  	_ =	swait.ge [sflag:s14], $0x4000  }
0x65: {  	[sflag:s14] =	ssyncset.done $0x0  }
0x66: {  	[sflag:s14] =	ssyncadd.s32 $0xFFFFC000  }
0x67: {  	_ =	swait.ge [sflag:s20], $0x4000  }
0x68: {  	[sflag:s20] =	ssyncset.done $0x0  }
0x69: {  	s25 =	sadd.s32 $0x5080, s25;
	[sflag:s20] =	ssyncadd.s32 $0xFFFFC000  }
0x6a: {  	[spmem:s2] =	stream.indirect.scatter.add.f32 [tilespmem:s18], [sflag:$0x3], $0x80, s25, s17, $0xb8;
	[tilespmem:$0x1C800] =	vst v63  }
0x6b: {  	_ =	swait.ge [sflag:s14], $0x4000  }
0x6c: {  	[sflag:s14] =	ssyncset.done $0x0  }
0x6d: {  	s25 =	sshll.u32 @p0 s1, $0x6;
	[sflag:s14] =	ssyncadd.s32 $0xFFFFC000  }
0x6e: {  	s26 =	simm.s32 @p0 $0x3;
	s25 =	sor.u32 @p0 $0x1C03, s25;
	[bflag:$0x0] =	sbarrier.arrive $0xFFFF  }
0x6f: {  	[hbm:s8], [sflag:s25] =	dma.local @p0 [spmem:s21], $0x1300  }
0x70: {  	_ =	swait.ge @p0 [sflag:s26], $0x1300  }
0x71: {  	[sflag:s26] =	ssyncset.done @p0 $0x0  }
0x72: {  	[sflag:s26] =	ssyncadd.s32 @p0 $0xFFFFED00  }
0x73: {  	[hbm:s9], [sflag:s25] =	dma.local @!p1 [spmem:s22], $0x100  }
0x74: {  	s25 =	simm.s32 @!p1 $0x3  }
0x75: {  	_ =	swait.ge @!p1 [sflag:s25], $0x100  }
0x76: {  	s24 =	sadd.s32 $0x1, s24;
	s26 =	sshll.u32 @!p0 s1, $0x6;
	[sflag:s25] =	ssyncset.done @!p1 $0x0  }
0x77: {  	p2 =	sne.s32 s24, s11;
	[sflag:s25] =	ssyncadd.s32 @!p1 $0xFFFFFF00;
	s25 =	sor.u32 @!p0 $0x1C03, s26  }
0x78: {  	[hbm:s10], [sflag:s25] =	dma.local @!p0 [spmem:s23], $0x1400  }
.Ltmp2:
0x79: {  	_ = 	snop;
	(pc) =	sbr.rel @p2 .LBB2_1-.Ltmp2, $4  }
0x7a: {  	s25 =	simm.s32 @!p0 $0x3  }
0x7b: {  	_ =	swait.ge @!p0 [sflag:s25], $0x1400  }
0x7c: {  	[sflag:s25] =	ssyncset.done @!p0 $0x0  }
0x7d: {  	[sflag:s25] =	ssyncadd.s32 @!p0 $0xFFFFEC00  }
0x7e: {  	_ =	sfence.sel $0x180000  }
0x7f: {  	[bflag:$0x0] =	sbarrier.arrive $0xFFFF  }
0x80: {  	p0 =	sne.s32 s1, $0x0;
	_ =	strace $0x90000053  }
0x81: {  	s0 =	sadd.s32 @!p0 $0x100000, s0;
	[bflag:$0x2] =	sbarrier.arrive $0xFFFF  }
0x82: {  	[sflag:s0] =	ssyncadd.tile.s32 @!p0 $0x1;
	_ =	shalt  }
.Lfunc_end2:
_tile_overlayer_lowered:
.L_overlay_start_2:
0x83: {  	(tag) =	ssettag $0x2  }
0x84: {  	s0 =	rddreg [dreg:$0x0];
	s2 =	stileid.u32  }
0x85: {  	s1 =	rddreg [dreg:$0x1];
	p0 =	sne.s32 s2, $0x0  }
0x86: {  	s3 =	rddreg [dreg:$0x2];
	[bflag:$0x3] =	sbarrier.arrive $0xFFFF;
	s2 =	simm.s32 @!p0 $0x1C03  }
0x87: {  	[timem:s3], [sflag:s2] =	dma.local @!p0 [hbm:s0], s1  }
0x88: {  	s0 =	simm.s32 @!p0 $0x3  }
0x89: {  	_ =	swait.ge @!p0 [sflag:s0], s1  }
0x8a: {  	s1 =	ssub.s32 @!p0 $0x0, s1;
	[sflag:s0] =	ssyncset.done @!p0 $0x0  }
0x8b: {  	[sflag:s0] =	ssyncadd.s32 @!p0 s1  }
0x8c: {  	[bflag:$0x3] =	sbarrier.arrive $0xFFFF  }
0x8d: {  	_ =	shalt  }

// kernel: kernel.30.cloned.1.call-start
scs
__scs_entry_jumppad:
0x0: {  	(pc) =	sbr.rel $0x88, $3  }
0x1: {  	(tag) =	ssettag $0x0;
	lr =	simm.s32 $0x1  }
0x2: {  	[smem:$0x3F9A] =	sst lr;
	_ =	strace $0xD0000000  }
0x3: {  	_ = 	snop  }
0x4: {  	_ = 	snop  }
0x5: {  	_ = 	snop  }
0x6: {  	_ = 	snop  }
0x7: {  	_ = 	snop  }
__scs_overlays_trampoline_lowered:
0x8: {  	[smem:$0x3FA9] =	sst s0  }
0x9: {  	[smem:$0x3FAA] =	sst s1  }
0xa: {  	[smem:$0x3FAB] =	sst s2  }
0xb: {  	[smem:$0x3FAC] =	sst s3  }
0xc: {  	[smem:$0x3FAD] =	sst s4  }
0xd: {  	[smem:$0x3FAE] =	sst s5  }
0xe: {  	[smem:$0x3FAF] =	sst s6  }
0xf: {  	[smem:$0x3FB0] =	sst s7  }
0x10: {  	[smem:$0x3FB1] =	sst s8  }
0x11: {  	[smem:$0x3FB2] =	sst s9;
	s0 =	simm.s32 @!p0 $0x0  }
0x12: {  	s1 =	sld [smem:$0x3F98];
	s0 =	simm.s32 @p0 $0x1  }
0x13: {  	[smem:$0x3FB3] =	sst s0;
	s0 =	simm.s32 @!p1 $0x0  }
0x14: {  	s2 =	sld [smem:$0x3F97];
	s0 =	simm.s32 @p1 $0x1  }
0x15: {  	[smem:$0x3FB4] =	sst s0;
	s0 =	simm.s32 @!p2 $0x0  }
0x16: {  	s3 =	sld [smem:$0x3FDB];
	s0 =	simm.s32 @p2 $0x1  }
0x17: {  	s4 =	simm.s32 $0x1BF5;
	[smem:$0x3FB6] =	sst s0  }
0x18: {  	s0 =	sld [smem:$0x3F99];
	_ =	swait.ge [sflag:s4], $0x0  }
0x19: {  	s7 =	sld [smem:$0x3F9A]  }
0x1a: {  	s8 =	sadd.s32 $0xFFFFE003, lr  }
0x1b: {  	s9 =	sadd.s32 $0xFFFFFEF7, lr;
	s5 =	simm.s32 $0xFFFFFFFF;
	p2 =	slt.u32 s8, $0xFFFFF086  }
0x1c: {  	p1 =	slt.u32 s9, $0xF7A;
	s5 =	simm.s32 @!p2 $0x0  }
0x1d: {  	s5 =	simm.s32 @p1 $0x1;
	p0 =	seq.s32 s7, s2  }
0x1e: {  	s7 =	smul.u32 @!p0 $0xF7A, s2;
	p2 =	seq.s32 @!p0 s5, $0x0  }
0x1f: {  	s9 =	smul.u32 $0xF7A, s1;
	s8 =	simm.s32 @!p0 $0x1BF5;
	p2 =	por !p2, p0  }
0x20: {  	[sflag:s8] =	ssyncset.s32 @!p0 $0xFFFFF086;
	s6 =	sadd.s32 @!p0 s3, s7;
	s7 =	simm.s32 @!p0 $0x108  }
0x21: {  	s3 =	sadd.s32 s3, s9;
	s6 =	sadd.s32 @!p0 $0x88, s6;
	s7 =	simm.s32 @p2 $0x1082  }
0x22: {  	[simem:s7], [sflag:s8] =	dma.local @!p0 [hbm:s6], $0xF7A  }
0x23: {  	s9 =	sor.u32 $0xD0000000, s2;
	s6 =	simm.s32 $0x108;
	_ =	swait.ge @!p0 [sflag:s8], $0x0  }
0x24: {  	s3 =	sadd.s32 $0x88, s3;
	s6 =	simm.s32 @!p1 $0x1082;
	[sflag:s4] =	ssyncset.s32 $0xFFFFF086  }
0x25: {  	[simem:s6], [sflag:s4] =	dma.local [hbm:s3], $0xF7A  }
0x26: {  	[smem:$0x3F9A] =	sst s1;
	(tag) =	ssettag s2;
	_ =	strace s9  }
0x27: {  	s1 =	sld [smem:$0x3FAA]  }
0x28: {  	s2 =	sld [smem:$0x3FAB]  }
0x29: {  	s4 =	sld [smem:$0x3FAD]  }
0x2a: {  	p0 =	seq.s32 s5, $0x0;
	s5 =	sld [smem:$0x3FAE]  }
0x2b: {  	s6 =	sld [smem:$0x3FAF]  }
0x2c: {  	s7 =	sld [smem:$0x3FB0]  }
0x2d: {  	s3 =	simm.s32 $0x108;
	s8 =	sld [smem:$0x3FB1]  }
0x2e: {  	s3 =	simm.s32 @!p0 $0x1082;
	s9 =	sld [smem:$0x3FB2]  }
0x2f: {  	lr =	sadd.s32 s0, s3;
	s0 =	sld [smem:$0x3FA9]  }
0x30: {  	s3 =	sld [smem:$0x3FAC]  }
0x31: {  	[smem:$0x3FB5] =	sst s10  }
0x32: {  	s10 =	sld [smem:$0x3FB3];
	_ =	sdelay $0x3  }
0x33: {  	p0 =	seq.s32 s10, $0x1;
	s10 =	sld [smem:$0x3FB5];
	_ =	sdelay $0x3  }
0x34: {  	[smem:$0x3FB5] =	sst s10  }
0x35: {  	s10 =	sld [smem:$0x3FB4];
	_ =	sdelay $0x3  }
0x36: {  	p1 =	seq.s32 s10, $0x1;
	s10 =	sld [smem:$0x3FB5];
	_ =	sdelay $0x3  }
0x37: {  	[smem:$0x3FB5] =	sst s10  }
0x38: {  	s10 =	sld [smem:$0x3FB6]  }
0x39: {  	_ = 	snop;
	(pc) =	sbr.ind lr, $3  }
0x3a: {  	_ = 	snop  }
0x3b: {  	_ = 	snop  }
0x3c: {  	p2 =	seq.s32 s10, $0x1;
	s10 =	sld [smem:$0x3FB5]  }
0x3d: {  	_ =	shalt  }
0x3e: {  	_ =	shalt  }
0x3f: {  	_ =	shalt  }
0x40: {  	_ =	shalt  }
0x41: {  	_ =	shalt  }
0x42: {  	_ =	shalt  }
0x43: {  	_ =	shalt  }
0x44: {  	_ =	shalt  }
0x45: {  	_ =	shalt  }
0x46: {  	_ =	shalt  }
0x47: {  	_ =	shalt  }
0x48: {  	_ =	shalt  }
0x49: {  	_ =	shalt  }
0x4a: {  	_ =	shalt  }
0x4b: {  	_ =	shalt  }
0x4c: {  	_ =	shalt  }
0x4d: {  	_ =	shalt  }
0x4e: {  	_ =	shalt  }
0x4f: {  	_ =	shalt  }
0x50: {  	_ =	shalt  }
0x51: {  	_ =	shalt  }
0x52: {  	_ =	shalt  }
0x53: {  	_ =	shalt  }
0x54: {  	_ =	shalt  }
0x55: {  	_ =	shalt  }
0x56: {  	_ =	shalt  }
0x57: {  	_ =	shalt  }
0x58: {  	_ =	shalt  }
0x59: {  	_ =	shalt  }
0x5a: {  	_ =	shalt  }
0x5b: {  	_ =	shalt  }
0x5c: {  	_ =	shalt  }
0x5d: {  	_ =	shalt  }
0x5e: {  	_ =	shalt  }
0x5f: {  	_ =	shalt  }
0x60: {  	_ =	shalt  }
0x61: {  	_ =	shalt  }
0x62: {  	_ =	shalt  }
0x63: {  	_ =	shalt  }
0x64: {  	_ =	shalt  }
0x65: {  	_ =	shalt  }
0x66: {  	_ =	shalt  }
0x67: {  	_ =	shalt  }
0x68: {  	_ =	shalt  }
0x69: {  	_ =	shalt  }
0x6a: {  	_ =	shalt  }
0x6b: {  	_ =	shalt  }
0x6c: {  	_ =	shalt  }
0x6d: {  	_ =	shalt  }
0x6e: {  	_ =	shalt  }
0x6f: {  	_ =	shalt  }
0x70: {  	_ =	shalt  }
0x71: {  	_ =	shalt  }
0x72: {  	_ =	shalt  }
0x73: {  	_ =	shalt  }
0x74: {  	_ =	shalt  }
0x75: {  	_ =	shalt  }
0x76: {  	_ =	shalt  }
0x77: {  	_ =	shalt  }
0x78: {  	_ =	shalt  }
0x79: {  	_ =	shalt  }
0x7a: {  	_ =	shalt  }
0x7b: {  	_ =	shalt  }
0x7c: {  	_ =	shalt  }
0x7d: {  	_ =	shalt  }
0x7e: {  	_ =	shalt  }
0x7f: {  	_ =	shalt  }
0x80: {  	_ =	shalt  }
0x81: {  	_ =	shalt  }
0x82: {  	_ =	shalt  }
0x83: {  	_ =	shalt  }
0x84: {  	_ =	shalt  }
0x85: {  	_ =	shalt  }
0x86: {  	_ =	shalt  }
0x87: {  	_ =	shalt  }
.Lfunc_end0:
.L_simem_size_0:
called_computation.4_lowered:
.L_overlay_start_0:
0x88: {  	s2 =	sld [smem:$0x3FD9]  }
0x89: {  	s3 =	sld [smem:$0x3FFE];
	_ =	sdelay $0x1  }
0x8a: {  	s1 =	srdreg.scid  }
0x8b: {  	s0 =	sand.u32 $0x1, s1  }
0x8c: {  	s16 =	sshll.u32 s0, $0xA;
	s2 =	sadd.s32 s3, s2  }
0x8d: {  	s2 =	sadd.s32 s2, s16  }
0x8e: {  	[smem:$0x3FC1] =	sst s2  }
0x8f: {  	_ = 	snop  }
0x90: {  	(tm) =	ssettm $0x1  }
0x91: {  	s17 =	sld [smem:$0x3FFB];
	_ =	sdelay $0x3  }
0x92: {  	_ =	strace s17  }
0x93: {  	s2 =	sld [smem:$0x3FFC];
	_ =	sdelay $0x3  }
0x94: {  	_ =	strace s2  }
0x95: {  	s2 =	sld [smem:$0x3FFD];
	_ =	sdelay $0x3  }
0x96: {  	_ =	strace s2  }
0x97: {  	_ =	strace $0x8FFFFFFF  }
0x98: {  	s18 =	sld [smem:$0x3FDB];
	_ =	sdelay $0x1  }
0x99: {  	s19 =	simm.s32 $_scs_section_size  }
0x9a: {  	s4 =	simm.s32 $_size__tile_overlayer_lowered;
	s5 =	simm.s32 $_tile_overlayer_lowered  }
0x9b: {  	s22 =	simm.s32 $0x1BFF;
	s21 =	sshll.u32 s5, $0x1;
	s2 =	sadd.s32 s19, s18  }
0x9c: {  	s6 =	simm.s32 $0x0;
	s20 =	sshll.u32 s4, $0x1;
	s4 =	sadd.s32 s21, s2  }
0x9d: {  	[timem:s6], [sflag:s22] =	dma.local [hbm:s4], s20  }
0x9e: {  	_ =	swait.ge [sflag:s22], s20  }
0x9f: {  	s3 =	ssub.s32 $0x0, s20;
	[sflag:s22] =	ssyncset.done $0x0  }
0xa0: {  	[sflag:s22] =	ssyncadd.s32 s3;
	_ =	sdelay $0x1  }
0xa1: {  	s23 =	simm.s32 $0x1B8B  }
0xa2: {  	_ =	swait.ge [sflag:s23], $0x1  }
0xa3: {  	[sflag:s23] =	ssyncset.done $0x0  }
0xa4: {  	s25 =	simm.s32 $0x1B8E;
	s24 =	sld [smem:$0x3FFE];
	[sflag:s23] =	ssyncadd.s32 $0xFFFFFFFF  }
0xa5: {  	s26 =	simm.s32 $execute0_lowered;
	[smem:$0x3FD2] =	sst s25  }
0xa6: {  	s4 =	sshll.u32 s26, $0x1;
	_ =	strace $0x8000004F;
	[dreg:$0x1] =	wrdreg $0xFFFFFFFF  }
0xa7: {  	s28 =	simm.s32 $_size_execute0_lowered;
	s2 =	sadd.s32 s2, s4;
	[dreg:$0x0] =	wrdreg $0x0  }
0xa8: {  	s4 =	sshll.u32 s28, $0x1;
	[dreg:$0x2] =	wrdreg s2  }
0xa9: {  	[dreg:$0x3] =	wrdreg s4  }
0xaa: {  	[dreg:$0x4] =	wrdreg $0xC0  }
0xab: {  	_ =	task [dreg:s6], $0x5FFFF  }
0xac: {  	[dreg:$0x1] =	wrdreg $0xFFFFFFFF  }
0xad: {  	[dreg:$0x0] =	wrdreg $0x60  }
0xae: {  	[dreg:$0x2] =	wrdreg s24  }
0xaf: {  	[dreg:$0x3] =	wrdreg $0x120000  }
0xb0: {  	[dreg:$0x4] =	wrdreg $0xA  }
0xb1: {  	_ =	task.clear_ibuf [dreg:s6], $0x5FFFF;
	_ =	strace $0x9000004F  }
0xb2: {  	s29 =	simm.s32 $0xA;
	_ =	strace $0x80000051  }
0xb3: {  	_ =	swait.ge [sflag:s29], $0x1  }
0xb4: {  	[sflag:s29] =	ssyncadd.s32 $0xFFFFFFFF  }
0xb5: {  	_ =	strace $0x90000051  }
0xb6: {  	_ =	sfence  }
0xb7: {  	s30 =	sld [smem:$0x0];
	_ =	sdelay $0x2  }
0xb8: {  	s31 =	sshll.u32 s1, $0xD;
	s1 =	sshrl.u32 s1, $0x2  }
0xb9: {  	s3 =	sand.u32 $0x4000, s31;
	s1 =	sadd.s32 s1, s30  }
0xba: {  	s0 =	sor.u32 s3, s0;
	s1 =	sshll.u32 s1, $0x11  }
0xbb: {  	s0 =	sor.u32 s1, s0  }
0xbc: {  	s0 =	sadd.s32 $0x8F2B, s0  }
0xbd: {  	[sflag:s0] =	ssyncadd.remote.s32 $0x1  }
0xbe: {  	_ =	sfence.sel $0xFFFF  }
0xbf: {  	[dreg:$0x0] =	wrdreg $0xFFFFFFFF;
	(pc) =	sbr.abs _section_cstart, $3  }
0xc0: {  	[dreg:$0x1] =	wrdreg $0xFFFFFFFF  }
0xc1: {  	_ =	task.clear_ibuf [dreg:s6], $0x2FFFF;
	_ =	strace $0x9FFFFFFF  }
0xc2: {  	(tm) =	ssettm $0x7FFFFFFF  }
0xc3: {  	_ =	shalt  }
tec
execute0_lowered:
.L_overlay_start_1:
0x0: {  	(tag) =	ssettag $0x1  }
0x1: {  	s9 =	rddreg [dreg:$0x0]  }
0x2: {  	s2 =	rddreg [dreg:$0x1]  }
0x3: {  	s0 =	rddreg [dreg:$0x2];
	s1 =	stileid.u32  }
0x4: {  	s3 =	simm.s32 $0x0;
	s4 =	srdreg.scid;
	s5 =	smul.u32 $0xA00, s1  }
0x5: {  	s15 =	simm.s32 $0x5000;
	s16 =	simm.s32 $0xA000;
	s7 =	smul.u32 $0x2A000, s1  }
0x6: {  	s17 =	simm.s32 $0x80;
	s19 =	simm.s32 $0x1;
	s8 =	smul.u32 $0x9800, s1  }
0x7: {  	s20 =	simm.s32 $0x2;
	s24 =	simm.s32 $0x0;
	s12 =	smul.u32 $0x26000, s1  }
0x8: {  	[smem:$0x7FF] =	sst s3;
	s18 =	sand.u32 $0x1, s4;
	s14 =	smul.u32 $0x28000, s1  }
0x9: {  	s4 =	sadd.s32 $0x2C400, s9;
	s10 =	sadd.s32 $0x7A600, s9;
	s31 =	smul.u32 $0x1400, s1  }
0xa: {  	s22 =	sadd.s32 $0x98000, s2;
	_ =	strace $0x80000050;
	s6 =	ssub.s32 $0x2, s18  }
0xb: {  	p0 =	seq.s32 s18, $0x0;
	s13 =	sadd.s32 s5, s9;
	s29 =	sshrl.u32 s6, $0x1  }
0xc: {  	s30 =	sshrl.u32 s7, $0x2;
	s8 =	sshrl.u32 s8, $0x3;
	s12 =	sshrl.u32 s12, $0x2  }
0xd: {  	s9 =	sadd.s32 $0xA1600, s9;
	s14 =	sshrl.u32 s14, $0x2;
	s11 =	ssub.s32 s6, s29  }
0xe: {  	s5 =	sadd.s32 $0xE400, s13;
	s6 =	sadd.s32 s30, s2;
	s8 =	sadd.s32 s10, s8  }
0xf: {  	s21 =	sadd.s32 s12, s2;
	s23 =	sadd.s32 s14, s2;
	s10 =	sadd.s32 s10, s31  }
0x10: {  	s14 =	simm.s32 $0x22400;
	s7 =	sadd.s32 $0x8000, s6;
	s8 =	sadd.s32 $0x14000, s8  }
0x11: {  	s11 =	smax.u32 s11, $0x1;
	s14 =	simm.s32 @!p0 $0x18400;
	p0 =	sne.s32 s18, $0x0  }
0x12: {  	s12 =	sadd.s32 $0x4000, s6;
	s18 =	simm.s32 $0xE000;
	p1 =	sne.s32 @p0 s1, $0xF  }
0x13: {  	s13 =	sadd.s32 s14, s13;
	s14 =	simm.s32 $0x3;
	p1 =	por p1, !p0  }
0x14: {  	v0 =	vimm.f32 $0.0e+00;
	s21 =	sshrl.u32 @p0 s21, $0x3;
	s23 =	sshrl.u32 @!p0 s23, $0x3;
	s22 =	sshrl.u32 @!p1 s22, $0x3  }
.LBB2_1:
0x15: {  	[tilespmem:s3], [sflag:$0x3] =	stream.linear.gather [hbm4b:s5+s3], $0x5000, $0x38;
	[tilespmem:$0x1C800] =	vst v63  }
0x16: {  	_ =	swait.ge [sflag:s14], $0x5000  }
0x17: {  	[sflag:s14] =	ssyncset.done $0x0  }
0x18: {  	[sflag:s14] =	ssyncadd.s32 $0xFFFFB000  }
0x19: {  	[tilespmem:s15], [sflag:$0x3] =	stream.linear.gather [hbm4b:s13+s3], $0x5000, $0x38;
	[tilespmem:$0x1C800] =	vst v63  }
0x1a: {  	_ =	swait.ge [sflag:s14], $0x5000  }
0x1b: {  	[sflag:s14] =	ssyncset.done $0x0  }
0x1c: {  	s25 =	simm.s32 $0x0;
	s26 =	simm.s32 $0x200;
	[sflag:s14] =	ssyncadd.s32 $0xFFFFB000  }
.LBB2_2:
0x1d: {  	p2 =	sne.s32 s26, $0xFE00;
	[tilespmem:s25+$0xA070] =	vst v0  }
0x1e: {  	[tilespmem:s25+$0xA000] =	vst v0  }
0x1f: {  	[tilespmem:s25+$0xA010] =	vst v0  }
.Ltmp0:
0x20: {  	[tilespmem:s25+$0xA020] =	vst v0;
	(pc) =	sbr.rel @p2 .LBB2_2-.Ltmp0, $4  }
0x21: {  	[tilespmem:s25+$0xA030] =	vst v0  }
0x22: {  	[tilespmem:s25+$0xA040] =	vst v0  }
0x23: {  	[tilespmem:s25+$0xA050] =	vst v0  }
0x24: {  	[tilespmem:s25+$0xA060] =	vst v0;
	s25 =	sshra.s32 s26, $0x2;
	s26 =	sadd.s32 $0x200, s26  }
0x25: {  	[tilespmem:s25+$0xA070] =	vst v0  }
0x26: {  	[tilespmem:s25+$0xA000] =	vst v0  }
0x27: {  	[tilespmem:s25+$0xA010] =	vst v0  }
0x28: {  	[tilespmem:s25+$0xA020] =	vst v0  }
0x29: {  	[tilespmem:s25+$0xA030] =	vst v0  }
0x2a: {  	[tilespmem:s25+$0xA040] =	vst v0  }
0x2b: {  	[tilespmem:s25+$0xA050] =	vst v0  }
0x2c: {  	[tilespmem:s25+$0xA060] =	vst v0  }
0x2d: {  	[spmem:s6] =	stream.linear.scatter [tilespmem:s16], [sflag:$0x3], $0x4000, $0x38;
	[tilespmem:$0x1C800] =	vst v63  }
0x2e: {  	_ =	swait.ge [sflag:s14], $0x4000  }
0x2f: {  	[sflag:s14] =	ssyncset.done $0x0  }
0x30: {  	[sflag:s14] =	ssyncadd.s32 $0xFFFFC000  }
0x31: {  	[spmem:s12] =	stream.linear.scatter [tilespmem:s16], [sflag:$0x3], $0x4000, $0x38;
	[tilespmem:$0x1C800] =	vst v63  }
0x32: {  	_ =	swait.ge [sflag:s14], $0x4000  }
0x33: {  	[sflag:s14] =	ssyncset.done $0x0  }
0x34: {  	[sflag:s14] =	ssyncadd.s32 $0xFFFFC000  }
0x35: {  	[spmem:s7] =	stream.linear.scatter [tilespmem:s16], [sflag:$0x3], $0x2800, $0x38;
	[tilespmem:$0x1C800] =	vst v63  }
0x36: {  	_ =	swait.ge [sflag:s14], $0x2800  }
0x37: {  	[sflag:s14] =	ssyncset.done $0x0  }
0x38: {  	[sflag:s14] =	ssyncadd.s32 $0xFFFFD800  }
0x39: {  	s28 =	simm.s32 $0x0;
	[bflag:$0x0] =	sbarrier.arrive $0xFFFF  }
0x3a: {  	[tilespmem:s16], [sflag:$0x1] =	stream.indirect.gather [hbm4b:s4+s17], $0x80, s28, s17, $0xb8;
	[tilespmem:$0x1C800] =	vst v63  }
0x3b: {  	s29 =	simm.s32 $0x80  }
0x3c: {  	[tilespmem:s18], [sflag:$0x2] =	stream.indirect.gather [hbm4b:s4+s17], $0x80, s29, s17, $0xb8;
	[tilespmem:$0x1C800] =	vst v63  }
0x3d: {  	_ =	swait.ge [sflag:s19], $0x4000  }
0x3e: {  	[sflag:s19] =	ssyncset.done $0x0  }
0x3f: {  	s30 =	simm.s32 $0x5000;
	[sflag:s19] =	ssyncadd.s32 $0xFFFFC000  }
0x40: {  	[spmem:s2] =	stream.indirect.scatter.add.f32 [tilespmem:s16], [sflag:$0x3], $0x80, s30, s17, $0xb8;
	[tilespmem:$0x1C800] =	vst v63  }
0x41: {  	_ =	swait.ge [sflag:s14], $0x4000  }
0x42: {  	[sflag:s14] =	ssyncset.done $0x0  }
0x43: {  	[sflag:s14] =	ssyncadd.s32 $0xFFFFC000  }
0x44: {  	_ =	swait.ge [sflag:s20], $0x4000  }
0x45: {  	[sflag:s20] =	ssyncset.done $0x0  }
0x46: {  	s31 =	simm.s32 $0x5080;
	[sflag:s20] =	ssyncadd.s32 $0xFFFFC000  }
0x47: {  	[spmem:s2] =	stream.indirect.scatter.add.f32 [tilespmem:s18], [sflag:$0x3], $0x80, s31, s17, $0xb8;
	[tilespmem:$0x1C800] =	vst v63  }
0x48: {  	_ =	swait.ge [sflag:s14], $0x4000  }
0x49: {  	s25 =	simm.s32 $0x400;
	s26 =	simm.s32 $0x800;
	[sflag:s14] =	ssyncset.done $0x0  }
.LBB2_4:
0x4a: {  	s28 =	sshra.s32 s25, $0x2  }
0x4b: {  	[sflag:s14] =	ssyncadd.s32 $0xFFFFC000;
	s25 =	smov.u32 s26;
	s29 =	sadd.s32 $0x400, s26  }
0x4c: {  	[tilespmem:s16], [sflag:$0x1] =	stream.indirect.gather [hbm4b:s4+s17], $0x80, s28, s17, $0xb8;
	[tilespmem:$0x1C800] =	vst v63  }
0x4d: {  	p2 =	sne.s32 s26, $0x13C00;
	s26 =	sadd.s32 $0x80, s28  }
0x4e: {  	[tilespmem:s18], [sflag:$0x2] =	stream.indirect.gather [hbm4b:s4+s17], $0x80, s26, s17, $0xb8;
	[tilespmem:$0x1C800] =	vst v63  }
0x4f: {  	_ =	swait.ge [sflag:s19], $0x4000  }
0x50: {  	[sflag:s19] =	ssyncset.done $0x0  }
0x51: {  	s26 =	sadd.s32 $0x5000, s28;
	[sflag:s19] =	ssyncadd.s32 $0xFFFFC000  }
0x52: {  	[spmem:s2] =	stream.indirect.scatter.add.f32 [tilespmem:s16], [sflag:$0x3], $0x80, s26, s17, $0xb8;
	[tilespmem:$0x1C800] =	vst v63  }
0x53: {  	_ =	swait.ge [sflag:s14], $0x4000  }
0x54: {  	[sflag:s14] =	ssyncset.done $0x0  }
0x55: {  	[sflag:s14] =	ssyncadd.s32 $0xFFFFC000  }
0x56: {  	_ =	swait.ge [sflag:s20], $0x4000  }
.Ltmp1:
0x57: {  	[sflag:s20] =	ssyncset.done $0x0;
	(pc) =	sbr.rel @p2 .LBB2_4-.Ltmp1, $4  }
0x58: {  	s26 =	sadd.s32 $0x5080, s28;
	[sflag:s20] =	ssyncadd.s32 $0xFFFFC000  }
0x59: {  	[spmem:s2] =	stream.indirect.scatter.add.f32 [tilespmem:s18], [sflag:$0x3], $0x80, s26, s17, $0xb8;
	[tilespmem:$0x1C800] =	vst v63  }
0x5a: {  	_ =	swait.ge [sflag:s14], $0x4000  }
0x5b: {  	s26 =	smov.u32 s29;
	[sflag:s14] =	ssyncset.done $0x0  }
0x5c: {  	s25 =	sshra.s32 s25, $0x2;
	[sflag:s14] =	ssyncadd.s32 $0xFFFFC000  }
0x5d: {  	[tilespmem:s16], [sflag:$0x1] =	stream.indirect.gather [hbm4b:s4+s17], $0x80, s25, s17, $0xb8;
	[tilespmem:$0x1C800] =	vst v63  }
0x5e: {  	s26 =	sadd.s32 $0x80, s25  }
0x5f: {  	[tilespmem:s18], [sflag:$0x2] =	stream.indirect.gather [hbm4b:s4+s17], $0x80, s26, s17, $0xb8;
	[tilespmem:$0x1C800] =	vst v63  }
0x60: {  	_ =	swait.ge [sflag:s19], $0x4000  }
0x61: {  	[sflag:s19] =	ssyncset.done $0x0  }
0x62: {  	s31 =	sadd.s32 $0x5000, s25;
	[sflag:s19] =	ssyncadd.s32 $0xFFFFC000  }
0x63: {  	[spmem:s2] =	stream.indirect.scatter.add.f32 [tilespmem:s16], [sflag:$0x3], $0x80, s31, s17, $0xb8;
	[tilespmem:$0x1C800] =	vst v63  }
0x64: {  	_ =	swait.ge [sflag:s14], $0x4000  }
0x65: {  	[sflag:s14] =	ssyncset.done $0x0  }
0x66: {  	[sflag:s14] =	ssyncadd.s32 $0xFFFFC000  }
0x67: {  	_ =	swait.ge [sflag:s20], $0x4000  }
0x68: {  	[sflag:s20] =	ssyncset.done $0x0  }
0x69: {  	s25 =	sadd.s32 $0x5080, s25;
	[sflag:s20] =	ssyncadd.s32 $0xFFFFC000  }
0x6a: {  	[spmem:s2] =	stream.indirect.scatter.add.f32 [tilespmem:s18], [sflag:$0x3], $0x80, s25, s17, $0xb8;
	[tilespmem:$0x1C800] =	vst v63  }
0x6b: {  	_ =	swait.ge [sflag:s14], $0x4000  }
0x6c: {  	[sflag:s14] =	ssyncset.done $0x0  }
0x6d: {  	s25 =	sshll.u32 @p0 s1, $0x6;
	[sflag:s14] =	ssyncadd.s32 $0xFFFFC000  }
0x6e: {  	s26 =	simm.s32 @p0 $0x3;
	s25 =	sor.u32 @p0 $0x1C03, s25;
	[bflag:$0x0] =	sbarrier.arrive $0xFFFF  }
0x6f: {  	[hbm:s8], [sflag:s25] =	dma.local @p0 [spmem:s21], $0x1300  }
0x70: {  	_ =	swait.ge @p0 [sflag:s26], $0x1300  }
0x71: {  	[sflag:s26] =	ssyncset.done @p0 $0x0  }
0x72: {  	[sflag:s26] =	ssyncadd.s32 @p0 $0xFFFFED00  }
0x73: {  	[hbm:s9], [sflag:s25] =	dma.local @!p1 [spmem:s22], $0x100  }
0x74: {  	s25 =	simm.s32 @!p1 $0x3  }
0x75: {  	_ =	swait.ge @!p1 [sflag:s25], $0x100  }
0x76: {  	s24 =	sadd.s32 $0x1, s24;
	s26 =	sshll.u32 @!p0 s1, $0x6;
	[sflag:s25] =	ssyncset.done @!p1 $0x0  }
0x77: {  	p2 =	sne.s32 s24, s11;
	[sflag:s25] =	ssyncadd.s32 @!p1 $0xFFFFFF00;
	s25 =	sor.u32 @!p0 $0x1C03, s26  }
0x78: {  	[hbm:s10], [sflag:s25] =	dma.local @!p0 [spmem:s23], $0x1400  }
.Ltmp2:
0x79: {  	_ = 	snop;
	(pc) =	sbr.rel @p2 .LBB2_1-.Ltmp2, $4  }
0x7a: {  	s25 =	simm.s32 @!p0 $0x3  }
0x7b: {  	_ =	swait.ge @!p0 [sflag:s25], $0x1400  }
0x7c: {  	[sflag:s25] =	ssyncset.done @!p0 $0x0  }
0x7d: {  	[sflag:s25] =	ssyncadd.s32 @!p0 $0xFFFFEC00  }
0x7e: {  	_ =	sfence.sel $0x180000  }
0x7f: {  	[bflag:$0x0] =	sbarrier.arrive $0xFFFF  }
0x80: {  	p0 =	sne.s32 s1, $0x0;
	_ =	strace $0x90000050  }
0x81: {  	s0 =	sadd.s32 @!p0 $0x100000, s0;
	[bflag:$0x2] =	sbarrier.arrive $0xFFFF  }
0x82: {  	[sflag:s0] =	ssyncadd.tile.s32 @!p0 $0x1;
	_ =	shalt  }
.Lfunc_end2:
_tile_overlayer_lowered:
.L_overlay_start_2:
0x83: {  	(tag) =	ssettag $0x2  }
0x84: {  	s0 =	rddreg [dreg:$0x0];
	s2 =	stileid.u32  }
0x85: {  	s1 =	rddreg [dreg:$0x1];
	p0 =	sne.s32 s2, $0x0  }
0x86: {  	s3 =	rddreg [dreg:$0x2];
	[bflag:$0x3] =	sbarrier.arrive $0xFFFF;
	s2 =	simm.s32 @!p0 $0x1C03  }
0x87: {  	[timem:s3], [sflag:s2] =	dma.local @!p0 [hbm:s0], s1  }
0x88: {  	s0 =	simm.s32 @!p0 $0x3  }
0x89: {  	_ =	swait.ge @!p0 [sflag:s0], s1  }
0x8a: {  	s1 =	ssub.s32 @!p0 $0x0, s1;
	[sflag:s0] =	ssyncset.done @!p0 $0x0  }
0x8b: {  	[sflag:s0] =	ssyncadd.s32 @!p0 s1  }
0x8c: {  	[bflag:$0x3] =	sbarrier.arrive $0xFFFF  }
0x8d: {  	_ =	shalt  }

// kernel: kernel.33.cloned.1.call-start
scs
__scs_entry_jumppad:
0x0: {  	(pc) =	sbr.rel $0x88, $3  }
0x1: {  	(tag) =	ssettag $0x0;
	lr =	simm.s32 $0x1  }
0x2: {  	[smem:$0x3F9A] =	sst lr;
	_ =	strace $0xD0000000  }
0x3: {  	_ = 	snop  }
0x4: {  	_ = 	snop  }
0x5: {  	_ = 	snop  }
0x6: {  	_ = 	snop  }
0x7: {  	_ = 	snop  }
__scs_overlays_trampoline_lowered:
0x8: {  	[smem:$0x3FA9] =	sst s0  }
0x9: {  	[smem:$0x3FAA] =	sst s1  }
0xa: {  	[smem:$0x3FAB] =	sst s2  }
0xb: {  	[smem:$0x3FAC] =	sst s3  }
0xc: {  	[smem:$0x3FAD] =	sst s4  }
0xd: {  	[smem:$0x3FAE] =	sst s5  }
0xe: {  	[smem:$0x3FAF] =	sst s6  }
0xf: {  	[smem:$0x3FB0] =	sst s7  }
0x10: {  	[smem:$0x3FB1] =	sst s8  }
0x11: {  	[smem:$0x3FB2] =	sst s9;
	s0 =	simm.s32 @!p0 $0x0  }
0x12: {  	s1 =	sld [smem:$0x3F98];
	s0 =	simm.s32 @p0 $0x1  }
0x13: {  	[smem:$0x3FB3] =	sst s0;
	s0 =	simm.s32 @!p1 $0x0  }
0x14: {  	s2 =	sld [smem:$0x3F97];
	s0 =	simm.s32 @p1 $0x1  }
0x15: {  	[smem:$0x3FB4] =	sst s0;
	s0 =	simm.s32 @!p2 $0x0  }
0x16: {  	s3 =	sld [smem:$0x3FDB];
	s0 =	simm.s32 @p2 $0x1  }
0x17: {  	s4 =	simm.s32 $0x1BF5;
	[smem:$0x3FB6] =	sst s0  }
0x18: {  	s0 =	sld [smem:$0x3F99];
	_ =	swait.ge [sflag:s4], $0x0  }
0x19: {  	s7 =	sld [smem:$0x3F9A]  }
0x1a: {  	s8 =	sadd.s32 $0xFFFFE003, lr  }
0x1b: {  	s9 =	sadd.s32 $0xFFFFFEF7, lr;
	s5 =	simm.s32 $0xFFFFFFFF;
	p2 =	slt.u32 s8, $0xFFFFF086  }
0x1c: {  	p1 =	slt.u32 s9, $0xF7A;
	s5 =	simm.s32 @!p2 $0x0  }
0x1d: {  	s5 =	simm.s32 @p1 $0x1;
	p0 =	seq.s32 s7, s2  }
0x1e: {  	s7 =	smul.u32 @!p0 $0xF7A, s2;
	p2 =	seq.s32 @!p0 s5, $0x0  }
0x1f: {  	s9 =	smul.u32 $0xF7A, s1;
	s8 =	simm.s32 @!p0 $0x1BF5;
	p2 =	por !p2, p0  }
0x20: {  	[sflag:s8] =	ssyncset.s32 @!p0 $0xFFFFF086;
	s6 =	sadd.s32 @!p0 s3, s7;
	s7 =	simm.s32 @!p0 $0x108  }
0x21: {  	s3 =	sadd.s32 s3, s9;
	s6 =	sadd.s32 @!p0 $0x88, s6;
	s7 =	simm.s32 @p2 $0x1082  }
0x22: {  	[simem:s7], [sflag:s8] =	dma.local @!p0 [hbm:s6], $0xF7A  }
0x23: {  	s9 =	sor.u32 $0xD0000000, s2;
	s6 =	simm.s32 $0x108;
	_ =	swait.ge @!p0 [sflag:s8], $0x0  }
0x24: {  	s3 =	sadd.s32 $0x88, s3;
	s6 =	simm.s32 @!p1 $0x1082;
	[sflag:s4] =	ssyncset.s32 $0xFFFFF086  }
0x25: {  	[simem:s6], [sflag:s4] =	dma.local [hbm:s3], $0xF7A  }
0x26: {  	[smem:$0x3F9A] =	sst s1;
	(tag) =	ssettag s2;
	_ =	strace s9  }
0x27: {  	s1 =	sld [smem:$0x3FAA]  }
0x28: {  	s2 =	sld [smem:$0x3FAB]  }
0x29: {  	s4 =	sld [smem:$0x3FAD]  }
0x2a: {  	p0 =	seq.s32 s5, $0x0;
	s5 =	sld [smem:$0x3FAE]  }
0x2b: {  	s6 =	sld [smem:$0x3FAF]  }
0x2c: {  	s7 =	sld [smem:$0x3FB0]  }
0x2d: {  	s3 =	simm.s32 $0x108;
	s8 =	sld [smem:$0x3FB1]  }
0x2e: {  	s3 =	simm.s32 @!p0 $0x1082;
	s9 =	sld [smem:$0x3FB2]  }
0x2f: {  	lr =	sadd.s32 s0, s3;
	s0 =	sld [smem:$0x3FA9]  }
0x30: {  	s3 =	sld [smem:$0x3FAC]  }
0x31: {  	[smem:$0x3FB5] =	sst s10  }
0x32: {  	s10 =	sld [smem:$0x3FB3];
	_ =	sdelay $0x3  }
0x33: {  	p0 =	seq.s32 s10, $0x1;
	s10 =	sld [smem:$0x3FB5];
	_ =	sdelay $0x3  }
0x34: {  	[smem:$0x3FB5] =	sst s10  }
0x35: {  	s10 =	sld [smem:$0x3FB4];
	_ =	sdelay $0x3  }
0x36: {  	p1 =	seq.s32 s10, $0x1;
	s10 =	sld [smem:$0x3FB5];
	_ =	sdelay $0x3  }
0x37: {  	[smem:$0x3FB5] =	sst s10  }
0x38: {  	s10 =	sld [smem:$0x3FB6]  }
0x39: {  	_ = 	snop;
	(pc) =	sbr.ind lr, $3  }
0x3a: {  	_ = 	snop  }
0x3b: {  	_ = 	snop  }
0x3c: {  	p2 =	seq.s32 s10, $0x1;
	s10 =	sld [smem:$0x3FB5]  }
0x3d: {  	_ =	shalt  }
0x3e: {  	_ =	shalt  }
0x3f: {  	_ =	shalt  }
0x40: {  	_ =	shalt  }
0x41: {  	_ =	shalt  }
0x42: {  	_ =	shalt  }
0x43: {  	_ =	shalt  }
0x44: {  	_ =	shalt  }
0x45: {  	_ =	shalt  }
0x46: {  	_ =	shalt  }
0x47: {  	_ =	shalt  }
0x48: {  	_ =	shalt  }
0x49: {  	_ =	shalt  }
0x4a: {  	_ =	shalt  }
0x4b: {  	_ =	shalt  }
0x4c: {  	_ =	shalt  }
0x4d: {  	_ =	shalt  }
0x4e: {  	_ =	shalt  }
0x4f: {  	_ =	shalt  }
0x50: {  	_ =	shalt  }
0x51: {  	_ =	shalt  }
0x52: {  	_ =	shalt  }
0x53: {  	_ =	shalt  }
0x54: {  	_ =	shalt  }
0x55: {  	_ =	shalt  }
0x56: {  	_ =	shalt  }
0x57: {  	_ =	shalt  }
0x58: {  	_ =	shalt  }
0x59: {  	_ =	shalt  }
0x5a: {  	_ =	shalt  }
0x5b: {  	_ =	shalt  }
0x5c: {  	_ =	shalt  }
0x5d: {  	_ =	shalt  }
0x5e: {  	_ =	shalt  }
0x5f: {  	_ =	shalt  }
0x60: {  	_ =	shalt  }
0x61: {  	_ =	shalt  }
0x62: {  	_ =	shalt  }
0x63: {  	_ =	shalt  }
0x64: {  	_ =	shalt  }
0x65: {  	_ =	shalt  }
0x66: {  	_ =	shalt  }
0x67: {  	_ =	shalt  }
0x68: {  	_ =	shalt  }
0x69: {  	_ =	shalt  }
0x6a: {  	_ =	shalt  }
0x6b: {  	_ =	shalt  }
0x6c: {  	_ =	shalt  }
0x6d: {  	_ =	shalt  }
0x6e: {  	_ =	shalt  }
0x6f: {  	_ =	shalt  }
0x70: {  	_ =	shalt  }
0x71: {  	_ =	shalt  }
0x72: {  	_ =	shalt  }
0x73: {  	_ =	shalt  }
0x74: {  	_ =	shalt  }
0x75: {  	_ =	shalt  }
0x76: {  	_ =	shalt  }
0x77: {  	_ =	shalt  }
0x78: {  	_ =	shalt  }
0x79: {  	_ =	shalt  }
0x7a: {  	_ =	shalt  }
0x7b: {  	_ =	shalt  }
0x7c: {  	_ =	shalt  }
0x7d: {  	_ =	shalt  }
0x7e: {  	_ =	shalt  }
0x7f: {  	_ =	shalt  }
0x80: {  	_ =	shalt  }
0x81: {  	_ =	shalt  }
0x82: {  	_ =	shalt  }
0x83: {  	_ =	shalt  }
0x84: {  	_ =	shalt  }
0x85: {  	_ =	shalt  }
0x86: {  	_ =	shalt  }
0x87: {  	_ =	shalt  }
.Lfunc_end0:
.L_simem_size_0:
called_computation.5_lowered:
.L_overlay_start_0:
0x88: {  	s2 =	sld [smem:$0x3FD9]  }
0x89: {  	s3 =	sld [smem:$0x3FFE];
	_ =	sdelay $0x1  }
0x8a: {  	s1 =	srdreg.scid  }
0x8b: {  	s0 =	sand.u32 $0x1, s1  }
0x8c: {  	s17 =	sshll.u32 s0, $0xA;
	s2 =	sadd.s32 s3, s2  }
0x8d: {  	s2 =	sadd.s32 s2, s17  }
0x8e: {  	[smem:$0x3FC1] =	sst s2  }
0x8f: {  	_ = 	snop  }
0x90: {  	s2 =	sld [smem:$0x3FD0];
	(tm) =	ssettm $0x1  }
0x91: {  	s18 =	sld [smem:$0x3FFB];
	_ =	sdelay $0x3  }
0x92: {  	_ =	strace s18  }
0x93: {  	s3 =	sld [smem:$0x3FFC];
	_ =	sdelay $0x3  }
0x94: {  	_ =	strace s3  }
0x95: {  	s3 =	sld [smem:$0x3FFD];
	_ =	sdelay $0x3  }
0x96: {  	_ =	strace s3  }
0x97: {  	_ =	strace $0x8FFFFFFF  }
0x98: {  	s19 =	sld [smem:$0x3FDB];
	_ =	sdelay $0x1  }
0x99: {  	s4 =	simm.s32 $_scs_section_size  }
0x9a: {  	s5 =	simm.s32 $_size__tile_overlayer_lowered;
	s6 =	simm.s32 $_tile_overlayer_lowered  }
0x9b: {  	s22 =	simm.s32 $0x1BFF;
	s21 =	sshll.u32 s6, $0x1;
	s3 =	sadd.s32 s4, s19  }
0x9c: {  	s7 =	simm.s32 $0x0;
	s20 =	sshll.u32 s5, $0x1;
	s5 =	sadd.s32 s21, s3  }
0x9d: {  	[timem:s7], [sflag:s22] =	dma.local [hbm:s5], s20  }
0x9e: {  	_ =	swait.ge [sflag:s22], s20  }
0x9f: {  	s4 =	ssub.s32 $0x0, s20;
	[sflag:s22] =	ssyncset.done $0x0  }
0xa0: {  	[sflag:s22] =	ssyncadd.s32 s4;
	_ =	sdelay $0x1  }
0xa1: {  	s23 =	simm.s32 $0x1B8B  }
0xa2: {  	_ =	swait.ge [sflag:s23], $0x1  }
0xa3: {  	[sflag:s23] =	ssyncset.done $0x0  }
0xa4: {  	s25 =	simm.s32 $0x1B8E;
	s24 =	sld [smem:$0x3FFE];
	[sflag:s23] =	ssyncadd.s32 $0xFFFFFFFF  }
0xa5: {  	s26 =	simm.s32 $execute0_lowered;
	[smem:$0x3FD2] =	sst s25  }
0xa6: {  	s5 =	sshll.u32 s26, $0x1;
	_ =	strace $0x80000055;
	[dreg:$0x1] =	wrdreg $0xFFFFFFFF  }
0xa7: {  	s28 =	simm.s32 $_size_execute0_lowered;
	s3 =	sadd.s32 s3, s5;
	[dreg:$0x0] =	wrdreg $0x0  }
0xa8: {  	s5 =	sshll.u32 s28, $0x1;
	[dreg:$0x2] =	wrdreg s3  }
0xa9: {  	[dreg:$0x3] =	wrdreg s5  }
0xaa: {  	[dreg:$0x4] =	wrdreg $0xC0  }
0xab: {  	_ =	task [dreg:s7], $0x5FFFF  }
0xac: {  	[dreg:$0x1] =	wrdreg $0xFFFFFFFF  }
0xad: {  	[dreg:$0x0] =	wrdreg $0x60  }
0xae: {  	[dreg:$0x2] =	wrdreg s2  }
0xaf: {  	[dreg:$0x3] =	wrdreg s24  }
0xb0: {  	[dreg:$0x4] =	wrdreg $0x120000  }
0xb1: {  	[dreg:$0x5] =	wrdreg $0x9  }
0xb2: {  	_ =	task.clear_ibuf [dreg:s7], $0x6FFFF;
	_ =	strace $0x90000055  }
0xb3: {  	s29 =	simm.s32 $0x9;
	_ =	strace $0x80000057  }
0xb4: {  	_ =	swait.ge [sflag:s29], $0x1  }
0xb5: {  	[sflag:s29] =	ssyncadd.s32 $0xFFFFFFFF  }
0xb6: {  	_ =	strace $0x90000057  }
0xb7: {  	_ =	sfence  }
0xb8: {  	s30 =	sld [smem:$0x0];
	_ =	sdelay $0x2  }
0xb9: {  	s31 =	sshll.u32 s1, $0xD;
	s1 =	sshrl.u32 s1, $0x2  }
0xba: {  	s3 =	sand.u32 $0x4000, s31;
	s1 =	sadd.s32 s1, s30  }
0xbb: {  	s0 =	sor.u32 s3, s0;
	s1 =	sshll.u32 s1, $0x11  }
0xbc: {  	s0 =	sor.u32 s1, s0  }
0xbd: {  	s0 =	sadd.s32 $0x8F2B, s0  }
0xbe: {  	[sflag:s0] =	ssyncadd.remote.s32 $0x1  }
0xbf: {  	_ =	sfence.sel $0xFFFF  }
0xc0: {  	[dreg:$0x0] =	wrdreg $0xFFFFFFFF;
	(pc) =	sbr.abs _section_cstart, $3  }
0xc1: {  	[dreg:$0x1] =	wrdreg $0xFFFFFFFF  }
0xc2: {  	_ =	task.clear_ibuf [dreg:s7], $0x2FFFF;
	_ =	strace $0x9FFFFFFF  }
0xc3: {  	(tm) =	ssettm $0x7FFFFFFF  }
tec
execute0_lowered:
.L_overlay_start_1:
0x0: {  	(tag) =	ssettag $0x1  }
0x1: {  	s1 =	rddreg [dreg:$0x0]  }
0x2: {  	s9 =	rddreg [dreg:$0x1]  }
0x3: {  	s3 =	rddreg [dreg:$0x2];
	s2 =	stileid.u32  }
0x4: {  	s0 =	rddreg [dreg:$0x3];
	s4 =	simm.s32 $0x0;
	s6 =	smul.u32 $0xA00, s2  }
0x5: {  	s5 =	srdreg.scid;
	s15 =	simm.s32 $0x5000;
	s7 =	smul.u32 $0x2A000, s2  }
0x6: {  	s16 =	simm.s32 $0xA000;
	s17 =	simm.s32 $0x80;
	s8 =	smul.u32 $0x9800, s2  }
0x7: {  	s19 =	simm.s32 $0x1;
	s20 =	simm.s32 $0x2;
	s12 =	smul.u32 $0x26000, s2  }
0x8: {  	s24 =	simm.s32 $0x0;
	[smem:$0x7FF] =	sst s4;
	s14 =	smul.u32 $0x28000, s2  }
0x9: {  	s18 =	sand.u32 $0x1, s5;
	s10 =	sadd.s32 $0x2C400, s9;
	s31 =	smul.u32 $0x1400, s2  }
0xa: {  	s22 =	sadd.s32 $0x98000, s3;
	_ =	strace $0x80000056;
	s5 =	ssub.s32 $0x2, s18  }
0xb: {  	p0 =	seq.s32 s18, $0x0;
	s13 =	sadd.s32 s6, s9;
	s29 =	sshrl.u32 s5, $0x1  }
0xc: {  	s30 =	sshrl.u32 s7, $0x2;
	s8 =	sshrl.u32 s8, $0x3;
	s12 =	sshrl.u32 s12, $0x2  }
0xd: {  	s9 =	sadd.s32 $0x53400, s9;
	s14 =	sshrl.u32 s14, $0x2;
	s11 =	ssub.s32 s5, s29  }
0xe: {  	s5 =	sadd.s32 $0x4400, s13;
	s6 =	sadd.s32 s30, s3;
	s8 =	sadd.s32 s10, s8  }
0xf: {  	s21 =	sadd.s32 s12, s3;
	s23 =	sadd.s32 s14, s3;
	s10 =	sadd.s32 s10, s31  }
0x10: {  	s14 =	simm.s32 $0x22400;
	s7 =	sadd.s32 $0x8000, s6;
	s8 =	sadd.s32 $0x14000, s8  }
0x11: {  	s11 =	smax.u32 s11, $0x1;
	s14 =	simm.s32 @!p0 $0x18400;
	p0 =	sne.s32 s18, $0x0  }
0x12: {  	s12 =	sadd.s32 $0x4000, s6;
	s18 =	simm.s32 $0xE000;
	p1 =	sne.s32 @p0 s2, $0xF  }
0x13: {  	s13 =	sadd.s32 s14, s13;
	s14 =	simm.s32 $0x3;
	p1 =	por p1, !p0  }
0x14: {  	v0 =	vimm.f32 $0.0e+00;
	s21 =	sshrl.u32 @p0 s21, $0x3;
	s23 =	sshrl.u32 @!p0 s23, $0x3;
	s22 =	sshrl.u32 @!p1 s22, $0x3  }
.LBB2_1:
0x15: {  	[tilespmem:s4], [sflag:$0x3] =	stream.linear.gather [hbm4b:s5+s4], $0x5000, $0x38;
	[tilespmem:$0x1C800] =	vst v63  }
0x16: {  	_ =	swait.ge [sflag:s14], $0x5000  }
0x17: {  	[sflag:s14] =	ssyncset.done $0x0  }
0x18: {  	[sflag:s14] =	ssyncadd.s32 $0xFFFFB000  }
0x19: {  	[tilespmem:s15], [sflag:$0x3] =	stream.linear.gather [hbm4b:s13+s4], $0x5000, $0x38;
	[tilespmem:$0x1C800] =	vst v63  }
0x1a: {  	_ =	swait.ge [sflag:s14], $0x5000  }
0x1b: {  	[sflag:s14] =	ssyncset.done $0x0  }
0x1c: {  	s25 =	simm.s32 $0x0;
	s26 =	simm.s32 $0x200;
	[sflag:s14] =	ssyncadd.s32 $0xFFFFB000  }
.LBB2_2:
0x1d: {  	p2 =	sne.s32 s26, $0xFE00;
	[tilespmem:s25+$0xA070] =	vst v0  }
0x1e: {  	[tilespmem:s25+$0xA000] =	vst v0  }
0x1f: {  	[tilespmem:s25+$0xA010] =	vst v0  }
.Ltmp0:
0x20: {  	[tilespmem:s25+$0xA020] =	vst v0;
	(pc) =	sbr.rel @p2 .LBB2_2-.Ltmp0, $4  }
0x21: {  	[tilespmem:s25+$0xA030] =	vst v0  }
0x22: {  	[tilespmem:s25+$0xA040] =	vst v0  }
0x23: {  	[tilespmem:s25+$0xA050] =	vst v0  }
0x24: {  	[tilespmem:s25+$0xA060] =	vst v0;
	s25 =	sshra.s32 s26, $0x2;
	s26 =	sadd.s32 $0x200, s26  }
0x25: {  	[tilespmem:s25+$0xA070] =	vst v0  }
0x26: {  	[tilespmem:s25+$0xA000] =	vst v0  }
0x27: {  	[tilespmem:s25+$0xA010] =	vst v0  }
0x28: {  	[tilespmem:s25+$0xA020] =	vst v0  }
0x29: {  	[tilespmem:s25+$0xA030] =	vst v0  }
0x2a: {  	[tilespmem:s25+$0xA040] =	vst v0  }
0x2b: {  	[tilespmem:s25+$0xA050] =	vst v0  }
0x2c: {  	[tilespmem:s25+$0xA060] =	vst v0  }
0x2d: {  	[spmem:s6] =	stream.linear.scatter [tilespmem:s16], [sflag:$0x3], $0x4000, $0x38;
	[tilespmem:$0x1C800] =	vst v63  }
0x2e: {  	_ =	swait.ge [sflag:s14], $0x4000  }
0x2f: {  	[sflag:s14] =	ssyncset.done $0x0  }
0x30: {  	[sflag:s14] =	ssyncadd.s32 $0xFFFFC000  }
0x31: {  	[spmem:s12] =	stream.linear.scatter [tilespmem:s16], [sflag:$0x3], $0x4000, $0x38;
	[tilespmem:$0x1C800] =	vst v63  }
0x32: {  	_ =	swait.ge [sflag:s14], $0x4000  }
0x33: {  	[sflag:s14] =	ssyncset.done $0x0  }
0x34: {  	[sflag:s14] =	ssyncadd.s32 $0xFFFFC000  }
0x35: {  	[spmem:s7] =	stream.linear.scatter [tilespmem:s16], [sflag:$0x3], $0x2800, $0x38;
	[tilespmem:$0x1C800] =	vst v63  }
0x36: {  	_ =	swait.ge [sflag:s14], $0x2800  }
0x37: {  	[sflag:s14] =	ssyncset.done $0x0  }
0x38: {  	[sflag:s14] =	ssyncadd.s32 $0xFFFFD800  }
0x39: {  	s28 =	simm.s32 $0x0;
	[bflag:$0x0] =	sbarrier.arrive $0xFFFF  }
0x3a: {  	[tilespmem:s16], [sflag:$0x1] =	stream.indirect.gather [hbm4b:s1+s17], $0x80, s28, s17, $0xb8;
	[tilespmem:$0x1C800] =	vst v63  }
0x3b: {  	s29 =	simm.s32 $0x80  }
0x3c: {  	[tilespmem:s18], [sflag:$0x2] =	stream.indirect.gather [hbm4b:s1+s17], $0x80, s29, s17, $0xb8;
	[tilespmem:$0x1C800] =	vst v63  }
0x3d: {  	_ =	swait.ge [sflag:s19], $0x4000  }
0x3e: {  	[sflag:s19] =	ssyncset.done $0x0  }
0x3f: {  	s30 =	simm.s32 $0x5000;
	[sflag:s19] =	ssyncadd.s32 $0xFFFFC000  }
0x40: {  	[spmem:s3] =	stream.indirect.scatter.add.f32 [tilespmem:s16], [sflag:$0x3], $0x80, s30, s17, $0xb8;
	[tilespmem:$0x1C800] =	vst v63  }
0x41: {  	_ =	swait.ge [sflag:s14], $0x4000  }
0x42: {  	[sflag:s14] =	ssyncset.done $0x0  }
0x43: {  	[sflag:s14] =	ssyncadd.s32 $0xFFFFC000  }
0x44: {  	_ =	swait.ge [sflag:s20], $0x4000  }
0x45: {  	[sflag:s20] =	ssyncset.done $0x0  }
0x46: {  	s31 =	simm.s32 $0x5080;
	[sflag:s20] =	ssyncadd.s32 $0xFFFFC000  }
0x47: {  	[spmem:s3] =	stream.indirect.scatter.add.f32 [tilespmem:s18], [sflag:$0x3], $0x80, s31, s17, $0xb8;
	[tilespmem:$0x1C800] =	vst v63  }
0x48: {  	_ =	swait.ge [sflag:s14], $0x4000  }
0x49: {  	s25 =	simm.s32 $0x400;
	s26 =	simm.s32 $0x800;
	[sflag:s14] =	ssyncset.done $0x0  }
.LBB2_4:
0x4a: {  	s28 =	sshra.s32 s25, $0x2  }
0x4b: {  	[sflag:s14] =	ssyncadd.s32 $0xFFFFC000;
	s25 =	smov.u32 s26;
	s29 =	sadd.s32 $0x400, s26  }
0x4c: {  	[tilespmem:s16], [sflag:$0x1] =	stream.indirect.gather [hbm4b:s1+s17], $0x80, s28, s17, $0xb8;
	[tilespmem:$0x1C800] =	vst v63  }
0x4d: {  	p2 =	sne.s32 s26, $0x13C00;
	s26 =	sadd.s32 $0x80, s28  }
0x4e: {  	[tilespmem:s18], [sflag:$0x2] =	stream.indirect.gather [hbm4b:s1+s17], $0x80, s26, s17, $0xb8;
	[tilespmem:$0x1C800] =	vst v63  }
0x4f: {  	_ =	swait.ge [sflag:s19], $0x4000  }
0x50: {  	[sflag:s19] =	ssyncset.done $0x0  }
0x51: {  	s26 =	sadd.s32 $0x5000, s28;
	[sflag:s19] =	ssyncadd.s32 $0xFFFFC000  }
0x52: {  	[spmem:s3] =	stream.indirect.scatter.add.f32 [tilespmem:s16], [sflag:$0x3], $0x80, s26, s17, $0xb8;
	[tilespmem:$0x1C800] =	vst v63  }
0x53: {  	_ =	swait.ge [sflag:s14], $0x4000  }
0x54: {  	[sflag:s14] =	ssyncset.done $0x0  }
0x55: {  	[sflag:s14] =	ssyncadd.s32 $0xFFFFC000  }
0x56: {  	_ =	swait.ge [sflag:s20], $0x4000  }
.Ltmp1:
0x57: {  	[sflag:s20] =	ssyncset.done $0x0;
	(pc) =	sbr.rel @p2 .LBB2_4-.Ltmp1, $4  }
0x58: {  	s26 =	sadd.s32 $0x5080, s28;
	[sflag:s20] =	ssyncadd.s32 $0xFFFFC000  }
0x59: {  	[spmem:s3] =	stream.indirect.scatter.add.f32 [tilespmem:s18], [sflag:$0x3], $0x80, s26, s17, $0xb8;
	[tilespmem:$0x1C800] =	vst v63  }
0x5a: {  	_ =	swait.ge [sflag:s14], $0x4000  }
0x5b: {  	s26 =	smov.u32 s29;
	[sflag:s14] =	ssyncset.done $0x0  }
0x5c: {  	s25 =	sshra.s32 s25, $0x2;
	[sflag:s14] =	ssyncadd.s32 $0xFFFFC000  }
0x5d: {  	[tilespmem:s16], [sflag:$0x1] =	stream.indirect.gather [hbm4b:s1+s17], $0x80, s25, s17, $0xb8;
	[tilespmem:$0x1C800] =	vst v63  }
0x5e: {  	s26 =	sadd.s32 $0x80, s25  }
0x5f: {  	[tilespmem:s18], [sflag:$0x2] =	stream.indirect.gather [hbm4b:s1+s17], $0x80, s26, s17, $0xb8;
	[tilespmem:$0x1C800] =	vst v63  }
0x60: {  	_ =	swait.ge [sflag:s19], $0x4000  }
0x61: {  	[sflag:s19] =	ssyncset.done $0x0  }
0x62: {  	s31 =	sadd.s32 $0x5000, s25;
	[sflag:s19] =	ssyncadd.s32 $0xFFFFC000  }
0x63: {  	[spmem:s3] =	stream.indirect.scatter.add.f32 [tilespmem:s16], [sflag:$0x3], $0x80, s31, s17, $0xb8;
	[tilespmem:$0x1C800] =	vst v63  }
0x64: {  	_ =	swait.ge [sflag:s14], $0x4000  }
0x65: {  	[sflag:s14] =	ssyncset.done $0x0  }
0x66: {  	[sflag:s14] =	ssyncadd.s32 $0xFFFFC000  }
0x67: {  	_ =	swait.ge [sflag:s20], $0x4000  }
0x68: {  	[sflag:s20] =	ssyncset.done $0x0  }
0x69: {  	s25 =	sadd.s32 $0x5080, s25;
	[sflag:s20] =	ssyncadd.s32 $0xFFFFC000  }
0x6a: {  	[spmem:s3] =	stream.indirect.scatter.add.f32 [tilespmem:s18], [sflag:$0x3], $0x80, s25, s17, $0xb8;
	[tilespmem:$0x1C800] =	vst v63  }
0x6b: {  	_ =	swait.ge [sflag:s14], $0x4000  }
0x6c: {  	[sflag:s14] =	ssyncset.done $0x0  }
0x6d: {  	s25 =	sshll.u32 @p0 s2, $0x6;
	[sflag:s14] =	ssyncadd.s32 $0xFFFFC000  }
0x6e: {  	s26 =	simm.s32 @p0 $0x3;
	s25 =	sor.u32 @p0 $0x1C03, s25;
	[bflag:$0x0] =	sbarrier.arrive $0xFFFF  }
0x6f: {  	[hbm:s8], [sflag:s25] =	dma.local @p0 [spmem:s21], $0x1300  }
0x70: {  	_ =	swait.ge @p0 [sflag:s26], $0x1300  }
0x71: {  	[sflag:s26] =	ssyncset.done @p0 $0x0  }
0x72: {  	[sflag:s26] =	ssyncadd.s32 @p0 $0xFFFFED00  }
0x73: {  	[hbm:s9], [sflag:s25] =	dma.local @!p1 [spmem:s22], $0x100  }
0x74: {  	s25 =	simm.s32 @!p1 $0x3  }
0x75: {  	_ =	swait.ge @!p1 [sflag:s25], $0x100  }
0x76: {  	s24 =	sadd.s32 $0x1, s24;
	s26 =	sshll.u32 @!p0 s2, $0x6;
	[sflag:s25] =	ssyncset.done @!p1 $0x0  }
0x77: {  	p2 =	sne.s32 s24, s11;
	[sflag:s25] =	ssyncadd.s32 @!p1 $0xFFFFFF00;
	s25 =	sor.u32 @!p0 $0x1C03, s26  }
0x78: {  	[hbm:s10], [sflag:s25] =	dma.local @!p0 [spmem:s23], $0x1400  }
.Ltmp2:
0x79: {  	_ = 	snop;
	(pc) =	sbr.rel @p2 .LBB2_1-.Ltmp2, $4  }
0x7a: {  	s25 =	simm.s32 @!p0 $0x3  }
0x7b: {  	_ =	swait.ge @!p0 [sflag:s25], $0x1400  }
0x7c: {  	[sflag:s25] =	ssyncset.done @!p0 $0x0  }
0x7d: {  	[sflag:s25] =	ssyncadd.s32 @!p0 $0xFFFFEC00  }
0x7e: {  	_ =	sfence.sel $0x180000  }
0x7f: {  	[bflag:$0x0] =	sbarrier.arrive $0xFFFF  }
0x80: {  	p0 =	sne.s32 s2, $0x0;
	_ =	strace $0x90000056  }
0x81: {  	s0 =	sadd.s32 @!p0 $0x100000, s0;
	[bflag:$0x2] =	sbarrier.arrive $0xFFFF  }
0x82: {  	[sflag:s0] =	ssyncadd.tile.s32 @!p0 $0x1;
	_ =	shalt  }
.Lfunc_end2:
_tile_overlayer_lowered:
.L_overlay_start_2:
0x83: {  	(tag) =	ssettag $0x2  }
0x84: {  	s0 =	rddreg [dreg:$0x0];
	s2 =	stileid.u32  }
0x85: {  	s1 =	rddreg [dreg:$0x1];
	p0 =	sne.s32 s2, $0x0  }
0x86: {  	s3 =	rddreg [dreg:$0x2];
	[bflag:$0x3] =	sbarrier.arrive $0xFFFF;
	s2 =	simm.s32 @!p0 $0x1C03  }
0x87: {  	[timem:s3], [sflag:s2] =	dma.local @!p0 [hbm:s0], s1  }
0x88: {  	s0 =	simm.s32 @!p0 $0x3  }
0x89: {  	_ =	swait.ge @!p0 [sflag:s0], s1  }
0x8a: {  	s1 =	ssub.s32 @!p0 $0x0, s1;
	[sflag:s0] =	ssyncset.done @!p0 $0x0  }
0x8b: {  	[sflag:s0] =	ssyncadd.s32 @!p0 s1  }
0x8c: {  	[bflag:$0x3] =	sbarrier.arrive $0xFFFF  }
0x8d: {  	_ =	shalt  }

// kernel: kernel.36.cloned.1.call-start
scs
__scs_entry_jumppad:
0x0: {  	(pc) =	sbr.rel $0x88, $3  }
0x1: {  	(tag) =	ssettag $0x0;
	lr =	simm.s32 $0x1  }
0x2: {  	[smem:$0x3F9A] =	sst lr;
	_ =	strace $0xD0000000  }
0x3: {  	_ = 	snop  }
0x4: {  	_ = 	snop  }
0x5: {  	_ = 	snop  }
0x6: {  	_ = 	snop  }
0x7: {  	_ = 	snop  }
__scs_overlays_trampoline_lowered:
0x8: {  	[smem:$0x3FA9] =	sst s0  }
0x9: {  	[smem:$0x3FAA] =	sst s1  }
0xa: {  	[smem:$0x3FAB] =	sst s2  }
0xb: {  	[smem:$0x3FAC] =	sst s3  }
0xc: {  	[smem:$0x3FAD] =	sst s4  }
0xd: {  	[smem:$0x3FAE] =	sst s5  }
0xe: {  	[smem:$0x3FAF] =	sst s6  }
0xf: {  	[smem:$0x3FB0] =	sst s7  }
0x10: {  	[smem:$0x3FB1] =	sst s8  }
0x11: {  	[smem:$0x3FB2] =	sst s9;
	s0 =	simm.s32 @!p0 $0x0  }
0x12: {  	s1 =	sld [smem:$0x3F98];
	s0 =	simm.s32 @p0 $0x1  }
0x13: {  	[smem:$0x3FB3] =	sst s0;
	s0 =	simm.s32 @!p1 $0x0  }
0x14: {  	s2 =	sld [smem:$0x3F97];
	s0 =	simm.s32 @p1 $0x1  }
0x15: {  	[smem:$0x3FB4] =	sst s0;
	s0 =	simm.s32 @!p2 $0x0  }
0x16: {  	s3 =	sld [smem:$0x3FDB];
	s0 =	simm.s32 @p2 $0x1  }
0x17: {  	s4 =	simm.s32 $0x1BF5;
	[smem:$0x3FB6] =	sst s0  }
0x18: {  	s0 =	sld [smem:$0x3F99];
	_ =	swait.ge [sflag:s4], $0x0  }
0x19: {  	s7 =	sld [smem:$0x3F9A]  }
0x1a: {  	s8 =	sadd.s32 $0xFFFFE003, lr  }
0x1b: {  	s9 =	sadd.s32 $0xFFFFFEF7, lr;
	s5 =	simm.s32 $0xFFFFFFFF;
	p2 =	slt.u32 s8, $0xFFFFF086  }
0x1c: {  	p1 =	slt.u32 s9, $0xF7A;
	s5 =	simm.s32 @!p2 $0x0  }
0x1d: {  	s5 =	simm.s32 @p1 $0x1;
	p0 =	seq.s32 s7, s2  }
0x1e: {  	s7 =	smul.u32 @!p0 $0xF7A, s2;
	p2 =	seq.s32 @!p0 s5, $0x0  }
0x1f: {  	s9 =	smul.u32 $0xF7A, s1;
	s8 =	simm.s32 @!p0 $0x1BF5;
	p2 =	por !p2, p0  }
0x20: {  	[sflag:s8] =	ssyncset.s32 @!p0 $0xFFFFF086;
	s6 =	sadd.s32 @!p0 s3, s7;
	s7 =	simm.s32 @!p0 $0x108  }
0x21: {  	s3 =	sadd.s32 s3, s9;
	s6 =	sadd.s32 @!p0 $0x88, s6;
	s7 =	simm.s32 @p2 $0x1082  }
0x22: {  	[simem:s7], [sflag:s8] =	dma.local @!p0 [hbm:s6], $0xF7A  }
0x23: {  	s9 =	sor.u32 $0xD0000000, s2;
	s6 =	simm.s32 $0x108;
	_ =	swait.ge @!p0 [sflag:s8], $0x0  }
0x24: {  	s3 =	sadd.s32 $0x88, s3;
	s6 =	simm.s32 @!p1 $0x1082;
	[sflag:s4] =	ssyncset.s32 $0xFFFFF086  }
0x25: {  	[simem:s6], [sflag:s4] =	dma.local [hbm:s3], $0xF7A  }
0x26: {  	[smem:$0x3F9A] =	sst s1;
	(tag) =	ssettag s2;
	_ =	strace s9  }
0x27: {  	s1 =	sld [smem:$0x3FAA]  }
0x28: {  	s2 =	sld [smem:$0x3FAB]  }
0x29: {  	s4 =	sld [smem:$0x3FAD]  }
0x2a: {  	p0 =	seq.s32 s5, $0x0;
	s5 =	sld [smem:$0x3FAE]  }
0x2b: {  	s6 =	sld [smem:$0x3FAF]  }
0x2c: {  	s7 =	sld [smem:$0x3FB0]  }
0x2d: {  	s3 =	simm.s32 $0x108;
	s8 =	sld [smem:$0x3FB1]  }
0x2e: {  	s3 =	simm.s32 @!p0 $0x1082;
	s9 =	sld [smem:$0x3FB2]  }
0x2f: {  	lr =	sadd.s32 s0, s3;
	s0 =	sld [smem:$0x3FA9]  }
0x30: {  	s3 =	sld [smem:$0x3FAC]  }
0x31: {  	[smem:$0x3FB5] =	sst s10  }
0x32: {  	s10 =	sld [smem:$0x3FB3];
	_ =	sdelay $0x3  }
0x33: {  	p0 =	seq.s32 s10, $0x1;
	s10 =	sld [smem:$0x3FB5];
	_ =	sdelay $0x3  }
0x34: {  	[smem:$0x3FB5] =	sst s10  }
0x35: {  	s10 =	sld [smem:$0x3FB4];
	_ =	sdelay $0x3  }
0x36: {  	p1 =	seq.s32 s10, $0x1;
	s10 =	sld [smem:$0x3FB5];
	_ =	sdelay $0x3  }
0x37: {  	[smem:$0x3FB5] =	sst s10  }
0x38: {  	s10 =	sld [smem:$0x3FB6]  }
0x39: {  	_ = 	snop;
	(pc) =	sbr.ind lr, $3  }
0x3a: {  	_ = 	snop  }
0x3b: {  	_ = 	snop  }
0x3c: {  	p2 =	seq.s32 s10, $0x1;
	s10 =	sld [smem:$0x3FB5]  }
0x3d: {  	_ =	shalt  }
0x3e: {  	_ =	shalt  }
0x3f: {  	_ =	shalt  }
0x40: {  	_ =	shalt  }
0x41: {  	_ =	shalt  }
0x42: {  	_ =	shalt  }
0x43: {  	_ =	shalt  }
0x44: {  	_ =	shalt  }
0x45: {  	_ =	shalt  }
0x46: {  	_ =	shalt  }
0x47: {  	_ =	shalt  }
0x48: {  	_ =	shalt  }
0x49: {  	_ =	shalt  }
0x4a: {  	_ =	shalt  }
0x4b: {  	_ =	shalt  }
0x4c: {  	_ =	shalt  }
0x4d: {  	_ =	shalt  }
0x4e: {  	_ =	shalt  }
0x4f: {  	_ =	shalt  }
0x50: {  	_ =	shalt  }
0x51: {  	_ =	shalt  }
0x52: {  	_ =	shalt  }
0x53: {  	_ =	shalt  }
0x54: {  	_ =	shalt  }
0x55: {  	_ =	shalt  }
0x56: {  	_ =	shalt  }
0x57: {  	_ =	shalt  }
0x58: {  	_ =	shalt  }
0x59: {  	_ =	shalt  }
0x5a: {  	_ =	shalt  }
0x5b: {  	_ =	shalt  }
0x5c: {  	_ =	shalt  }
0x5d: {  	_ =	shalt  }
0x5e: {  	_ =	shalt  }
0x5f: {  	_ =	shalt  }
0x60: {  	_ =	shalt  }
0x61: {  	_ =	shalt  }
0x62: {  	_ =	shalt  }
0x63: {  	_ =	shalt  }
0x64: {  	_ =	shalt  }
0x65: {  	_ =	shalt  }
0x66: {  	_ =	shalt  }
0x67: {  	_ =	shalt  }
0x68: {  	_ =	shalt  }
0x69: {  	_ =	shalt  }
0x6a: {  	_ =	shalt  }
0x6b: {  	_ =	shalt  }
0x6c: {  	_ =	shalt  }
0x6d: {  	_ =	shalt  }
0x6e: {  	_ =	shalt  }
0x6f: {  	_ =	shalt  }
0x70: {  	_ =	shalt  }
0x71: {  	_ =	shalt  }
0x72: {  	_ =	shalt  }
0x73: {  	_ =	shalt  }
0x74: {  	_ =	shalt  }
0x75: {  	_ =	shalt  }
0x76: {  	_ =	shalt  }
0x77: {  	_ =	shalt  }
0x78: {  	_ =	shalt  }
0x79: {  	_ =	shalt  }
0x7a: {  	_ =	shalt  }
0x7b: {  	_ =	shalt  }
0x7c: {  	_ =	shalt  }
0x7d: {  	_ =	shalt  }
0x7e: {  	_ =	shalt  }
0x7f: {  	_ =	shalt  }
0x80: {  	_ =	shalt  }
0x81: {  	_ =	shalt  }
0x82: {  	_ =	shalt  }
0x83: {  	_ =	shalt  }
0x84: {  	_ =	shalt  }
0x85: {  	_ =	shalt  }
0x86: {  	_ =	shalt  }
0x87: {  	_ =	shalt  }
.Lfunc_end0:
.L_simem_size_0:
called_computation.6_lowered:
.L_overlay_start_0:
0x88: {  	s2 =	sld [smem:$0x3FD9]  }
0x89: {  	s3 =	sld [smem:$0x3FFE];
	_ =	sdelay $0x1  }
0x8a: {  	s1 =	srdreg.scid  }
0x8b: {  	s0 =	sand.u32 $0x1, s1  }
0x8c: {  	s17 =	sshll.u32 s0, $0xA;
	s2 =	sadd.s32 s3, s2  }
0x8d: {  	s2 =	sadd.s32 s2, s17  }
0x8e: {  	[smem:$0x3FC1] =	sst s2  }
0x8f: {  	_ = 	snop  }
0x90: {  	s2 =	sld [smem:$0x3FD0];
	(tm) =	ssettm $0x1  }
0x91: {  	s18 =	sld [smem:$0x3FFB];
	_ =	sdelay $0x3  }
0x92: {  	_ =	strace s18  }
0x93: {  	s3 =	sld [smem:$0x3FFC];
	_ =	sdelay $0x3  }
0x94: {  	_ =	strace s3  }
0x95: {  	s3 =	sld [smem:$0x3FFD];
	_ =	sdelay $0x3  }
0x96: {  	_ =	strace s3  }
0x97: {  	_ =	strace $0x8FFFFFFF  }
0x98: {  	s19 =	sld [smem:$0x3FDB];
	_ =	sdelay $0x1  }
0x99: {  	s4 =	simm.s32 $_scs_section_size  }
0x9a: {  	s5 =	simm.s32 $_size__tile_overlayer_lowered;
	s6 =	simm.s32 $_tile_overlayer_lowered  }
0x9b: {  	s22 =	simm.s32 $0x1BFF;
	s21 =	sshll.u32 s6, $0x1;
	s3 =	sadd.s32 s4, s19  }
0x9c: {  	s7 =	simm.s32 $0x0;
	s20 =	sshll.u32 s5, $0x1;
	s5 =	sadd.s32 s21, s3  }
0x9d: {  	[timem:s7], [sflag:s22] =	dma.local [hbm:s5], s20  }
0x9e: {  	_ =	swait.ge [sflag:s22], s20  }
0x9f: {  	s4 =	ssub.s32 $0x0, s20;
	[sflag:s22] =	ssyncset.done $0x0  }
0xa0: {  	[sflag:s22] =	ssyncadd.s32 s4;
	_ =	sdelay $0x1  }
0xa1: {  	s23 =	simm.s32 $0x1B8B  }
0xa2: {  	_ =	swait.ge [sflag:s23], $0x1  }
0xa3: {  	[sflag:s23] =	ssyncset.done $0x0  }
0xa4: {  	s25 =	simm.s32 $0x1B8E;
	s24 =	sld [smem:$0x3FFE];
	[sflag:s23] =	ssyncadd.s32 $0xFFFFFFFF  }
0xa5: {  	s26 =	simm.s32 $execute0_lowered;
	[smem:$0x3FD2] =	sst s25  }
0xa6: {  	s5 =	sshll.u32 s26, $0x1;
	_ =	strace $0x80000058;
	[dreg:$0x1] =	wrdreg $0xFFFFFFFF  }
0xa7: {  	s28 =	simm.s32 $_size_execute0_lowered;
	s3 =	sadd.s32 s3, s5;
	[dreg:$0x0] =	wrdreg $0x0  }
0xa8: {  	s5 =	sshll.u32 s28, $0x1;
	[dreg:$0x2] =	wrdreg s3  }
0xa9: {  	[dreg:$0x3] =	wrdreg s5  }
0xaa: {  	[dreg:$0x4] =	wrdreg $0xC0  }
0xab: {  	_ =	task [dreg:s7], $0x5FFFF  }
0xac: {  	[dreg:$0x1] =	wrdreg $0xFFFFFFFF  }
0xad: {  	[dreg:$0x0] =	wrdreg $0x60  }
0xae: {  	[dreg:$0x2] =	wrdreg s2  }
0xaf: {  	[dreg:$0x3] =	wrdreg s24  }
0xb0: {  	[dreg:$0x4] =	wrdreg $0x120000  }
0xb1: {  	[dreg:$0x5] =	wrdreg $0x9  }
0xb2: {  	_ =	task.clear_ibuf [dreg:s7], $0x6FFFF;
	_ =	strace $0x90000058  }
0xb3: {  	s29 =	simm.s32 $0x9;
	_ =	strace $0x8000005A  }
0xb4: {  	_ =	swait.ge [sflag:s29], $0x1  }
0xb5: {  	[sflag:s29] =	ssyncadd.s32 $0xFFFFFFFF  }
0xb6: {  	_ =	strace $0x9000005A  }
0xb7: {  	_ =	sfence  }
0xb8: {  	s30 =	sld [smem:$0x0];
	_ =	sdelay $0x2  }
0xb9: {  	s31 =	sshll.u32 s1, $0xD;
	s1 =	sshrl.u32 s1, $0x2  }
0xba: {  	s3 =	sand.u32 $0x4000, s31;
	s1 =	sadd.s32 s1, s30  }
0xbb: {  	s0 =	sor.u32 s3, s0;
	s1 =	sshll.u32 s1, $0x11  }
0xbc: {  	s0 =	sor.u32 s1, s0  }
0xbd: {  	s0 =	sadd.s32 $0x8F2B, s0  }
0xbe: {  	[sflag:s0] =	ssyncadd.remote.s32 $0x1  }
0xbf: {  	_ =	sfence.sel $0xFFFF  }
0xc0: {  	[dreg:$0x0] =	wrdreg $0xFFFFFFFF;
	(pc) =	sbr.abs _section_cstart, $3  }
0xc1: {  	[dreg:$0x1] =	wrdreg $0xFFFFFFFF  }
0xc2: {  	_ =	task.clear_ibuf [dreg:s7], $0x2FFFF;
	_ =	strace $0x9FFFFFFF  }
0xc3: {  	(tm) =	ssettm $0x7FFFFFFF  }
tec
execute0_lowered:
.L_overlay_start_1:
0x0: {  	(tag) =	ssettag $0x1  }
0x1: {  	s1 =	rddreg [dreg:$0x0]  }
0x2: {  	s9 =	rddreg [dreg:$0x1]  }
0x3: {  	s3 =	rddreg [dreg:$0x2];
	s2 =	stileid.u32  }
0x4: {  	s0 =	rddreg [dreg:$0x3];
	s4 =	simm.s32 $0x0;
	s6 =	smul.u32 $0xA00, s2  }
0x5: {  	s5 =	srdreg.scid;
	s15 =	simm.s32 $0x5000;
	s7 =	smul.u32 $0x2A000, s2  }
0x6: {  	s16 =	simm.s32 $0xA000;
	s17 =	simm.s32 $0x80;
	s8 =	smul.u32 $0x9800, s2  }
0x7: {  	s19 =	simm.s32 $0x1;
	s20 =	simm.s32 $0x2;
	s12 =	smul.u32 $0x26000, s2  }
0x8: {  	s24 =	simm.s32 $0x0;
	[smem:$0x7FF] =	sst s4;
	s14 =	smul.u32 $0x28000, s2  }
0x9: {  	s18 =	sand.u32 $0x1, s5;
	s10 =	sadd.s32 $0x2C400, s9;
	s31 =	smul.u32 $0x1400, s2  }
0xa: {  	s22 =	sadd.s32 $0x98000, s3;
	_ =	strace $0x80000059;
	s5 =	ssub.s32 $0x2, s18  }
0xb: {  	p0 =	seq.s32 s18, $0x0;
	s13 =	sadd.s32 s6, s9;
	s29 =	sshrl.u32 s5, $0x1  }
0xc: {  	s30 =	sshrl.u32 s7, $0x2;
	s8 =	sshrl.u32 s8, $0x3;
	s12 =	sshrl.u32 s12, $0x2  }
0xd: {  	s9 =	sadd.s32 $0x53400, s9;
	s14 =	sshrl.u32 s14, $0x2;
	s11 =	ssub.s32 s5, s29  }
0xe: {  	s5 =	sadd.s32 $0x4400, s13;
	s6 =	sadd.s32 s30, s3;
	s8 =	sadd.s32 s10, s8  }
0xf: {  	s21 =	sadd.s32 s12, s3;
	s23 =	sadd.s32 s14, s3;
	s10 =	sadd.s32 s10, s31  }
0x10: {  	s14 =	simm.s32 $0x22400;
	s7 =	sadd.s32 $0x8000, s6;
	s8 =	sadd.s32 $0x14000, s8  }
0x11: {  	s11 =	smax.u32 s11, $0x1;
	s14 =	simm.s32 @!p0 $0x18400;
	p0 =	sne.s32 s18, $0x0  }
0x12: {  	s12 =	sadd.s32 $0x4000, s6;
	s18 =	simm.s32 $0xE000;
	p1 =	sne.s32 @p0 s2, $0xF  }
0x13: {  	s13 =	sadd.s32 s14, s13;
	s14 =	simm.s32 $0x3;
	p1 =	por p1, !p0  }
0x14: {  	v0 =	vimm.f32 $0.0e+00;
	s21 =	sshrl.u32 @p0 s21, $0x3;
	s23 =	sshrl.u32 @!p0 s23, $0x3;
	s22 =	sshrl.u32 @!p1 s22, $0x3  }
.LBB2_1:
0x15: {  	[tilespmem:s4], [sflag:$0x3] =	stream.linear.gather [hbm4b:s5+s4], $0x5000, $0x38;
	[tilespmem:$0x1C800] =	vst v63  }
0x16: {  	_ =	swait.ge [sflag:s14], $0x5000  }
0x17: {  	[sflag:s14] =	ssyncset.done $0x0  }
0x18: {  	[sflag:s14] =	ssyncadd.s32 $0xFFFFB000  }
0x19: {  	[tilespmem:s15], [sflag:$0x3] =	stream.linear.gather [hbm4b:s13+s4], $0x5000, $0x38;
	[tilespmem:$0x1C800] =	vst v63  }
0x1a: {  	_ =	swait.ge [sflag:s14], $0x5000  }
0x1b: {  	[sflag:s14] =	ssyncset.done $0x0  }
0x1c: {  	s25 =	simm.s32 $0x0;
	s26 =	simm.s32 $0x200;
	[sflag:s14] =	ssyncadd.s32 $0xFFFFB000  }
.LBB2_2:
0x1d: {  	p2 =	sne.s32 s26, $0xFE00;
	[tilespmem:s25+$0xA070] =	vst v0  }
0x1e: {  	[tilespmem:s25+$0xA000] =	vst v0  }
0x1f: {  	[tilespmem:s25+$0xA010] =	vst v0  }
.Ltmp0:
0x20: {  	[tilespmem:s25+$0xA020] =	vst v0;
	(pc) =	sbr.rel @p2 .LBB2_2-.Ltmp0, $4  }
0x21: {  	[tilespmem:s25+$0xA030] =	vst v0  }
0x22: {  	[tilespmem:s25+$0xA040] =	vst v0  }
0x23: {  	[tilespmem:s25+$0xA050] =	vst v0  }
0x24: {  	[tilespmem:s25+$0xA060] =	vst v0;
	s25 =	sshra.s32 s26, $0x2;
	s26 =	sadd.s32 $0x200, s26  }
0x25: {  	[tilespmem:s25+$0xA070] =	vst v0  }
0x26: {  	[tilespmem:s25+$0xA000] =	vst v0  }
0x27: {  	[tilespmem:s25+$0xA010] =	vst v0  }
0x28: {  	[tilespmem:s25+$0xA020] =	vst v0  }
0x29: {  	[tilespmem:s25+$0xA030] =	vst v0  }
0x2a: {  	[tilespmem:s25+$0xA040] =	vst v0  }
0x2b: {  	[tilespmem:s25+$0xA050] =	vst v0  }
0x2c: {  	[tilespmem:s25+$0xA060] =	vst v0  }
0x2d: {  	[spmem:s6] =	stream.linear.scatter [tilespmem:s16], [sflag:$0x3], $0x4000, $0x38;
	[tilespmem:$0x1C800] =	vst v63  }
0x2e: {  	_ =	swait.ge [sflag:s14], $0x4000  }
0x2f: {  	[sflag:s14] =	ssyncset.done $0x0  }
0x30: {  	[sflag:s14] =	ssyncadd.s32 $0xFFFFC000  }
0x31: {  	[spmem:s12] =	stream.linear.scatter [tilespmem:s16], [sflag:$0x3], $0x4000, $0x38;
	[tilespmem:$0x1C800] =	vst v63  }
0x32: {  	_ =	swait.ge [sflag:s14], $0x4000  }
0x33: {  	[sflag:s14] =	ssyncset.done $0x0  }
0x34: {  	[sflag:s14] =	ssyncadd.s32 $0xFFFFC000  }
0x35: {  	[spmem:s7] =	stream.linear.scatter [tilespmem:s16], [sflag:$0x3], $0x2800, $0x38;
	[tilespmem:$0x1C800] =	vst v63  }
0x36: {  	_ =	swait.ge [sflag:s14], $0x2800  }
0x37: {  	[sflag:s14] =	ssyncset.done $0x0  }
0x38: {  	[sflag:s14] =	ssyncadd.s32 $0xFFFFD800  }
0x39: {  	s28 =	simm.s32 $0x0;
	[bflag:$0x0] =	sbarrier.arrive $0xFFFF  }
0x3a: {  	[tilespmem:s16], [sflag:$0x1] =	stream.indirect.gather [hbm4b:s1+s17], $0x80, s28, s17, $0xb8;
	[tilespmem:$0x1C800] =	vst v63  }
0x3b: {  	s29 =	simm.s32 $0x80  }
0x3c: {  	[tilespmem:s18], [sflag:$0x2] =	stream.indirect.gather [hbm4b:s1+s17], $0x80, s29, s17, $0xb8;
	[tilespmem:$0x1C800] =	vst v63  }
0x3d: {  	_ =	swait.ge [sflag:s19], $0x4000  }
0x3e: {  	[sflag:s19] =	ssyncset.done $0x0  }
0x3f: {  	s30 =	simm.s32 $0x5000;
	[sflag:s19] =	ssyncadd.s32 $0xFFFFC000  }
0x40: {  	[spmem:s3] =	stream.indirect.scatter.add.f32 [tilespmem:s16], [sflag:$0x3], $0x80, s30, s17, $0xb8;
	[tilespmem:$0x1C800] =	vst v63  }
0x41: {  	_ =	swait.ge [sflag:s14], $0x4000  }
0x42: {  	[sflag:s14] =	ssyncset.done $0x0  }
0x43: {  	[sflag:s14] =	ssyncadd.s32 $0xFFFFC000  }
0x44: {  	_ =	swait.ge [sflag:s20], $0x4000  }
0x45: {  	[sflag:s20] =	ssyncset.done $0x0  }
0x46: {  	s31 =	simm.s32 $0x5080;
	[sflag:s20] =	ssyncadd.s32 $0xFFFFC000  }
0x47: {  	[spmem:s3] =	stream.indirect.scatter.add.f32 [tilespmem:s18], [sflag:$0x3], $0x80, s31, s17, $0xb8;
	[tilespmem:$0x1C800] =	vst v63  }
0x48: {  	_ =	swait.ge [sflag:s14], $0x4000  }
0x49: {  	s25 =	simm.s32 $0x400;
	s26 =	simm.s32 $0x800;
	[sflag:s14] =	ssyncset.done $0x0  }
.LBB2_4:
0x4a: {  	s28 =	sshra.s32 s25, $0x2  }
0x4b: {  	[sflag:s14] =	ssyncadd.s32 $0xFFFFC000;
	s25 =	smov.u32 s26;
	s29 =	sadd.s32 $0x400, s26  }
0x4c: {  	[tilespmem:s16], [sflag:$0x1] =	stream.indirect.gather [hbm4b:s1+s17], $0x80, s28, s17, $0xb8;
	[tilespmem:$0x1C800] =	vst v63  }
0x4d: {  	p2 =	sne.s32 s26, $0x13C00;
	s26 =	sadd.s32 $0x80, s28  }
0x4e: {  	[tilespmem:s18], [sflag:$0x2] =	stream.indirect.gather [hbm4b:s1+s17], $0x80, s26, s17, $0xb8;
	[tilespmem:$0x1C800] =	vst v63  }
0x4f: {  	_ =	swait.ge [sflag:s19], $0x4000  }
0x50: {  	[sflag:s19] =	ssyncset.done $0x0  }
0x51: {  	s26 =	sadd.s32 $0x5000, s28;
	[sflag:s19] =	ssyncadd.s32 $0xFFFFC000  }
0x52: {  	[spmem:s3] =	stream.indirect.scatter.add.f32 [tilespmem:s16], [sflag:$0x3], $0x80, s26, s17, $0xb8;
	[tilespmem:$0x1C800] =	vst v63  }
0x53: {  	_ =	swait.ge [sflag:s14], $0x4000  }
0x54: {  	[sflag:s14] =	ssyncset.done $0x0  }
0x55: {  	[sflag:s14] =	ssyncadd.s32 $0xFFFFC000  }
0x56: {  	_ =	swait.ge [sflag:s20], $0x4000  }
.Ltmp1:
0x57: {  	[sflag:s20] =	ssyncset.done $0x0;
	(pc) =	sbr.rel @p2 .LBB2_4-.Ltmp1, $4  }
0x58: {  	s26 =	sadd.s32 $0x5080, s28;
	[sflag:s20] =	ssyncadd.s32 $0xFFFFC000  }
0x59: {  	[spmem:s3] =	stream.indirect.scatter.add.f32 [tilespmem:s18], [sflag:$0x3], $0x80, s26, s17, $0xb8;
	[tilespmem:$0x1C800] =	vst v63  }
0x5a: {  	_ =	swait.ge [sflag:s14], $0x4000  }
0x5b: {  	s26 =	smov.u32 s29;
	[sflag:s14] =	ssyncset.done $0x0  }
0x5c: {  	s25 =	sshra.s32 s25, $0x2;
	[sflag:s14] =	ssyncadd.s32 $0xFFFFC000  }
0x5d: {  	[tilespmem:s16], [sflag:$0x1] =	stream.indirect.gather [hbm4b:s1+s17], $0x80, s25, s17, $0xb8;
	[tilespmem:$0x1C800] =	vst v63  }
0x5e: {  	s26 =	sadd.s32 $0x80, s25  }
0x5f: {  	[tilespmem:s18], [sflag:$0x2] =	stream.indirect.gather [hbm4b:s1+s17], $0x80, s26, s17, $0xb8;
	[tilespmem:$0x1C800] =	vst v63  }
0x60: {  	_ =	swait.ge [sflag:s19], $0x4000  }
0x61: {  	[sflag:s19] =	ssyncset.done $0x0  }
0x62: {  	s31 =	sadd.s32 $0x5000, s25;
	[sflag:s19] =	ssyncadd.s32 $0xFFFFC000  }
0x63: {  	[spmem:s3] =	stream.indirect.scatter.add.f32 [tilespmem:s16], [sflag:$0x3], $0x80, s31, s17, $0xb8;
	[tilespmem:$0x1C800] =	vst v63  }
0x64: {  	_ =	swait.ge [sflag:s14], $0x4000  }
0x65: {  	[sflag:s14] =	ssyncset.done $0x0  }
0x66: {  	[sflag:s14] =	ssyncadd.s32 $0xFFFFC000  }
0x67: {  	_ =	swait.ge [sflag:s20], $0x4000  }
0x68: {  	[sflag:s20] =	ssyncset.done $0x0  }
0x69: {  	s25 =	sadd.s32 $0x5080, s25;
	[sflag:s20] =	ssyncadd.s32 $0xFFFFC000  }
0x6a: {  	[spmem:s3] =	stream.indirect.scatter.add.f32 [tilespmem:s18], [sflag:$0x3], $0x80, s25, s17, $0xb8;
	[tilespmem:$0x1C800] =	vst v63  }
0x6b: {  	_ =	swait.ge [sflag:s14], $0x4000  }
0x6c: {  	[sflag:s14] =	ssyncset.done $0x0  }
0x6d: {  	s25 =	sshll.u32 @p0 s2, $0x6;
	[sflag:s14] =	ssyncadd.s32 $0xFFFFC000  }
0x6e: {  	s26 =	simm.s32 @p0 $0x3;
	s25 =	sor.u32 @p0 $0x1C03, s25;
	[bflag:$0x0] =	sbarrier.arrive $0xFFFF  }
0x6f: {  	[hbm:s8], [sflag:s25] =	dma.local @p0 [spmem:s21], $0x1300  }
0x70: {  	_ =	swait.ge @p0 [sflag:s26], $0x1300  }
0x71: {  	[sflag:s26] =	ssyncset.done @p0 $0x0  }
0x72: {  	[sflag:s26] =	ssyncadd.s32 @p0 $0xFFFFED00  }
0x73: {  	[hbm:s9], [sflag:s25] =	dma.local @!p1 [spmem:s22], $0x100  }
0x74: {  	s25 =	simm.s32 @!p1 $0x3  }
0x75: {  	_ =	swait.ge @!p1 [sflag:s25], $0x100  }
0x76: {  	s24 =	sadd.s32 $0x1, s24;
	s26 =	sshll.u32 @!p0 s2, $0x6;
	[sflag:s25] =	ssyncset.done @!p1 $0x0  }
0x77: {  	p2 =	sne.s32 s24, s11;
	[sflag:s25] =	ssyncadd.s32 @!p1 $0xFFFFFF00;
	s25 =	sor.u32 @!p0 $0x1C03, s26  }
0x78: {  	[hbm:s10], [sflag:s25] =	dma.local @!p0 [spmem:s23], $0x1400  }
.Ltmp2:
0x79: {  	_ = 	snop;
	(pc) =	sbr.rel @p2 .LBB2_1-.Ltmp2, $4  }
0x7a: {  	s25 =	simm.s32 @!p0 $0x3  }
0x7b: {  	_ =	swait.ge @!p0 [sflag:s25], $0x1400  }
0x7c: {  	[sflag:s25] =	ssyncset.done @!p0 $0x0  }
0x7d: {  	[sflag:s25] =	ssyncadd.s32 @!p0 $0xFFFFEC00  }
0x7e: {  	_ =	sfence.sel $0x180000  }
0x7f: {  	[bflag:$0x0] =	sbarrier.arrive $0xFFFF  }
0x80: {  	p0 =	sne.s32 s2, $0x0;
	_ =	strace $0x90000059  }
0x81: {  	s0 =	sadd.s32 @!p0 $0x100000, s0;
	[bflag:$0x2] =	sbarrier.arrive $0xFFFF  }
0x82: {  	[sflag:s0] =	ssyncadd.tile.s32 @!p0 $0x1;
	_ =	shalt  }
.Lfunc_end2:
_tile_overlayer_lowered:
.L_overlay_start_2:
0x83: {  	(tag) =	ssettag $0x2  }
0x84: {  	s0 =	rddreg [dreg:$0x0];
	s2 =	stileid.u32  }
0x85: {  	s1 =	rddreg [dreg:$0x1];
	p0 =	sne.s32 s2, $0x0  }
0x86: {  	s3 =	rddreg [dreg:$0x2];
	[bflag:$0x3] =	sbarrier.arrive $0xFFFF;
	s2 =	simm.s32 @!p0 $0x1C03  }
0x87: {  	[timem:s3], [sflag:s2] =	dma.local @!p0 [hbm:s0], s1  }
0x88: {  	s0 =	simm.s32 @!p0 $0x3  }
0x89: {  	_ =	swait.ge @!p0 [sflag:s0], s1  }
0x8a: {  	s1 =	ssub.s32 @!p0 $0x0, s1;
	[sflag:s0] =	ssyncset.done @!p0 $0x0  }
0x8b: {  	[sflag:s0] =	ssyncadd.s32 @!p0 s1  }
0x8c: {  	[bflag:$0x3] =	sbarrier.arrive $0xFFFF  }
0x8d: {  	_ =	shalt  }

// kernel: kernel.39.cloned.1.call-start
scs
__scs_entry_jumppad:
0x0: {  	(pc) =	sbr.rel $0x88, $3  }
0x1: {  	(tag) =	ssettag $0x0;
	lr =	simm.s32 $0x1  }
0x2: {  	[smem:$0x3F9A] =	sst lr;
	_ =	strace $0xD0000000  }
0x3: {  	_ = 	snop  }
0x4: {  	_ = 	snop  }
0x5: {  	_ = 	snop  }
0x6: {  	_ = 	snop  }
0x7: {  	_ = 	snop  }
__scs_overlays_trampoline_lowered:
0x8: {  	[smem:$0x3FA9] =	sst s0  }
0x9: {  	[smem:$0x3FAA] =	sst s1  }
0xa: {  	[smem:$0x3FAB] =	sst s2  }
0xb: {  	[smem:$0x3FAC] =	sst s3  }
0xc: {  	[smem:$0x3FAD] =	sst s4  }
0xd: {  	[smem:$0x3FAE] =	sst s5  }
0xe: {  	[smem:$0x3FAF] =	sst s6  }
0xf: {  	[smem:$0x3FB0] =	sst s7  }
0x10: {  	[smem:$0x3FB1] =	sst s8  }
0x11: {  	[smem:$0x3FB2] =	sst s9;
	s0 =	simm.s32 @!p0 $0x0  }
0x12: {  	s1 =	sld [smem:$0x3F98];
	s0 =	simm.s32 @p0 $0x1  }
0x13: {  	[smem:$0x3FB3] =	sst s0;
	s0 =	simm.s32 @!p1 $0x0  }
0x14: {  	s2 =	sld [smem:$0x3F97];
	s0 =	simm.s32 @p1 $0x1  }
0x15: {  	[smem:$0x3FB4] =	sst s0;
	s0 =	simm.s32 @!p2 $0x0  }
0x16: {  	s3 =	sld [smem:$0x3FDB];
	s0 =	simm.s32 @p2 $0x1  }
0x17: {  	s4 =	simm.s32 $0x1BF5;
	[smem:$0x3FB6] =	sst s0  }
0x18: {  	s0 =	sld [smem:$0x3F99];
	_ =	swait.ge [sflag:s4], $0x0  }
0x19: {  	s7 =	sld [smem:$0x3F9A]  }
0x1a: {  	s8 =	sadd.s32 $0xFFFFE003, lr  }
0x1b: {  	s9 =	sadd.s32 $0xFFFFFEF7, lr;
	s5 =	simm.s32 $0xFFFFFFFF;
	p2 =	slt.u32 s8, $0xFFFFF086  }
0x1c: {  	p1 =	slt.u32 s9, $0xF7A;
	s5 =	simm.s32 @!p2 $0x0  }
0x1d: {  	s5 =	simm.s32 @p1 $0x1;
	p0 =	seq.s32 s7, s2  }
0x1e: {  	s7 =	smul.u32 @!p0 $0xF7A, s2;
	p2 =	seq.s32 @!p0 s5, $0x0  }
0x1f: {  	s9 =	smul.u32 $0xF7A, s1;
	s8 =	simm.s32 @!p0 $0x1BF5;
	p2 =	por !p2, p0  }
0x20: {  	[sflag:s8] =	ssyncset.s32 @!p0 $0xFFFFF086;
	s6 =	sadd.s32 @!p0 s3, s7;
	s7 =	simm.s32 @!p0 $0x108  }
0x21: {  	s3 =	sadd.s32 s3, s9;
	s6 =	sadd.s32 @!p0 $0x88, s6;
	s7 =	simm.s32 @p2 $0x1082  }
0x22: {  	[simem:s7], [sflag:s8] =	dma.local @!p0 [hbm:s6], $0xF7A  }
0x23: {  	s9 =	sor.u32 $0xD0000000, s2;
	s6 =	simm.s32 $0x108;
	_ =	swait.ge @!p0 [sflag:s8], $0x0  }
0x24: {  	s3 =	sadd.s32 $0x88, s3;
	s6 =	simm.s32 @!p1 $0x1082;
	[sflag:s4] =	ssyncset.s32 $0xFFFFF086  }
0x25: {  	[simem:s6], [sflag:s4] =	dma.local [hbm:s3], $0xF7A  }
0x26: {  	[smem:$0x3F9A] =	sst s1;
	(tag) =	ssettag s2;
	_ =	strace s9  }
0x27: {  	s1 =	sld [smem:$0x3FAA]  }
0x28: {  	s2 =	sld [smem:$0x3FAB]  }
0x29: {  	s4 =	sld [smem:$0x3FAD]  }
0x2a: {  	p0 =	seq.s32 s5, $0x0;
	s5 =	sld [smem:$0x3FAE]  }
0x2b: {  	s6 =	sld [smem:$0x3FAF]  }
0x2c: {  	s7 =	sld [smem:$0x3FB0]  }
0x2d: {  	s3 =	simm.s32 $0x108;
	s8 =	sld [smem:$0x3FB1]  }
0x2e: {  	s3 =	simm.s32 @!p0 $0x1082;
	s9 =	sld [smem:$0x3FB2]  }
0x2f: {  	lr =	sadd.s32 s0, s3;
	s0 =	sld [smem:$0x3FA9]  }
0x30: {  	s3 =	sld [smem:$0x3FAC]  }
0x31: {  	[smem:$0x3FB5] =	sst s10  }
0x32: {  	s10 =	sld [smem:$0x3FB3];
	_ =	sdelay $0x3  }
0x33: {  	p0 =	seq.s32 s10, $0x1;
	s10 =	sld [smem:$0x3FB5];
	_ =	sdelay $0x3  }
0x34: {  	[smem:$0x3FB5] =	sst s10  }
0x35: {  	s10 =	sld [smem:$0x3FB4];
	_ =	sdelay $0x3  }
0x36: {  	p1 =	seq.s32 s10, $0x1;
	s10 =	sld [smem:$0x3FB5];
	_ =	sdelay $0x3  }
0x37: {  	[smem:$0x3FB5] =	sst s10  }
0x38: {  	s10 =	sld [smem:$0x3FB6]  }
0x39: {  	_ = 	snop;
	(pc) =	sbr.ind lr, $3  }
0x3a: {  	_ = 	snop  }
0x3b: {  	_ = 	snop  }
0x3c: {  	p2 =	seq.s32 s10, $0x1;
	s10 =	sld [smem:$0x3FB5]  }
0x3d: {  	_ =	shalt  }
0x3e: {  	_ =	shalt  }
0x3f: {  	_ =	shalt  }
0x40: {  	_ =	shalt  }
0x41: {  	_ =	shalt  }
0x42: {  	_ =	shalt  }
0x43: {  	_ =	shalt  }
0x44: {  	_ =	shalt  }
0x45: {  	_ =	shalt  }
0x46: {  	_ =	shalt  }
0x47: {  	_ =	shalt  }
0x48: {  	_ =	shalt  }
0x49: {  	_ =	shalt  }
0x4a: {  	_ =	shalt  }
0x4b: {  	_ =	shalt  }
0x4c: {  	_ =	shalt  }
0x4d: {  	_ =	shalt  }
0x4e: {  	_ =	shalt  }
0x4f: {  	_ =	shalt  }
0x50: {  	_ =	shalt  }
0x51: {  	_ =	shalt  }
0x52: {  	_ =	shalt  }
0x53: {  	_ =	shalt  }
0x54: {  	_ =	shalt  }
0x55: {  	_ =	shalt  }
0x56: {  	_ =	shalt  }
0x57: {  	_ =	shalt  }
0x58: {  	_ =	shalt  }
0x59: {  	_ =	shalt  }
0x5a: {  	_ =	shalt  }
0x5b: {  	_ =	shalt  }
0x5c: {  	_ =	shalt  }
0x5d: {  	_ =	shalt  }
0x5e: {  	_ =	shalt  }
0x5f: {  	_ =	shalt  }
0x60: {  	_ =	shalt  }
0x61: {  	_ =	shalt  }
0x62: {  	_ =	shalt  }
0x63: {  	_ =	shalt  }
0x64: {  	_ =	shalt  }
0x65: {  	_ =	shalt  }
0x66: {  	_ =	shalt  }
0x67: {  	_ =	shalt  }
0x68: {  	_ =	shalt  }
0x69: {  	_ =	shalt  }
0x6a: {  	_ =	shalt  }
0x6b: {  	_ =	shalt  }
0x6c: {  	_ =	shalt  }
0x6d: {  	_ =	shalt  }
0x6e: {  	_ =	shalt  }
0x6f: {  	_ =	shalt  }
0x70: {  	_ =	shalt  }
0x71: {  	_ =	shalt  }
0x72: {  	_ =	shalt  }
0x73: {  	_ =	shalt  }
0x74: {  	_ =	shalt  }
0x75: {  	_ =	shalt  }
0x76: {  	_ =	shalt  }
0x77: {  	_ =	shalt  }
0x78: {  	_ =	shalt  }
0x79: {  	_ =	shalt  }
0x7a: {  	_ =	shalt  }
0x7b: {  	_ =	shalt  }
0x7c: {  	_ =	shalt  }
0x7d: {  	_ =	shalt  }
0x7e: {  	_ =	shalt  }
0x7f: {  	_ =	shalt  }
0x80: {  	_ =	shalt  }
0x81: {  	_ =	shalt  }
0x82: {  	_ =	shalt  }
0x83: {  	_ =	shalt  }
0x84: {  	_ =	shalt  }
0x85: {  	_ =	shalt  }
0x86: {  	_ =	shalt  }
0x87: {  	_ =	shalt  }
.Lfunc_end0:
.L_simem_size_0:
called_computation.7_lowered:
.L_overlay_start_0:
0x88: {  	s2 =	sld [smem:$0x3FD9]  }
0x89: {  	s3 =	sld [smem:$0x3FFE];
	_ =	sdelay $0x1  }
0x8a: {  	s1 =	srdreg.scid  }
0x8b: {  	s0 =	sand.u32 $0x1, s1  }
0x8c: {  	s17 =	sshll.u32 s0, $0xA;
	s2 =	sadd.s32 s3, s2  }
0x8d: {  	s2 =	sadd.s32 s2, s17  }
0x8e: {  	[smem:$0x3FC1] =	sst s2  }
0x8f: {  	_ = 	snop  }
0x90: {  	s2 =	sld [smem:$0x3FD0];
	(tm) =	ssettm $0x1  }
0x91: {  	s18 =	sld [smem:$0x3FFB];
	_ =	sdelay $0x3  }
0x92: {  	_ =	strace s18  }
0x93: {  	s3 =	sld [smem:$0x3FFC];
	_ =	sdelay $0x3  }
0x94: {  	_ =	strace s3  }
0x95: {  	s3 =	sld [smem:$0x3FFD];
	_ =	sdelay $0x3  }
0x96: {  	_ =	strace s3  }
0x97: {  	_ =	strace $0x8FFFFFFF  }
0x98: {  	s19 =	sld [smem:$0x3FDB];
	_ =	sdelay $0x1  }
0x99: {  	s4 =	simm.s32 $_scs_section_size  }
0x9a: {  	s5 =	simm.s32 $_size__tile_overlayer_lowered;
	s6 =	simm.s32 $_tile_overlayer_lowered  }
0x9b: {  	s22 =	simm.s32 $0x1BFF;
	s21 =	sshll.u32 s6, $0x1;
	s3 =	sadd.s32 s4, s19  }
0x9c: {  	s7 =	simm.s32 $0x0;
	s20 =	sshll.u32 s5, $0x1;
	s5 =	sadd.s32 s21, s3  }
0x9d: {  	[timem:s7], [sflag:s22] =	dma.local [hbm:s5], s20  }
0x9e: {  	_ =	swait.ge [sflag:s22], s20  }
0x9f: {  	s4 =	ssub.s32 $0x0, s20;
	[sflag:s22] =	ssyncset.done $0x0  }
0xa0: {  	[sflag:s22] =	ssyncadd.s32 s4;
	_ =	sdelay $0x1  }
0xa1: {  	s23 =	simm.s32 $0x1B8B  }
0xa2: {  	_ =	swait.ge [sflag:s23], $0x1  }
0xa3: {  	[sflag:s23] =	ssyncset.done $0x0  }
0xa4: {  	s25 =	simm.s32 $0x1B8E;
	s24 =	sld [smem:$0x3FFE];
	[sflag:s23] =	ssyncadd.s32 $0xFFFFFFFF  }
0xa5: {  	s26 =	simm.s32 $execute0_lowered;
	[smem:$0x3FD2] =	sst s25  }
0xa6: {  	s5 =	sshll.u32 s26, $0x1;
	_ =	strace $0x8000005B;
	[dreg:$0x1] =	wrdreg $0xFFFFFFFF  }
0xa7: {  	s28 =	simm.s32 $_size_execute0_lowered;
	s3 =	sadd.s32 s3, s5;
	[dreg:$0x0] =	wrdreg $0x0  }
0xa8: {  	s5 =	sshll.u32 s28, $0x1;
	[dreg:$0x2] =	wrdreg s3  }
0xa9: {  	[dreg:$0x3] =	wrdreg s5  }
0xaa: {  	[dreg:$0x4] =	wrdreg $0xC0  }
0xab: {  	_ =	task [dreg:s7], $0x5FFFF  }
0xac: {  	[dreg:$0x1] =	wrdreg $0xFFFFFFFF  }
0xad: {  	[dreg:$0x0] =	wrdreg $0x60  }
0xae: {  	[dreg:$0x2] =	wrdreg s2  }
0xaf: {  	[dreg:$0x3] =	wrdreg s24  }
0xb0: {  	[dreg:$0x4] =	wrdreg $0x120000  }
0xb1: {  	[dreg:$0x5] =	wrdreg $0x9  }
0xb2: {  	_ =	task.clear_ibuf [dreg:s7], $0x6FFFF;
	_ =	strace $0x9000005B  }
0xb3: {  	s29 =	simm.s32 $0x9;
	_ =	strace $0x8000005D  }
0xb4: {  	_ =	swait.ge [sflag:s29], $0x1  }
0xb5: {  	[sflag:s29] =	ssyncadd.s32 $0xFFFFFFFF  }
0xb6: {  	_ =	strace $0x9000005D  }
0xb7: {  	_ =	sfence  }
0xb8: {  	s30 =	sld [smem:$0x0];
	_ =	sdelay $0x2  }
0xb9: {  	s31 =	sshll.u32 s1, $0xD;
	s1 =	sshrl.u32 s1, $0x2  }
0xba: {  	s3 =	sand.u32 $0x4000, s31;
	s1 =	sadd.s32 s1, s30  }
0xbb: {  	s0 =	sor.u32 s3, s0;
	s1 =	sshll.u32 s1, $0x11  }
0xbc: {  	s0 =	sor.u32 s1, s0  }
0xbd: {  	s0 =	sadd.s32 $0x8F2B, s0  }
0xbe: {  	[sflag:s0] =	ssyncadd.remote.s32 $0x1  }
0xbf: {  	_ =	sfence.sel $0xFFFF  }
0xc0: {  	[dreg:$0x0] =	wrdreg $0xFFFFFFFF;
	(pc) =	sbr.abs _section_cstart, $3  }
0xc1: {  	[dreg:$0x1] =	wrdreg $0xFFFFFFFF  }
0xc2: {  	_ =	task.clear_ibuf [dreg:s7], $0x2FFFF;
	_ =	strace $0x9FFFFFFF  }
0xc3: {  	(tm) =	ssettm $0x7FFFFFFF  }
tec
execute0_lowered:
.L_overlay_start_1:
0x0: {  	(tag) =	ssettag $0x1  }
0x1: {  	s1 =	rddreg [dreg:$0x0]  }
0x2: {  	s9 =	rddreg [dreg:$0x1]  }
0x3: {  	s3 =	rddreg [dreg:$0x2];
	s2 =	stileid.u32  }
0x4: {  	s0 =	rddreg [dreg:$0x3];
	s4 =	simm.s32 $0x0;
	s6 =	smul.u32 $0xA00, s2  }
0x5: {  	s5 =	srdreg.scid;
	s15 =	simm.s32 $0x5000;
	s7 =	smul.u32 $0x2A000, s2  }
0x6: {  	s16 =	simm.s32 $0xA000;
	s17 =	simm.s32 $0x80;
	s8 =	smul.u32 $0x9800, s2  }
0x7: {  	s19 =	simm.s32 $0x1;
	s20 =	simm.s32 $0x2;
	s12 =	smul.u32 $0x26000, s2  }
0x8: {  	s24 =	simm.s32 $0x0;
	[smem:$0x7FF] =	sst s4;
	s14 =	smul.u32 $0x28000, s2  }
0x9: {  	s18 =	sand.u32 $0x1, s5;
	s10 =	sadd.s32 $0x2C400, s9;
	s31 =	smul.u32 $0x1400, s2  }
0xa: {  	s22 =	sadd.s32 $0x98000, s3;
	_ =	strace $0x8000005C;
	s5 =	ssub.s32 $0x2, s18  }
0xb: {  	p0 =	seq.s32 s18, $0x0;
	s13 =	sadd.s32 s6, s9;
	s29 =	sshrl.u32 s5, $0x1  }
0xc: {  	s30 =	sshrl.u32 s7, $0x2;
	s8 =	sshrl.u32 s8, $0x3;
	s12 =	sshrl.u32 s12, $0x2  }
0xd: {  	s9 =	sadd.s32 $0x53400, s9;
	s14 =	sshrl.u32 s14, $0x2;
	s11 =	ssub.s32 s5, s29  }
0xe: {  	s5 =	sadd.s32 $0x4400, s13;
	s6 =	sadd.s32 s30, s3;
	s8 =	sadd.s32 s10, s8  }
0xf: {  	s21 =	sadd.s32 s12, s3;
	s23 =	sadd.s32 s14, s3;
	s10 =	sadd.s32 s10, s31  }
0x10: {  	s14 =	simm.s32 $0x22400;
	s7 =	sadd.s32 $0x8000, s6;
	s8 =	sadd.s32 $0x14000, s8  }
0x11: {  	s11 =	smax.u32 s11, $0x1;
	s14 =	simm.s32 @!p0 $0x18400;
	p0 =	sne.s32 s18, $0x0  }
0x12: {  	s12 =	sadd.s32 $0x4000, s6;
	s18 =	simm.s32 $0xE000;
	p1 =	sne.s32 @p0 s2, $0xF  }
0x13: {  	s13 =	sadd.s32 s14, s13;
	s14 =	simm.s32 $0x3;
	p1 =	por p1, !p0  }
0x14: {  	v0 =	vimm.f32 $0.0e+00;
	s21 =	sshrl.u32 @p0 s21, $0x3;
	s23 =	sshrl.u32 @!p0 s23, $0x3;
	s22 =	sshrl.u32 @!p1 s22, $0x3  }
.LBB2_1:
0x15: {  	[tilespmem:s4], [sflag:$0x3] =	stream.linear.gather [hbm4b:s5+s4], $0x5000, $0x38;
	[tilespmem:$0x1C800] =	vst v63  }
0x16: {  	_ =	swait.ge [sflag:s14], $0x5000  }
0x17: {  	[sflag:s14] =	ssyncset.done $0x0  }
0x18: {  	[sflag:s14] =	ssyncadd.s32 $0xFFFFB000  }
0x19: {  	[tilespmem:s15], [sflag:$0x3] =	stream.linear.gather [hbm4b:s13+s4], $0x5000, $0x38;
	[tilespmem:$0x1C800] =	vst v63  }
0x1a: {  	_ =	swait.ge [sflag:s14], $0x5000  }
0x1b: {  	[sflag:s14] =	ssyncset.done $0x0  }
0x1c: {  	s25 =	simm.s32 $0x0;
	s26 =	simm.s32 $0x200;
	[sflag:s14] =	ssyncadd.s32 $0xFFFFB000  }
.LBB2_2:
0x1d: {  	p2 =	sne.s32 s26, $0xFE00;
	[tilespmem:s25+$0xA070] =	vst v0  }
0x1e: {  	[tilespmem:s25+$0xA000] =	vst v0  }
0x1f: {  	[tilespmem:s25+$0xA010] =	vst v0  }
.Ltmp0:
0x20: {  	[tilespmem:s25+$0xA020] =	vst v0;
	(pc) =	sbr.rel @p2 .LBB2_2-.Ltmp0, $4  }
0x21: {  	[tilespmem:s25+$0xA030] =	vst v0  }
0x22: {  	[tilespmem:s25+$0xA040] =	vst v0  }
0x23: {  	[tilespmem:s25+$0xA050] =	vst v0  }
0x24: {  	[tilespmem:s25+$0xA060] =	vst v0;
	s25 =	sshra.s32 s26, $0x2;
	s26 =	sadd.s32 $0x200, s26  }
0x25: {  	[tilespmem:s25+$0xA070] =	vst v0  }
0x26: {  	[tilespmem:s25+$0xA000] =	vst v0  }
0x27: {  	[tilespmem:s25+$0xA010] =	vst v0  }
0x28: {  	[tilespmem:s25+$0xA020] =	vst v0  }
0x29: {  	[tilespmem:s25+$0xA030] =	vst v0  }
0x2a: {  	[tilespmem:s25+$0xA040] =	vst v0  }
0x2b: {  	[tilespmem:s25+$0xA050] =	vst v0  }
0x2c: {  	[tilespmem:s25+$0xA060] =	vst v0  }
0x2d: {  	[spmem:s6] =	stream.linear.scatter [tilespmem:s16], [sflag:$0x3], $0x4000, $0x38;
	[tilespmem:$0x1C800] =	vst v63  }
0x2e: {  	_ =	swait.ge [sflag:s14], $0x4000  }
0x2f: {  	[sflag:s14] =	ssyncset.done $0x0  }
0x30: {  	[sflag:s14] =	ssyncadd.s32 $0xFFFFC000  }
0x31: {  	[spmem:s12] =	stream.linear.scatter [tilespmem:s16], [sflag:$0x3], $0x4000, $0x38;
	[tilespmem:$0x1C800] =	vst v63  }
0x32: {  	_ =	swait.ge [sflag:s14], $0x4000  }
0x33: {  	[sflag:s14] =	ssyncset.done $0x0  }
0x34: {  	[sflag:s14] =	ssyncadd.s32 $0xFFFFC000  }
0x35: {  	[spmem:s7] =	stream.linear.scatter [tilespmem:s16], [sflag:$0x3], $0x2800, $0x38;
	[tilespmem:$0x1C800] =	vst v63  }
0x36: {  	_ =	swait.ge [sflag:s14], $0x2800  }
0x37: {  	[sflag:s14] =	ssyncset.done $0x0  }
0x38: {  	[sflag:s14] =	ssyncadd.s32 $0xFFFFD800  }
0x39: {  	s28 =	simm.s32 $0x0;
	[bflag:$0x0] =	sbarrier.arrive $0xFFFF  }
0x3a: {  	[tilespmem:s16], [sflag:$0x1] =	stream.indirect.gather [hbm4b:s1+s17], $0x80, s28, s17, $0xb8;
	[tilespmem:$0x1C800] =	vst v63  }
0x3b: {  	s29 =	simm.s32 $0x80  }
0x3c: {  	[tilespmem:s18], [sflag:$0x2] =	stream.indirect.gather [hbm4b:s1+s17], $0x80, s29, s17, $0xb8;
	[tilespmem:$0x1C800] =	vst v63  }
0x3d: {  	_ =	swait.ge [sflag:s19], $0x4000  }
0x3e: {  	[sflag:s19] =	ssyncset.done $0x0  }
0x3f: {  	s30 =	simm.s32 $0x5000;
	[sflag:s19] =	ssyncadd.s32 $0xFFFFC000  }
0x40: {  	[spmem:s3] =	stream.indirect.scatter.add.f32 [tilespmem:s16], [sflag:$0x3], $0x80, s30, s17, $0xb8;
	[tilespmem:$0x1C800] =	vst v63  }
0x41: {  	_ =	swait.ge [sflag:s14], $0x4000  }
0x42: {  	[sflag:s14] =	ssyncset.done $0x0  }
0x43: {  	[sflag:s14] =	ssyncadd.s32 $0xFFFFC000  }
0x44: {  	_ =	swait.ge [sflag:s20], $0x4000  }
0x45: {  	[sflag:s20] =	ssyncset.done $0x0  }
0x46: {  	s31 =	simm.s32 $0x5080;
	[sflag:s20] =	ssyncadd.s32 $0xFFFFC000  }
0x47: {  	[spmem:s3] =	stream.indirect.scatter.add.f32 [tilespmem:s18], [sflag:$0x3], $0x80, s31, s17, $0xb8;
	[tilespmem:$0x1C800] =	vst v63  }
0x48: {  	_ =	swait.ge [sflag:s14], $0x4000  }
0x49: {  	s25 =	simm.s32 $0x400;
	s26 =	simm.s32 $0x800;
	[sflag:s14] =	ssyncset.done $0x0  }
.LBB2_4:
0x4a: {  	s28 =	sshra.s32 s25, $0x2  }
0x4b: {  	[sflag:s14] =	ssyncadd.s32 $0xFFFFC000;
	s25 =	smov.u32 s26;
	s29 =	sadd.s32 $0x400, s26  }
0x4c: {  	[tilespmem:s16], [sflag:$0x1] =	stream.indirect.gather [hbm4b:s1+s17], $0x80, s28, s17, $0xb8;
	[tilespmem:$0x1C800] =	vst v63  }
0x4d: {  	p2 =	sne.s32 s26, $0x13C00;
	s26 =	sadd.s32 $0x80, s28  }
0x4e: {  	[tilespmem:s18], [sflag:$0x2] =	stream.indirect.gather [hbm4b:s1+s17], $0x80, s26, s17, $0xb8;
	[tilespmem:$0x1C800] =	vst v63  }
0x4f: {  	_ =	swait.ge [sflag:s19], $0x4000  }
0x50: {  	[sflag:s19] =	ssyncset.done $0x0  }
0x51: {  	s26 =	sadd.s32 $0x5000, s28;
	[sflag:s19] =	ssyncadd.s32 $0xFFFFC000  }
0x52: {  	[spmem:s3] =	stream.indirect.scatter.add.f32 [tilespmem:s16], [sflag:$0x3], $0x80, s26, s17, $0xb8;
	[tilespmem:$0x1C800] =	vst v63  }
0x53: {  	_ =	swait.ge [sflag:s14], $0x4000  }
0x54: {  	[sflag:s14] =	ssyncset.done $0x0  }
0x55: {  	[sflag:s14] =	ssyncadd.s32 $0xFFFFC000  }
0x56: {  	_ =	swait.ge [sflag:s20], $0x4000  }
.Ltmp1:
0x57: {  	[sflag:s20] =	ssyncset.done $0x0;
	(pc) =	sbr.rel @p2 .LBB2_4-.Ltmp1, $4  }
0x58: {  	s26 =	sadd.s32 $0x5080, s28;
	[sflag:s20] =	ssyncadd.s32 $0xFFFFC000  }
0x59: {  	[spmem:s3] =	stream.indirect.scatter.add.f32 [tilespmem:s18], [sflag:$0x3], $0x80, s26, s17, $0xb8;
	[tilespmem:$0x1C800] =	vst v63  }
0x5a: {  	_ =	swait.ge [sflag:s14], $0x4000  }
0x5b: {  	s26 =	smov.u32 s29;
	[sflag:s14] =	ssyncset.done $0x0  }
0x5c: {  	s25 =	sshra.s32 s25, $0x2;
	[sflag:s14] =	ssyncadd.s32 $0xFFFFC000  }
0x5d: {  	[tilespmem:s16], [sflag:$0x1] =	stream.indirect.gather [hbm4b:s1+s17], $0x80, s25, s17, $0xb8;
	[tilespmem:$0x1C800] =	vst v63  }
0x5e: {  	s26 =	sadd.s32 $0x80, s25  }
0x5f: {  	[tilespmem:s18], [sflag:$0x2] =	stream.indirect.gather [hbm4b:s1+s17], $0x80, s26, s17, $0xb8;
	[tilespmem:$0x1C800] =	vst v63  }
0x60: {  	_ =	swait.ge [sflag:s19], $0x4000  }
0x61: {  	[sflag:s19] =	ssyncset.done $0x0  }
0x62: {  	s31 =	sadd.s32 $0x5000, s25;
	[sflag:s19] =	ssyncadd.s32 $0xFFFFC000  }
0x63: {  	[spmem:s3] =	stream.indirect.scatter.add.f32 [tilespmem:s16], [sflag:$0x3], $0x80, s31, s17, $0xb8;
	[tilespmem:$0x1C800] =	vst v63  }
0x64: {  	_ =	swait.ge [sflag:s14], $0x4000  }
0x65: {  	[sflag:s14] =	ssyncset.done $0x0  }
0x66: {  	[sflag:s14] =	ssyncadd.s32 $0xFFFFC000  }
0x67: {  	_ =	swait.ge [sflag:s20], $0x4000  }
0x68: {  	[sflag:s20] =	ssyncset.done $0x0  }
0x69: {  	s25 =	sadd.s32 $0x5080, s25;
	[sflag:s20] =	ssyncadd.s32 $0xFFFFC000  }
0x6a: {  	[spmem:s3] =	stream.indirect.scatter.add.f32 [tilespmem:s18], [sflag:$0x3], $0x80, s25, s17, $0xb8;
	[tilespmem:$0x1C800] =	vst v63  }
0x6b: {  	_ =	swait.ge [sflag:s14], $0x4000  }
0x6c: {  	[sflag:s14] =	ssyncset.done $0x0  }
0x6d: {  	s25 =	sshll.u32 @p0 s2, $0x6;
	[sflag:s14] =	ssyncadd.s32 $0xFFFFC000  }
0x6e: {  	s26 =	simm.s32 @p0 $0x3;
	s25 =	sor.u32 @p0 $0x1C03, s25;
	[bflag:$0x0] =	sbarrier.arrive $0xFFFF  }
0x6f: {  	[hbm:s8], [sflag:s25] =	dma.local @p0 [spmem:s21], $0x1300  }
0x70: {  	_ =	swait.ge @p0 [sflag:s26], $0x1300  }
0x71: {  	[sflag:s26] =	ssyncset.done @p0 $0x0  }
0x72: {  	[sflag:s26] =	ssyncadd.s32 @p0 $0xFFFFED00  }
0x73: {  	[hbm:s9], [sflag:s25] =	dma.local @!p1 [spmem:s22], $0x100  }
0x74: {  	s25 =	simm.s32 @!p1 $0x3  }
0x75: {  	_ =	swait.ge @!p1 [sflag:s25], $0x100  }
0x76: {  	s24 =	sadd.s32 $0x1, s24;
	s26 =	sshll.u32 @!p0 s2, $0x6;
	[sflag:s25] =	ssyncset.done @!p1 $0x0  }
0x77: {  	p2 =	sne.s32 s24, s11;
	[sflag:s25] =	ssyncadd.s32 @!p1 $0xFFFFFF00;
	s25 =	sor.u32 @!p0 $0x1C03, s26  }
0x78: {  	[hbm:s10], [sflag:s25] =	dma.local @!p0 [spmem:s23], $0x1400  }
.Ltmp2:
0x79: {  	_ = 	snop;
	(pc) =	sbr.rel @p2 .LBB2_1-.Ltmp2, $4  }
0x7a: {  	s25 =	simm.s32 @!p0 $0x3  }
0x7b: {  	_ =	swait.ge @!p0 [sflag:s25], $0x1400  }
0x7c: {  	[sflag:s25] =	ssyncset.done @!p0 $0x0  }
0x7d: {  	[sflag:s25] =	ssyncadd.s32 @!p0 $0xFFFFEC00  }
0x7e: {  	_ =	sfence.sel $0x180000  }
0x7f: {  	[bflag:$0x0] =	sbarrier.arrive $0xFFFF  }
0x80: {  	p0 =	sne.s32 s2, $0x0;
	_ =	strace $0x9000005C  }
0x81: {  	s0 =	sadd.s32 @!p0 $0x100000, s0;
	[bflag:$0x2] =	sbarrier.arrive $0xFFFF  }
0x82: {  	[sflag:s0] =	ssyncadd.tile.s32 @!p0 $0x1;
	_ =	shalt  }
.Lfunc_end2:
_tile_overlayer_lowered:
.L_overlay_start_2:
0x83: {  	(tag) =	ssettag $0x2  }
0x84: {  	s0 =	rddreg [dreg:$0x0];
	s2 =	stileid.u32  }
0x85: {  	s1 =	rddreg [dreg:$0x1];
	p0 =	sne.s32 s2, $0x0  }
0x86: {  	s3 =	rddreg [dreg:$0x2];
	[bflag:$0x3] =	sbarrier.arrive $0xFFFF;
	s2 =	simm.s32 @!p0 $0x1C03  }
0x87: {  	[timem:s3], [sflag:s2] =	dma.local @!p0 [hbm:s0], s1  }
0x88: {  	s0 =	simm.s32 @!p0 $0x3  }
0x89: {  	_ =	swait.ge @!p0 [sflag:s0], s1  }
0x8a: {  	s1 =	ssub.s32 @!p0 $0x0, s1;
	[sflag:s0] =	ssyncset.done @!p0 $0x0  }
0x8b: {  	[sflag:s0] =	ssyncadd.s32 @!p0 s1  }
0x8c: {  	[bflag:$0x3] =	sbarrier.arrive $0xFFFF  }
0x8d: {  	_ =	shalt  }

</sc_bundles>
